<compile_context>
chip_gen: v7x
topology: tpu7x:2x2x1
jax: 0.10.2.dev20260603
libtpu: 0.0.44.dev20260713+nightly
codegen_flags: <defaults>
</compile_context>

<pallas_src>
import functools

import jax
import jax.numpy as jnp
from jax import lax
from jax.experimental import pallas as pl
from jax.experimental.pallas import tpu as pltpu
from jax.experimental.pallas import tpu_sc as plsc

NSUB = 16
NC = 2
K = 64
IB = 8
BN = 1024


def _edge_pass(nd, c_chunks):
    rps = nd // NSUB
    assert rps % K == 0
    mesh = plsc.VectorSubcoreMesh(core_axis_name="c", subcore_axis_name="s")
    out_type = [jax.ShapeDtypeStruct((NC, nd, 128), jnp.float32)]
    scratch = [
        pltpu.VMEM((IB, K), jnp.int32),
        pltpu.VMEM((IB, K), jnp.int32),
        pltpu.VMEM((IB, K), jnp.int32),
        pltpu.VMEM((IB, K), jnp.int32),
        pltpu.VMEM((K, 128), jnp.float32),
        pltpu.VMEM((K, 128), jnp.float32),
        pltpu.VMEM((K, 128), jnp.float32),
        pltpu.VMEM((K, 128), jnp.float32),
        pltpu.SemaphoreType.DMA,
        pltpu.SemaphoreType.DMA,
        pltpu.VMEM_SHARED((nd, 128), jnp.float32),
    ]

    def body(tab, ia_h, ib_h, i0_h, i1_h, outS, ia_v, ib_v, i0_v, i1_v,
             bufA, bufB, bufL, bufR, sem, sem2, S_sh):
        cidx = lax.axis_index("c")
        sid = lax.axis_index("s")
        coff = cidx * 64
        base_row = sid * c_chunks
        zero16 = jnp.zeros((16,), jnp.float32)

        def zrow(i, carry):
            for cc in range(8):
                sl = pl.ds(cc * 16, 16)
                bufL[i, sl] = zero16
                bufR[i, sl] = zero16
            return carry
        lax.fori_loop(0, K, zrow, 0)
        zbase = sid * rps
        for k in range(rps // K):
            pltpu.sync_copy(bufL, S_sh.at[pl.ds(zbase + k * K, K)])
        plsc.subcore_barrier()

        def batch(b, carry):
            brow = base_row + b * IB
            pltpu.sync_copy(ia_h.at[pl.ds(brow, IB)], ia_v)
            pltpu.sync_copy(ib_h.at[pl.ds(brow, IB)], ib_v)
            pltpu.sync_copy(i0_h.at[pl.ds(brow, IB)], i0_v)
            pltpu.sync_copy(i1_h.at[pl.ds(brow, IB)], i1_v)

            def chunk(j, c1):
                d1 = pltpu.async_copy(tab.at[ia_v.at[j]], bufA, sem)
                d2 = pltpu.async_copy(tab.at[ib_v.at[j]], bufB, sem)
                d1.wait()
                d2.wait()

                def elt(r, c2):
                    for cc in range(4):
                        src_sl = pl.ds(coff + cc * 16, 16)
                        v = jnp.maximum(bufA[r, src_sl] + bufB[r, src_sl],
                                        0.0)
                        bufL[r, pl.ds(cc * 16, 16)] = v
                        bufR[r, pl.ds(64 + cc * 16, 16)] = v
                    return c2
                lax.fori_loop(0, K, elt, 0)
                ds = []
                for q in range(K // 16):
                    qs = pl.ds(q * 16, 16)
                    ds.append(pltpu.async_copy(bufL.at[qs],
                                               S_sh.at[i0_v[j, qs]],
                                               sem2, add=True))
                    ds.append(pltpu.async_copy(bufR.at[qs],
                                               S_sh.at[i1_v[j, qs]],
                                               sem2, add=True))
                for d in ds:
                    d.wait()
                return c1
            lax.fori_loop(0, IB, chunk, 0)
            return carry
        lax.fori_loop(0, c_chunks // IB, batch, 0)

        plsc.subcore_barrier()

        for k in range(rps // K):
            sl = pl.ds(zbase + k * K, K)
            pltpu.sync_copy(S_sh.at[sl], outS.at[cidx, sl])

    return pl.kernel(body, out_type=out_type, mesh=mesh,
                     scratch_types=scratch)


def _full_spec(shape):
    return pl.BlockSpec(shape, lambda b: (0,) * len(shape))


def _proj_call(h, wproj, b1cat, nd, hdim):
    def body(h_ref, wp_ref, b1_ref, t_ref):
        p = jnp.dot(h_ref[...], wp_ref[...],
                    preferred_element_type=jnp.float32) + b1_ref[...]
        for q in range(4):
            t_ref[q, :, :] = p[:, q * hdim:(q + 1) * hdim]
    grid = nd // BN
    return pl.pallas_call(
        body,
        grid=(grid,),
        in_specs=[pl.BlockSpec((BN, hdim), lambda b: (b, 0)),
                  _full_spec(wproj.shape), _full_spec(b1cat.shape)],
        out_specs=pl.BlockSpec((4, BN, hdim), lambda b: (0, b, 0)),
        out_shape=jax.ShapeDtypeStruct((4, nd, hdim), jnp.float32),
    )(h, wproj, b1cat)


def _dense_call(h, sc0, sc1, cnt, wm, nd, hdim, out_dim, final):
    def body(h_ref, s0_ref, s1_ref, c_ref, w20a, w20b, w21a, w21b,
             b20, b21, gih, ghh, gbi, gbh, *rest):
        hb = h_ref[...]
        dot = functools.partial(jnp.dot, preferred_element_type=jnp.float32)
        s0 = s0_ref[...]
        s1 = s1_ref[...]
        cb = c_ref[:, 0:1] * b20[...] + c_ref[:, 64:65] * b21[...]
        msg = (dot(s0[:, :64], w20a[...]) + dot(s0[:, 64:], w21a[...]) +
               dot(s1[:, :64], w20b[...]) + dot(s1[:, 64:], w21b[...]) + cb)
        gi = dot(msg, gih[...]) + gbi[...]
        gh = dot(hb, ghh[...]) + gbh[...]
        r = 1.0 / (1.0 + jnp.exp(-(gi[:, :hdim] + gh[:, :hdim])))
        z = 1.0 / (1.0 + jnp.exp(-(gi[:, hdim:2 * hdim] +
                                   gh[:, hdim:2 * hdim])))
        n = jnp.tanh(gi[:, 2 * hdim:] + r * gh[:, 2 * hdim:])
        hn = (1.0 - z) * n + z * hb
        if final:
            w1, bb1, w2, bb2, o_ref = rest
            o = dot(jnp.maximum(dot(hn, w1[...]) + bb1[...], 0.0),
                    w2[...]) + bb2[...]
            o = o - jnp.max(o, axis=1, keepdims=True)
            e = jnp.exp(o)
            o_ref[...] = e / jnp.sum(e, axis=1, keepdims=True)
        else:
            wp_ref, b1c_ref, hn_ref, t_ref = rest
            hn_ref[...] = hn
            p = dot(hn, wp_ref[...]) + b1c_ref[...]
            for q in range(4):
                t_ref[q, :, :] = p[:, q * hdim:(q + 1) * hdim]

    grid = nd // BN
    in_specs = [pl.BlockSpec((BN, hdim), lambda b: (b, 0)),
                pl.BlockSpec((BN, 128), lambda b: (b, 0)),
                pl.BlockSpec((BN, 128), lambda b: (b, 0)),
                pl.BlockSpec((BN, 128), lambda b: (b, 0))]
    in_specs += [_full_spec(w.shape) for w in wm]
    if final:
        out_specs = pl.BlockSpec((BN, out_dim), lambda b: (b, 0))
        out_shape = jax.ShapeDtypeStruct((nd, out_dim), jnp.float32)
    else:
        out_specs = [pl.BlockSpec((BN, hdim), lambda b: (b, 0)),
                     pl.BlockSpec((4, BN, hdim), lambda b: (0, b, 0))]
        out_shape = [jax.ShapeDtypeStruct((nd, hdim), jnp.float32),
                     jax.ShapeDtypeStruct((4, nd, hdim), jnp.float32)]
    return pl.pallas_call(body, grid=(grid,), in_specs=in_specs,
                          out_specs=out_specs, out_shape=out_shape)(
        h, sc0, sc1, cnt, *wm)


def kernel(x, edge_index, edge_type, sfW1, sfb1, sfW2, sfb2, fdW1, fdb1,
           fdW2, fdb2, gWih, gWhh, gbih, gbhh, roW1, rob1, roW2, rob2):
    n, hdim = x.shape
    e = edge_index.shape[1]
    out_dim = roW2.shape[0]
    nd = ((n + 1023) // 1024) * 1024
    if nd == n:
        nd += 1024

    src = edge_index[0].astype(jnp.int32)
    dst = edge_index[1].astype(jnp.int32)
    et = edge_type.astype(jnp.int32)
    cpw = -(-e // (NSUB * K))
    cpw = ((cpw + 7) // 8) * 8
    ep = cpw * NSUB * K
    padn = ep - e
    ga = jnp.concatenate([et * nd + src,
                          jnp.zeros((padn,), jnp.int32)]).reshape(-1, K)
    gb = jnp.concatenate([(2 + et) * nd + dst,
                          jnp.zeros((padn,), jnp.int32)]).reshape(-1, K)
    g0 = jnp.concatenate([jnp.where(et == 0, dst, n),
                          jnp.full((padn,), n, jnp.int32)]).reshape(-1, K)
    g1 = jnp.concatenate([jnp.where(et == 1, dst, n),
                          jnp.full((padn,), n, jnp.int32)]).reshape(-1, K)

    wproj = jnp.concatenate([sfW1[:, :hdim].T, fdW1[:, :hdim].T,
                             sfW1[:, hdim:].T, fdW1[:, hdim:].T], axis=1)
    b1cat = jnp.concatenate([jnp.zeros((2 * hdim,), jnp.float32),
                             sfb1, fdb1]).reshape(1, -1)
    w2t0, w2t1 = sfW2.T, fdW2.T
    wm_common = [w2t0[:64], w2t0[64:], w2t1[:64], w2t1[64:],
                 sfb2.reshape(1, -1), fdb2.reshape(1, -1),
                 gWih.T, gWhh.T, gbih.reshape(1, -1), gbhh.reshape(1, -1)]
    wm_mid = wm_common + [wproj, b1cat]
    wm_fin = wm_common + [roW1.T, rob1.reshape(1, -1),
                          roW2.T, rob2.reshape(1, -1)]

    hpad = jnp.pad(x, ((0, nd - n), (0, 0)))

    edge = _edge_pass(nd, cpw)

    tab_one = jnp.full((4 * nd, hdim), 0.5, jnp.float32)
    (outCnt,) = edge(tab_one, ga, gb, g0, g1)
    cnt = outCnt[0]

    tab = _proj_call(hpad, wproj, b1cat, nd, hdim).reshape(4 * nd, hdim)
    (outS,) = edge(tab, ga, gb, g0, g1)
    h1, t1 = _dense_call(hpad, outS[0], outS[1], cnt,
                         wm_mid, nd, hdim, out_dim, final=False)
    (outS,) = edge(t1.reshape(4 * nd, hdim), ga, gb, g0, g1)
    h2, t2 = _dense_call(h1, outS[0], outS[1], cnt,
                         wm_mid, nd, hdim, out_dim, final=False)
    (outS,) = edge(t2.reshape(4 * nd, hdim), ga, gb, g0, g1)
    out = _dense_call(h2, outS[0], outS[1], cnt,
                      wm_fin, nd, hdim, out_dim, final=True)
    return out[:n]

# --- scband reference (transcript-rebuilt; emitter-appended) ---
"""Pipeline reference for scband-custom-gnn-17093969838500 (READ-ONLY COPY).

The authoritative reference and input builder live on the scoring server;
editing this copy changes nothing except your own understanding.
"""

import jax, jax.numpy as jnp
import numpy as np

N = 10000
E = 320000
H = 128
OUT = 128

def _mlp_params(key, din, dh, dout):
    k1, k2, k3, k4 = jax.random.split(key, 4)
    s1 = 1.0 / np.sqrt(din)
    s2 = 1.0 / np.sqrt(dh)
    W1 = jax.random.uniform(k1, (dh, din), minval=-s1, maxval=s1, dtype=jnp.float32)
    b1 = jax.random.uniform(k2, (dh,), minval=-s1, maxval=s1, dtype=jnp.float32)
    W2 = jax.random.uniform(k3, (dout, dh), minval=-s2, maxval=s2, dtype=jnp.float32)
    b2 = jax.random.uniform(k4, (dout,), minval=-s2, maxval=s2, dtype=jnp.float32)
    return W1, b1, W2, b2

def setup_inputs(seed: int = 0):
    key = jax.random.key(seed)
    ks = jax.random.split(key, 8)
    x = jax.random.normal(ks[0], (N, H), dtype=jnp.float32)
    edge_index = jax.random.randint(ks[1], (2, E), 0, N)
    edge_type = jax.random.randint(ks[2], (E,), 0, 2)
    sfW1, sfb1, sfW2, sfb2 = _mlp_params(ks[3], 2 * H, H, H)
    fdW1, fdb1, fdW2, fdb2 = _mlp_params(ks[4], 2 * H, H, H)
    s = 1.0 / np.sqrt(H)
    g1, g2, g3, g4 = jax.random.split(ks[5], 4)
    gWih = jax.random.uniform(g1, (3 * H, H), minval=-s, maxval=s, dtype=jnp.float32)
    gWhh = jax.random.uniform(g2, (3 * H, H), minval=-s, maxval=s, dtype=jnp.float32)
    gbih = jax.random.uniform(g3, (3 * H,), minval=-s, maxval=s, dtype=jnp.float32)
    gbhh = jax.random.uniform(g4, (3 * H,), minval=-s, maxval=s, dtype=jnp.float32)
    roW1, rob1, roW2, rob2 = _mlp_params(ks[6], H, H, OUT)
    return {"x": x, "edge_index": edge_index, "edge_type": edge_type,
            "sfW1": sfW1, "sfb1": sfb1, "sfW2": sfW2, "sfb2": sfb2,
            "fdW1": fdW1, "fdb1": fdb1, "fdW2": fdW2, "fdb2": fdb2,
            "gWih": gWih, "gWhh": gWhh, "gbih": gbih, "gbhh": gbhh,
            "roW1": roW1, "rob1": rob1, "roW2": roW2, "rob2": rob2}

def _mlp(z, W1, b1, W2, b2):
    return jax.nn.relu(z @ W1.T + b1) @ W2.T + b2

def _gru_cell(inp, h, Wih, Whh, bih, bhh):
    gi = inp @ Wih.T + bih
    gh = h @ Whh.T + bhh
    i_r, i_z, i_n = jnp.split(gi, 3, axis=1)
    h_r, h_z, h_n = jnp.split(gh, 3, axis=1)
    r = jax.nn.sigmoid(i_r + h_r)
    z = jax.nn.sigmoid(i_z + h_z)
    n = jnp.tanh(i_n + r * h_n)
    return (1.0 - z) * n + z * h

def reference(x, edge_index, edge_type, sfW1, sfb1, sfW2, sfb2, fdW1, fdb1, fdW2, fdb2, gWih, gWhh, gbih, gbhh, roW1, rob1, roW2, rob2):
    src = edge_index[0]
    tgt = edge_index[1]
    h = x
    msg_params = [(sfW1, sfb1, sfW2, sfb2), (fdW1, fdb1, fdW2, fdb2)]
    for _ in range(3):
        edge_feat = jnp.concatenate([h[src], h[tgt]], axis=-1)
        messages = jnp.zeros_like(h)
        for type_id, (W1, b1, W2, b2) in enumerate(msg_params):
            m = _mlp(edge_feat, W1, b1, W2, b2)
            mask = (edge_type == type_id).astype(h.dtype)[:, None]
            messages = messages.at[tgt].add(m * mask)
        h = _gru_cell(messages, h, gWih, gWhh, gbih, gbhh)
    out = _mlp(h, roW1, rob1, roW2, rob2)
    return jax.nn.softmax(out, axis=1)

if __name__ == "__main__":
    import jax
    _d = setup_inputs()
    print(jax.jit(kernel)(*tuple(_d.values())))

</pallas_src>

<mosaic_0001>
#map = affine_map<(d0, d1) -> (0, 0)>
#map1 = affine_map<(d0, d1) -> (0, 0, 0)>
module attributes {stable_mosaic.version = 14 : i64} {
  func.func @body(%arg0: i32, %arg1: i32, %arg2: memref<40960x128xf32, #tpu.memory_space<hbm>>, %arg3: memref<5120x64xi32, #tpu.memory_space<hbm>>, %arg4: memref<5120x64xi32, #tpu.memory_space<hbm>>, %arg5: memref<5120x64xi32, #tpu.memory_space<hbm>>, %arg6: memref<5120x64xi32, #tpu.memory_space<hbm>>, %arg7: memref<2x10240x128xf32, #tpu.memory_space<hbm>>, %arg8: memref<8x64xi32, #tpu.memory_space<vmem>>, %arg9: memref<8x64xi32, #tpu.memory_space<vmem>>, %arg10: memref<8x64xi32, #tpu.memory_space<vmem>>, %arg11: memref<8x64xi32, #tpu.memory_space<vmem>>, %arg12: memref<64x128xf32, #tpu.memory_space<vmem>>, %arg13: memref<64x128xf32, #tpu.memory_space<vmem>>, %arg14: memref<64x128xf32, #tpu.memory_space<vmem>>, %arg15: memref<64x128xf32, #tpu.memory_space<vmem>>, %arg16: memref<!tpu.dma_semaphore, #tpu.memory_space<semaphore_mem>>, %arg17: memref<!tpu.dma_semaphore, #tpu.memory_space<semaphore_mem>>, %arg18: memref<10240x128xf32, #tpu.memory_space<vmem_shared>>) attributes {dimension_semantics = [#tpu.dimension_semantics<core_parallel>, #tpu.dimension_semantics<subcore_parallel>], iteration_bounds = array<i64: 2, 16>, scalar_prefetch = 0 : i64, scratch_operands = 11 : i64, tpu.core_type = #tpu.core_type<sc_vector_subcore>, window_params = [{transform_indices = #map}, {transform_indices = #map}, {transform_indices = #map}, {transform_indices = #map}, {transform_indices = #map}, {transform_indices = #map1}]} {
    %mul3A = arith.constant 64 : i32
    %mul3A_0 = arith.muli %arg0, %mul3A : i32
    %mul3A_1 = arith.constant 320 : i32
    %mul3A_2 = arith.muli %arg1, %mul3A_1 : i32
    %broadcast_in_dim3A = arith.constant 0.000000e+00 : f32
    %broadcast_in_dim3A_3 = vector.broadcast %broadcast_in_dim3A : f32 to vector<16xf32>
    %scan3A = arith.constant 0 : i32
    %scan3A_4 = arith.constant 0 : i32
    %scan3A_5 = arith.constant 64 : i32
    %scan3A_6 = arith.addi %scan3A_4, %scan3A_5 : i32
    %scan3A_7 = arith.constant 1 : i32
    scf.for %scan3A_57 = %scan3A_4 to %scan3A_6 step %scan3A_7  : i32 {
      %swap3A = arith.index_cast %scan3A_57 : i32 to index
      %swap3A_58 = arith.constant 0 : index
      %swap3A_59 = tpu.vector_load %arg14[%swap3A, %swap3A_58] {strides = array<i32>} : memref<64x128xf32, #tpu.memory_space<vmem>>, vector<1x16xf32>,
      %swap3A_60 = vector.shape_cast %swap3A_59 : vector<1x16xf32> to vector<16xf32>
      %swap3A_61 = vector.shape_cast %broadcast_in_dim3A_3 : vector<16xf32> to vector<1x16xf32>
      tpu.vector_store %arg14[%swap3A, %swap3A_58], %swap3A_61 {strides = array<i32>} : memref<64x128xf32, #tpu.memory_space<vmem>>, vector<1x16xf32>,
      %swap3A_62 = arith.index_cast %scan3A_57 : i32 to index
      %swap3A_63 = arith.constant 0 : index
      %swap3A_64 = tpu.vector_load %arg15[%swap3A_62, %swap3A_63] {strides = array<i32>} : memref<64x128xf32, #tpu.memory_space<vmem>>, vector<1x16xf32>,
      %swap3A_65 = vector.shape_cast %swap3A_64 : vector<1x16xf32> to vector<16xf32>
      %swap3A_66 = vector.shape_cast %broadcast_in_dim3A_3 : vector<16xf32> to vector<1x16xf32>
      tpu.vector_store %arg15[%swap3A_62, %swap3A_63], %swap3A_66 {strides = array<i32>} : memref<64x128xf32, #tpu.memory_space<vmem>>, vector<1x16xf32>,
      %swap3A_67 = arith.index_cast %scan3A_57 : i32 to index
      %swap3A_68 = arith.constant 16 : index
      %swap3A_69 = tpu.vector_load %arg14[%swap3A_67, %swap3A_68] {strides = array<i32>} : memref<64x128xf32, #tpu.memory_space<vmem>>, vector<1x16xf32>,
      %swap3A_70 = vector.shape_cast %swap3A_69 : vector<1x16xf32> to vector<16xf32>
      %swap3A_71 = vector.shape_cast %broadcast_in_dim3A_3 : vector<16xf32> to vector<1x16xf32>
      tpu.vector_store %arg14[%swap3A_67, %swap3A_68], %swap3A_71 {strides = array<i32>} : memref<64x128xf32, #tpu.memory_space<vmem>>, vector<1x16xf32>,
      %swap3A_72 = arith.index_cast %scan3A_57 : i32 to index
      %swap3A_73 = arith.constant 16 : index
      %swap3A_74 = tpu.vector_load %arg15[%swap3A_72, %swap3A_73] {strides = array<i32>} : memref<64x128xf32, #tpu.memory_space<vmem>>, vector<1x16xf32>,
      %swap3A_75 = vector.shape_cast %swap3A_74 : vector<1x16xf32> to vector<16xf32>
      %swap3A_76 = vector.shape_cast %broadcast_in_dim3A_3 : vector<16xf32> to vector<1x16xf32>
      tpu.vector_store %arg15[%swap3A_72, %swap3A_73], %swap3A_76 {strides = array<i32>} : memref<64x128xf32, #tpu.memory_space<vmem>>, vector<1x16xf32>,
      %swap3A_77 = arith.index_cast %scan3A_57 : i32 to index
      %swap3A_78 = arith.constant 32 : index
      %swap3A_79 = tpu.vector_load %arg14[%swap3A_77, %swap3A_78] {strides = array<i32>} : memref<64x128xf32, #tpu.memory_space<vmem>>, vector<1x16xf32>,
      %swap3A_80 = vector.shape_cast %swap3A_79 : vector<1x16xf32> to vector<16xf32>
      %swap3A_81 = vector.shape_cast %broadcast_in_dim3A_3 : vector<16xf32> to vector<1x16xf32>
      tpu.vector_store %arg14[%swap3A_77, %swap3A_78], %swap3A_81 {strides = array<i32>} : memref<64x128xf32, #tpu.memory_space<vmem>>, vector<1x16xf32>,
      %swap3A_82 = arith.index_cast %scan3A_57 : i32 to index
      %swap3A_83 = arith.constant 32 : index
      %swap3A_84 = tpu.vector_load %arg15[%swap3A_82, %swap3A_83] {strides = array<i32>} : memref<64x128xf32, #tpu.memory_space<vmem>>, vector<1x16xf32>,
      %swap3A_85 = vector.shape_cast %swap3A_84 : vector<1x16xf32> to vector<16xf32>
      %swap3A_86 = vector.shape_cast %broadcast_in_dim3A_3 : vector<16xf32> to vector<1x16xf32>
      tpu.vector_store %arg15[%swap3A_82, %swap3A_83], %swap3A_86 {strides = array<i32>} : memref<64x128xf32, #tpu.memory_space<vmem>>, vector<1x16xf32>,
      %swap3A_87 = arith.index_cast %scan3A_57 : i32 to index
      %swap3A_88 = arith.constant 48 : index
      %swap3A_89 = tpu.vector_load %arg14[%swap3A_87, %swap3A_88] {strides = array<i32>} : memref<64x128xf32, #tpu.memory_space<vmem>>, vector<1x16xf32>,
      %swap3A_90 = vector.shape_cast %swap3A_89 : vector<1x16xf32> to vector<16xf32>
      %swap3A_91 = vector.shape_cast %broadcast_in_dim3A_3 : vector<16xf32> to vector<1x16xf32>
      tpu.vector_store %arg14[%swap3A_87, %swap3A_88], %swap3A_91 {strides = array<i32>} : memref<64x128xf32, #tpu.memory_space<vmem>>, vector<1x16xf32>,
      %swap3A_92 = arith.index_cast %scan3A_57 : i32 to index
      %swap3A_93 = arith.constant 48 : index
      %swap3A_94 = tpu.vector_load %arg15[%swap3A_92, %swap3A_93] {strides = array<i32>} : memref<64x128xf32, #tpu.memory_space<vmem>>, vector<1x16xf32>,
      %swap3A_95 = vector.shape_cast %swap3A_94 : vector<1x16xf32> to vector<16xf32>
      %swap3A_96 = vector.shape_cast %broadcast_in_dim3A_3 : vector<16xf32> to vector<1x16xf32>
      tpu.vector_store %arg15[%swap3A_92, %swap3A_93], %swap3A_96 {strides = array<i32>} : memref<64x128xf32, #tpu.memory_space<vmem>>, vector<1x16xf32>,
      %swap3A_97 = arith.index_cast %scan3A_57 : i32 to index
      %swap3A_98 = arith.constant 64 : index
      %swap3A_99 = tpu.vector_load %arg14[%swap3A_97, %swap3A_98] {strides = array<i32>} : memref<64x128xf32, #tpu.memory_space<vmem>>, vector<1x16xf32>,
      %swap3A_100 = vector.shape_cast %swap3A_99 : vector<1x16xf32> to vector<16xf32>
      %swap3A_101 = vector.shape_cast %broadcast_in_dim3A_3 : vector<16xf32> to vector<1x16xf32>
      tpu.vector_store %arg14[%swap3A_97, %swap3A_98], %swap3A_101 {strides = array<i32>} : memref<64x128xf32, #tpu.memory_space<vmem>>, vector<1x16xf32>,
      %swap3A_102 = arith.index_cast %scan3A_57 : i32 to index
      %swap3A_103 = arith.constant 64 : index
      %swap3A_104 = tpu.vector_load %arg15[%swap3A_102, %swap3A_103] {strides = array<i32>} : memref<64x128xf32, #tpu.memory_space<vmem>>, vector<1x16xf32>,
      %swap3A_105 = vector.shape_cast %swap3A_104 : vector<1x16xf32> to vector<16xf32>
      %swap3A_106 = vector.shape_cast %broadcast_in_dim3A_3 : vector<16xf32> to vector<1x16xf32>
      tpu.vector_store %arg15[%swap3A_102, %swap3A_103], %swap3A_106 {strides = array<i32>} : memref<64x128xf32, #tpu.memory_space<vmem>>, vector<1x16xf32>,
      %swap3A_107 = arith.index_cast %scan3A_57 : i32 to index
      %swap3A_108 = arith.constant 80 : index
      %swap3A_109 = tpu.vector_load %arg14[%swap3A_107, %swap3A_108] {strides = array<i32>} : memref<64x128xf32, #tpu.memory_space<vmem>>, vector<1x16xf32>,
      %swap3A_110 = vector.shape_cast %swap3A_109 : vector<1x16xf32> to vector<16xf32>
      %swap3A_111 = vector.shape_cast %broadcast_in_dim3A_3 : vector<16xf32> to vector<1x16xf32>
      tpu.vector_store %arg14[%swap3A_107, %swap3A_108], %swap3A_111 {strides = array<i32>} : memref<64x128xf32, #tpu.memory_space<vmem>>, vector<1x16xf32>,
      %swap3A_112 = arith.index_cast %scan3A_57 : i32 to index
      %swap3A_113 = arith.constant 80 : index
      %swap3A_114 = tpu.vector_load %arg15[%swap3A_112, %swap3A_113] {strides = array<i32>} : memref<64x128xf32, #tpu.memory_space<vmem>>, vector<1x16xf32>,
      %swap3A_115 = vector.shape_cast %swap3A_114 : vector<1x16xf32> to vector<16xf32>
      %swap3A_116 = vector.shape_cast %broadcast_in_dim3A_3 : vector<16xf32> to vector<1x16xf32>
      tpu.vector_store %arg15[%swap3A_112, %swap3A_113], %swap3A_116 {strides = array<i32>} : memref<64x128xf32, #tpu.memory_space<vmem>>, vector<1x16xf32>,
      %swap3A_117 = arith.index_cast %scan3A_57 : i32 to index
      %swap3A_118 = arith.constant 96 : index
      %swap3A_119 = tpu.vector_load %arg14[%swap3A_117, %swap3A_118] {strides = array<i32>} : memref<64x128xf32, #tpu.memory_space<vmem>>, vector<1x16xf32>,
      %swap3A_120 = vector.shape_cast %swap3A_119 : vector<1x16xf32> to vector<16xf32>
      %swap3A_121 = vector.shape_cast %broadcast_in_dim3A_3 : vector<16xf32> to vector<1x16xf32>
      tpu.vector_store %arg14[%swap3A_117, %swap3A_118], %swap3A_121 {strides = array<i32>} : memref<64x128xf32, #tpu.memory_space<vmem>>, vector<1x16xf32>,
      %swap3A_122 = arith.index_cast %scan3A_57 : i32 to index
      %swap3A_123 = arith.constant 96 : index
      %swap3A_124 = tpu.vector_load %arg15[%swap3A_122, %swap3A_123] {strides = array<i32>} : memref<64x128xf32, #tpu.memory_space<vmem>>, vector<1x16xf32>,
      %swap3A_125 = vector.shape_cast %swap3A_124 : vector<1x16xf32> to vector<16xf32>
      %swap3A_126 = vector.shape_cast %broadcast_in_dim3A_3 : vector<16xf32> to vector<1x16xf32>
      tpu.vector_store %arg15[%swap3A_122, %swap3A_123], %swap3A_126 {strides = array<i32>} : memref<64x128xf32, #tpu.memory_space<vmem>>, vector<1x16xf32>,
      %swap3A_127 = arith.index_cast %scan3A_57 : i32 to index
      %swap3A_128 = arith.constant 112 : index
      %swap3A_129 = tpu.vector_load %arg14[%swap3A_127, %swap3A_128] {strides = array<i32>} : memref<64x128xf32, #tpu.memory_space<vmem>>, vector<1x16xf32>,
      %swap3A_130 = vector.shape_cast %swap3A_129 : vector<1x16xf32> to vector<16xf32>
      %swap3A_131 = vector.shape_cast %broadcast_in_dim3A_3 : vector<16xf32> to vector<1x16xf32>
      tpu.vector_store %arg14[%swap3A_127, %swap3A_128], %swap3A_131 {strides = array<i32>} : memref<64x128xf32, #tpu.memory_space<vmem>>, vector<1x16xf32>,
      %swap3A_132 = arith.index_cast %scan3A_57 : i32 to index
      %swap3A_133 = arith.constant 112 : index
      %swap3A_134 = tpu.vector_load %arg15[%swap3A_132, %swap3A_133] {strides = array<i32>} : memref<64x128xf32, #tpu.memory_space<vmem>>, vector<1x16xf32>,
      %swap3A_135 = vector.shape_cast %swap3A_134 : vector<1x16xf32> to vector<16xf32>
      %swap3A_136 = vector.shape_cast %broadcast_in_dim3A_3 : vector<16xf32> to vector<1x16xf32>
      tpu.vector_store %arg15[%swap3A_132, %swap3A_133], %swap3A_136 {strides = array<i32>} : memref<64x128xf32, #tpu.memory_space<vmem>>, vector<1x16xf32>,
    }
    %scan3A_8 = arith.constant 64 : i32
    %mul3A_9 = arith.constant 640 : i32
    %mul3A_10 = arith.muli %arg1, %mul3A_9 : i32
    %add3A = arith.constant 0 : i32
    %add3A_11 = arith.addi %mul3A_10, %add3A : i32
    "tpu.region"() ({
      %run_scoped3A = tpu.sem_alloc : memref<!tpu.dma_semaphore, #tpu.memory_space<semaphore_mem>>
      %dma_start3A = arith.constant 0 : i32
      %dma_start3A_57 = tpu.memref_slice %arg18[%add3A_11, %dma_start3A] : memref<10240x128xf32, #tpu.memory_space<vmem_shared>> -> memref<64x128xf32, #tpu.memory_space<vmem_shared>>
      %dma_start3A_58 = arith.constant 0 : i32
      %dma_start3A_59 = tpu.memref_slice %arg18[%add3A_11, %dma_start3A_58] : memref<10240x128xf32, #tpu.memory_space<vmem_shared>> -> memref<64x128xf32, #tpu.memory_space<vmem_shared>>
      tpu.enqueue_dma source(%arg14 : memref<64x128xf32, #tpu.memory_space<vmem>>) target(%dma_start3A_59 : memref<64x128xf32, #tpu.memory_space<vmem_shared>>) target_semaphore(%run_scoped3A : memref<!tpu.dma_semaphore, #tpu.memory_space<semaphore_mem>>)
      %dma_wait3A = arith.constant 0 : i32
      %dma_wait3A_60 = tpu.memref_slice %arg18[%add3A_11, %dma_wait3A] : memref<10240x128xf32, #tpu.memory_space<vmem_shared>> -> memref<64x128xf32, #tpu.memory_space<vmem_shared>>
      %dma_wait3A_61 = arith.constant 0 : i32
      %dma_wait3A_62 = tpu.memref_slice %arg18[%add3A_11, %dma_wait3A_61] : memref<10240x128xf32, #tpu.memory_space<vmem_shared>> -> memref<64x128xf32, #tpu.memory_space<vmem_shared>>
      tpu.wait_dma2 semaphore(%run_scoped3A : memref<!tpu.dma_semaphore, #tpu.memory_space<semaphore_mem>>) src(%arg14 : memref<64x128xf32, #tpu.memory_space<vmem>>) dst(%dma_wait3A_62 : memref<64x128xf32, #tpu.memory_space<vmem_shared>>)
      tpu.yield
    }) : () -> ()
    %add3A_12 = arith.constant 64 : i32
    %add3A_13 = arith.addi %mul3A_10, %add3A_12 : i32
    "tpu.region"() ({
      %run_scoped3A = tpu.sem_alloc : memref<!tpu.dma_semaphore, #tpu.memory_space<semaphore_mem>>
      %dma_start3A = arith.constant 0 : i32
      %dma_start3A_57 = tpu.memref_slice %arg18[%add3A_13, %dma_start3A] : memref<10240x128xf32, #tpu.memory_space<vmem_shared>> -> memref<64x128xf32, #tpu.memory_space<vmem_shared>>
      %dma_start3A_58 = arith.constant 0 : i32
      %dma_start3A_59 = tpu.memref_slice %arg18[%add3A_13, %dma_start3A_58] : memref<10240x128xf32, #tpu.memory_space<vmem_shared>> -> memref<64x128xf32, #tpu.memory_space<vmem_shared>>
      tpu.enqueue_dma source(%arg14 : memref<64x128xf32, #tpu.memory_space<vmem>>) target(%dma_start3A_59 : memref<64x128xf32, #tpu.memory_space<vmem_shared>>) target_semaphore(%run_scoped3A : memref<!tpu.dma_semaphore, #tpu.memory_space<semaphore_mem>>)
      %dma_wait3A = arith.constant 0 : i32
      %dma_wait3A_60 = tpu.memref_slice %arg18[%add3A_13, %dma_wait3A] : memref<10240x128xf32, #tpu.memory_space<vmem_shared>> -> memref<64x128xf32, #tpu.memory_space<vmem_shared>>
      %dma_wait3A_61 = arith.constant 0 : i32
      %dma_wait3A_62 = tpu.memref_slice %arg18[%add3A_13, %dma_wait3A_61] : memref<10240x128xf32, #tpu.memory_space<vmem_shared>> -> memref<64x128xf32, #tpu.memory_space<vmem_shared>>
      tpu.wait_dma2 semaphore(%run_scoped3A : memref<!tpu.dma_semaphore, #tpu.memory_space<semaphore_mem>>) src(%arg14 : memref<64x128xf32, #tpu.memory_space<vmem>>) dst(%dma_wait3A_62 : memref<64x128xf32, #tpu.memory_space<vmem_shared>>)
      tpu.yield
    }) : () -> ()
    %add3A_14 = arith.constant 128 : i32
    %add3A_15 = arith.addi %mul3A_10, %add3A_14 : i32
    "tpu.region"() ({
      %run_scoped3A = tpu.sem_alloc : memref<!tpu.dma_semaphore, #tpu.memory_space<semaphore_mem>>
      %dma_start3A = arith.constant 0 : i32
      %dma_start3A_57 = tpu.memref_slice %arg18[%add3A_15, %dma_start3A] : memref<10240x128xf32, #tpu.memory_space<vmem_shared>> -> memref<64x128xf32, #tpu.memory_space<vmem_shared>>
      %dma_start3A_58 = arith.constant 0 : i32
      %dma_start3A_59 = tpu.memref_slice %arg18[%add3A_15, %dma_start3A_58] : memref<10240x128xf32, #tpu.memory_space<vmem_shared>> -> memref<64x128xf32, #tpu.memory_space<vmem_shared>>
      tpu.enqueue_dma source(%arg14 : memref<64x128xf32, #tpu.memory_space<vmem>>) target(%dma_start3A_59 : memref<64x128xf32, #tpu.memory_space<vmem_shared>>) target_semaphore(%run_scoped3A : memref<!tpu.dma_semaphore, #tpu.memory_space<semaphore_mem>>)
      %dma_wait3A = arith.constant 0 : i32
      %dma_wait3A_60 = tpu.memref_slice %arg18[%add3A_15, %dma_wait3A] : memref<10240x128xf32, #tpu.memory_space<vmem_shared>> -> memref<64x128xf32, #tpu.memory_space<vmem_shared>>
      %dma_wait3A_61 = arith.constant 0 : i32
      %dma_wait3A_62 = tpu.memref_slice %arg18[%add3A_15, %dma_wait3A_61] : memref<10240x128xf32, #tpu.memory_space<vmem_shared>> -> memref<64x128xf32, #tpu.memory_space<vmem_shared>>
      tpu.wait_dma2 semaphore(%run_scoped3A : memref<!tpu.dma_semaphore, #tpu.memory_space<semaphore_mem>>) src(%arg14 : memref<64x128xf32, #tpu.memory_space<vmem>>) dst(%dma_wait3A_62 : memref<64x128xf32, #tpu.memory_space<vmem_shared>>)
      tpu.yield
    }) : () -> ()
    %add3A_16 = arith.constant 192 : i32
    %add3A_17 = arith.addi %mul3A_10, %add3A_16 : i32
    "tpu.region"() ({
      %run_scoped3A = tpu.sem_alloc : memref<!tpu.dma_semaphore, #tpu.memory_space<semaphore_mem>>
      %dma_start3A = arith.constant 0 : i32
      %dma_start3A_57 = tpu.memref_slice %arg18[%add3A_17, %dma_start3A] : memref<10240x128xf32, #tpu.memory_space<vmem_shared>> -> memref<64x128xf32, #tpu.memory_space<vmem_shared>>
      %dma_start3A_58 = arith.constant 0 : i32
      %dma_start3A_59 = tpu.memref_slice %arg18[%add3A_17, %dma_start3A_58] : memref<10240x128xf32, #tpu.memory_space<vmem_shared>> -> memref<64x128xf32, #tpu.memory_space<vmem_shared>>
      tpu.enqueue_dma source(%arg14 : memref<64x128xf32, #tpu.memory_space<vmem>>) target(%dma_start3A_59 : memref<64x128xf32, #tpu.memory_space<vmem_shared>>) target_semaphore(%run_scoped3A : memref<!tpu.dma_semaphore, #tpu.memory_space<semaphore_mem>>)
      %dma_wait3A = arith.constant 0 : i32
      %dma_wait3A_60 = tpu.memref_slice %arg18[%add3A_17, %dma_wait3A] : memref<10240x128xf32, #tpu.memory_space<vmem_shared>> -> memref<64x128xf32, #tpu.memory_space<vmem_shared>>
      %dma_wait3A_61 = arith.constant 0 : i32
      %dma_wait3A_62 = tpu.memref_slice %arg18[%add3A_17, %dma_wait3A_61] : memref<10240x128xf32, #tpu.memory_space<vmem_shared>> -> memref<64x128xf32, #tpu.memory_space<vmem_shared>>
      tpu.wait_dma2 semaphore(%run_scoped3A : memref<!tpu.dma_semaphore, #tpu.memory_space<semaphore_mem>>) src(%arg14 : memref<64x128xf32, #tpu.memory_space<vmem>>) dst(%dma_wait3A_62 : memref<64x128xf32, #tpu.memory_space<vmem_shared>>)
      tpu.yield
    }) : () -> ()
    %add3A_18 = arith.constant 256 : i32
    %add3A_19 = arith.addi %mul3A_10, %add3A_18 : i32
    "tpu.region"() ({
      %run_scoped3A = tpu.sem_alloc : memref<!tpu.dma_semaphore, #tpu.memory_space<semaphore_mem>>
      %dma_start3A = arith.constant 0 : i32
      %dma_start3A_57 = tpu.memref_slice %arg18[%add3A_19, %dma_start3A] : memref<10240x128xf32, #tpu.memory_space<vmem_shared>> -> memref<64x128xf32, #tpu.memory_space<vmem_shared>>
      %dma_start3A_58 = arith.constant 0 : i32
      %dma_start3A_59 = tpu.memref_slice %arg18[%add3A_19, %dma_start3A_58] : memref<10240x128xf32, #tpu.memory_space<vmem_shared>> -> memref<64x128xf32, #tpu.memory_space<vmem_shared>>
      tpu.enqueue_dma source(%arg14 : memref<64x128xf32, #tpu.memory_space<vmem>>) target(%dma_start3A_59 : memref<64x128xf32, #tpu.memory_space<vmem_shared>>) target_semaphore(%run_scoped3A : memref<!tpu.dma_semaphore, #tpu.memory_space<semaphore_mem>>)
      %dma_wait3A = arith.constant 0 : i32
      %dma_wait3A_60 = tpu.memref_slice %arg18[%add3A_19, %dma_wait3A] : memref<10240x128xf32, #tpu.memory_space<vmem_shared>> -> memref<64x128xf32, #tpu.memory_space<vmem_shared>>
      %dma_wait3A_61 = arith.constant 0 : i32
      %dma_wait3A_62 = tpu.memref_slice %arg18[%add3A_19, %dma_wait3A_61] : memref<10240x128xf32, #tpu.memory_space<vmem_shared>> -> memref<64x128xf32, #tpu.memory_space<vmem_shared>>
      tpu.wait_dma2 semaphore(%run_scoped3A : memref<!tpu.dma_semaphore, #tpu.memory_space<semaphore_mem>>) src(%arg14 : memref<64x128xf32, #tpu.memory_space<vmem>>) dst(%dma_wait3A_62 : memref<64x128xf32, #tpu.memory_space<vmem_shared>>)
      tpu.yield
    }) : () -> ()
    %add3A_20 = arith.constant 320 : i32
    %add3A_21 = arith.addi %mul3A_10, %add3A_20 : i32
    "tpu.region"() ({
      %run_scoped3A = tpu.sem_alloc : memref<!tpu.dma_semaphore, #tpu.memory_space<semaphore_mem>>
      %dma_start3A = arith.constant 0 : i32
      %dma_start3A_57 = tpu.memref_slice %arg18[%add3A_21, %dma_start3A] : memref<10240x128xf32, #tpu.memory_space<vmem_shared>> -> memref<64x128xf32, #tpu.memory_space<vmem_shared>>
      %dma_start3A_58 = arith.constant 0 : i32
      %dma_start3A_59 = tpu.memref_slice %arg18[%add3A_21, %dma_start3A_58] : memref<10240x128xf32, #tpu.memory_space<vmem_shared>> -> memref<64x128xf32, #tpu.memory_space<vmem_shared>>
      tpu.enqueue_dma source(%arg14 : memref<64x128xf32, #tpu.memory_space<vmem>>) target(%dma_start3A_59 : memref<64x128xf32, #tpu.memory_space<vmem_shared>>) target_semaphore(%run_scoped3A : memref<!tpu.dma_semaphore, #tpu.memory_space<semaphore_mem>>)
      %dma_wait3A = arith.constant 0 : i32
      %dma_wait3A_60 = tpu.memref_slice %arg18[%add3A_21, %dma_wait3A] : memref<10240x128xf32, #tpu.memory_space<vmem_shared>> -> memref<64x128xf32, #tpu.memory_space<vmem_shared>>
      %dma_wait3A_61 = arith.constant 0 : i32
      %dma_wait3A_62 = tpu.memref_slice %arg18[%add3A_21, %dma_wait3A_61] : memref<10240x128xf32, #tpu.memory_space<vmem_shared>> -> memref<64x128xf32, #tpu.memory_space<vmem_shared>>
      tpu.wait_dma2 semaphore(%run_scoped3A : memref<!tpu.dma_semaphore, #tpu.memory_space<semaphore_mem>>) src(%arg14 : memref<64x128xf32, #tpu.memory_space<vmem>>) dst(%dma_wait3A_62 : memref<64x128xf32, #tpu.memory_space<vmem_shared>>)
      tpu.yield
    }) : () -> ()
    %add3A_22 = arith.constant 384 : i32
    %add3A_23 = arith.addi %mul3A_10, %add3A_22 : i32
    "tpu.region"() ({
      %run_scoped3A = tpu.sem_alloc : memref<!tpu.dma_semaphore, #tpu.memory_space<semaphore_mem>>
      %dma_start3A = arith.constant 0 : i32
      %dma_start3A_57 = tpu.memref_slice %arg18[%add3A_23, %dma_start3A] : memref<10240x128xf32, #tpu.memory_space<vmem_shared>> -> memref<64x128xf32, #tpu.memory_space<vmem_shared>>
      %dma_start3A_58 = arith.constant 0 : i32
      %dma_start3A_59 = tpu.memref_slice %arg18[%add3A_23, %dma_start3A_58] : memref<10240x128xf32, #tpu.memory_space<vmem_shared>> -> memref<64x128xf32, #tpu.memory_space<vmem_shared>>
      tpu.enqueue_dma source(%arg14 : memref<64x128xf32, #tpu.memory_space<vmem>>) target(%dma_start3A_59 : memref<64x128xf32, #tpu.memory_space<vmem_shared>>) target_semaphore(%run_scoped3A : memref<!tpu.dma_semaphore, #tpu.memory_space<semaphore_mem>>)
      %dma_wait3A = arith.constant 0 : i32
      %dma_wait3A_60 = tpu.memref_slice %arg18[%add3A_23, %dma_wait3A] : memref<10240x128xf32, #tpu.memory_space<vmem_shared>> -> memref<64x128xf32, #tpu.memory_space<vmem_shared>>
      %dma_wait3A_61 = arith.constant 0 : i32
      %dma_wait3A_62 = tpu.memref_slice %arg18[%add3A_23, %dma_wait3A_61] : memref<10240x128xf32, #tpu.memory_space<vmem_shared>> -> memref<64x128xf32, #tpu.memory_space<vmem_shared>>
      tpu.wait_dma2 semaphore(%run_scoped3A : memref<!tpu.dma_semaphore, #tpu.memory_space<semaphore_mem>>) src(%arg14 : memref<64x128xf32, #tpu.memory_space<vmem>>) dst(%dma_wait3A_62 : memref<64x128xf32, #tpu.memory_space<vmem_shared>>)
      tpu.yield
    }) : () -> ()
    %add3A_24 = arith.constant 448 : i32
    %add3A_25 = arith.addi %mul3A_10, %add3A_24 : i32
    "tpu.region"() ({
      %run_scoped3A = tpu.sem_alloc : memref<!tpu.dma_semaphore, #tpu.memory_space<semaphore_mem>>
      %dma_start3A = arith.constant 0 : i32
      %dma_start3A_57 = tpu.memref_slice %arg18[%add3A_25, %dma_start3A] : memref<10240x128xf32, #tpu.memory_space<vmem_shared>> -> memref<64x128xf32, #tpu.memory_space<vmem_shared>>
      %dma_start3A_58 = arith.constant 0 : i32
      %dma_start3A_59 = tpu.memref_slice %arg18[%add3A_25, %dma_start3A_58] : memref<10240x128xf32, #tpu.memory_space<vmem_shared>> -> memref<64x128xf32, #tpu.memory_space<vmem_shared>>
      tpu.enqueue_dma source(%arg14 : memref<64x128xf32, #tpu.memory_space<vmem>>) target(%dma_start3A_59 : memref<64x128xf32, #tpu.memory_space<vmem_shared>>) target_semaphore(%run_scoped3A : memref<!tpu.dma_semaphore, #tpu.memory_space<semaphore_mem>>)
      %dma_wait3A = arith.constant 0 : i32
      %dma_wait3A_60 = tpu.memref_slice %arg18[%add3A_25, %dma_wait3A] : memref<10240x128xf32, #tpu.memory_space<vmem_shared>> -> memref<64x128xf32, #tpu.memory_space<vmem_shared>>
      %dma_wait3A_61 = arith.constant 0 : i32
      %dma_wait3A_62 = tpu.memref_slice %arg18[%add3A_25, %dma_wait3A_61] : memref<10240x128xf32, #tpu.memory_space<vmem_shared>> -> memref<64x128xf32, #tpu.memory_space<vmem_shared>>
      tpu.wait_dma2 semaphore(%run_scoped3A : memref<!tpu.dma_semaphore, #tpu.memory_space<semaphore_mem>>) src(%arg14 : memref<64x128xf32, #tpu.memory_space<vmem>>) dst(%dma_wait3A_62 : memref<64x128xf32, #tpu.memory_space<vmem_shared>>)
      tpu.yield
    }) : () -> ()
    %add3A_26 = arith.constant 512 : i32
    %add3A_27 = arith.addi %mul3A_10, %add3A_26 : i32
    "tpu.region"() ({
      %run_scoped3A = tpu.sem_alloc : memref<!tpu.dma_semaphore, #tpu.memory_space<semaphore_mem>>
      %dma_start3A = arith.constant 0 : i32
      %dma_start3A_57 = tpu.memref_slice %arg18[%add3A_27, %dma_start3A] : memref<10240x128xf32, #tpu.memory_space<vmem_shared>> -> memref<64x128xf32, #tpu.memory_space<vmem_shared>>
      %dma_start3A_58 = arith.constant 0 : i32
      %dma_start3A_59 = tpu.memref_slice %arg18[%add3A_27, %dma_start3A_58] : memref<10240x128xf32, #tpu.memory_space<vmem_shared>> -> memref<64x128xf32, #tpu.memory_space<vmem_shared>>
      tpu.enqueue_dma source(%arg14 : memref<64x128xf32, #tpu.memory_space<vmem>>) target(%dma_start3A_59 : memref<64x128xf32, #tpu.memory_space<vmem_shared>>) target_semaphore(%run_scoped3A : memref<!tpu.dma_semaphore, #tpu.memory_space<semaphore_mem>>)
      %dma_wait3A = arith.constant 0 : i32
      %dma_wait3A_60 = tpu.memref_slice %arg18[%add3A_27, %dma_wait3A] : memref<10240x128xf32, #tpu.memory_space<vmem_shared>> -> memref<64x128xf32, #tpu.memory_space<vmem_shared>>
      %dma_wait3A_61 = arith.constant 0 : i32
      %dma_wait3A_62 = tpu.memref_slice %arg18[%add3A_27, %dma_wait3A_61] : memref<10240x128xf32, #tpu.memory_space<vmem_shared>> -> memref<64x128xf32, #tpu.memory_space<vmem_shared>>
      tpu.wait_dma2 semaphore(%run_scoped3A : memref<!tpu.dma_semaphore, #tpu.memory_space<semaphore_mem>>) src(%arg14 : memref<64x128xf32, #tpu.memory_space<vmem>>) dst(%dma_wait3A_62 : memref<64x128xf32, #tpu.memory_space<vmem_shared>>)
      tpu.yield
    }) : () -> ()
    %add3A_28 = arith.constant 576 : i32
    %add3A_29 = arith.addi %mul3A_10, %add3A_28 : i32
    "tpu.region"() ({
      %run_scoped3A = tpu.sem_alloc : memref<!tpu.dma_semaphore, #tpu.memory_space<semaphore_mem>>
      %dma_start3A = arith.constant 0 : i32
      %dma_start3A_57 = tpu.memref_slice %arg18[%add3A_29, %dma_start3A] : memref<10240x128xf32, #tpu.memory_space<vmem_shared>> -> memref<64x128xf32, #tpu.memory_space<vmem_shared>>
      %dma_start3A_58 = arith.constant 0 : i32
      %dma_start3A_59 = tpu.memref_slice %arg18[%add3A_29, %dma_start3A_58] : memref<10240x128xf32, #tpu.memory_space<vmem_shared>> -> memref<64x128xf32, #tpu.memory_space<vmem_shared>>
      tpu.enqueue_dma source(%arg14 : memref<64x128xf32, #tpu.memory_space<vmem>>) target(%dma_start3A_59 : memref<64x128xf32, #tpu.memory_space<vmem_shared>>) target_semaphore(%run_scoped3A : memref<!tpu.dma_semaphore, #tpu.memory_space<semaphore_mem>>)
      %dma_wait3A = arith.constant 0 : i32
      %dma_wait3A_60 = tpu.memref_slice %arg18[%add3A_29, %dma_wait3A] : memref<10240x128xf32, #tpu.memory_space<vmem_shared>> -> memref<64x128xf32, #tpu.memory_space<vmem_shared>>
      %dma_wait3A_61 = arith.constant 0 : i32
      %dma_wait3A_62 = tpu.memref_slice %arg18[%add3A_29, %dma_wait3A_61] : memref<10240x128xf32, #tpu.memory_space<vmem_shared>> -> memref<64x128xf32, #tpu.memory_space<vmem_shared>>
      tpu.wait_dma2 semaphore(%run_scoped3A : memref<!tpu.dma_semaphore, #tpu.memory_space<semaphore_mem>>) src(%arg14 : memref<64x128xf32, #tpu.memory_space<vmem>>) dst(%dma_wait3A_62 : memref<64x128xf32, #tpu.memory_space<vmem_shared>>)
      tpu.yield
    }) : () -> ()
    %barrier3A = arith.constant 0 : index
    tpu.barrier barrier_id(%barrier3A)
    %scan3A_30 = arith.constant 0 : i32
    %scan3A_31 = arith.constant 0 : i32
    %scan3A_32 = arith.constant 40 : i32
    %scan3A_33 = arith.addi %scan3A_31, %scan3A_32 : i32
    %scan3A_34 = arith.constant 1 : i32
    scf.for %scan3A_57 = %scan3A_31 to %scan3A_33 step %scan3A_34  : i32 {
      %mul3A_58 = arith.constant 8 : i32
      %mul3A_59 = arith.muli %scan3A_57, %mul3A_58 : i32
      %add3A_60 = arith.addi %mul3A_2, %mul3A_59 : i32
      "tpu.region"() ({
        %run_scoped3A = tpu.sem_alloc : memref<!tpu.dma_semaphore, #tpu.memory_space<semaphore_mem>>
        %dma_start3A = arith.constant 0 : i32
        %dma_start3A_67 = tpu.memref_slice %arg3[%add3A_60, %dma_start3A] : memref<5120x64xi32, #tpu.memory_space<hbm>> -> memref<8x64xi32, #tpu.memory_space<hbm>>
        %dma_start3A_68 = arith.constant 0 : i32
        %dma_start3A_69 = tpu.memref_slice %arg3[%add3A_60, %dma_start3A_68] : memref<5120x64xi32, #tpu.memory_space<hbm>> -> memref<8x64xi32, #tpu.memory_space<hbm>>
        tpu.enqueue_dma source(%dma_start3A_69 : memref<8x64xi32, #tpu.memory_space<hbm>>) target(%arg8 : memref<8x64xi32, #tpu.memory_space<vmem>>) target_semaphore(%run_scoped3A : memref<!tpu.dma_semaphore, #tpu.memory_space<semaphore_mem>>)
        %dma_wait3A = arith.constant 0 : i32
        %dma_wait3A_70 = tpu.memref_slice %arg3[%add3A_60, %dma_wait3A] : memref<5120x64xi32, #tpu.memory_space<hbm>> -> memref<8x64xi32, #tpu.memory_space<hbm>>
        %dma_wait3A_71 = arith.constant 0 : i32
        %dma_wait3A_72 = tpu.memref_slice %arg3[%add3A_60, %dma_wait3A_71] : memref<5120x64xi32, #tpu.memory_space<hbm>> -> memref<8x64xi32, #tpu.memory_space<hbm>>
        tpu.wait_dma2 semaphore(%run_scoped3A : memref<!tpu.dma_semaphore, #tpu.memory_space<semaphore_mem>>) src(%dma_wait3A_72 : memref<8x64xi32, #tpu.memory_space<hbm>>) dst(%arg8 : memref<8x64xi32, #tpu.memory_space<vmem>>)
        tpu.yield
      }) : () -> ()
      "tpu.region"() ({
        %run_scoped3A = tpu.sem_alloc : memref<!tpu.dma_semaphore, #tpu.memory_space<semaphore_mem>>
        %dma_start3A = arith.constant 0 : i32
        %dma_start3A_67 = tpu.memref_slice %arg4[%add3A_60, %dma_start3A] : memref<5120x64xi32, #tpu.memory_space<hbm>> -> memref<8x64xi32, #tpu.memory_space<hbm>>
        %dma_start3A_68 = arith.constant 0 : i32
        %dma_start3A_69 = tpu.memref_slice %arg4[%add3A_60, %dma_start3A_68] : memref<5120x64xi32, #tpu.memory_space<hbm>> -> memref<8x64xi32, #tpu.memory_space<hbm>>
        tpu.enqueue_dma source(%dma_start3A_69 : memref<8x64xi32, #tpu.memory_space<hbm>>) target(%arg9 : memref<8x64xi32, #tpu.memory_space<vmem>>) target_semaphore(%run_scoped3A : memref<!tpu.dma_semaphore, #tpu.memory_space<semaphore_mem>>)
        %dma_wait3A = arith.constant 0 : i32
        %dma_wait3A_70 = tpu.memref_slice %arg4[%add3A_60, %dma_wait3A] : memref<5120x64xi32, #tpu.memory_space<hbm>> -> memref<8x64xi32, #tpu.memory_space<hbm>>
        %dma_wait3A_71 = arith.constant 0 : i32
        %dma_wait3A_72 = tpu.memref_slice %arg4[%add3A_60, %dma_wait3A_71] : memref<5120x64xi32, #tpu.memory_space<hbm>> -> memref<8x64xi32, #tpu.memory_space<hbm>>
        tpu.wait_dma2 semaphore(%run_scoped3A : memref<!tpu.dma_semaphore, #tpu.memory_space<semaphore_mem>>) src(%dma_wait3A_72 : memref<8x64xi32, #tpu.memory_space<hbm>>) dst(%arg9 : memref<8x64xi32, #tpu.memory_space<vmem>>)
        tpu.yield
      }) : () -> ()
      "tpu.region"() ({
        %run_scoped3A = tpu.sem_alloc : memref<!tpu.dma_semaphore, #tpu.memory_space<semaphore_mem>>
        %dma_start3A = arith.constant 0 : i32
        %dma_start3A_67 = tpu.memref_slice %arg5[%add3A_60, %dma_start3A] : memref<5120x64xi32, #tpu.memory_space<hbm>> -> memref<8x64xi32, #tpu.memory_space<hbm>>
        %dma_start3A_68 = arith.constant 0 : i32
        %dma_start3A_69 = tpu.memref_slice %arg5[%add3A_60, %dma_start3A_68] : memref<5120x64xi32, #tpu.memory_space<hbm>> -> memref<8x64xi32, #tpu.memory_space<hbm>>
        tpu.enqueue_dma source(%dma_start3A_69 : memref<8x64xi32, #tpu.memory_space<hbm>>) target(%arg10 : memref<8x64xi32, #tpu.memory_space<vmem>>) target_semaphore(%run_scoped3A : memref<!tpu.dma_semaphore, #tpu.memory_space<semaphore_mem>>)
        %dma_wait3A = arith.constant 0 : i32
        %dma_wait3A_70 = tpu.memref_slice %arg5[%add3A_60, %dma_wait3A] : memref<5120x64xi32, #tpu.memory_space<hbm>> -> memref<8x64xi32, #tpu.memory_space<hbm>>
        %dma_wait3A_71 = arith.constant 0 : i32
        %dma_wait3A_72 = tpu.memref_slice %arg5[%add3A_60, %dma_wait3A_71] : memref<5120x64xi32, #tpu.memory_space<hbm>> -> memref<8x64xi32, #tpu.memory_space<hbm>>
        tpu.wait_dma2 semaphore(%run_scoped3A : memref<!tpu.dma_semaphore, #tpu.memory_space<semaphore_mem>>) src(%dma_wait3A_72 : memref<8x64xi32, #tpu.memory_space<hbm>>) dst(%arg10 : memref<8x64xi32, #tpu.memory_space<vmem>>)
        tpu.yield
      }) : () -> ()
      "tpu.region"() ({
        %run_scoped3A = tpu.sem_alloc : memref<!tpu.dma_semaphore, #tpu.memory_space<semaphore_mem>>
        %dma_start3A = arith.constant 0 : i32
        %dma_start3A_67 = tpu.memref_slice %arg6[%add3A_60, %dma_start3A] : memref<5120x64xi32, #tpu.memory_space<hbm>> -> memref<8x64xi32, #tpu.memory_space<hbm>>
        %dma_start3A_68 = arith.constant 0 : i32
        %dma_start3A_69 = tpu.memref_slice %arg6[%add3A_60, %dma_start3A_68] : memref<5120x64xi32, #tpu.memory_space<hbm>> -> memref<8x64xi32, #tpu.memory_space<hbm>>
        tpu.enqueue_dma source(%dma_start3A_69 : memref<8x64xi32, #tpu.memory_space<hbm>>) target(%arg11 : memref<8x64xi32, #tpu.memory_space<vmem>>) target_semaphore(%run_scoped3A : memref<!tpu.dma_semaphore, #tpu.memory_space<semaphore_mem>>)
        %dma_wait3A = arith.constant 0 : i32
        %dma_wait3A_70 = tpu.memref_slice %arg6[%add3A_60, %dma_wait3A] : memref<5120x64xi32, #tpu.memory_space<hbm>> -> memref<8x64xi32, #tpu.memory_space<hbm>>
        %dma_wait3A_71 = arith.constant 0 : i32
        %dma_wait3A_72 = tpu.memref_slice %arg6[%add3A_60, %dma_wait3A_71] : memref<5120x64xi32, #tpu.memory_space<hbm>> -> memref<8x64xi32, #tpu.memory_space<hbm>>
        tpu.wait_dma2 semaphore(%run_scoped3A : memref<!tpu.dma_semaphore, #tpu.memory_space<semaphore_mem>>) src(%dma_wait3A_72 : memref<8x64xi32, #tpu.memory_space<hbm>>) dst(%arg11 : memref<8x64xi32, #tpu.memory_space<vmem>>)
        tpu.yield
      }) : () -> ()
      %scan3A_61 = arith.constant 0 : i32
      %scan3A_62 = arith.constant 0 : i32
      %scan3A_63 = arith.constant 8 : i32
      %scan3A_64 = arith.addi %scan3A_62, %scan3A_63 : i32
      %scan3A_65 = arith.constant 1 : i32
      scf.for %scan3A_67 = %scan3A_62 to %scan3A_64 step %scan3A_65  : i32 {
        %dma_start3A = arith.constant 0 : i32
        %dma_start3A_68 = tpu.memref_slice %arg8[%scan3A_67, %dma_start3A] : memref<8x64xi32, #tpu.memory_space<vmem>> -> memref<1x64xi32, #tpu.memory_space<vmem>>
        %dma_start3A_69 = tpu.memref_squeeze %dma_start3A_68 : memref<1x64xi32, #tpu.memory_space<vmem>> -> memref<64xi32, #tpu.memory_space<vmem>>
        %dma_start3A_70 = arith.constant 0 : i32
        %dma_start3A_71 = arith.constant 0 : i32
        %dma_start3A_72 = tpu.memref_slice %arg2[%dma_start3A_70, %dma_start3A_71] : memref<40960x128xf32, #tpu.memory_space<hbm>> -> memref<40960x128xf32, #tpu.memory_space<hbm>>
        tpu.enqueue_indirect_dma source(%dma_start3A_72 : memref<40960x128xf32, #tpu.memory_space<hbm>>) target(%arg12 : memref<64x128xf32, #tpu.memory_space<vmem>>) offsets(%dma_start3A_69 : memref<64xi32, #tpu.memory_space<vmem>>) semaphore(%arg16 : memref<!tpu.dma_semaphore, #tpu.memory_space<semaphore_mem>>)
        %dma_start3A_73 = arith.constant 0 : i32
        %dma_start3A_74 = tpu.memref_slice %arg9[%scan3A_67, %dma_start3A_73] : memref<8x64xi32, #tpu.memory_space<vmem>> -> memref<1x64xi32, #tpu.memory_space<vmem>>
        %dma_start3A_75 = tpu.memref_squeeze %dma_start3A_74 : memref<1x64xi32, #tpu.memory_space<vmem>> -> memref<64xi32, #tpu.memory_space<vmem>>
        %dma_start3A_76 = arith.constant 0 : i32
        %dma_start3A_77 = arith.constant 0 : i32
        %dma_start3A_78 = tpu.memref_slice %arg2[%dma_start3A_76, %dma_start3A_77] : memref<40960x128xf32, #tpu.memory_space<hbm>> -> memref<40960x128xf32, #tpu.memory_space<hbm>>
        tpu.enqueue_indirect_dma source(%dma_start3A_78 : memref<40960x128xf32, #tpu.memory_space<hbm>>) target(%arg13 : memref<64x128xf32, #tpu.memory_space<vmem>>) offsets(%dma_start3A_75 : memref<64xi32, #tpu.memory_space<vmem>>) semaphore(%arg16 : memref<!tpu.dma_semaphore, #tpu.memory_space<semaphore_mem>>)
        %dma_wait3A = arith.constant 0 : i32
        %dma_wait3A_79 = tpu.memref_slice %arg8[%scan3A_67, %dma_wait3A] : memref<8x64xi32, #tpu.memory_space<vmem>> -> memref<1x64xi32, #tpu.memory_space<vmem>>
        %dma_wait3A_80 = tpu.memref_squeeze %dma_wait3A_79 : memref<1x64xi32, #tpu.memory_space<vmem>> -> memref<64xi32, #tpu.memory_space<vmem>>
        %dma_wait3A_81 = arith.constant 0 : i32
        %dma_wait3A_82 = arith.constant 0 : i32
        %dma_wait3A_83 = tpu.memref_slice %arg2[%dma_wait3A_81, %dma_wait3A_82] : memref<40960x128xf32, #tpu.memory_space<hbm>> -> memref<40960x128xf32, #tpu.memory_space<hbm>>
        tpu.wait_indirect_dma semaphore(%arg16 : memref<!tpu.dma_semaphore, #tpu.memory_space<semaphore_mem>>) src(%dma_wait3A_83 : memref<40960x128xf32, #tpu.memory_space<hbm>>) dst(%arg12 : memref<64x128xf32, #tpu.memory_space<vmem>>)
        %dma_wait3A_84 = arith.constant 0 : i32
        %dma_wait3A_85 = tpu.memref_slice %arg9[%scan3A_67, %dma_wait3A_84] : memref<8x64xi32, #tpu.memory_space<vmem>> -> memref<1x64xi32, #tpu.memory_space<vmem>>
        %dma_wait3A_86 = tpu.memref_squeeze %dma_wait3A_85 : memref<1x64xi32, #tpu.memory_space<vmem>> -> memref<64xi32, #tpu.memory_space<vmem>>
        %dma_wait3A_87 = arith.constant 0 : i32
        %dma_wait3A_88 = arith.constant 0 : i32
        %dma_wait3A_89 = tpu.memref_slice %arg2[%dma_wait3A_87, %dma_wait3A_88] : memref<40960x128xf32, #tpu.memory_space<hbm>> -> memref<40960x128xf32, #tpu.memory_space<hbm>>
        tpu.wait_indirect_dma semaphore(%arg16 : memref<!tpu.dma_semaphore, #tpu.memory_space<semaphore_mem>>) src(%dma_wait3A_89 : memref<40960x128xf32, #tpu.memory_space<hbm>>) dst(%arg13 : memref<64x128xf32, #tpu.memory_space<vmem>>)
        %scan3A_90 = arith.constant 0 : i32
        %scan3A_91 = arith.constant 0 : i32
        %scan3A_92 = arith.constant 64 : i32
        %scan3A_93 = arith.addi %scan3A_91, %scan3A_92 : i32
        %scan3A_94 = arith.constant 1 : i32
        scf.for %scan3A_223 = %scan3A_91 to %scan3A_93 step %scan3A_94  : i32 {
          %add3A_224 = arith.constant 0 : i32
          %add3A_225 = arith.addi %mul3A_0, %add3A_224 : i32
          %get3A_226 = arith.index_cast %scan3A_223 : i32 to index
          %get3A_227 = arith.index_cast %add3A_225 : i32 to index
          %get3A_228 = tpu.vector_load %arg12[%get3A_226, %get3A_227] {strides = array<i32>} : memref<64x128xf32, #tpu.memory_space<vmem>>, vector<1x16xf32>,
          %get3A_229 = vector.shape_cast %get3A_228 : vector<1x16xf32> to vector<16xf32>
          %get3A_230 = arith.index_cast %scan3A_223 : i32 to index
          %get3A_231 = arith.index_cast %add3A_225 : i32 to index
          %get3A_232 = tpu.vector_load %arg13[%get3A_230, %get3A_231] {strides = array<i32>} : memref<64x128xf32, #tpu.memory_space<vmem>>, vector<1x16xf32>,
          %get3A_233 = vector.shape_cast %get3A_232 : vector<1x16xf32> to vector<16xf32>
          %add3A_234 = arith.addf %get3A_229, %get3A_233 : vector<16xf32>
          %max3A = arith.constant 0.000000e+00 : f32
          %max3A_235 = vector.broadcast %max3A : f32 to vector<16xf32>
          %max3A_236 = arith.maximumf %add3A_234, %max3A_235 : vector<16xf32>
          %swap3A = arith.index_cast %scan3A_223 : i32 to index
          %swap3A_237 = arith.constant 0 : index
          %swap3A_238 = tpu.vector_load %arg14[%swap3A, %swap3A_237] {strides = array<i32>} : memref<64x128xf32, #tpu.memory_space<vmem>>, vector<1x16xf32>,
          %swap3A_239 = vector.shape_cast %swap3A_238 : vector<1x16xf32> to vector<16xf32>
          %swap3A_240 = vector.shape_cast %max3A_236 : vector<16xf32> to vector<1x16xf32>
          tpu.vector_store %arg14[%swap3A, %swap3A_237], %swap3A_240 {strides = array<i32>} : memref<64x128xf32, #tpu.memory_space<vmem>>, vector<1x16xf32>,
          %swap3A_241 = arith.index_cast %scan3A_223 : i32 to index
          %swap3A_242 = arith.constant 64 : index
          %swap3A_243 = tpu.vector_load %arg15[%swap3A_241, %swap3A_242] {strides = array<i32>} : memref<64x128xf32, #tpu.memory_space<vmem>>, vector<1x16xf32>,
          %swap3A_244 = vector.shape_cast %swap3A_243 : vector<1x16xf32> to vector<16xf32>
          %swap3A_245 = vector.shape_cast %max3A_236 : vector<16xf32> to vector<1x16xf32>
          tpu.vector_store %arg15[%swap3A_241, %swap3A_242], %swap3A_245 {strides = array<i32>} : memref<64x128xf32, #tpu.memory_space<vmem>>, vector<1x16xf32>,
          %add3A_246 = arith.constant 16 : i32
          %add3A_247 = arith.addi %mul3A_0, %add3A_246 : i32
          %get3A_248 = arith.index_cast %scan3A_223 : i32 to index
          %get3A_249 = arith.index_cast %add3A_247 : i32 to index
          %get3A_250 = tpu.vector_load %arg12[%get3A_248, %get3A_249] {strides = array<i32>} : memref<64x128xf32, #tpu.memory_space<vmem>>, vector<1x16xf32>,
          %get3A_251 = vector.shape_cast %get3A_250 : vector<1x16xf32> to vector<16xf32>
          %get3A_252 = arith.index_cast %scan3A_223 : i32 to index
          %get3A_253 = arith.index_cast %add3A_247 : i32 to index
          %get3A_254 = tpu.vector_load %arg13[%get3A_252, %get3A_253] {strides = array<i32>} : memref<64x128xf32, #tpu.memory_space<vmem>>, vector<1x16xf32>,
          %get3A_255 = vector.shape_cast %get3A_254 : vector<1x16xf32> to vector<16xf32>
          %add3A_256 = arith.addf %get3A_251, %get3A_255 : vector<16xf32>
          %max3A_257 = arith.constant 0.000000e+00 : f32
          %max3A_258 = vector.broadcast %max3A_257 : f32 to vector<16xf32>
          %max3A_259 = arith.maximumf %add3A_256, %max3A_258 : vector<16xf32>
          %swap3A_260 = arith.index_cast %scan3A_223 : i32 to index
          %swap3A_261 = arith.constant 16 : index
          %swap3A_262 = tpu.vector_load %arg14[%swap3A_260, %swap3A_261] {strides = array<i32>} : memref<64x128xf32, #tpu.memory_space<vmem>>, vector<1x16xf32>,
          %swap3A_263 = vector.shape_cast %swap3A_262 : vector<1x16xf32> to vector<16xf32>
          %swap3A_264 = vector.shape_cast %max3A_259 : vector<16xf32> to vector<1x16xf32>
          tpu.vector_store %arg14[%swap3A_260, %swap3A_261], %swap3A_264 {strides = array<i32>} : memref<64x128xf32, #tpu.memory_space<vmem>>, vector<1x16xf32>,
          %swap3A_265 = arith.index_cast %scan3A_223 : i32 to index
          %swap3A_266 = arith.constant 80 : index
          %swap3A_267 = tpu.vector_load %arg15[%swap3A_265, %swap3A_266] {strides = array<i32>} : memref<64x128xf32, #tpu.memory_space<vmem>>, vector<1x16xf32>,
          %swap3A_268 = vector.shape_cast %swap3A_267 : vector<1x16xf32> to vector<16xf32>
          %swap3A_269 = vector.shape_cast %max3A_259 : vector<16xf32> to vector<1x16xf32>
          tpu.vector_store %arg15[%swap3A_265, %swap3A_266], %swap3A_269 {strides = array<i32>} : memref<64x128xf32, #tpu.memory_space<vmem>>, vector<1x16xf32>,
          %add3A_270 = arith.constant 32 : i32
          %add3A_271 = arith.addi %mul3A_0, %add3A_270 : i32
          %get3A_272 = arith.index_cast %scan3A_223 : i32 to index
          %get3A_273 = arith.index_cast %add3A_271 : i32 to index
          %get3A_274 = tpu.vector_load %arg12[%get3A_272, %get3A_273] {strides = array<i32>} : memref<64x128xf32, #tpu.memory_space<vmem>>, vector<1x16xf32>,
          %get3A_275 = vector.shape_cast %get3A_274 : vector<1x16xf32> to vector<16xf32>
          %get3A_276 = arith.index_cast %scan3A_223 : i32 to index
          %get3A_277 = arith.index_cast %add3A_271 : i32 to index
          %get3A_278 = tpu.vector_load %arg13[%get3A_276, %get3A_277] {strides = array<i32>} : memref<64x128xf32, #tpu.memory_space<vmem>>, vector<1x16xf32>,
          %get3A_279 = vector.shape_cast %get3A_278 : vector<1x16xf32> to vector<16xf32>
          %add3A_280 = arith.addf %get3A_275, %get3A_279 : vector<16xf32>
          %max3A_281 = arith.constant 0.000000e+00 : f32
          %max3A_282 = vector.broadcast %max3A_281 : f32 to vector<16xf32>
          %max3A_283 = arith.maximumf %add3A_280, %max3A_282 : vector<16xf32>
          %swap3A_284 = arith.index_cast %scan3A_223 : i32 to index
          %swap3A_285 = arith.constant 32 : index
          %swap3A_286 = tpu.vector_load %arg14[%swap3A_284, %swap3A_285] {strides = array<i32>} : memref<64x128xf32, #tpu.memory_space<vmem>>, vector<1x16xf32>,
          %swap3A_287 = vector.shape_cast %swap3A_286 : vector<1x16xf32> to vector<16xf32>
          %swap3A_288 = vector.shape_cast %max3A_283 : vector<16xf32> to vector<1x16xf32>
          tpu.vector_store %arg14[%swap3A_284, %swap3A_285], %swap3A_288 {strides = array<i32>} : memref<64x128xf32, #tpu.memory_space<vmem>>, vector<1x16xf32>,
          %swap3A_289 = arith.index_cast %scan3A_223 : i32 to index
          %swap3A_290 = arith.constant 96 : index
          %swap3A_291 = tpu.vector_load %arg15[%swap3A_289, %swap3A_290] {strides = array<i32>} : memref<64x128xf32, #tpu.memory_space<vmem>>, vector<1x16xf32>,
          %swap3A_292 = vector.shape_cast %swap3A_291 : vector<1x16xf32> to vector<16xf32>
          %swap3A_293 = vector.shape_cast %max3A_283 : vector<16xf32> to vector<1x16xf32>
          tpu.vector_store %arg15[%swap3A_289, %swap3A_290], %swap3A_293 {strides = array<i32>} : memref<64x128xf32, #tpu.memory_space<vmem>>, vector<1x16xf32>,
          %add3A_294 = arith.constant 48 : i32
          %add3A_295 = arith.addi %mul3A_0, %add3A_294 : i32
          %get3A_296 = arith.index_cast %scan3A_223 : i32 to index
          %get3A_297 = arith.index_cast %add3A_295 : i32 to index
          %get3A_298 = tpu.vector_load %arg12[%get3A_296, %get3A_297] {strides = array<i32>} : memref<64x128xf32, #tpu.memory_space<vmem>>, vector<1x16xf32>,
          %get3A_299 = vector.shape_cast %get3A_298 : vector<1x16xf32> to vector<16xf32>
          %get3A_300 = arith.index_cast %scan3A_223 : i32 to index
          %get3A_301 = arith.index_cast %add3A_295 : i32 to index
          %get3A_302 = tpu.vector_load %arg13[%get3A_300, %get3A_301] {strides = array<i32>} : memref<64x128xf32, #tpu.memory_space<vmem>>, vector<1x16xf32>,
          %get3A_303 = vector.shape_cast %get3A_302 : vector<1x16xf32> to vector<16xf32>
          %add3A_304 = arith.addf %get3A_299, %get3A_303 : vector<16xf32>
          %max3A_305 = arith.constant 0.000000e+00 : f32
          %max3A_306 = vector.broadcast %max3A_305 : f32 to vector<16xf32>
          %max3A_307 = arith.maximumf %add3A_304, %max3A_306 : vector<16xf32>
          %swap3A_308 = arith.index_cast %scan3A_223 : i32 to index
          %swap3A_309 = arith.constant 48 : index
          %swap3A_310 = tpu.vector_load %arg14[%swap3A_308, %swap3A_309] {strides = array<i32>} : memref<64x128xf32, #tpu.memory_space<vmem>>, vector<1x16xf32>,
          %swap3A_311 = vector.shape_cast %swap3A_310 : vector<1x16xf32> to vector<16xf32>
          %swap3A_312 = vector.shape_cast %max3A_307 : vector<16xf32> to vector<1x16xf32>
          tpu.vector_store %arg14[%swap3A_308, %swap3A_309], %swap3A_312 {strides = array<i32>} : memref<64x128xf32, #tpu.memory_space<vmem>>, vector<1x16xf32>,
          %swap3A_313 = arith.index_cast %scan3A_223 : i32 to index
          %swap3A_314 = arith.constant 112 : index
          %swap3A_315 = tpu.vector_load %arg15[%swap3A_313, %swap3A_314] {strides = array<i32>} : memref<64x128xf32, #tpu.memory_space<vmem>>, vector<1x16xf32>,
          %swap3A_316 = vector.shape_cast %swap3A_315 : vector<1x16xf32> to vector<16xf32>
          %swap3A_317 = vector.shape_cast %max3A_307 : vector<16xf32> to vector<1x16xf32>
          tpu.vector_store %arg15[%swap3A_313, %swap3A_314], %swap3A_317 {strides = array<i32>} : memref<64x128xf32, #tpu.memory_space<vmem>>, vector<1x16xf32>,
        }
        %scan3A_95 = arith.constant 64 : i32
        %get3A = arith.index_cast %scan3A_67 : i32 to index
        %get3A_96 = arith.constant 0 : index
        %get3A_97 = tpu.vector_load %arg10[%get3A, %get3A_96] {strides = array<i32>} : memref<8x64xi32, #tpu.memory_space<vmem>>, vector<1x16xi32>,
        %get3A_98 = vector.shape_cast %get3A_97 : vector<1x16xi32> to vector<16xi32>
        %dma_start3A_99 = arith.constant 0 : i32
        %dma_start3A_100 = arith.constant 0 : i32
        %dma_start3A_101 = tpu.memref_slice %arg14[%dma_start3A_99, %dma_start3A_100] : memref<64x128xf32, #tpu.memory_space<vmem>> -> memref<16x128xf32, #tpu.memory_space<vmem>>
        %dma_start3A_102 = arith.constant 0 : i32
        %dma_start3A_103 = arith.constant 0 : i32
        %dma_start3A_104 = tpu.memref_slice %arg18[%dma_start3A_102, %dma_start3A_103] : memref<10240x128xf32, #tpu.memory_space<vmem_shared>> -> memref<10240x128xf32, #tpu.memory_space<vmem_shared>>
        tpu.enqueue_indirect_dma source(%dma_start3A_101 : memref<16x128xf32, #tpu.memory_space<vmem>>) target(%dma_start3A_104 : memref<10240x128xf32, #tpu.memory_space<vmem_shared>>) offsets(%get3A_98 : vector<16xi32>) semaphore(%arg17 : memref<!tpu.dma_semaphore, #tpu.memory_space<semaphore_mem>>) {add = true}
        %get3A_105 = arith.index_cast %scan3A_67 : i32 to index
        %get3A_106 = arith.constant 0 : index
        %get3A_107 = tpu.vector_load %arg11[%get3A_105, %get3A_106] {strides = array<i32>} : memref<8x64xi32, #tpu.memory_space<vmem>>, vector<1x16xi32>,
        %get3A_108 = vector.shape_cast %get3A_107 : vector<1x16xi32> to vector<16xi32>
        %dma_start3A_109 = arith.constant 0 : i32
        %dma_start3A_110 = arith.constant 0 : i32
        %dma_start3A_111 = tpu.memref_slice %arg15[%dma_start3A_109, %dma_start3A_110] : memref<64x128xf32, #tpu.memory_space<vmem>> -> memref<16x128xf32, #tpu.memory_space<vmem>>
        %dma_start3A_112 = arith.constant 0 : i32
        %dma_start3A_113 = arith.constant 0 : i32
        %dma_start3A_114 = tpu.memref_slice %arg18[%dma_start3A_112, %dma_start3A_113] : memref<10240x128xf32, #tpu.memory_space<vmem_shared>> -> memref<10240x128xf32, #tpu.memory_space<vmem_shared>>
        tpu.enqueue_indirect_dma source(%dma_start3A_111 : memref<16x128xf32, #tpu.memory_space<vmem>>) target(%dma_start3A_114 : memref<10240x128xf32, #tpu.memory_space<vmem_shared>>) offsets(%get3A_108 : vector<16xi32>) semaphore(%arg17 : memref<!tpu.dma_semaphore, #tpu.memory_space<semaphore_mem>>) {add = true}
        %get3A_115 = arith.index_cast %scan3A_67 : i32 to index
        %get3A_116 = arith.constant 16 : index
        %get3A_117 = tpu.vector_load %arg10[%get3A_115, %get3A_116] {strides = array<i32>} : memref<8x64xi32, #tpu.memory_space<vmem>>, vector<1x16xi32>,
        %get3A_118 = vector.shape_cast %get3A_117 : vector<1x16xi32> to vector<16xi32>
        %dma_start3A_119 = arith.constant 16 : i32
        %dma_start3A_120 = arith.constant 0 : i32
        %dma_start3A_121 = tpu.memref_slice %arg14[%dma_start3A_119, %dma_start3A_120] : memref<64x128xf32, #tpu.memory_space<vmem>> -> memref<16x128xf32, #tpu.memory_space<vmem>>
        %dma_start3A_122 = arith.constant 0 : i32
        %dma_start3A_123 = arith.constant 0 : i32
        %dma_start3A_124 = tpu.memref_slice %arg18[%dma_start3A_122, %dma_start3A_123] : memref<10240x128xf32, #tpu.memory_space<vmem_shared>> -> memref<10240x128xf32, #tpu.memory_space<vmem_shared>>
        tpu.enqueue_indirect_dma source(%dma_start3A_121 : memref<16x128xf32, #tpu.memory_space<vmem>>) target(%dma_start3A_124 : memref<10240x128xf32, #tpu.memory_space<vmem_shared>>) offsets(%get3A_118 : vector<16xi32>) semaphore(%arg17 : memref<!tpu.dma_semaphore, #tpu.memory_space<semaphore_mem>>) {add = true}
        %get3A_125 = arith.index_cast %scan3A_67 : i32 to index
        %get3A_126 = arith.constant 16 : index
        %get3A_127 = tpu.vector_load %arg11[%get3A_125, %get3A_126] {strides = array<i32>} : memref<8x64xi32, #tpu.memory_space<vmem>>, vector<1x16xi32>,
        %get3A_128 = vector.shape_cast %get3A_127 : vector<1x16xi32> to vector<16xi32>
        %dma_start3A_129 = arith.constant 16 : i32
        %dma_start3A_130 = arith.constant 0 : i32
        %dma_start3A_131 = tpu.memref_slice %arg15[%dma_start3A_129, %dma_start3A_130] : memref<64x128xf32, #tpu.memory_space<vmem>> -> memref<16x128xf32, #tpu.memory_space<vmem>>
        %dma_start3A_132 = arith.constant 0 : i32
        %dma_start3A_133 = arith.constant 0 : i32
        %dma_start3A_134 = tpu.memref_slice %arg18[%dma_start3A_132, %dma_start3A_133] : memref<10240x128xf32, #tpu.memory_space<vmem_shared>> -> memref<10240x128xf32, #tpu.memory_space<vmem_shared>>
        tpu.enqueue_indirect_dma source(%dma_start3A_131 : memref<16x128xf32, #tpu.memory_space<vmem>>) target(%dma_start3A_134 : memref<10240x128xf32, #tpu.memory_space<vmem_shared>>) offsets(%get3A_128 : vector<16xi32>) semaphore(%arg17 : memref<!tpu.dma_semaphore, #tpu.memory_space<semaphore_mem>>) {add = true}
        %get3A_135 = arith.index_cast %scan3A_67 : i32 to index
        %get3A_136 = arith.constant 32 : index
        %get3A_137 = tpu.vector_load %arg10[%get3A_135, %get3A_136] {strides = array<i32>} : memref<8x64xi32, #tpu.memory_space<vmem>>, vector<1x16xi32>,
        %get3A_138 = vector.shape_cast %get3A_137 : vector<1x16xi32> to vector<16xi32>
        %dma_start3A_139 = arith.constant 32 : i32
        %dma_start3A_140 = arith.constant 0 : i32
        %dma_start3A_141 = tpu.memref_slice %arg14[%dma_start3A_139, %dma_start3A_140] : memref<64x128xf32, #tpu.memory_space<vmem>> -> memref<16x128xf32, #tpu.memory_space<vmem>>
        %dma_start3A_142 = arith.constant 0 : i32
        %dma_start3A_143 = arith.constant 0 : i32
        %dma_start3A_144 = tpu.memref_slice %arg18[%dma_start3A_142, %dma_start3A_143] : memref<10240x128xf32, #tpu.memory_space<vmem_shared>> -> memref<10240x128xf32, #tpu.memory_space<vmem_shared>>
        tpu.enqueue_indirect_dma source(%dma_start3A_141 : memref<16x128xf32, #tpu.memory_space<vmem>>) target(%dma_start3A_144 : memref<10240x128xf32, #tpu.memory_space<vmem_shared>>) offsets(%get3A_138 : vector<16xi32>) semaphore(%arg17 : memref<!tpu.dma_semaphore, #tpu.memory_space<semaphore_mem>>) {add = true}
        %get3A_145 = arith.index_cast %scan3A_67 : i32 to index
        %get3A_146 = arith.constant 32 : index
        %get3A_147 = tpu.vector_load %arg11[%get3A_145, %get3A_146] {strides = array<i32>} : memref<8x64xi32, #tpu.memory_space<vmem>>, vector<1x16xi32>,
        %get3A_148 = vector.shape_cast %get3A_147 : vector<1x16xi32> to vector<16xi32>
        %dma_start3A_149 = arith.constant 32 : i32
        %dma_start3A_150 = arith.constant 0 : i32
        %dma_start3A_151 = tpu.memref_slice %arg15[%dma_start3A_149, %dma_start3A_150] : memref<64x128xf32, #tpu.memory_space<vmem>> -> memref<16x128xf32, #tpu.memory_space<vmem>>
        %dma_start3A_152 = arith.constant 0 : i32
        %dma_start3A_153 = arith.constant 0 : i32
        %dma_start3A_154 = tpu.memref_slice %arg18[%dma_start3A_152, %dma_start3A_153] : memref<10240x128xf32, #tpu.memory_space<vmem_shared>> -> memref<10240x128xf32, #tpu.memory_space<vmem_shared>>
        tpu.enqueue_indirect_dma source(%dma_start3A_151 : memref<16x128xf32, #tpu.memory_space<vmem>>) target(%dma_start3A_154 : memref<10240x128xf32, #tpu.memory_space<vmem_shared>>) offsets(%get3A_148 : vector<16xi32>) semaphore(%arg17 : memref<!tpu.dma_semaphore, #tpu.memory_space<semaphore_mem>>) {add = true}
        %get3A_155 = arith.index_cast %scan3A_67 : i32 to index
        %get3A_156 = arith.constant 48 : index
        %get3A_157 = tpu.vector_load %arg10[%get3A_155, %get3A_156] {strides = array<i32>} : memref<8x64xi32, #tpu.memory_space<vmem>>, vector<1x16xi32>,
        %get3A_158 = vector.shape_cast %get3A_157 : vector<1x16xi32> to vector<16xi32>
        %dma_start3A_159 = arith.constant 48 : i32
        %dma_start3A_160 = arith.constant 0 : i32
        %dma_start3A_161 = tpu.memref_slice %arg14[%dma_start3A_159, %dma_start3A_160] : memref<64x128xf32, #tpu.memory_space<vmem>> -> memref<16x128xf32, #tpu.memory_space<vmem>>
        %dma_start3A_162 = arith.constant 0 : i32
        %dma_start3A_163 = arith.constant 0 : i32
        %dma_start3A_164 = tpu.memref_slice %arg18[%dma_start3A_162, %dma_start3A_163] : memref<10240x128xf32, #tpu.memory_space<vmem_shared>> -> memref<10240x128xf32, #tpu.memory_space<vmem_shared>>
        tpu.enqueue_indirect_dma source(%dma_start3A_161 : memref<16x128xf32, #tpu.memory_space<vmem>>) target(%dma_start3A_164 : memref<10240x128xf32, #tpu.memory_space<vmem_shared>>) offsets(%get3A_158 : vector<16xi32>) semaphore(%arg17 : memref<!tpu.dma_semaphore, #tpu.memory_space<semaphore_mem>>) {add = true}
        %get3A_165 = arith.index_cast %scan3A_67 : i32 to index
        %get3A_166 = arith.constant 48 : index
        %get3A_167 = tpu.vector_load %arg11[%get3A_165, %get3A_166] {strides = array<i32>} : memref<8x64xi32, #tpu.memory_space<vmem>>, vector<1x16xi32>,
        %get3A_168 = vector.shape_cast %get3A_167 : vector<1x16xi32> to vector<16xi32>
        %dma_start3A_169 = arith.constant 48 : i32
        %dma_start3A_170 = arith.constant 0 : i32
        %dma_start3A_171 = tpu.memref_slice %arg15[%dma_start3A_169, %dma_start3A_170] : memref<64x128xf32, #tpu.memory_space<vmem>> -> memref<16x128xf32, #tpu.memory_space<vmem>>
        %dma_start3A_172 = arith.constant 0 : i32
        %dma_start3A_173 = arith.constant 0 : i32
        %dma_start3A_174 = tpu.memref_slice %arg18[%dma_start3A_172, %dma_start3A_173] : memref<10240x128xf32, #tpu.memory_space<vmem_shared>> -> memref<10240x128xf32, #tpu.memory_space<vmem_shared>>
        tpu.enqueue_indirect_dma source(%dma_start3A_171 : memref<16x128xf32, #tpu.memory_space<vmem>>) target(%dma_start3A_174 : memref<10240x128xf32, #tpu.memory_space<vmem_shared>>) offsets(%get3A_168 : vector<16xi32>) semaphore(%arg17 : memref<!tpu.dma_semaphore, #tpu.memory_space<semaphore_mem>>) {add = true}
        %dma_wait3A_175 = arith.constant 0 : i32
        %dma_wait3A_176 = arith.constant 0 : i32
        %dma_wait3A_177 = tpu.memref_slice %arg14[%dma_wait3A_175, %dma_wait3A_176] : memref<64x128xf32, #tpu.memory_space<vmem>> -> memref<16x128xf32, #tpu.memory_space<vmem>>
        %dma_wait3A_178 = arith.constant 0 : i32
        %dma_wait3A_179 = arith.constant 0 : i32
        %dma_wait3A_180 = tpu.memref_slice %arg18[%dma_wait3A_178, %dma_wait3A_179] : memref<10240x128xf32, #tpu.memory_space<vmem_shared>> -> memref<10240x128xf32, #tpu.memory_space<vmem_shared>>
        tpu.wait_indirect_dma semaphore(%arg17 : memref<!tpu.dma_semaphore, #tpu.memory_space<semaphore_mem>>) src(%dma_wait3A_177 : memref<16x128xf32, #tpu.memory_space<vmem>>) dst(%dma_wait3A_180 : memref<10240x128xf32, #tpu.memory_space<vmem_shared>>)
        %dma_wait3A_181 = arith.constant 0 : i32
        %dma_wait3A_182 = arith.constant 0 : i32
        %dma_wait3A_183 = tpu.memref_slice %arg15[%dma_wait3A_181, %dma_wait3A_182] : memref<64x128xf32, #tpu.memory_space<vmem>> -> memref<16x128xf32, #tpu.memory_space<vmem>>
        %dma_wait3A_184 = arith.constant 0 : i32
        %dma_wait3A_185 = arith.constant 0 : i32
        %dma_wait3A_186 = tpu.memref_slice %arg18[%dma_wait3A_184, %dma_wait3A_185] : memref<10240x128xf32, #tpu.memory_space<vmem_shared>> -> memref<10240x128xf32, #tpu.memory_space<vmem_shared>>
        tpu.wait_indirect_dma semaphore(%arg17 : memref<!tpu.dma_semaphore, #tpu.memory_space<semaphore_mem>>) src(%dma_wait3A_183 : memref<16x128xf32, #tpu.memory_space<vmem>>) dst(%dma_wait3A_186 : memref<10240x128xf32, #tpu.memory_space<vmem_shared>>)
        %dma_wait3A_187 = arith.constant 16 : i32
        %dma_wait3A_188 = arith.constant 0 : i32
        %dma_wait3A_189 = tpu.memref_slice %arg14[%dma_wait3A_187, %dma_wait3A_188] : memref<64x128xf32, #tpu.memory_space<vmem>> -> memref<16x128xf32, #tpu.memory_space<vmem>>
        %dma_wait3A_190 = arith.constant 0 : i32
        %dma_wait3A_191 = arith.constant 0 : i32
        %dma_wait3A_192 = tpu.memref_slice %arg18[%dma_wait3A_190, %dma_wait3A_191] : memref<10240x128xf32, #tpu.memory_space<vmem_shared>> -> memref<10240x128xf32, #tpu.memory_space<vmem_shared>>
        tpu.wait_indirect_dma semaphore(%arg17 : memref<!tpu.dma_semaphore, #tpu.memory_space<semaphore_mem>>) src(%dma_wait3A_189 : memref<16x128xf32, #tpu.memory_space<vmem>>) dst(%dma_wait3A_192 : memref<10240x128xf32, #tpu.memory_space<vmem_shared>>)
        %dma_wait3A_193 = arith.constant 16 : i32
        %dma_wait3A_194 = arith.constant 0 : i32
        %dma_wait3A_195 = tpu.memref_slice %arg15[%dma_wait3A_193, %dma_wait3A_194] : memref<64x128xf32, #tpu.memory_space<vmem>> -> memref<16x128xf32, #tpu.memory_space<vmem>>
        %dma_wait3A_196 = arith.constant 0 : i32
        %dma_wait3A_197 = arith.constant 0 : i32
        %dma_wait3A_198 = tpu.memref_slice %arg18[%dma_wait3A_196, %dma_wait3A_197] : memref<10240x128xf32, #tpu.memory_space<vmem_shared>> -> memref<10240x128xf32, #tpu.memory_space<vmem_shared>>
        tpu.wait_indirect_dma semaphore(%arg17 : memref<!tpu.dma_semaphore, #tpu.memory_space<semaphore_mem>>) src(%dma_wait3A_195 : memref<16x128xf32, #tpu.memory_space<vmem>>) dst(%dma_wait3A_198 : memref<10240x128xf32, #tpu.memory_space<vmem_shared>>)
        %dma_wait3A_199 = arith.constant 32 : i32
        %dma_wait3A_200 = arith.constant 0 : i32
        %dma_wait3A_201 = tpu.memref_slice %arg14[%dma_wait3A_199, %dma_wait3A_200] : memref<64x128xf32, #tpu.memory_space<vmem>> -> memref<16x128xf32, #tpu.memory_space<vmem>>
        %dma_wait3A_202 = arith.constant 0 : i32
        %dma_wait3A_203 = arith.constant 0 : i32
        %dma_wait3A_204 = tpu.memref_slice %arg18[%dma_wait3A_202, %dma_wait3A_203] : memref<10240x128xf32, #tpu.memory_space<vmem_shared>> -> memref<10240x128xf32, #tpu.memory_space<vmem_shared>>
        tpu.wait_indirect_dma semaphore(%arg17 : memref<!tpu.dma_semaphore, #tpu.memory_space<semaphore_mem>>) src(%dma_wait3A_201 : memref<16x128xf32, #tpu.memory_space<vmem>>) dst(%dma_wait3A_204 : memref<10240x128xf32, #tpu.memory_space<vmem_shared>>)
        %dma_wait3A_205 = arith.constant 32 : i32
        %dma_wait3A_206 = arith.constant 0 : i32
        %dma_wait3A_207 = tpu.memref_slice %arg15[%dma_wait3A_205, %dma_wait3A_206] : memref<64x128xf32, #tpu.memory_space<vmem>> -> memref<16x128xf32, #tpu.memory_space<vmem>>
        %dma_wait3A_208 = arith.constant 0 : i32
        %dma_wait3A_209 = arith.constant 0 : i32
        %dma_wait3A_210 = tpu.memref_slice %arg18[%dma_wait3A_208, %dma_wait3A_209] : memref<10240x128xf32, #tpu.memory_space<vmem_shared>> -> memref<10240x128xf32, #tpu.memory_space<vmem_shared>>
        tpu.wait_indirect_dma semaphore(%arg17 : memref<!tpu.dma_semaphore, #tpu.memory_space<semaphore_mem>>) src(%dma_wait3A_207 : memref<16x128xf32, #tpu.memory_space<vmem>>) dst(%dma_wait3A_210 : memref<10240x128xf32, #tpu.memory_space<vmem_shared>>)
        %dma_wait3A_211 = arith.constant 48 : i32
        %dma_wait3A_212 = arith.constant 0 : i32
        %dma_wait3A_213 = tpu.memref_slice %arg14[%dma_wait3A_211, %dma_wait3A_212] : memref<64x128xf32, #tpu.memory_space<vmem>> -> memref<16x128xf32, #tpu.memory_space<vmem>>
        %dma_wait3A_214 = arith.constant 0 : i32
        %dma_wait3A_215 = arith.constant 0 : i32
        %dma_wait3A_216 = tpu.memref_slice %arg18[%dma_wait3A_214, %dma_wait3A_215] : memref<10240x128xf32, #tpu.memory_space<vmem_shared>> -> memref<10240x128xf32, #tpu.memory_space<vmem_shared>>
        tpu.wait_indirect_dma semaphore(%arg17 : memref<!tpu.dma_semaphore, #tpu.memory_space<semaphore_mem>>) src(%dma_wait3A_213 : memref<16x128xf32, #tpu.memory_space<vmem>>) dst(%dma_wait3A_216 : memref<10240x128xf32, #tpu.memory_space<vmem_shared>>)
        %dma_wait3A_217 = arith.constant 48 : i32
        %dma_wait3A_218 = arith.constant 0 : i32
        %dma_wait3A_219 = tpu.memref_slice %arg15[%dma_wait3A_217, %dma_wait3A_218] : memref<64x128xf32, #tpu.memory_space<vmem>> -> memref<16x128xf32, #tpu.memory_space<vmem>>
        %dma_wait3A_220 = arith.constant 0 : i32
        %dma_wait3A_221 = arith.constant 0 : i32
        %dma_wait3A_222 = tpu.memref_slice %arg18[%dma_wait3A_220, %dma_wait3A_221] : memref<10240x128xf32, #tpu.memory_space<vmem_shared>> -> memref<10240x128xf32, #tpu.memory_space<vmem_shared>>
        tpu.wait_indirect_dma semaphore(%arg17 : memref<!tpu.dma_semaphore, #tpu.memory_space<semaphore_mem>>) src(%dma_wait3A_219 : memref<16x128xf32, #tpu.memory_space<vmem>>) dst(%dma_wait3A_222 : memref<10240x128xf32, #tpu.memory_space<vmem_shared>>)
      }
      %scan3A_66 = arith.constant 8 : i32
    }
    %scan3A_35 = arith.constant 40 : i32
    %barrier3A_36 = arith.constant 0 : index
    tpu.barrier barrier_id(%barrier3A_36)
    %add3A_37 = arith.constant 0 : i32
    %add3A_38 = arith.addi %mul3A_10, %add3A_37 : i32
    "tpu.region"() ({
      %run_scoped3A = tpu.sem_alloc : memref<!tpu.dma_semaphore, #tpu.memory_space<semaphore_mem>>
      %dma_start3A = arith.constant 0 : i32
      %dma_start3A_57 = tpu.memref_slice %arg7[%arg0, %add3A_38, %dma_start3A] : memref<2x10240x128xf32, #tpu.memory_space<hbm>> -> memref<1x64x128xf32, #tpu.memory_space<hbm>>
      %dma_start3A_58 = tpu.memref_squeeze %dma_start3A_57 : memref<1x64x128xf32, #tpu.memory_space<hbm>> -> memref<64x128xf32, #tpu.memory_space<hbm>>
      %dma_start3A_59 = arith.constant 0 : i32
      %dma_start3A_60 = tpu.memref_slice %arg18[%add3A_38, %dma_start3A_59] : memref<10240x128xf32, #tpu.memory_space<vmem_shared>> -> memref<64x128xf32, #tpu.memory_space<vmem_shared>>
      tpu.enqueue_dma source(%dma_start3A_60 : memref<64x128xf32, #tpu.memory_space<vmem_shared>>) target(%dma_start3A_58 : memref<64x128xf32, #tpu.memory_space<hbm>>) target_semaphore(%run_scoped3A : memref<!tpu.dma_semaphore, #tpu.memory_space<semaphore_mem>>)
      %dma_wait3A = arith.constant 0 : i32
      %dma_wait3A_61 = tpu.memref_slice %arg7[%arg0, %add3A_38, %dma_wait3A] : memref<2x10240x128xf32, #tpu.memory_space<hbm>> -> memref<1x64x128xf32, #tpu.memory_space<hbm>>
      %dma_wait3A_62 = tpu.memref_squeeze %dma_wait3A_61 : memref<1x64x128xf32, #tpu.memory_space<hbm>> -> memref<64x128xf32, #tpu.memory_space<hbm>>
      %dma_wait3A_63 = arith.constant 0 : i32
      %dma_wait3A_64 = tpu.memref_slice %arg18[%add3A_38, %dma_wait3A_63] : memref<10240x128xf32, #tpu.memory_space<vmem_shared>> -> memref<64x128xf32, #tpu.memory_space<vmem_shared>>
      tpu.wait_dma2 semaphore(%run_scoped3A : memref<!tpu.dma_semaphore, #tpu.memory_space<semaphore_mem>>) src(%dma_wait3A_64 : memref<64x128xf32, #tpu.memory_space<vmem_shared>>) dst(%dma_wait3A_62 : memref<64x128xf32, #tpu.memory_space<hbm>>)
      tpu.yield
    }) : () -> ()
    %add3A_39 = arith.constant 64 : i32
    %add3A_40 = arith.addi %mul3A_10, %add3A_39 : i32
    "tpu.region"() ({
      %run_scoped3A = tpu.sem_alloc : memref<!tpu.dma_semaphore, #tpu.memory_space<semaphore_mem>>
      %dma_start3A = arith.constant 0 : i32
      %dma_start3A_57 = tpu.memref_slice %arg7[%arg0, %add3A_40, %dma_start3A] : memref<2x10240x128xf32, #tpu.memory_space<hbm>> -> memref<1x64x128xf32, #tpu.memory_space<hbm>>
      %dma_start3A_58 = tpu.memref_squeeze %dma_start3A_57 : memref<1x64x128xf32, #tpu.memory_space<hbm>> -> memref<64x128xf32, #tpu.memory_space<hbm>>
      %dma_start3A_59 = arith.constant 0 : i32
      %dma_start3A_60 = tpu.memref_slice %arg18[%add3A_40, %dma_start3A_59] : memref<10240x128xf32, #tpu.memory_space<vmem_shared>> -> memref<64x128xf32, #tpu.memory_space<vmem_shared>>
      tpu.enqueue_dma source(%dma_start3A_60 : memref<64x128xf32, #tpu.memory_space<vmem_shared>>) target(%dma_start3A_58 : memref<64x128xf32, #tpu.memory_space<hbm>>) target_semaphore(%run_scoped3A : memref<!tpu.dma_semaphore, #tpu.memory_space<semaphore_mem>>)
      %dma_wait3A = arith.constant 0 : i32
      %dma_wait3A_61 = tpu.memref_slice %arg7[%arg0, %add3A_40, %dma_wait3A] : memref<2x10240x128xf32, #tpu.memory_space<hbm>> -> memref<1x64x128xf32, #tpu.memory_space<hbm>>
      %dma_wait3A_62 = tpu.memref_squeeze %dma_wait3A_61 : memref<1x64x128xf32, #tpu.memory_space<hbm>> -> memref<64x128xf32, #tpu.memory_space<hbm>>
      %dma_wait3A_63 = arith.constant 0 : i32
      %dma_wait3A_64 = tpu.memref_slice %arg18[%add3A_40, %dma_wait3A_63] : memref<10240x128xf32, #tpu.memory_space<vmem_shared>> -> memref<64x128xf32, #tpu.memory_space<vmem_shared>>
      tpu.wait_dma2 semaphore(%run_scoped3A : memref<!tpu.dma_semaphore, #tpu.memory_space<semaphore_mem>>) src(%dma_wait3A_64 : memref<64x128xf32, #tpu.memory_space<vmem_shared>>) dst(%dma_wait3A_62 : memref<64x128xf32, #tpu.memory_space<hbm>>)
      tpu.yield
    }) : () -> ()
    %add3A_41 = arith.constant 128 : i32
    %add3A_42 = arith.addi %mul3A_10, %add3A_41 : i32
    "tpu.region"() ({
      %run_scoped3A = tpu.sem_alloc : memref<!tpu.dma_semaphore, #tpu.memory_space<semaphore_mem>>
      %dma_start3A = arith.constant 0 : i32
      %dma_start3A_57 = tpu.memref_slice %arg7[%arg0, %add3A_42, %dma_start3A] : memref<2x10240x128xf32, #tpu.memory_space<hbm>> -> memref<1x64x128xf32, #tpu.memory_space<hbm>>
      %dma_start3A_58 = tpu.memref_squeeze %dma_start3A_57 : memref<1x64x128xf32, #tpu.memory_space<hbm>> -> memref<64x128xf32, #tpu.memory_space<hbm>>
      %dma_start3A_59 = arith.constant 0 : i32
      %dma_start3A_60 = tpu.memref_slice %arg18[%add3A_42, %dma_start3A_59] : memref<10240x128xf32, #tpu.memory_space<vmem_shared>> -> memref<64x128xf32, #tpu.memory_space<vmem_shared>>
      tpu.enqueue_dma source(%dma_start3A_60 : memref<64x128xf32, #tpu.memory_space<vmem_shared>>) target(%dma_start3A_58 : memref<64x128xf32, #tpu.memory_space<hbm>>) target_semaphore(%run_scoped3A : memref<!tpu.dma_semaphore, #tpu.memory_space<semaphore_mem>>)
      %dma_wait3A = arith.constant 0 : i32
      %dma_wait3A_61 = tpu.memref_slice %arg7[%arg0, %add3A_42, %dma_wait3A] : memref<2x10240x128xf32, #tpu.memory_space<hbm>> -> memref<1x64x128xf32, #tpu.memory_space<hbm>>
      %dma_wait3A_62 = tpu.memref_squeeze %dma_wait3A_61 : memref<1x64x128xf32, #tpu.memory_space<hbm>> -> memref<64x128xf32, #tpu.memory_space<hbm>>
      %dma_wait3A_63 = arith.constant 0 : i32
      %dma_wait3A_64 = tpu.memref_slice %arg18[%add3A_42, %dma_wait3A_63] : memref<10240x128xf32, #tpu.memory_space<vmem_shared>> -> memref<64x128xf32, #tpu.memory_space<vmem_shared>>
      tpu.wait_dma2 semaphore(%run_scoped3A : memref<!tpu.dma_semaphore, #tpu.memory_space<semaphore_mem>>) src(%dma_wait3A_64 : memref<64x128xf32, #tpu.memory_space<vmem_shared>>) dst(%dma_wait3A_62 : memref<64x128xf32, #tpu.memory_space<hbm>>)
      tpu.yield
    }) : () -> ()
    %add3A_43 = arith.constant 192 : i32
    %add3A_44 = arith.addi %mul3A_10, %add3A_43 : i32
    "tpu.region"() ({
      %run_scoped3A = tpu.sem_alloc : memref<!tpu.dma_semaphore, #tpu.memory_space<semaphore_mem>>
      %dma_start3A = arith.constant 0 : i32
      %dma_start3A_57 = tpu.memref_slice %arg7[%arg0, %add3A_44, %dma_start3A] : memref<2x10240x128xf32, #tpu.memory_space<hbm>> -> memref<1x64x128xf32, #tpu.memory_space<hbm>>
      %dma_start3A_58 = tpu.memref_squeeze %dma_start3A_57 : memref<1x64x128xf32, #tpu.memory_space<hbm>> -> memref<64x128xf32, #tpu.memory_space<hbm>>
      %dma_start3A_59 = arith.constant 0 : i32
      %dma_start3A_60 = tpu.memref_slice %arg18[%add3A_44, %dma_start3A_59] : memref<10240x128xf32, #tpu.memory_space<vmem_shared>> -> memref<64x128xf32, #tpu.memory_space<vmem_shared>>
      tpu.enqueue_dma source(%dma_start3A_60 : memref<64x128xf32, #tpu.memory_space<vmem_shared>>) target(%dma_start3A_58 : memref<64x128xf32, #tpu.memory_space<hbm>>) target_semaphore(%run_scoped3A : memref<!tpu.dma_semaphore, #tpu.memory_space<semaphore_mem>>)
      %dma_wait3A = arith.constant 0 : i32
      %dma_wait3A_61 = tpu.memref_slice %arg7[%arg0, %add3A_44, %dma_wait3A] : memref<2x10240x128xf32, #tpu.memory_space<hbm>> -> memref<1x64x128xf32, #tpu.memory_space<hbm>>
      %dma_wait3A_62 = tpu.memref_squeeze %dma_wait3A_61 : memref<1x64x128xf32, #tpu.memory_space<hbm>> -> memref<64x128xf32, #tpu.memory_space<hbm>>
      %dma_wait3A_63 = arith.constant 0 : i32
      %dma_wait3A_64 = tpu.memref_slice %arg18[%add3A_44, %dma_wait3A_63] : memref<10240x128xf32, #tpu.memory_space<vmem_shared>> -> memref<64x128xf32, #tpu.memory_space<vmem_shared>>
      tpu.wait_dma2 semaphore(%run_scoped3A : memref<!tpu.dma_semaphore, #tpu.memory_space<semaphore_mem>>) src(%dma_wait3A_64 : memref<64x128xf32, #tpu.memory_space<vmem_shared>>) dst(%dma_wait3A_62 : memref<64x128xf32, #tpu.memory_space<hbm>>)
      tpu.yield
    }) : () -> ()
    %add3A_45 = arith.constant 256 : i32
    %add3A_46 = arith.addi %mul3A_10, %add3A_45 : i32
    "tpu.region"() ({
      %run_scoped3A = tpu.sem_alloc : memref<!tpu.dma_semaphore, #tpu.memory_space<semaphore_mem>>
      %dma_start3A = arith.constant 0 : i32
      %dma_start3A_57 = tpu.memref_slice %arg7[%arg0, %add3A_46, %dma_start3A] : memref<2x10240x128xf32, #tpu.memory_space<hbm>> -> memref<1x64x128xf32, #tpu.memory_space<hbm>>
      %dma_start3A_58 = tpu.memref_squeeze %dma_start3A_57 : memref<1x64x128xf32, #tpu.memory_space<hbm>> -> memref<64x128xf32, #tpu.memory_space<hbm>>
      %dma_start3A_59 = arith.constant 0 : i32
      %dma_start3A_60 = tpu.memref_slice %arg18[%add3A_46, %dma_start3A_59] : memref<10240x128xf32, #tpu.memory_space<vmem_shared>> -> memref<64x128xf32, #tpu.memory_space<vmem_shared>>
      tpu.enqueue_dma source(%dma_start3A_60 : memref<64x128xf32, #tpu.memory_space<vmem_shared>>) target(%dma_start3A_58 : memref<64x128xf32, #tpu.memory_space<hbm>>) target_semaphore(%run_scoped3A : memref<!tpu.dma_semaphore, #tpu.memory_space<semaphore_mem>>)
      %dma_wait3A = arith.constant 0 : i32
      %dma_wait3A_61 = tpu.memref_slice %arg7[%arg0, %add3A_46, %dma_wait3A] : memref<2x10240x128xf32, #tpu.memory_space<hbm>> -> memref<1x64x128xf32, #tpu.memory_space<hbm>>
      %dma_wait3A_62 = tpu.memref_squeeze %dma_wait3A_61 : memref<1x64x128xf32, #tpu.memory_space<hbm>> -> memref<64x128xf32, #tpu.memory_space<hbm>>
      %dma_wait3A_63 = arith.constant 0 : i32
      %dma_wait3A_64 = tpu.memref_slice %arg18[%add3A_46, %dma_wait3A_63] : memref<10240x128xf32, #tpu.memory_space<vmem_shared>> -> memref<64x128xf32, #tpu.memory_space<vmem_shared>>
      tpu.wait_dma2 semaphore(%run_scoped3A : memref<!tpu.dma_semaphore, #tpu.memory_space<semaphore_mem>>) src(%dma_wait3A_64 : memref<64x128xf32, #tpu.memory_space<vmem_shared>>) dst(%dma_wait3A_62 : memref<64x128xf32, #tpu.memory_space<hbm>>)
      tpu.yield
    }) : () -> ()
    %add3A_47 = arith.constant 320 : i32
    %add3A_48 = arith.addi %mul3A_10, %add3A_47 : i32
    "tpu.region"() ({
      %run_scoped3A = tpu.sem_alloc : memref<!tpu.dma_semaphore, #tpu.memory_space<semaphore_mem>>
      %dma_start3A = arith.constant 0 : i32
      %dma_start3A_57 = tpu.memref_slice %arg7[%arg0, %add3A_48, %dma_start3A] : memref<2x10240x128xf32, #tpu.memory_space<hbm>> -> memref<1x64x128xf32, #tpu.memory_space<hbm>>
      %dma_start3A_58 = tpu.memref_squeeze %dma_start3A_57 : memref<1x64x128xf32, #tpu.memory_space<hbm>> -> memref<64x128xf32, #tpu.memory_space<hbm>>
      %dma_start3A_59 = arith.constant 0 : i32
      %dma_start3A_60 = tpu.memref_slice %arg18[%add3A_48, %dma_start3A_59] : memref<10240x128xf32, #tpu.memory_space<vmem_shared>> -> memref<64x128xf32, #tpu.memory_space<vmem_shared>>
      tpu.enqueue_dma source(%dma_start3A_60 : memref<64x128xf32, #tpu.memory_space<vmem_shared>>) target(%dma_start3A_58 : memref<64x128xf32, #tpu.memory_space<hbm>>) target_semaphore(%run_scoped3A : memref<!tpu.dma_semaphore, #tpu.memory_space<semaphore_mem>>)
      %dma_wait3A = arith.constant 0 : i32
      %dma_wait3A_61 = tpu.memref_slice %arg7[%arg0, %add3A_48, %dma_wait3A] : memref<2x10240x128xf32, #tpu.memory_space<hbm>> -> memref<1x64x128xf32, #tpu.memory_space<hbm>>
      %dma_wait3A_62 = tpu.memref_squeeze %dma_wait3A_61 : memref<1x64x128xf32, #tpu.memory_space<hbm>> -> memref<64x128xf32, #tpu.memory_space<hbm>>
      %dma_wait3A_63 = arith.constant 0 : i32
      %dma_wait3A_64 = tpu.memref_slice %arg18[%add3A_48, %dma_wait3A_63] : memref<10240x128xf32, #tpu.memory_space<vmem_shared>> -> memref<64x128xf32, #tpu.memory_space<vmem_shared>>
      tpu.wait_dma2 semaphore(%run_scoped3A : memref<!tpu.dma_semaphore, #tpu.memory_space<semaphore_mem>>) src(%dma_wait3A_64 : memref<64x128xf32, #tpu.memory_space<vmem_shared>>) dst(%dma_wait3A_62 : memref<64x128xf32, #tpu.memory_space<hbm>>)
      tpu.yield
    }) : () -> ()
    %add3A_49 = arith.constant 384 : i32
    %add3A_50 = arith.addi %mul3A_10, %add3A_49 : i32
    "tpu.region"() ({
      %run_scoped3A = tpu.sem_alloc : memref<!tpu.dma_semaphore, #tpu.memory_space<semaphore_mem>>
      %dma_start3A = arith.constant 0 : i32
      %dma_start3A_57 = tpu.memref_slice %arg7[%arg0, %add3A_50, %dma_start3A] : memref<2x10240x128xf32, #tpu.memory_space<hbm>> -> memref<1x64x128xf32, #tpu.memory_space<hbm>>
      %dma_start3A_58 = tpu.memref_squeeze %dma_start3A_57 : memref<1x64x128xf32, #tpu.memory_space<hbm>> -> memref<64x128xf32, #tpu.memory_space<hbm>>
      %dma_start3A_59 = arith.constant 0 : i32
      %dma_start3A_60 = tpu.memref_slice %arg18[%add3A_50, %dma_start3A_59] : memref<10240x128xf32, #tpu.memory_space<vmem_shared>> -> memref<64x128xf32, #tpu.memory_space<vmem_shared>>
      tpu.enqueue_dma source(%dma_start3A_60 : memref<64x128xf32, #tpu.memory_space<vmem_shared>>) target(%dma_start3A_58 : memref<64x128xf32, #tpu.memory_space<hbm>>) target_semaphore(%run_scoped3A : memref<!tpu.dma_semaphore, #tpu.memory_space<semaphore_mem>>)
      %dma_wait3A = arith.constant 0 : i32
      %dma_wait3A_61 = tpu.memref_slice %arg7[%arg0, %add3A_50, %dma_wait3A] : memref<2x10240x128xf32, #tpu.memory_space<hbm>> -> memref<1x64x128xf32, #tpu.memory_space<hbm>>
      %dma_wait3A_62 = tpu.memref_squeeze %dma_wait3A_61 : memref<1x64x128xf32, #tpu.memory_space<hbm>> -> memref<64x128xf32, #tpu.memory_space<hbm>>
      %dma_wait3A_63 = arith.constant 0 : i32
      %dma_wait3A_64 = tpu.memref_slice %arg18[%add3A_50, %dma_wait3A_63] : memref<10240x128xf32, #tpu.memory_space<vmem_shared>> -> memref<64x128xf32, #tpu.memory_space<vmem_shared>>
      tpu.wait_dma2 semaphore(%run_scoped3A : memref<!tpu.dma_semaphore, #tpu.memory_space<semaphore_mem>>) src(%dma_wait3A_64 : memref<64x128xf32, #tpu.memory_space<vmem_shared>>) dst(%dma_wait3A_62 : memref<64x128xf32, #tpu.memory_space<hbm>>)
      tpu.yield
    }) : () -> ()
    %add3A_51 = arith.constant 448 : i32
    %add3A_52 = arith.addi %mul3A_10, %add3A_51 : i32
    "tpu.region"() ({
      %run_scoped3A = tpu.sem_alloc : memref<!tpu.dma_semaphore, #tpu.memory_space<semaphore_mem>>
      %dma_start3A = arith.constant 0 : i32
      %dma_start3A_57 = tpu.memref_slice %arg7[%arg0, %add3A_52, %dma_start3A] : memref<2x10240x128xf32, #tpu.memory_space<hbm>> -> memref<1x64x128xf32, #tpu.memory_space<hbm>>
      %dma_start3A_58 = tpu.memref_squeeze %dma_start3A_57 : memref<1x64x128xf32, #tpu.memory_space<hbm>> -> memref<64x128xf32, #tpu.memory_space<hbm>>
      %dma_start3A_59 = arith.constant 0 : i32
      %dma_start3A_60 = tpu.memref_slice %arg18[%add3A_52, %dma_start3A_59] : memref<10240x128xf32, #tpu.memory_space<vmem_shared>> -> memref<64x128xf32, #tpu.memory_space<vmem_shared>>
      tpu.enqueue_dma source(%dma_start3A_60 : memref<64x128xf32, #tpu.memory_space<vmem_shared>>) target(%dma_start3A_58 : memref<64x128xf32, #tpu.memory_space<hbm>>) target_semaphore(%run_scoped3A : memref<!tpu.dma_semaphore, #tpu.memory_space<semaphore_mem>>)
      %dma_wait3A = arith.constant 0 : i32
      %dma_wait3A_61 = tpu.memref_slice %arg7[%arg0, %add3A_52, %dma_wait3A] : memref<2x10240x128xf32, #tpu.memory_space<hbm>> -> memref<1x64x128xf32, #tpu.memory_space<hbm>>
      %dma_wait3A_62 = tpu.memref_squeeze %dma_wait3A_61 : memref<1x64x128xf32, #tpu.memory_space<hbm>> -> memref<64x128xf32, #tpu.memory_space<hbm>>
      %dma_wait3A_63 = arith.constant 0 : i32
      %dma_wait3A_64 = tpu.memref_slice %arg18[%add3A_52, %dma_wait3A_63] : memref<10240x128xf32, #tpu.memory_space<vmem_shared>> -> memref<64x128xf32, #tpu.memory_space<vmem_shared>>
      tpu.wait_dma2 semaphore(%run_scoped3A : memref<!tpu.dma_semaphore, #tpu.memory_space<semaphore_mem>>) src(%dma_wait3A_64 : memref<64x128xf32, #tpu.memory_space<vmem_shared>>) dst(%dma_wait3A_62 : memref<64x128xf32, #tpu.memory_space<hbm>>)
      tpu.yield
    }) : () -> ()
    %add3A_53 = arith.constant 512 : i32
    %add3A_54 = arith.addi %mul3A_10, %add3A_53 : i32
    "tpu.region"() ({
      %run_scoped3A = tpu.sem_alloc : memref<!tpu.dma_semaphore, #tpu.memory_space<semaphore_mem>>
      %dma_start3A = arith.constant 0 : i32
      %dma_start3A_57 = tpu.memref_slice %arg7[%arg0, %add3A_54, %dma_start3A] : memref<2x10240x128xf32, #tpu.memory_space<hbm>> -> memref<1x64x128xf32, #tpu.memory_space<hbm>>
      %dma_start3A_58 = tpu.memref_squeeze %dma_start3A_57 : memref<1x64x128xf32, #tpu.memory_space<hbm>> -> memref<64x128xf32, #tpu.memory_space<hbm>>
      %dma_start3A_59 = arith.constant 0 : i32
      %dma_start3A_60 = tpu.memref_slice %arg18[%add3A_54, %dma_start3A_59] : memref<10240x128xf32, #tpu.memory_space<vmem_shared>> -> memref<64x128xf32, #tpu.memory_space<vmem_shared>>
      tpu.enqueue_dma source(%dma_start3A_60 : memref<64x128xf32, #tpu.memory_space<vmem_shared>>) target(%dma_start3A_58 : memref<64x128xf32, #tpu.memory_space<hbm>>) target_semaphore(%run_scoped3A : memref<!tpu.dma_semaphore, #tpu.memory_space<semaphore_mem>>)
      %dma_wait3A = arith.constant 0 : i32
      %dma_wait3A_61 = tpu.memref_slice %arg7[%arg0, %add3A_54, %dma_wait3A] : memref<2x10240x128xf32, #tpu.memory_space<hbm>> -> memref<1x64x128xf32, #tpu.memory_space<hbm>>
      %dma_wait3A_62 = tpu.memref_squeeze %dma_wait3A_61 : memref<1x64x128xf32, #tpu.memory_space<hbm>> -> memref<64x128xf32, #tpu.memory_space<hbm>>
      %dma_wait3A_63 = arith.constant 0 : i32
      %dma_wait3A_64 = tpu.memref_slice %arg18[%add3A_54, %dma_wait3A_63] : memref<10240x128xf32, #tpu.memory_space<vmem_shared>> -> memref<64x128xf32, #tpu.memory_space<vmem_shared>>
      tpu.wait_dma2 semaphore(%run_scoped3A : memref<!tpu.dma_semaphore, #tpu.memory_space<semaphore_mem>>) src(%dma_wait3A_64 : memref<64x128xf32, #tpu.memory_space<vmem_shared>>) dst(%dma_wait3A_62 : memref<64x128xf32, #tpu.memory_space<hbm>>)
      tpu.yield
    }) : () -> ()
    %add3A_55 = arith.constant 576 : i32
    %add3A_56 = arith.addi %mul3A_10, %add3A_55 : i32
    "tpu.region"() ({
      %run_scoped3A = tpu.sem_alloc : memref<!tpu.dma_semaphore, #tpu.memory_space<semaphore_mem>>
      %dma_start3A = arith.constant 0 : i32
      %dma_start3A_57 = tpu.memref_slice %arg7[%arg0, %add3A_56, %dma_start3A] : memref<2x10240x128xf32, #tpu.memory_space<hbm>> -> memref<1x64x128xf32, #tpu.memory_space<hbm>>
      %dma_start3A_58 = tpu.memref_squeeze %dma_start3A_57 : memref<1x64x128xf32, #tpu.memory_space<hbm>> -> memref<64x128xf32, #tpu.memory_space<hbm>>
      %dma_start3A_59 = arith.constant 0 : i32
      %dma_start3A_60 = tpu.memref_slice %arg18[%add3A_56, %dma_start3A_59] : memref<10240x128xf32, #tpu.memory_space<vmem_shared>> -> memref<64x128xf32, #tpu.memory_space<vmem_shared>>
      tpu.enqueue_dma source(%dma_start3A_60 : memref<64x128xf32, #tpu.memory_space<vmem_shared>>) target(%dma_start3A_58 : memref<64x128xf32, #tpu.memory_space<hbm>>) target_semaphore(%run_scoped3A : memref<!tpu.dma_semaphore, #tpu.memory_space<semaphore_mem>>)
      %dma_wait3A = arith.constant 0 : i32
      %dma_wait3A_61 = tpu.memref_slice %arg7[%arg0, %add3A_56, %dma_wait3A] : memref<2x10240x128xf32, #tpu.memory_space<hbm>> -> memref<1x64x128xf32, #tpu.memory_space<hbm>>
      %dma_wait3A_62 = tpu.memref_squeeze %dma_wait3A_61 : memref<1x64x128xf32, #tpu.memory_space<hbm>> -> memref<64x128xf32, #tpu.memory_space<hbm>>
      %dma_wait3A_63 = arith.constant 0 : i32
      %dma_wait3A_64 = tpu.memref_slice %arg18[%add3A_56, %dma_wait3A_63] : memref<10240x128xf32, #tpu.memory_space<vmem_shared>> -> memref<64x128xf32, #tpu.memory_space<vmem_shared>>
      tpu.wait_dma2 semaphore(%run_scoped3A : memref<!tpu.dma_semaphore, #tpu.memory_space<semaphore_mem>>) src(%dma_wait3A_64 : memref<64x128xf32, #tpu.memory_space<vmem_shared>>) dst(%dma_wait3A_62 : memref<64x128xf32, #tpu.memory_space<hbm>>)
      tpu.yield
    }) : () -> ()
    return
  }
}

#map = affine_map<(d0, d1) -> (0, 0)>
#map1 = affine_map<(d0, d1) -> (0, 0, 0)>
module attributes {stable_mosaic.version = 14 : i64} {
  func.func @body(%arg0: i32, %arg1: i32, %arg2: memref<40960x128xf32, #tpu.memory_space<hbm>>, %arg3: memref<5120x64xi32, #tpu.memory_space<hbm>>, %arg4: memref<5120x64xi32, #tpu.memory_space<hbm>>, %arg5: memref<5120x64xi32, #tpu.memory_space<hbm>>, %arg6: memref<5120x64xi32, #tpu.memory_space<hbm>>, %arg7: memref<2x10240x128xf32, #tpu.memory_space<hbm>>, %arg8: memref<8x64xi32, #tpu.memory_space<vmem>>, %arg9: memref<8x64xi32, #tpu.memory_space<vmem>>, %arg10: memref<8x64xi32, #tpu.memory_space<vmem>>, %arg11: memref<8x64xi32, #tpu.memory_space<vmem>>, %arg12: memref<64x128xf32, #tpu.memory_space<vmem>>, %arg13: memref<64x128xf32, #tpu.memory_space<vmem>>, %arg14: memref<64x128xf32, #tpu.memory_space<vmem>>, %arg15: memref<64x128xf32, #tpu.memory_space<vmem>>, %arg16: memref<!tpu.dma_semaphore, #tpu.memory_space<semaphore_mem>>, %arg17: memref<!tpu.dma_semaphore, #tpu.memory_space<semaphore_mem>>, %arg18: memref<10240x128xf32, #tpu.memory_space<vmem_shared>>) attributes {dimension_semantics = [#tpu.dimension_semantics<core_parallel>, #tpu.dimension_semantics<subcore_parallel>], iteration_bounds = array<i64: 2, 16>, scalar_prefetch = 0 : i64, scratch_operands = 11 : i64, tpu.core_type = #tpu.core_type<sc_vector_subcore>, window_params = [{transform_indices = #map}, {transform_indices = #map}, {transform_indices = #map}, {transform_indices = #map}, {transform_indices = #map}, {transform_indices = #map1}]} {
    %mul3A = arith.constant 64 : i32
    %mul3A_0 = arith.muli %arg0, %mul3A : i32
    %mul3A_1 = arith.constant 320 : i32
    %mul3A_2 = arith.muli %arg1, %mul3A_1 : i32
    %broadcast_in_dim3A = arith.constant 0.000000e+00 : f32
    %broadcast_in_dim3A_3 = vector.broadcast %broadcast_in_dim3A : f32 to vector<16xf32>
    %scan3A = arith.constant 0 : i32
    %scan3A_4 = arith.constant 0 : i32
    %scan3A_5 = arith.constant 64 : i32
    %scan3A_6 = arith.addi %scan3A_4, %scan3A_5 : i32
    %scan3A_7 = arith.constant 1 : i32
    scf.for %scan3A_57 = %scan3A_4 to %scan3A_6 step %scan3A_7  : i32 {
      %swap3A = arith.index_cast %scan3A_57 : i32 to index
      %swap3A_58 = arith.constant 0 : index
      %swap3A_59 = tpu.vector_load %arg14[%swap3A, %swap3A_58] {strides = array<i32>} : memref<64x128xf32, #tpu.memory_space<vmem>>, vector<1x16xf32>,
      %swap3A_60 = vector.shape_cast %swap3A_59 : vector<1x16xf32> to vector<16xf32>
      %swap3A_61 = vector.shape_cast %broadcast_in_dim3A_3 : vector<16xf32> to vector<1x16xf32>
      tpu.vector_store %arg14[%swap3A, %swap3A_58], %swap3A_61 {strides = array<i32>} : memref<64x128xf32, #tpu.memory_space<vmem>>, vector<1x16xf32>,
      %swap3A_62 = arith.index_cast %scan3A_57 : i32 to index
      %swap3A_63 = arith.constant 0 : index
      %swap3A_64 = tpu.vector_load %arg15[%swap3A_62, %swap3A_63] {strides = array<i32>} : memref<64x128xf32, #tpu.memory_space<vmem>>, vector<1x16xf32>,
      %swap3A_65 = vector.shape_cast %swap3A_64 : vector<1x16xf32> to vector<16xf32>
      %swap3A_66 = vector.shape_cast %broadcast_in_dim3A_3 : vector<16xf32> to vector<1x16xf32>
      tpu.vector_store %arg15[%swap3A_62, %swap3A_63], %swap3A_66 {strides = array<i32>} : memref<64x128xf32, #tpu.memory_space<vmem>>, vector<1x16xf32>,
      %swap3A_67 = arith.index_cast %scan3A_57 : i32 to index
      %swap3A_68 = arith.constant 16 : index
      %swap3A_69 = tpu.vector_load %arg14[%swap3A_67, %swap3A_68] {strides = array<i32>} : memref<64x128xf32, #tpu.memory_space<vmem>>, vector<1x16xf32>,
      %swap3A_70 = vector.shape_cast %swap3A_69 : vector<1x16xf32> to vector<16xf32>
      %swap3A_71 = vector.shape_cast %broadcast_in_dim3A_3 : vector<16xf32> to vector<1x16xf32>
      tpu.vector_store %arg14[%swap3A_67, %swap3A_68], %swap3A_71 {strides = array<i32>} : memref<64x128xf32, #tpu.memory_space<vmem>>, vector<1x16xf32>,
      %swap3A_72 = arith.index_cast %scan3A_57 : i32 to index
      %swap3A_73 = arith.constant 16 : index
      %swap3A_74 = tpu.vector_load %arg15[%swap3A_72, %swap3A_73] {strides = array<i32>} : memref<64x128xf32, #tpu.memory_space<vmem>>, vector<1x16xf32>,
      %swap3A_75 = vector.shape_cast %swap3A_74 : vector<1x16xf32> to vector<16xf32>
      %swap3A_76 = vector.shape_cast %broadcast_in_dim3A_3 : vector<16xf32> to vector<1x16xf32>
      tpu.vector_store %arg15[%swap3A_72, %swap3A_73], %swap3A_76 {strides = array<i32>} : memref<64x128xf32, #tpu.memory_space<vmem>>, vector<1x16xf32>,
      %swap3A_77 = arith.index_cast %scan3A_57 : i32 to index
      %swap3A_78 = arith.constant 32 : index
      %swap3A_79 = tpu.vector_load %arg14[%swap3A_77, %swap3A_78] {strides = array<i32>} : memref<64x128xf32, #tpu.memory_space<vmem>>, vector<1x16xf32>,
      %swap3A_80 = vector.shape_cast %swap3A_79 : vector<1x16xf32> to vector<16xf32>
      %swap3A_81 = vector.shape_cast %broadcast_in_dim3A_3 : vector<16xf32> to vector<1x16xf32>
      tpu.vector_store %arg14[%swap3A_77, %swap3A_78], %swap3A_81 {strides = array<i32>} : memref<64x128xf32, #tpu.memory_space<vmem>>, vector<1x16xf32>,
      %swap3A_82 = arith.index_cast %scan3A_57 : i32 to index
      %swap3A_83 = arith.constant 32 : index
      %swap3A_84 = tpu.vector_load %arg15[%swap3A_82, %swap3A_83] {strides = array<i32>} : memref<64x128xf32, #tpu.memory_space<vmem>>, vector<1x16xf32>,
      %swap3A_85 = vector.shape_cast %swap3A_84 : vector<1x16xf32> to vector<16xf32>
      %swap3A_86 = vector.shape_cast %broadcast_in_dim3A_3 : vector<16xf32> to vector<1x16xf32>
      tpu.vector_store %arg15[%swap3A_82, %swap3A_83], %swap3A_86 {strides = array<i32>} : memref<64x128xf32, #tpu.memory_space<vmem>>, vector<1x16xf32>,
      %swap3A_87 = arith.index_cast %scan3A_57 : i32 to index
      %swap3A_88 = arith.constant 48 : index
      %swap3A_89 = tpu.vector_load %arg14[%swap3A_87, %swap3A_88] {strides = array<i32>} : memref<64x128xf32, #tpu.memory_space<vmem>>, vector<1x16xf32>,
      %swap3A_90 = vector.shape_cast %swap3A_89 : vector<1x16xf32> to vector<16xf32>
      %swap3A_91 = vector.shape_cast %broadcast_in_dim3A_3 : vector<16xf32> to vector<1x16xf32>
      tpu.vector_store %arg14[%swap3A_87, %swap3A_88], %swap3A_91 {strides = array<i32>} : memref<64x128xf32, #tpu.memory_space<vmem>>, vector<1x16xf32>,
      %swap3A_92 = arith.index_cast %scan3A_57 : i32 to index
      %swap3A_93 = arith.constant 48 : index
      %swap3A_94 = tpu.vector_load %arg15[%swap3A_92, %swap3A_93] {strides = array<i32>} : memref<64x128xf32, #tpu.memory_space<vmem>>, vector<1x16xf32>,
      %swap3A_95 = vector.shape_cast %swap3A_94 : vector<1x16xf32> to vector<16xf32>
      %swap3A_96 = vector.shape_cast %broadcast_in_dim3A_3 : vector<16xf32> to vector<1x16xf32>
      tpu.vector_store %arg15[%swap3A_92, %swap3A_93], %swap3A_96 {strides = array<i32>} : memref<64x128xf32, #tpu.memory_space<vmem>>, vector<1x16xf32>,
      %swap3A_97 = arith.index_cast %scan3A_57 : i32 to index
      %swap3A_98 = arith.constant 64 : index
      %swap3A_99 = tpu.vector_load %arg14[%swap3A_97, %swap3A_98] {strides = array<i32>} : memref<64x128xf32, #tpu.memory_space<vmem>>, vector<1x16xf32>,
      %swap3A_100 = vector.shape_cast %swap3A_99 : vector<1x16xf32> to vector<16xf32>
      %swap3A_101 = vector.shape_cast %broadcast_in_dim3A_3 : vector<16xf32> to vector<1x16xf32>
      tpu.vector_store %arg14[%swap3A_97, %swap3A_98], %swap3A_101 {strides = array<i32>} : memref<64x128xf32, #tpu.memory_space<vmem>>, vector<1x16xf32>,
      %swap3A_102 = arith.index_cast %scan3A_57 : i32 to index
      %swap3A_103 = arith.constant 64 : index
      %swap3A_104 = tpu.vector_load %arg15[%swap3A_102, %swap3A_103] {strides = array<i32>} : memref<64x128xf32, #tpu.memory_space<vmem>>, vector<1x16xf32>,
      %swap3A_105 = vector.shape_cast %swap3A_104 : vector<1x16xf32> to vector<16xf32>
      %swap3A_106 = vector.shape_cast %broadcast_in_dim3A_3 : vector<16xf32> to vector<1x16xf32>
      tpu.vector_store %arg15[%swap3A_102, %swap3A_103], %swap3A_106 {strides = array<i32>} : memref<64x128xf32, #tpu.memory_space<vmem>>, vector<1x16xf32>,
      %swap3A_107 = arith.index_cast %scan3A_57 : i32 to index
      %swap3A_108 = arith.constant 80 : index
      %swap3A_109 = tpu.vector_load %arg14[%swap3A_107, %swap3A_108] {strides = array<i32>} : memref<64x128xf32, #tpu.memory_space<vmem>>, vector<1x16xf32>,
      %swap3A_110 = vector.shape_cast %swap3A_109 : vector<1x16xf32> to vector<16xf32>
      %swap3A_111 = vector.shape_cast %broadcast_in_dim3A_3 : vector<16xf32> to vector<1x16xf32>
      tpu.vector_store %arg14[%swap3A_107, %swap3A_108], %swap3A_111 {strides = array<i32>} : memref<64x128xf32, #tpu.memory_space<vmem>>, vector<1x16xf32>,
      %swap3A_112 = arith.index_cast %scan3A_57 : i32 to index
      %swap3A_113 = arith.constant 80 : index
      %swap3A_114 = tpu.vector_load %arg15[%swap3A_112, %swap3A_113] {strides = array<i32>} : memref<64x128xf32, #tpu.memory_space<vmem>>, vector<1x16xf32>,
      %swap3A_115 = vector.shape_cast %swap3A_114 : vector<1x16xf32> to vector<16xf32>
      %swap3A_116 = vector.shape_cast %broadcast_in_dim3A_3 : vector<16xf32> to vector<1x16xf32>
      tpu.vector_store %arg15[%swap3A_112, %swap3A_113], %swap3A_116 {strides = array<i32>} : memref<64x128xf32, #tpu.memory_space<vmem>>, vector<1x16xf32>,
      %swap3A_117 = arith.index_cast %scan3A_57 : i32 to index
      %swap3A_118 = arith.constant 96 : index
      %swap3A_119 = tpu.vector_load %arg14[%swap3A_117, %swap3A_118] {strides = array<i32>} : memref<64x128xf32, #tpu.memory_space<vmem>>, vector<1x16xf32>,
      %swap3A_120 = vector.shape_cast %swap3A_119 : vector<1x16xf32> to vector<16xf32>
      %swap3A_121 = vector.shape_cast %broadcast_in_dim3A_3 : vector<16xf32> to vector<1x16xf32>
      tpu.vector_store %arg14[%swap3A_117, %swap3A_118], %swap3A_121 {strides = array<i32>} : memref<64x128xf32, #tpu.memory_space<vmem>>, vector<1x16xf32>,
      %swap3A_122 = arith.index_cast %scan3A_57 : i32 to index
      %swap3A_123 = arith.constant 96 : index
      %swap3A_124 = tpu.vector_load %arg15[%swap3A_122, %swap3A_123] {strides = array<i32>} : memref<64x128xf32, #tpu.memory_space<vmem>>, vector<1x16xf32>,
      %swap3A_125 = vector.shape_cast %swap3A_124 : vector<1x16xf32> to vector<16xf32>
      %swap3A_126 = vector.shape_cast %broadcast_in_dim3A_3 : vector<16xf32> to vector<1x16xf32>
      tpu.vector_store %arg15[%swap3A_122, %swap3A_123], %swap3A_126 {strides = array<i32>} : memref<64x128xf32, #tpu.memory_space<vmem>>, vector<1x16xf32>,
      %swap3A_127 = arith.index_cast %scan3A_57 : i32 to index
      %swap3A_128 = arith.constant 112 : index
      %swap3A_129 = tpu.vector_load %arg14[%swap3A_127, %swap3A_128] {strides = array<i32>} : memref<64x128xf32, #tpu.memory_space<vmem>>, vector<1x16xf32>,
      %swap3A_130 = vector.shape_cast %swap3A_129 : vector<1x16xf32> to vector<16xf32>
      %swap3A_131 = vector.shape_cast %broadcast_in_dim3A_3 : vector<16xf32> to vector<1x16xf32>
      tpu.vector_store %arg14[%swap3A_127, %swap3A_128], %swap3A_131 {strides = array<i32>} : memref<64x128xf32, #tpu.memory_space<vmem>>, vector<1x16xf32>,
      %swap3A_132 = arith.index_cast %scan3A_57 : i32 to index
      %swap3A_133 = arith.constant 112 : index
      %swap3A_134 = tpu.vector_load %arg15[%swap3A_132, %swap3A_133] {strides = array<i32>} : memref<64x128xf32, #tpu.memory_space<vmem>>, vector<1x16xf32>,
      %swap3A_135 = vector.shape_cast %swap3A_134 : vector<1x16xf32> to vector<16xf32>
      %swap3A_136 = vector.shape_cast %broadcast_in_dim3A_3 : vector<16xf32> to vector<1x16xf32>
      tpu.vector_store %arg15[%swap3A_132, %swap3A_133], %swap3A_136 {strides = array<i32>} : memref<64x128xf32, #tpu.memory_space<vmem>>, vector<1x16xf32>,
    }
    %scan3A_8 = arith.constant 64 : i32
    %mul3A_9 = arith.constant 640 : i32
    %mul3A_10 = arith.muli %arg1, %mul3A_9 : i32
    %add3A = arith.constant 0 : i32
    %add3A_11 = arith.addi %mul3A_10, %add3A : i32
    "tpu.region"() ({
      %run_scoped3A = tpu.sem_alloc : memref<!tpu.dma_semaphore, #tpu.memory_space<semaphore_mem>>
      %dma_start3A = arith.constant 0 : i32
      %dma_start3A_57 = tpu.memref_slice %arg18[%add3A_11, %dma_start3A] : memref<10240x128xf32, #tpu.memory_space<vmem_shared>> -> memref<64x128xf32, #tpu.memory_space<vmem_shared>>
      %dma_start3A_58 = arith.constant 0 : i32
      %dma_start3A_59 = tpu.memref_slice %arg18[%add3A_11, %dma_start3A_58] : memref<10240x128xf32, #tpu.memory_space<vmem_shared>> -> memref<64x128xf32, #tpu.memory_space<vmem_shared>>
      tpu.enqueue_dma source(%arg14 : memref<64x128xf32, #tpu.memory_space<vmem>>) target(%dma_start3A_59 : memref<64x128xf32, #tpu.memory_space<vmem_shared>>) target_semaphore(%run_scoped3A : memref<!tpu.dma_semaphore, #tpu.memory_space<semaphore_mem>>)
      %dma_wait3A = arith.constant 0 : i32
      %dma_wait3A_60 = tpu.memref_slice %arg18[%add3A_11, %dma_wait3A] : memref<10240x128xf32, #tpu.memory_space<vmem_shared>> -> memref<64x128xf32, #tpu.memory_space<vmem_shared>>
      %dma_wait3A_61 = arith.constant 0 : i32
      %dma_wait3A_62 = tpu.memref_slice %arg18[%add3A_11, %dma_wait3A_61] : memref<10240x128xf32, #tpu.memory_space<vmem_shared>> -> memref<64x128xf32, #tpu.memory_space<vmem_shared>>
      tpu.wait_dma2 semaphore(%run_scoped3A : memref<!tpu.dma_semaphore, #tpu.memory_space<semaphore_mem>>) src(%arg14 : memref<64x128xf32, #tpu.memory_space<vmem>>) dst(%dma_wait3A_62 : memref<64x128xf32, #tpu.memory_space<vmem_shared>>)
      tpu.yield
    }) : () -> ()
    %add3A_12 = arith.constant 64 : i32
    %add3A_13 = arith.addi %mul3A_10, %add3A_12 : i32
    "tpu.region"() ({
      %run_scoped3A = tpu.sem_alloc : memref<!tpu.dma_semaphore, #tpu.memory_space<semaphore_mem>>
      %dma_start3A = arith.constant 0 : i32
      %dma_start3A_57 = tpu.memref_slice %arg18[%add3A_13, %dma_start3A] : memref<10240x128xf32, #tpu.memory_space<vmem_shared>> -> memref<64x128xf32, #tpu.memory_space<vmem_shared>>
      %dma_start3A_58 = arith.constant 0 : i32
      %dma_start3A_59 = tpu.memref_slice %arg18[%add3A_13, %dma_start3A_58] : memref<10240x128xf32, #tpu.memory_space<vmem_shared>> -> memref<64x128xf32, #tpu.memory_space<vmem_shared>>
      tpu.enqueue_dma source(%arg14 : memref<64x128xf32, #tpu.memory_space<vmem>>) target(%dma_start3A_59 : memref<64x128xf32, #tpu.memory_space<vmem_shared>>) target_semaphore(%run_scoped3A : memref<!tpu.dma_semaphore, #tpu.memory_space<semaphore_mem>>)
      %dma_wait3A = arith.constant 0 : i32
      %dma_wait3A_60 = tpu.memref_slice %arg18[%add3A_13, %dma_wait3A] : memref<10240x128xf32, #tpu.memory_space<vmem_shared>> -> memref<64x128xf32, #tpu.memory_space<vmem_shared>>
      %dma_wait3A_61 = arith.constant 0 : i32
      %dma_wait3A_62 = tpu.memref_slice %arg18[%add3A_13, %dma_wait3A_61] : memref<10240x128xf32, #tpu.memory_space<vmem_shared>> -> memref<64x128xf32, #tpu.memory_space<vmem_shared>>
      tpu.wait_dma2 semaphore(%run_scoped3A : memref<!tpu.dma_semaphore, #tpu.memory_space<semaphore_mem>>) src(%arg14 : memref<64x128xf32, #tpu.memory_space<vmem>>) dst(%dma_wait3A_62 : memref<64x128xf32, #tpu.memory_space<vmem_shared>>)
      tpu.yield
    }) : () -> ()
    %add3A_14 = arith.constant 128 : i32
    %add3A_15 = arith.addi %mul3A_10, %add3A_14 : i32
    "tpu.region"() ({
      %run_scoped3A = tpu.sem_alloc : memref<!tpu.dma_semaphore, #tpu.memory_space<semaphore_mem>>
      %dma_start3A = arith.constant 0 : i32
      %dma_start3A_57 = tpu.memref_slice %arg18[%add3A_15, %dma_start3A] : memref<10240x128xf32, #tpu.memory_space<vmem_shared>> -> memref<64x128xf32, #tpu.memory_space<vmem_shared>>
      %dma_start3A_58 = arith.constant 0 : i32
      %dma_start3A_59 = tpu.memref_slice %arg18[%add3A_15, %dma_start3A_58] : memref<10240x128xf32, #tpu.memory_space<vmem_shared>> -> memref<64x128xf32, #tpu.memory_space<vmem_shared>>
      tpu.enqueue_dma source(%arg14 : memref<64x128xf32, #tpu.memory_space<vmem>>) target(%dma_start3A_59 : memref<64x128xf32, #tpu.memory_space<vmem_shared>>) target_semaphore(%run_scoped3A : memref<!tpu.dma_semaphore, #tpu.memory_space<semaphore_mem>>)
      %dma_wait3A = arith.constant 0 : i32
      %dma_wait3A_60 = tpu.memref_slice %arg18[%add3A_15, %dma_wait3A] : memref<10240x128xf32, #tpu.memory_space<vmem_shared>> -> memref<64x128xf32, #tpu.memory_space<vmem_shared>>
      %dma_wait3A_61 = arith.constant 0 : i32
      %dma_wait3A_62 = tpu.memref_slice %arg18[%add3A_15, %dma_wait3A_61] : memref<10240x128xf32, #tpu.memory_space<vmem_shared>> -> memref<64x128xf32, #tpu.memory_space<vmem_shared>>
      tpu.wait_dma2 semaphore(%run_scoped3A : memref<!tpu.dma_semaphore, #tpu.memory_space<semaphore_mem>>) src(%arg14 : memref<64x128xf32, #tpu.memory_space<vmem>>) dst(%dma_wait3A_62 : memref<64x128xf32, #tpu.memory_space<vmem_shared>>)
      tpu.yield
    }) : () -> ()
    %add3A_16 = arith.constant 192 : i32
    %add3A_17 = arith.addi %mul3A_10, %add3A_16 : i32
    "tpu.region"() ({
      %run_scoped3A = tpu.sem_alloc : memref<!tpu.dma_semaphore, #tpu.memory_space<semaphore_mem>>
      %dma_start3A = arith.constant 0 : i32
      %dma_start3A_57 = tpu.memref_slice %arg18[%add3A_17, %dma_start3A] : memref<10240x128xf32, #tpu.memory_space<vmem_shared>> -> memref<64x128xf32, #tpu.memory_space<vmem_shared>>
      %dma_start3A_58 = arith.constant 0 : i32
      %dma_start3A_59 = tpu.memref_slice %arg18[%add3A_17, %dma_start3A_58] : memref<10240x128xf32, #tpu.memory_space<vmem_shared>> -> memref<64x128xf32, #tpu.memory_space<vmem_shared>>
      tpu.enqueue_dma source(%arg14 : memref<64x128xf32, #tpu.memory_space<vmem>>) target(%dma_start3A_59 : memref<64x128xf32, #tpu.memory_space<vmem_shared>>) target_semaphore(%run_scoped3A : memref<!tpu.dma_semaphore, #tpu.memory_space<semaphore_mem>>)
      %dma_wait3A = arith.constant 0 : i32
      %dma_wait3A_60 = tpu.memref_slice %arg18[%add3A_17, %dma_wait3A] : memref<10240x128xf32, #tpu.memory_space<vmem_shared>> -> memref<64x128xf32, #tpu.memory_space<vmem_shared>>
      %dma_wait3A_61 = arith.constant 0 : i32
      %dma_wait3A_62 = tpu.memref_slice %arg18[%add3A_17, %dma_wait3A_61] : memref<10240x128xf32, #tpu.memory_space<vmem_shared>> -> memref<64x128xf32, #tpu.memory_space<vmem_shared>>
      tpu.wait_dma2 semaphore(%run_scoped3A : memref<!tpu.dma_semaphore, #tpu.memory_space<semaphore_mem>>) src(%arg14 : memref<64x128xf32, #tpu.memory_space<vmem>>) dst(%dma_wait3A_62 : memref<64x128xf32, #tpu.memory_space<vmem_shared>>)
      tpu.yield
    }) : () -> ()
    %add3A_18 = arith.constant 256 : i32
    %add3A_19 = arith.addi %mul3A_10, %add3A_18 : i32
    "tpu.region"() ({
      %run_scoped3A = tpu.sem_alloc : memref<!tpu.dma_semaphore, #tpu.memory_space<semaphore_mem>>
      %dma_start3A = arith.constant 0 : i32
      %dma_start3A_57 = tpu.memref_slice %arg18[%add3A_19, %dma_start3A] : memref<10240x128xf32, #tpu.memory_space<vmem_shared>> -> memref<64x128xf32, #tpu.memory_space<vmem_shared>>
      %dma_start3A_58 = arith.constant 0 : i32
      %dma_start3A_59 = tpu.memref_slice %arg18[%add3A_19, %dma_start3A_58] : memref<10240x128xf32, #tpu.memory_space<vmem_shared>> -> memref<64x128xf32, #tpu.memory_space<vmem_shared>>
      tpu.enqueue_dma source(%arg14 : memref<64x128xf32, #tpu.memory_space<vmem>>) target(%dma_start3A_59 : memref<64x128xf32, #tpu.memory_space<vmem_shared>>) target_semaphore(%run_scoped3A : memref<!tpu.dma_semaphore, #tpu.memory_space<semaphore_mem>>)
      %dma_wait3A = arith.constant 0 : i32
      %dma_wait3A_60 = tpu.memref_slice %arg18[%add3A_19, %dma_wait3A] : memref<10240x128xf32, #tpu.memory_space<vmem_shared>> -> memref<64x128xf32, #tpu.memory_space<vmem_shared>>
      %dma_wait3A_61 = arith.constant 0 : i32
      %dma_wait3A_62 = tpu.memref_slice %arg18[%add3A_19, %dma_wait3A_61] : memref<10240x128xf32, #tpu.memory_space<vmem_shared>> -> memref<64x128xf32, #tpu.memory_space<vmem_shared>>
      tpu.wait_dma2 semaphore(%run_scoped3A : memref<!tpu.dma_semaphore, #tpu.memory_space<semaphore_mem>>) src(%arg14 : memref<64x128xf32, #tpu.memory_space<vmem>>) dst(%dma_wait3A_62 : memref<64x128xf32, #tpu.memory_space<vmem_shared>>)
      tpu.yield
    }) : () -> ()
    %add3A_20 = arith.constant 320 : i32
    %add3A_21 = arith.addi %mul3A_10, %add3A_20 : i32
    "tpu.region"() ({
      %run_scoped3A = tpu.sem_alloc : memref<!tpu.dma_semaphore, #tpu.memory_space<semaphore_mem>>
      %dma_start3A = arith.constant 0 : i32
      %dma_start3A_57 = tpu.memref_slice %arg18[%add3A_21, %dma_start3A] : memref<10240x128xf32, #tpu.memory_space<vmem_shared>> -> memref<64x128xf32, #tpu.memory_space<vmem_shared>>
      %dma_start3A_58 = arith.constant 0 : i32
      %dma_start3A_59 = tpu.memref_slice %arg18[%add3A_21, %dma_start3A_58] : memref<10240x128xf32, #tpu.memory_space<vmem_shared>> -> memref<64x128xf32, #tpu.memory_space<vmem_shared>>
      tpu.enqueue_dma source(%arg14 : memref<64x128xf32, #tpu.memory_space<vmem>>) target(%dma_start3A_59 : memref<64x128xf32, #tpu.memory_space<vmem_shared>>) target_semaphore(%run_scoped3A : memref<!tpu.dma_semaphore, #tpu.memory_space<semaphore_mem>>)
      %dma_wait3A = arith.constant 0 : i32
      %dma_wait3A_60 = tpu.memref_slice %arg18[%add3A_21, %dma_wait3A] : memref<10240x128xf32, #tpu.memory_space<vmem_shared>> -> memref<64x128xf32, #tpu.memory_space<vmem_shared>>
      %dma_wait3A_61 = arith.constant 0 : i32
      %dma_wait3A_62 = tpu.memref_slice %arg18[%add3A_21, %dma_wait3A_61] : memref<10240x128xf32, #tpu.memory_space<vmem_shared>> -> memref<64x128xf32, #tpu.memory_space<vmem_shared>>
      tpu.wait_dma2 semaphore(%run_scoped3A : memref<!tpu.dma_semaphore, #tpu.memory_space<semaphore_mem>>) src(%arg14 : memref<64x128xf32, #tpu.memory_space<vmem>>) dst(%dma_wait3A_62 : memref<64x128xf32, #tpu.memory_space<vmem_shared>>)
      tpu.yield
    }) : () -> ()
    %add3A_22 = arith.constant 384 : i32
    %add3A_23 = arith.addi %mul3A_10, %add3A_22 : i32
    "tpu.region"() ({
      %run_scoped3A = tpu.sem_alloc : memref<!tpu.dma_semaphore, #tpu.memory_space<semaphore_mem>>
      %dma_start3A = arith.constant 0 : i32
      %dma_start3A_57 = tpu.memref_slice %arg18[%add3A_23, %dma_start3A] : memref<10240x128xf32, #tpu.memory_space<vmem_shared>> -> memref<64x128xf32, #tpu.memory_space<vmem_shared>>
      %dma_start3A_58 = arith.constant 0 : i32
      %dma_start3A_59 = tpu.memref_slice %arg18[%add3A_23, %dma_start3A_58] : memref<10240x128xf32, #tpu.memory_space<vmem_shared>> -> memref<64x128xf32, #tpu.memory_space<vmem_shared>>
      tpu.enqueue_dma source(%arg14 : memref<64x128xf32, #tpu.memory_space<vmem>>) target(%dma_start3A_59 : memref<64x128xf32, #tpu.memory_space<vmem_shared>>) target_semaphore(%run_scoped3A : memref<!tpu.dma_semaphore, #tpu.memory_space<semaphore_mem>>)
      %dma_wait3A = arith.constant 0 : i32
      %dma_wait3A_60 = tpu.memref_slice %arg18[%add3A_23, %dma_wait3A] : memref<10240x128xf32, #tpu.memory_space<vmem_shared>> -> memref<64x128xf32, #tpu.memory_space<vmem_shared>>
      %dma_wait3A_61 = arith.constant 0 : i32
      %dma_wait3A_62 = tpu.memref_slice %arg18[%add3A_23, %dma_wait3A_61] : memref<10240x128xf32, #tpu.memory_space<vmem_shared>> -> memref<64x128xf32, #tpu.memory_space<vmem_shared>>
      tpu.wait_dma2 semaphore(%run_scoped3A : memref<!tpu.dma_semaphore, #tpu.memory_space<semaphore_mem>>) src(%arg14 : memref<64x128xf32, #tpu.memory_space<vmem>>) dst(%dma_wait3A_62 : memref<64x128xf32, #tpu.memory_space<vmem_shared>>)
      tpu.yield
    }) : () -> ()
    %add3A_24 = arith.constant 448 : i32
    %add3A_25 = arith.addi %mul3A_10, %add3A_24 : i32
    "tpu.region"() ({
      %run_scoped3A = tpu.sem_alloc : memref<!tpu.dma_semaphore, #tpu.memory_space<semaphore_mem>>
      %dma_start3A = arith.constant 0 : i32
      %dma_start3A_57 = tpu.memref_slice %arg18[%add3A_25, %dma_start3A] : memref<10240x128xf32, #tpu.memory_space<vmem_shared>> -> memref<64x128xf32, #tpu.memory_space<vmem_shared>>
      %dma_start3A_58 = arith.constant 0 : i32
      %dma_start3A_59 = tpu.memref_slice %arg18[%add3A_25, %dma_start3A_58] : memref<10240x128xf32, #tpu.memory_space<vmem_shared>> -> memref<64x128xf32, #tpu.memory_space<vmem_shared>>
      tpu.enqueue_dma source(%arg14 : memref<64x128xf32, #tpu.memory_space<vmem>>) target(%dma_start3A_59 : memref<64x128xf32, #tpu.memory_space<vmem_shared>>) target_semaphore(%run_scoped3A : memref<!tpu.dma_semaphore, #tpu.memory_space<semaphore_mem>>)
      %dma_wait3A = arith.constant 0 : i32
      %dma_wait3A_60 = tpu.memref_slice %arg18[%add3A_25, %dma_wait3A] : memref<10240x128xf32, #tpu.memory_space<vmem_shared>> -> memref<64x128xf32, #tpu.memory_space<vmem_shared>>
      %dma_wait3A_61 = arith.constant 0 : i32
      %dma_wait3A_62 = tpu.memref_slice %arg18[%add3A_25, %dma_wait3A_61] : memref<10240x128xf32, #tpu.memory_space<vmem_shared>> -> memref<64x128xf32, #tpu.memory_space<vmem_shared>>
      tpu.wait_dma2 semaphore(%run_scoped3A : memref<!tpu.dma_semaphore, #tpu.memory_space<semaphore_mem>>) src(%arg14 : memref<64x128xf32, #tpu.memory_space<vmem>>) dst(%dma_wait3A_62 : memref<64x128xf32, #tpu.memory_space<vmem_shared>>)
      tpu.yield
    }) : () -> ()
    %add3A_26 = arith.constant 512 : i32
    %add3A_27 = arith.addi %mul3A_10, %add3A_26 : i32
    "tpu.region"() ({
      %run_scoped3A = tpu.sem_alloc : memref<!tpu.dma_semaphore, #tpu.memory_space<semaphore_mem>>
      %dma_start3A = arith.constant 0 : i32
      %dma_start3A_57 = tpu.memref_slice %arg18[%add3A_27, %dma_start3A] : memref<10240x128xf32, #tpu.memory_space<vmem_shared>> -> memref<64x128xf32, #tpu.memory_space<vmem_shared>>
      %dma_start3A_58 = arith.constant 0 : i32
      %dma_start3A_59 = tpu.memref_slice %arg18[%add3A_27, %dma_start3A_58] : memref<10240x128xf32, #tpu.memory_space<vmem_shared>> -> memref<64x128xf32, #tpu.memory_space<vmem_shared>>
      tpu.enqueue_dma source(%arg14 : memref<64x128xf32, #tpu.memory_space<vmem>>) target(%dma_start3A_59 : memref<64x128xf32, #tpu.memory_space<vmem_shared>>) target_semaphore(%run_scoped3A : memref<!tpu.dma_semaphore, #tpu.memory_space<semaphore_mem>>)
      %dma_wait3A = arith.constant 0 : i32
      %dma_wait3A_60 = tpu.memref_slice %arg18[%add3A_27, %dma_wait3A] : memref<10240x128xf32, #tpu.memory_space<vmem_shared>> -> memref<64x128xf32, #tpu.memory_space<vmem_shared>>
      %dma_wait3A_61 = arith.constant 0 : i32
      %dma_wait3A_62 = tpu.memref_slice %arg18[%add3A_27, %dma_wait3A_61] : memref<10240x128xf32, #tpu.memory_space<vmem_shared>> -> memref<64x128xf32, #tpu.memory_space<vmem_shared>>
      tpu.wait_dma2 semaphore(%run_scoped3A : memref<!tpu.dma_semaphore, #tpu.memory_space<semaphore_mem>>) src(%arg14 : memref<64x128xf32, #tpu.memory_space<vmem>>) dst(%dma_wait3A_62 : memref<64x128xf32, #tpu.memory_space<vmem_shared>>)
      tpu.yield
    }) : () -> ()
    %add3A_28 = arith.constant 576 : i32
    %add3A_29 = arith.addi %mul3A_10, %add3A_28 : i32
    "tpu.region"() ({
      %run_scoped3A = tpu.sem_alloc : memref<!tpu.dma_semaphore, #tpu.memory_space<semaphore_mem>>
      %dma_start3A = arith.constant 0 : i32
      %dma_start3A_57 = tpu.memref_slice %arg18[%add3A_29, %dma_start3A] : memref<10240x128xf32, #tpu.memory_space<vmem_shared>> -> memref<64x128xf32, #tpu.memory_space<vmem_shared>>
      %dma_start3A_58 = arith.constant 0 : i32
      %dma_start3A_59 = tpu.memref_slice %arg18[%add3A_29, %dma_start3A_58] : memref<10240x128xf32, #tpu.memory_space<vmem_shared>> -> memref<64x128xf32, #tpu.memory_space<vmem_shared>>
      tpu.enqueue_dma source(%arg14 : memref<64x128xf32, #tpu.memory_space<vmem>>) target(%dma_start3A_59 : memref<64x128xf32, #tpu.memory_space<vmem_shared>>) target_semaphore(%run_scoped3A : memref<!tpu.dma_semaphore, #tpu.memory_space<semaphore_mem>>)
      %dma_wait3A = arith.constant 0 : i32
      %dma_wait3A_60 = tpu.memref_slice %arg18[%add3A_29, %dma_wait3A] : memref<10240x128xf32, #tpu.memory_space<vmem_shared>> -> memref<64x128xf32, #tpu.memory_space<vmem_shared>>
      %dma_wait3A_61 = arith.constant 0 : i32
      %dma_wait3A_62 = tpu.memref_slice %arg18[%add3A_29, %dma_wait3A_61] : memref<10240x128xf32, #tpu.memory_space<vmem_shared>> -> memref<64x128xf32, #tpu.memory_space<vmem_shared>>
      tpu.wait_dma2 semaphore(%run_scoped3A : memref<!tpu.dma_semaphore, #tpu.memory_space<semaphore_mem>>) src(%arg14 : memref<64x128xf32, #tpu.memory_space<vmem>>) dst(%dma_wait3A_62 : memref<64x128xf32, #tpu.memory_space<vmem_shared>>)
      tpu.yield
    }) : () -> ()
    %barrier3A = arith.constant 0 : index
    tpu.barrier barrier_id(%barrier3A)
    %scan3A_30 = arith.constant 0 : i32
    %scan3A_31 = arith.constant 0 : i32
    %scan3A_32 = arith.constant 40 : i32
    %scan3A_33 = arith.addi %scan3A_31, %scan3A_32 : i32
    %scan3A_34 = arith.constant 1 : i32
    scf.for %scan3A_57 = %scan3A_31 to %scan3A_33 step %scan3A_34  : i32 {
      %mul3A_58 = arith.constant 8 : i32
      %mul3A_59 = arith.muli %scan3A_57, %mul3A_58 : i32
      %add3A_60 = arith.addi %mul3A_2, %mul3A_59 : i32
      "tpu.region"() ({
        %run_scoped3A = tpu.sem_alloc : memref<!tpu.dma_semaphore, #tpu.memory_space<semaphore_mem>>
        %dma_start3A = arith.constant 0 : i32
        %dma_start3A_67 = tpu.memref_slice %arg3[%add3A_60, %dma_start3A] : memref<5120x64xi32, #tpu.memory_space<hbm>> -> memref<8x64xi32, #tpu.memory_space<hbm>>
        %dma_start3A_68 = arith.constant 0 : i32
        %dma_start3A_69 = tpu.memref_slice %arg3[%add3A_60, %dma_start3A_68] : memref<5120x64xi32, #tpu.memory_space<hbm>> -> memref<8x64xi32, #tpu.memory_space<hbm>>
        tpu.enqueue_dma source(%dma_start3A_69 : memref<8x64xi32, #tpu.memory_space<hbm>>) target(%arg8 : memref<8x64xi32, #tpu.memory_space<vmem>>) target_semaphore(%run_scoped3A : memref<!tpu.dma_semaphore, #tpu.memory_space<semaphore_mem>>)
        %dma_wait3A = arith.constant 0 : i32
        %dma_wait3A_70 = tpu.memref_slice %arg3[%add3A_60, %dma_wait3A] : memref<5120x64xi32, #tpu.memory_space<hbm>> -> memref<8x64xi32, #tpu.memory_space<hbm>>
        %dma_wait3A_71 = arith.constant 0 : i32
        %dma_wait3A_72 = tpu.memref_slice %arg3[%add3A_60, %dma_wait3A_71] : memref<5120x64xi32, #tpu.memory_space<hbm>> -> memref<8x64xi32, #tpu.memory_space<hbm>>
        tpu.wait_dma2 semaphore(%run_scoped3A : memref<!tpu.dma_semaphore, #tpu.memory_space<semaphore_mem>>) src(%dma_wait3A_72 : memref<8x64xi32, #tpu.memory_space<hbm>>) dst(%arg8 : memref<8x64xi32, #tpu.memory_space<vmem>>)
        tpu.yield
      }) : () -> ()
      "tpu.region"() ({
        %run_scoped3A = tpu.sem_alloc : memref<!tpu.dma_semaphore, #tpu.memory_space<semaphore_mem>>
        %dma_start3A = arith.constant 0 : i32
        %dma_start3A_67 = tpu.memref_slice %arg4[%add3A_60, %dma_start3A] : memref<5120x64xi32, #tpu.memory_space<hbm>> -> memref<8x64xi32, #tpu.memory_space<hbm>>
        %dma_start3A_68 = arith.constant 0 : i32
        %dma_start3A_69 = tpu.memref_slice %arg4[%add3A_60, %dma_start3A_68] : memref<5120x64xi32, #tpu.memory_space<hbm>> -> memref<8x64xi32, #tpu.memory_space<hbm>>
        tpu.enqueue_dma source(%dma_start3A_69 : memref<8x64xi32, #tpu.memory_space<hbm>>) target(%arg9 : memref<8x64xi32, #tpu.memory_space<vmem>>) target_semaphore(%run_scoped3A : memref<!tpu.dma_semaphore, #tpu.memory_space<semaphore_mem>>)
        %dma_wait3A = arith.constant 0 : i32
        %dma_wait3A_70 = tpu.memref_slice %arg4[%add3A_60, %dma_wait3A] : memref<5120x64xi32, #tpu.memory_space<hbm>> -> memref<8x64xi32, #tpu.memory_space<hbm>>
        %dma_wait3A_71 = arith.constant 0 : i32
        %dma_wait3A_72 = tpu.memref_slice %arg4[%add3A_60, %dma_wait3A_71] : memref<5120x64xi32, #tpu.memory_space<hbm>> -> memref<8x64xi32, #tpu.memory_space<hbm>>
        tpu.wait_dma2 semaphore(%run_scoped3A : memref<!tpu.dma_semaphore, #tpu.memory_space<semaphore_mem>>) src(%dma_wait3A_72 : memref<8x64xi32, #tpu.memory_space<hbm>>) dst(%arg9 : memref<8x64xi32, #tpu.memory_space<vmem>>)
        tpu.yield
      }) : () -> ()
      "tpu.region"() ({
        %run_scoped3A = tpu.sem_alloc : memref<!tpu.dma_semaphore, #tpu.memory_space<semaphore_mem>>
        %dma_start3A = arith.constant 0 : i32
        %dma_start3A_67 = tpu.memref_slice %arg5[%add3A_60, %dma_start3A] : memref<5120x64xi32, #tpu.memory_space<hbm>> -> memref<8x64xi32, #tpu.memory_space<hbm>>
        %dma_start3A_68 = arith.constant 0 : i32
        %dma_start3A_69 = tpu.memref_slice %arg5[%add3A_60, %dma_start3A_68] : memref<5120x64xi32, #tpu.memory_space<hbm>> -> memref<8x64xi32, #tpu.memory_space<hbm>>
        tpu.enqueue_dma source(%dma_start3A_69 : memref<8x64xi32, #tpu.memory_space<hbm>>) target(%arg10 : memref<8x64xi32, #tpu.memory_space<vmem>>) target_semaphore(%run_scoped3A : memref<!tpu.dma_semaphore, #tpu.memory_space<semaphore_mem>>)
        %dma_wait3A = arith.constant 0 : i32
        %dma_wait3A_70 = tpu.memref_slice %arg5[%add3A_60, %dma_wait3A] : memref<5120x64xi32, #tpu.memory_space<hbm>> -> memref<8x64xi32, #tpu.memory_space<hbm>>
        %dma_wait3A_71 = arith.constant 0 : i32
        %dma_wait3A_72 = tpu.memref_slice %arg5[%add3A_60, %dma_wait3A_71] : memref<5120x64xi32, #tpu.memory_space<hbm>> -> memref<8x64xi32, #tpu.memory_space<hbm>>
        tpu.wait_dma2 semaphore(%run_scoped3A : memref<!tpu.dma_semaphore, #tpu.memory_space<semaphore_mem>>) src(%dma_wait3A_72 : memref<8x64xi32, #tpu.memory_space<hbm>>) dst(%arg10 : memref<8x64xi32, #tpu.memory_space<vmem>>)
        tpu.yield
      }) : () -> ()
      "tpu.region"() ({
        %run_scoped3A = tpu.sem_alloc : memref<!tpu.dma_semaphore, #tpu.memory_space<semaphore_mem>>
        %dma_start3A = arith.constant 0 : i32
        %dma_start3A_67 = tpu.memref_slice %arg6[%add3A_60, %dma_start3A] : memref<5120x64xi32, #tpu.memory_space<hbm>> -> memref<8x64xi32, #tpu.memory_space<hbm>>
        %dma_start3A_68 = arith.constant 0 : i32
        %dma_start3A_69 = tpu.memref_slice %arg6[%add3A_60, %dma_start3A_68] : memref<5120x64xi32, #tpu.memory_space<hbm>> -> memref<8x64xi32, #tpu.memory_space<hbm>>
        tpu.enqueue_dma source(%dma_start3A_69 : memref<8x64xi32, #tpu.memory_space<hbm>>) target(%arg11 : memref<8x64xi32, #tpu.memory_space<vmem>>) target_semaphore(%run_scoped3A : memref<!tpu.dma_semaphore, #tpu.memory_space<semaphore_mem>>)
        %dma_wait3A = arith.constant 0 : i32
        %dma_wait3A_70 = tpu.memref_slice %arg6[%add3A_60, %dma_wait3A] : memref<5120x64xi32, #tpu.memory_space<hbm>> -> memref<8x64xi32, #tpu.memory_space<hbm>>
        %dma_wait3A_71 = arith.constant 0 : i32
        %dma_wait3A_72 = tpu.memref_slice %arg6[%add3A_60, %dma_wait3A_71] : memref<5120x64xi32, #tpu.memory_space<hbm>> -> memref<8x64xi32, #tpu.memory_space<hbm>>
        tpu.wait_dma2 semaphore(%run_scoped3A : memref<!tpu.dma_semaphore, #tpu.memory_space<semaphore_mem>>) src(%dma_wait3A_72 : memref<8x64xi32, #tpu.memory_space<hbm>>) dst(%arg11 : memref<8x64xi32, #tpu.memory_space<vmem>>)
        tpu.yield
      }) : () -> ()
      %scan3A_61 = arith.constant 0 : i32
      %scan3A_62 = arith.constant 0 : i32
      %scan3A_63 = arith.constant 8 : i32
      %scan3A_64 = arith.addi %scan3A_62, %scan3A_63 : i32
      %scan3A_65 = arith.constant 1 : i32
      scf.for %scan3A_67 = %scan3A_62 to %scan3A_64 step %scan3A_65  : i32 {
        %dma_start3A = arith.constant 0 : i32
        %dma_start3A_68 = tpu.memref_slice %arg8[%scan3A_67, %dma_start3A] : memref<8x64xi32, #tpu.memory_space<vmem>> -> memref<1x64xi32, #tpu.memory_space<vmem>>
        %dma_start3A_69 = tpu.memref_squeeze %dma_start3A_68 : memref<1x64xi32, #tpu.memory_space<vmem>> -> memref<64xi32, #tpu.memory_space<vmem>>
        %dma_start3A_70 = arith.constant 0 : i32
        %dma_start3A_71 = arith.constant 0 : i32
        %dma_start3A_72 = tpu.memref_slice %arg2[%dma_start3A_70, %dma_start3A_71] : memref<40960x128xf32, #tpu.memory_space<hbm>> -> memref<40960x128xf32, #tpu.memory_space<hbm>>
        tpu.enqueue_indirect_dma source(%dma_start3A_72 : memref<40960x128xf32, #tpu.memory_space<hbm>>) target(%arg12 : memref<64x128xf32, #tpu.memory_space<vmem>>) offsets(%dma_start3A_69 : memref<64xi32, #tpu.memory_space<vmem>>) semaphore(%arg16 : memref<!tpu.dma_semaphore, #tpu.memory_space<semaphore_mem>>)
        %dma_start3A_73 = arith.constant 0 : i32
        %dma_start3A_74 = tpu.memref_slice %arg9[%scan3A_67, %dma_start3A_73] : memref<8x64xi32, #tpu.memory_space<vmem>> -> memref<1x64xi32, #tpu.memory_space<vmem>>
        %dma_start3A_75 = tpu.memref_squeeze %dma_start3A_74 : memref<1x64xi32, #tpu.memory_space<vmem>> -> memref<64xi32, #tpu.memory_space<vmem>>
        %dma_start3A_76 = arith.constant 0 : i32
        %dma_start3A_77 = arith.constant 0 : i32
        %dma_start3A_78 = tpu.memref_slice %arg2[%dma_start3A_76, %dma_start3A_77] : memref<40960x128xf32, #tpu.memory_space<hbm>> -> memref<40960x128xf32, #tpu.memory_space<hbm>>
        tpu.enqueue_indirect_dma source(%dma_start3A_78 : memref<40960x128xf32, #tpu.memory_space<hbm>>) target(%arg13 : memref<64x128xf32, #tpu.memory_space<vmem>>) offsets(%dma_start3A_75 : memref<64xi32, #tpu.memory_space<vmem>>) semaphore(%arg16 : memref<!tpu.dma_semaphore, #tpu.memory_space<semaphore_mem>>)
        %dma_wait3A = arith.constant 0 : i32
        %dma_wait3A_79 = tpu.memref_slice %arg8[%scan3A_67, %dma_wait3A] : memref<8x64xi32, #tpu.memory_space<vmem>> -> memref<1x64xi32, #tpu.memory_space<vmem>>
        %dma_wait3A_80 = tpu.memref_squeeze %dma_wait3A_79 : memref<1x64xi32, #tpu.memory_space<vmem>> -> memref<64xi32, #tpu.memory_space<vmem>>
        %dma_wait3A_81 = arith.constant 0 : i32
        %dma_wait3A_82 = arith.constant 0 : i32
        %dma_wait3A_83 = tpu.memref_slice %arg2[%dma_wait3A_81, %dma_wait3A_82] : memref<40960x128xf32, #tpu.memory_space<hbm>> -> memref<40960x128xf32, #tpu.memory_space<hbm>>
        tpu.wait_indirect_dma semaphore(%arg16 : memref<!tpu.dma_semaphore, #tpu.memory_space<semaphore_mem>>) src(%dma_wait3A_83 : memref<40960x128xf32, #tpu.memory_space<hbm>>) dst(%arg12 : memref<64x128xf32, #tpu.memory_space<vmem>>)
        %dma_wait3A_84 = arith.constant 0 : i32
        %dma_wait3A_85 = tpu.memref_slice %arg9[%scan3A_67, %dma_wait3A_84] : memref<8x64xi32, #tpu.memory_space<vmem>> -> memref<1x64xi32, #tpu.memory_space<vmem>>
        %dma_wait3A_86 = tpu.memref_squeeze %dma_wait3A_85 : memref<1x64xi32, #tpu.memory_space<vmem>> -> memref<64xi32, #tpu.memory_space<vmem>>
        %dma_wait3A_87 = arith.constant 0 : i32
        %dma_wait3A_88 = arith.constant 0 : i32
        %dma_wait3A_89 = tpu.memref_slice %arg2[%dma_wait3A_87, %dma_wait3A_88] : memref<40960x128xf32, #tpu.memory_space<hbm>> -> memref<40960x128xf32, #tpu.memory_space<hbm>>
        tpu.wait_indirect_dma semaphore(%arg16 : memref<!tpu.dma_semaphore, #tpu.memory_space<semaphore_mem>>) src(%dma_wait3A_89 : memref<40960x128xf32, #tpu.memory_space<hbm>>) dst(%arg13 : memref<64x128xf32, #tpu.memory_space<vmem>>)
        %scan3A_90 = arith.constant 0 : i32
        %scan3A_91 = arith.constant 0 : i32
        %scan3A_92 = arith.constant 64 : i32
        %scan3A_93 = arith.addi %scan3A_91, %scan3A_92 : i32
        %scan3A_94 = arith.constant 1 : i32
        scf.for %scan3A_223 = %scan3A_91 to %scan3A_93 step %scan3A_94  : i32 {
          %add3A_224 = arith.constant 0 : i32
          %add3A_225 = arith.addi %mul3A_0, %add3A_224 : i32
          %get3A_226 = arith.index_cast %scan3A_223 : i32 to index
          %get3A_227 = arith.index_cast %add3A_225 : i32 to index
          %get3A_228 = tpu.vector_load %arg12[%get3A_226, %get3A_227] {strides = array<i32>} : memref<64x128xf32, #tpu.memory_space<vmem>>, vector<1x16xf32>,
          %get3A_229 = vector.shape_cast %get3A_228 : vector<1x16xf32> to vector<16xf32>
          %get3A_230 = arith.index_cast %scan3A_223 : i32 to index
          %get3A_231 = arith.index_cast %add3A_225 : i32 to index
          %get3A_232 = tpu.vector_load %arg13[%get3A_230, %get3A_231] {strides = array<i32>} : memref<64x128xf32, #tpu.memory_space<vmem>>, vector<1x16xf32>,
          %get3A_233 = vector.shape_cast %get3A_232 : vector<1x16xf32> to vector<16xf32>
          %add3A_234 = arith.addf %get3A_229, %get3A_233 : vector<16xf32>
          %max3A = arith.constant 0.000000e+00 : f32
          %max3A_235 = vector.broadcast %max3A : f32 to vector<16xf32>
          %max3A_236 = arith.maximumf %add3A_234, %max3A_235 : vector<16xf32>
          %swap3A = arith.index_cast %scan3A_223 : i32 to index
          %swap3A_237 = arith.constant 0 : index
          %swap3A_238 = tpu.vector_load %arg14[%swap3A, %swap3A_237] {strides = array<i32>} : memref<64x128xf32, #tpu.memory_space<vmem>>, vector<1x16xf32>,
          %swap3A_239 = vector.shape_cast %swap3A_238 : vector<1x16xf32> to vector<16xf32>
          %swap3A_240 = vector.shape_cast %max3A_236 : vector<16xf32> to vector<1x16xf32>
          tpu.vector_store %arg14[%swap3A, %swap3A_237], %swap3A_240 {strides = array<i32>} : memref<64x128xf32, #tpu.memory_space<vmem>>, vector<1x16xf32>,
          %swap3A_241 = arith.index_cast %scan3A_223 : i32 to index
          %swap3A_242 = arith.constant 64 : index
          %swap3A_243 = tpu.vector_load %arg15[%swap3A_241, %swap3A_242] {strides = array<i32>} : memref<64x128xf32, #tpu.memory_space<vmem>>, vector<1x16xf32>,
          %swap3A_244 = vector.shape_cast %swap3A_243 : vector<1x16xf32> to vector<16xf32>
          %swap3A_245 = vector.shape_cast %max3A_236 : vector<16xf32> to vector<1x16xf32>
          tpu.vector_store %arg15[%swap3A_241, %swap3A_242], %swap3A_245 {strides = array<i32>} : memref<64x128xf32, #tpu.memory_space<vmem>>, vector<1x16xf32>,
          %add3A_246 = arith.constant 16 : i32
          %add3A_247 = arith.addi %mul3A_0, %add3A_246 : i32
          %get3A_248 = arith.index_cast %scan3A_223 : i32 to index
          %get3A_249 = arith.index_cast %add3A_247 : i32 to index
          %get3A_250 = tpu.vector_load %arg12[%get3A_248, %get3A_249] {strides = array<i32>} : memref<64x128xf32, #tpu.memory_space<vmem>>, vector<1x16xf32>,
          %get3A_251 = vector.shape_cast %get3A_250 : vector<1x16xf32> to vector<16xf32>
          %get3A_252 = arith.index_cast %scan3A_223 : i32 to index
          %get3A_253 = arith.index_cast %add3A_247 : i32 to index
          %get3A_254 = tpu.vector_load %arg13[%get3A_252, %get3A_253] {strides = array<i32>} : memref<64x128xf32, #tpu.memory_space<vmem>>, vector<1x16xf32>,
          %get3A_255 = vector.shape_cast %get3A_254 : vector<1x16xf32> to vector<16xf32>
          %add3A_256 = arith.addf %get3A_251, %get3A_255 : vector<16xf32>
          %max3A_257 = arith.constant 0.000000e+00 : f32
          %max3A_258 = vector.broadcast %max3A_257 : f32 to vector<16xf32>
          %max3A_259 = arith.maximumf %add3A_256, %max3A_258 : vector<16xf32>
          %swap3A_260 = arith.index_cast %scan3A_223 : i32 to index
          %swap3A_261 = arith.constant 16 : index
          %swap3A_262 = tpu.vector_load %arg14[%swap3A_260, %swap3A_261] {strides = array<i32>} : memref<64x128xf32, #tpu.memory_space<vmem>>, vector<1x16xf32>,
          %swap3A_263 = vector.shape_cast %swap3A_262 : vector<1x16xf32> to vector<16xf32>
          %swap3A_264 = vector.shape_cast %max3A_259 : vector<16xf32> to vector<1x16xf32>
          tpu.vector_store %arg14[%swap3A_260, %swap3A_261], %swap3A_264 {strides = array<i32>} : memref<64x128xf32, #tpu.memory_space<vmem>>, vector<1x16xf32>,
          %swap3A_265 = arith.index_cast %scan3A_223 : i32 to index
          %swap3A_266 = arith.constant 80 : index
          %swap3A_267 = tpu.vector_load %arg15[%swap3A_265, %swap3A_266] {strides = array<i32>} : memref<64x128xf32, #tpu.memory_space<vmem>>, vector<1x16xf32>,
          %swap3A_268 = vector.shape_cast %swap3A_267 : vector<1x16xf32> to vector<16xf32>
          %swap3A_269 = vector.shape_cast %max3A_259 : vector<16xf32> to vector<1x16xf32>
          tpu.vector_store %arg15[%swap3A_265, %swap3A_266], %swap3A_269 {strides = array<i32>} : memref<64x128xf32, #tpu.memory_space<vmem>>, vector<1x16xf32>,
          %add3A_270 = arith.constant 32 : i32
          %add3A_271 = arith.addi %mul3A_0, %add3A_270 : i32
          %get3A_272 = arith.index_cast %scan3A_223 : i32 to index
          %get3A_273 = arith.index_cast %add3A_271 : i32 to index
          %get3A_274 = tpu.vector_load %arg12[%get3A_272, %get3A_273] {strides = array<i32>} : memref<64x128xf32, #tpu.memory_space<vmem>>, vector<1x16xf32>,
          %get3A_275 = vector.shape_cast %get3A_274 : vector<1x16xf32> to vector<16xf32>
          %get3A_276 = arith.index_cast %scan3A_223 : i32 to index
          %get3A_277 = arith.index_cast %add3A_271 : i32 to index
          %get3A_278 = tpu.vector_load %arg13[%get3A_276, %get3A_277] {strides = array<i32>} : memref<64x128xf32, #tpu.memory_space<vmem>>, vector<1x16xf32>,
          %get3A_279 = vector.shape_cast %get3A_278 : vector<1x16xf32> to vector<16xf32>
          %add3A_280 = arith.addf %get3A_275, %get3A_279 : vector<16xf32>
          %max3A_281 = arith.constant 0.000000e+00 : f32
          %max3A_282 = vector.broadcast %max3A_281 : f32 to vector<16xf32>
          %max3A_283 = arith.maximumf %add3A_280, %max3A_282 : vector<16xf32>
          %swap3A_284 = arith.index_cast %scan3A_223 : i32 to index
          %swap3A_285 = arith.constant 32 : index
          %swap3A_286 = tpu.vector_load %arg14[%swap3A_284, %swap3A_285] {strides = array<i32>} : memref<64x128xf32, #tpu.memory_space<vmem>>, vector<1x16xf32>,
          %swap3A_287 = vector.shape_cast %swap3A_286 : vector<1x16xf32> to vector<16xf32>
          %swap3A_288 = vector.shape_cast %max3A_283 : vector<16xf32> to vector<1x16xf32>
          tpu.vector_store %arg14[%swap3A_284, %swap3A_285], %swap3A_288 {strides = array<i32>} : memref<64x128xf32, #tpu.memory_space<vmem>>, vector<1x16xf32>,
          %swap3A_289 = arith.index_cast %scan3A_223 : i32 to index
          %swap3A_290 = arith.constant 96 : index
          %swap3A_291 = tpu.vector_load %arg15[%swap3A_289, %swap3A_290] {strides = array<i32>} : memref<64x128xf32, #tpu.memory_space<vmem>>, vector<1x16xf32>,
          %swap3A_292 = vector.shape_cast %swap3A_291 : vector<1x16xf32> to vector<16xf32>
          %swap3A_293 = vector.shape_cast %max3A_283 : vector<16xf32> to vector<1x16xf32>
          tpu.vector_store %arg15[%swap3A_289, %swap3A_290], %swap3A_293 {strides = array<i32>} : memref<64x128xf32, #tpu.memory_space<vmem>>, vector<1x16xf32>,
          %add3A_294 = arith.constant 48 : i32
          %add3A_295 = arith.addi %mul3A_0, %add3A_294 : i32
          %get3A_296 = arith.index_cast %scan3A_223 : i32 to index
          %get3A_297 = arith.index_cast %add3A_295 : i32 to index
          %get3A_298 = tpu.vector_load %arg12[%get3A_296, %get3A_297] {strides = array<i32>} : memref<64x128xf32, #tpu.memory_space<vmem>>, vector<1x16xf32>,
          %get3A_299 = vector.shape_cast %get3A_298 : vector<1x16xf32> to vector<16xf32>
          %get3A_300 = arith.index_cast %scan3A_223 : i32 to index
          %get3A_301 = arith.index_cast %add3A_295 : i32 to index
          %get3A_302 = tpu.vector_load %arg13[%get3A_300, %get3A_301] {strides = array<i32>} : memref<64x128xf32, #tpu.memory_space<vmem>>, vector<1x16xf32>,
          %get3A_303 = vector.shape_cast %get3A_302 : vector<1x16xf32> to vector<16xf32>
          %add3A_304 = arith.addf %get3A_299, %get3A_303 : vector<16xf32>
          %max3A_305 = arith.constant 0.000000e+00 : f32
          %max3A_306 = vector.broadcast %max3A_305 : f32 to vector<16xf32>
          %max3A_307 = arith.maximumf %add3A_304, %max3A_306 : vector<16xf32>
          %swap3A_308 = arith.index_cast %scan3A_223 : i32 to index
          %swap3A_309 = arith.constant 48 : index
          %swap3A_310 = tpu.vector_load %arg14[%swap3A_308, %swap3A_309] {strides = array<i32>} : memref<64x128xf32, #tpu.memory_space<vmem>>, vector<1x16xf32>,
          %swap3A_311 = vector.shape_cast %swap3A_310 : vector<1x16xf32> to vector<16xf32>
          %swap3A_312 = vector.shape_cast %max3A_307 : vector<16xf32> to vector<1x16xf32>
          tpu.vector_store %arg14[%swap3A_308, %swap3A_309], %swap3A_312 {strides = array<i32>} : memref<64x128xf32, #tpu.memory_space<vmem>>, vector<1x16xf32>,
          %swap3A_313 = arith.index_cast %scan3A_223 : i32 to index
          %swap3A_314 = arith.constant 112 : index
          %swap3A_315 = tpu.vector_load %arg15[%swap3A_313, %swap3A_314] {strides = array<i32>} : memref<64x128xf32, #tpu.memory_space<vmem>>, vector<1x16xf32>,
          %swap3A_316 = vector.shape_cast %swap3A_315 : vector<1x16xf32> to vector<16xf32>
          %swap3A_317 = vector.shape_cast %max3A_307 : vector<16xf32> to vector<1x16xf32>
          tpu.vector_store %arg15[%swap3A_313, %swap3A_314], %swap3A_317 {strides = array<i32>} : memref<64x128xf32, #tpu.memory_space<vmem>>, vector<1x16xf32>,
        }
        %scan3A_95 = arith.constant 64 : i32
        %get3A = arith.index_cast %scan3A_67 : i32 to index
        %get3A_96 = arith.constant 0 : index
        %get3A_97 = tpu.vector_load %arg10[%get3A, %get3A_96] {strides = array<i32>} : memref<8x64xi32, #tpu.memory_space<vmem>>, vector<1x16xi32>,
        %get3A_98 = vector.shape_cast %get3A_97 : vector<1x16xi32> to vector<16xi32>
        %dma_start3A_99 = arith.constant 0 : i32
        %dma_start3A_100 = arith.constant 0 : i32
        %dma_start3A_101 = tpu.memref_slice %arg14[%dma_start3A_99, %dma_start3A_100] : memref<64x128xf32, #tpu.memory_space<vmem>> -> memref<16x128xf32, #tpu.memory_space<vmem>>
        %dma_start3A_102 = arith.constant 0 : i32
        %dma_start3A_103 = arith.constant 0 : i32
        %dma_start3A_104 = tpu.memref_slice %arg18[%dma_start3A_102, %dma_start3A_103] : memref<10240x128xf32, #tpu.memory_space<vmem_shared>> -> memref<10240x128xf32, #tpu.memory_space<vmem_shared>>
        tpu.enqueue_indirect_dma source(%dma_start3A_101 : memref<16x128xf32, #tpu.memory_space<vmem>>) target(%dma_start3A_104 : memref<10240x128xf32, #tpu.memory_space<vmem_shared>>) offsets(%get3A_98 : vector<16xi32>) semaphore(%arg17 : memref<!tpu.dma_semaphore, #tpu.memory_space<semaphore_mem>>) {add = true}
        %get3A_105 = arith.index_cast %scan3A_67 : i32 to index
        %get3A_106 = arith.constant 0 : index
        %get3A_107 = tpu.vector_load %arg11[%get3A_105, %get3A_106] {strides = array<i32>} : memref<8x64xi32, #tpu.memory_space<vmem>>, vector<1x16xi32>,
        %get3A_108 = vector.shape_cast %get3A_107 : vector<1x16xi32> to vector<16xi32>
        %dma_start3A_109 = arith.constant 0 : i32
        %dma_start3A_110 = arith.constant 0 : i32
        %dma_start3A_111 = tpu.memref_slice %arg15[%dma_start3A_109, %dma_start3A_110] : memref<64x128xf32, #tpu.memory_space<vmem>> -> memref<16x128xf32, #tpu.memory_space<vmem>>
        %dma_start3A_112 = arith.constant 0 : i32
        %dma_start3A_113 = arith.constant 0 : i32
        %dma_start3A_114 = tpu.memref_slice %arg18[%dma_start3A_112, %dma_start3A_113] : memref<10240x128xf32, #tpu.memory_space<vmem_shared>> -> memref<10240x128xf32, #tpu.memory_space<vmem_shared>>
        tpu.enqueue_indirect_dma source(%dma_start3A_111 : memref<16x128xf32, #tpu.memory_space<vmem>>) target(%dma_start3A_114 : memref<10240x128xf32, #tpu.memory_space<vmem_shared>>) offsets(%get3A_108 : vector<16xi32>) semaphore(%arg17 : memref<!tpu.dma_semaphore, #tpu.memory_space<semaphore_mem>>) {add = true}
        %get3A_115 = arith.index_cast %scan3A_67 : i32 to index
        %get3A_116 = arith.constant 16 : index
        %get3A_117 = tpu.vector_load %arg10[%get3A_115, %get3A_116] {strides = array<i32>} : memref<8x64xi32, #tpu.memory_space<vmem>>, vector<1x16xi32>,
        %get3A_118 = vector.shape_cast %get3A_117 : vector<1x16xi32> to vector<16xi32>
        %dma_start3A_119 = arith.constant 16 : i32
        %dma_start3A_120 = arith.constant 0 : i32
        %dma_start3A_121 = tpu.memref_slice %arg14[%dma_start3A_119, %dma_start3A_120] : memref<64x128xf32, #tpu.memory_space<vmem>> -> memref<16x128xf32, #tpu.memory_space<vmem>>
        %dma_start3A_122 = arith.constant 0 : i32
        %dma_start3A_123 = arith.constant 0 : i32
        %dma_start3A_124 = tpu.memref_slice %arg18[%dma_start3A_122, %dma_start3A_123] : memref<10240x128xf32, #tpu.memory_space<vmem_shared>> -> memref<10240x128xf32, #tpu.memory_space<vmem_shared>>
        tpu.enqueue_indirect_dma source(%dma_start3A_121 : memref<16x128xf32, #tpu.memory_space<vmem>>) target(%dma_start3A_124 : memref<10240x128xf32, #tpu.memory_space<vmem_shared>>) offsets(%get3A_118 : vector<16xi32>) semaphore(%arg17 : memref<!tpu.dma_semaphore, #tpu.memory_space<semaphore_mem>>) {add = true}
        %get3A_125 = arith.index_cast %scan3A_67 : i32 to index
        %get3A_126 = arith.constant 16 : index
        %get3A_127 = tpu.vector_load %arg11[%get3A_125, %get3A_126] {strides = array<i32>} : memref<8x64xi32, #tpu.memory_space<vmem>>, vector<1x16xi32>,
        %get3A_128 = vector.shape_cast %get3A_127 : vector<1x16xi32> to vector<16xi32>
        %dma_start3A_129 = arith.constant 16 : i32
        %dma_start3A_130 = arith.constant 0 : i32
        %dma_start3A_131 = tpu.memref_slice %arg15[%dma_start3A_129, %dma_start3A_130] : memref<64x128xf32, #tpu.memory_space<vmem>> -> memref<16x128xf32, #tpu.memory_space<vmem>>
        %dma_start3A_132 = arith.constant 0 : i32
        %dma_start3A_133 = arith.constant 0 : i32
        %dma_start3A_134 = tpu.memref_slice %arg18[%dma_start3A_132, %dma_start3A_133] : memref<10240x128xf32, #tpu.memory_space<vmem_shared>> -> memref<10240x128xf32, #tpu.memory_space<vmem_shared>>
        tpu.enqueue_indirect_dma source(%dma_start3A_131 : memref<16x128xf32, #tpu.memory_space<vmem>>) target(%dma_start3A_134 : memref<10240x128xf32, #tpu.memory_space<vmem_shared>>) offsets(%get3A_128 : vector<16xi32>) semaphore(%arg17 : memref<!tpu.dma_semaphore, #tpu.memory_space<semaphore_mem>>) {add = true}
        %get3A_135 = arith.index_cast %scan3A_67 : i32 to index
        %get3A_136 = arith.constant 32 : index
        %get3A_137 = tpu.vector_load %arg10[%get3A_135, %get3A_136] {strides = array<i32>} : memref<8x64xi32, #tpu.memory_space<vmem>>, vector<1x16xi32>,
        %get3A_138 = vector.shape_cast %get3A_137 : vector<1x16xi32> to vector<16xi32>
        %dma_start3A_139 = arith.constant 32 : i32
        %dma_start3A_140 = arith.constant 0 : i32
        %dma_start3A_141 = tpu.memref_slice %arg14[%dma_start3A_139, %dma_start3A_140] : memref<64x128xf32, #tpu.memory_space<vmem>> -> memref<16x128xf32, #tpu.memory_space<vmem>>
        %dma_start3A_142 = arith.constant 0 : i32
        %dma_start3A_143 = arith.constant 0 : i32
        %dma_start3A_144 = tpu.memref_slice %arg18[%dma_start3A_142, %dma_start3A_143] : memref<10240x128xf32, #tpu.memory_space<vmem_shared>> -> memref<10240x128xf32, #tpu.memory_space<vmem_shared>>
        tpu.enqueue_indirect_dma source(%dma_start3A_141 : memref<16x128xf32, #tpu.memory_space<vmem>>) target(%dma_start3A_144 : memref<10240x128xf32, #tpu.memory_space<vmem_shared>>) offsets(%get3A_138 : vector<16xi32>) semaphore(%arg17 : memref<!tpu.dma_semaphore, #tpu.memory_space<semaphore_mem>>) {add = true}
        %get3A_145 = arith.index_cast %scan3A_67 : i32 to index
        %get3A_146 = arith.constant 32 : index
        %get3A_147 = tpu.vector_load %arg11[%get3A_145, %get3A_146] {strides = array<i32>} : memref<8x64xi32, #tpu.memory_space<vmem>>, vector<1x16xi32>,
        %get3A_148 = vector.shape_cast %get3A_147 : vector<1x16xi32> to vector<16xi32>
        %dma_start3A_149 = arith.constant 32 : i32
        %dma_start3A_150 = arith.constant 0 : i32
        %dma_start3A_151 = tpu.memref_slice %arg15[%dma_start3A_149, %dma_start3A_150] : memref<64x128xf32, #tpu.memory_space<vmem>> -> memref<16x128xf32, #tpu.memory_space<vmem>>
        %dma_start3A_152 = arith.constant 0 : i32
        %dma_start3A_153 = arith.constant 0 : i32
        %dma_start3A_154 = tpu.memref_slice %arg18[%dma_start3A_152, %dma_start3A_153] : memref<10240x128xf32, #tpu.memory_space<vmem_shared>> -> memref<10240x128xf32, #tpu.memory_space<vmem_shared>>
        tpu.enqueue_indirect_dma source(%dma_start3A_151 : memref<16x128xf32, #tpu.memory_space<vmem>>) target(%dma_start3A_154 : memref<10240x128xf32, #tpu.memory_space<vmem_shared>>) offsets(%get3A_148 : vector<16xi32>) semaphore(%arg17 : memref<!tpu.dma_semaphore, #tpu.memory_space<semaphore_mem>>) {add = true}
        %get3A_155 = arith.index_cast %scan3A_67 : i32 to index
        %get3A_156 = arith.constant 48 : index
        %get3A_157 = tpu.vector_load %arg10[%get3A_155, %get3A_156] {strides = array<i32>} : memref<8x64xi32, #tpu.memory_space<vmem>>, vector<1x16xi32>,
        %get3A_158 = vector.shape_cast %get3A_157 : vector<1x16xi32> to vector<16xi32>
        %dma_start3A_159 = arith.constant 48 : i32
        %dma_start3A_160 = arith.constant 0 : i32
        %dma_start3A_161 = tpu.memref_slice %arg14[%dma_start3A_159, %dma_start3A_160] : memref<64x128xf32, #tpu.memory_space<vmem>> -> memref<16x128xf32, #tpu.memory_space<vmem>>
        %dma_start3A_162 = arith.constant 0 : i32
        %dma_start3A_163 = arith.constant 0 : i32
        %dma_start3A_164 = tpu.memref_slice %arg18[%dma_start3A_162, %dma_start3A_163] : memref<10240x128xf32, #tpu.memory_space<vmem_shared>> -> memref<10240x128xf32, #tpu.memory_space<vmem_shared>>
        tpu.enqueue_indirect_dma source(%dma_start3A_161 : memref<16x128xf32, #tpu.memory_space<vmem>>) target(%dma_start3A_164 : memref<10240x128xf32, #tpu.memory_space<vmem_shared>>) offsets(%get3A_158 : vector<16xi32>) semaphore(%arg17 : memref<!tpu.dma_semaphore, #tpu.memory_space<semaphore_mem>>) {add = true}
        %get3A_165 = arith.index_cast %scan3A_67 : i32 to index
        %get3A_166 = arith.constant 48 : index
        %get3A_167 = tpu.vector_load %arg11[%get3A_165, %get3A_166] {strides = array<i32>} : memref<8x64xi32, #tpu.memory_space<vmem>>, vector<1x16xi32>,
        %get3A_168 = vector.shape_cast %get3A_167 : vector<1x16xi32> to vector<16xi32>
        %dma_start3A_169 = arith.constant 48 : i32
        %dma_start3A_170 = arith.constant 0 : i32
        %dma_start3A_171 = tpu.memref_slice %arg15[%dma_start3A_169, %dma_start3A_170] : memref<64x128xf32, #tpu.memory_space<vmem>> -> memref<16x128xf32, #tpu.memory_space<vmem>>
        %dma_start3A_172 = arith.constant 0 : i32
        %dma_start3A_173 = arith.constant 0 : i32
        %dma_start3A_174 = tpu.memref_slice %arg18[%dma_start3A_172, %dma_start3A_173] : memref<10240x128xf32, #tpu.memory_space<vmem_shared>> -> memref<10240x128xf32, #tpu.memory_space<vmem_shared>>
        tpu.enqueue_indirect_dma source(%dma_start3A_171 : memref<16x128xf32, #tpu.memory_space<vmem>>) target(%dma_start3A_174 : memref<10240x128xf32, #tpu.memory_space<vmem_shared>>) offsets(%get3A_168 : vector<16xi32>) semaphore(%arg17 : memref<!tpu.dma_semaphore, #tpu.memory_space<semaphore_mem>>) {add = true}
        %dma_wait3A_175 = arith.constant 0 : i32
        %dma_wait3A_176 = arith.constant 0 : i32
        %dma_wait3A_177 = tpu.memref_slice %arg14[%dma_wait3A_175, %dma_wait3A_176] : memref<64x128xf32, #tpu.memory_space<vmem>> -> memref<16x128xf32, #tpu.memory_space<vmem>>
        %dma_wait3A_178 = arith.constant 0 : i32
        %dma_wait3A_179 = arith.constant 0 : i32
        %dma_wait3A_180 = tpu.memref_slice %arg18[%dma_wait3A_178, %dma_wait3A_179] : memref<10240x128xf32, #tpu.memory_space<vmem_shared>> -> memref<10240x128xf32, #tpu.memory_space<vmem_shared>>
        tpu.wait_indirect_dma semaphore(%arg17 : memref<!tpu.dma_semaphore, #tpu.memory_space<semaphore_mem>>) src(%dma_wait3A_177 : memref<16x128xf32, #tpu.memory_space<vmem>>) dst(%dma_wait3A_180 : memref<10240x128xf32, #tpu.memory_space<vmem_shared>>)
        %dma_wait3A_181 = arith.constant 0 : i32
        %dma_wait3A_182 = arith.constant 0 : i32
        %dma_wait3A_183 = tpu.memref_slice %arg15[%dma_wait3A_181, %dma_wait3A_182] : memref<64x128xf32, #tpu.memory_space<vmem>> -> memref<16x128xf32, #tpu.memory_space<vmem>>
        %dma_wait3A_184 = arith.constant 0 : i32
        %dma_wait3A_185 = arith.constant 0 : i32
        %dma_wait3A_186 = tpu.memref_slice %arg18[%dma_wait3A_184, %dma_wait3A_185] : memref<10240x128xf32, #tpu.memory_space<vmem_shared>> -> memref<10240x128xf32, #tpu.memory_space<vmem_shared>>
        tpu.wait_indirect_dma semaphore(%arg17 : memref<!tpu.dma_semaphore, #tpu.memory_space<semaphore_mem>>) src(%dma_wait3A_183 : memref<16x128xf32, #tpu.memory_space<vmem>>) dst(%dma_wait3A_186 : memref<10240x128xf32, #tpu.memory_space<vmem_shared>>)
        %dma_wait3A_187 = arith.constant 16 : i32
        %dma_wait3A_188 = arith.constant 0 : i32
        %dma_wait3A_189 = tpu.memref_slice %arg14[%dma_wait3A_187, %dma_wait3A_188] : memref<64x128xf32, #tpu.memory_space<vmem>> -> memref<16x128xf32, #tpu.memory_space<vmem>>
        %dma_wait3A_190 = arith.constant 0 : i32
        %dma_wait3A_191 = arith.constant 0 : i32
        %dma_wait3A_192 = tpu.memref_slice %arg18[%dma_wait3A_190, %dma_wait3A_191] : memref<10240x128xf32, #tpu.memory_space<vmem_shared>> -> memref<10240x128xf32, #tpu.memory_space<vmem_shared>>
        tpu.wait_indirect_dma semaphore(%arg17 : memref<!tpu.dma_semaphore, #tpu.memory_space<semaphore_mem>>) src(%dma_wait3A_189 : memref<16x128xf32, #tpu.memory_space<vmem>>) dst(%dma_wait3A_192 : memref<10240x128xf32, #tpu.memory_space<vmem_shared>>)
        %dma_wait3A_193 = arith.constant 16 : i32
        %dma_wait3A_194 = arith.constant 0 : i32
        %dma_wait3A_195 = tpu.memref_slice %arg15[%dma_wait3A_193, %dma_wait3A_194] : memref<64x128xf32, #tpu.memory_space<vmem>> -> memref<16x128xf32, #tpu.memory_space<vmem>>
        %dma_wait3A_196 = arith.constant 0 : i32
        %dma_wait3A_197 = arith.constant 0 : i32
        %dma_wait3A_198 = tpu.memref_slice %arg18[%dma_wait3A_196, %dma_wait3A_197] : memref<10240x128xf32, #tpu.memory_space<vmem_shared>> -> memref<10240x128xf32, #tpu.memory_space<vmem_shared>>
        tpu.wait_indirect_dma semaphore(%arg17 : memref<!tpu.dma_semaphore, #tpu.memory_space<semaphore_mem>>) src(%dma_wait3A_195 : memref<16x128xf32, #tpu.memory_space<vmem>>) dst(%dma_wait3A_198 : memref<10240x128xf32, #tpu.memory_space<vmem_shared>>)
        %dma_wait3A_199 = arith.constant 32 : i32
        %dma_wait3A_200 = arith.constant 0 : i32
        %dma_wait3A_201 = tpu.memref_slice %arg14[%dma_wait3A_199, %dma_wait3A_200] : memref<64x128xf32, #tpu.memory_space<vmem>> -> memref<16x128xf32, #tpu.memory_space<vmem>>
        %dma_wait3A_202 = arith.constant 0 : i32
        %dma_wait3A_203 = arith.constant 0 : i32
        %dma_wait3A_204 = tpu.memref_slice %arg18[%dma_wait3A_202, %dma_wait3A_203] : memref<10240x128xf32, #tpu.memory_space<vmem_shared>> -> memref<10240x128xf32, #tpu.memory_space<vmem_shared>>
        tpu.wait_indirect_dma semaphore(%arg17 : memref<!tpu.dma_semaphore, #tpu.memory_space<semaphore_mem>>) src(%dma_wait3A_201 : memref<16x128xf32, #tpu.memory_space<vmem>>) dst(%dma_wait3A_204 : memref<10240x128xf32, #tpu.memory_space<vmem_shared>>)
        %dma_wait3A_205 = arith.constant 32 : i32
        %dma_wait3A_206 = arith.constant 0 : i32
        %dma_wait3A_207 = tpu.memref_slice %arg15[%dma_wait3A_205, %dma_wait3A_206] : memref<64x128xf32, #tpu.memory_space<vmem>> -> memref<16x128xf32, #tpu.memory_space<vmem>>
        %dma_wait3A_208 = arith.constant 0 : i32
        %dma_wait3A_209 = arith.constant 0 : i32
        %dma_wait3A_210 = tpu.memref_slice %arg18[%dma_wait3A_208, %dma_wait3A_209] : memref<10240x128xf32, #tpu.memory_space<vmem_shared>> -> memref<10240x128xf32, #tpu.memory_space<vmem_shared>>
        tpu.wait_indirect_dma semaphore(%arg17 : memref<!tpu.dma_semaphore, #tpu.memory_space<semaphore_mem>>) src(%dma_wait3A_207 : memref<16x128xf32, #tpu.memory_space<vmem>>) dst(%dma_wait3A_210 : memref<10240x128xf32, #tpu.memory_space<vmem_shared>>)
        %dma_wait3A_211 = arith.constant 48 : i32
        %dma_wait3A_212 = arith.constant 0 : i32
        %dma_wait3A_213 = tpu.memref_slice %arg14[%dma_wait3A_211, %dma_wait3A_212] : memref<64x128xf32, #tpu.memory_space<vmem>> -> memref<16x128xf32, #tpu.memory_space<vmem>>
        %dma_wait3A_214 = arith.constant 0 : i32
        %dma_wait3A_215 = arith.constant 0 : i32
        %dma_wait3A_216 = tpu.memref_slice %arg18[%dma_wait3A_214, %dma_wait3A_215] : memref<10240x128xf32, #tpu.memory_space<vmem_shared>> -> memref<10240x128xf32, #tpu.memory_space<vmem_shared>>
        tpu.wait_indirect_dma semaphore(%arg17 : memref<!tpu.dma_semaphore, #tpu.memory_space<semaphore_mem>>) src(%dma_wait3A_213 : memref<16x128xf32, #tpu.memory_space<vmem>>) dst(%dma_wait3A_216 : memref<10240x128xf32, #tpu.memory_space<vmem_shared>>)
        %dma_wait3A_217 = arith.constant 48 : i32
        %dma_wait3A_218 = arith.constant 0 : i32
        %dma_wait3A_219 = tpu.memref_slice %arg15[%dma_wait3A_217, %dma_wait3A_218] : memref<64x128xf32, #tpu.memory_space<vmem>> -> memref<16x128xf32, #tpu.memory_space<vmem>>
        %dma_wait3A_220 = arith.constant 0 : i32
        %dma_wait3A_221 = arith.constant 0 : i32
        %dma_wait3A_222 = tpu.memref_slice %arg18[%dma_wait3A_220, %dma_wait3A_221] : memref<10240x128xf32, #tpu.memory_space<vmem_shared>> -> memref<10240x128xf32, #tpu.memory_space<vmem_shared>>
        tpu.wait_indirect_dma semaphore(%arg17 : memref<!tpu.dma_semaphore, #tpu.memory_space<semaphore_mem>>) src(%dma_wait3A_219 : memref<16x128xf32, #tpu.memory_space<vmem>>) dst(%dma_wait3A_222 : memref<10240x128xf32, #tpu.memory_space<vmem_shared>>)
      }
      %scan3A_66 = arith.constant 8 : i32
    }
    %scan3A_35 = arith.constant 40 : i32
    %barrier3A_36 = arith.constant 0 : index
    tpu.barrier barrier_id(%barrier3A_36)
    %add3A_37 = arith.constant 0 : i32
    %add3A_38 = arith.addi %mul3A_10, %add3A_37 : i32
    "tpu.region"() ({
      %run_scoped3A = tpu.sem_alloc : memref<!tpu.dma_semaphore, #tpu.memory_space<semaphore_mem>>
      %dma_start3A = arith.constant 0 : i32
      %dma_start3A_57 = tpu.memref_slice %arg7[%arg0, %add3A_38, %dma_start3A] : memref<2x10240x128xf32, #tpu.memory_space<hbm>> -> memref<1x64x128xf32, #tpu.memory_space<hbm>>
      %dma_start3A_58 = tpu.memref_squeeze %dma_start3A_57 : memref<1x64x128xf32, #tpu.memory_space<hbm>> -> memref<64x128xf32, #tpu.memory_space<hbm>>
      %dma_start3A_59 = arith.constant 0 : i32
      %dma_start3A_60 = tpu.memref_slice %arg18[%add3A_38, %dma_start3A_59] : memref<10240x128xf32, #tpu.memory_space<vmem_shared>> -> memref<64x128xf32, #tpu.memory_space<vmem_shared>>
      tpu.enqueue_dma source(%dma_start3A_60 : memref<64x128xf32, #tpu.memory_space<vmem_shared>>) target(%dma_start3A_58 : memref<64x128xf32, #tpu.memory_space<hbm>>) target_semaphore(%run_scoped3A : memref<!tpu.dma_semaphore, #tpu.memory_space<semaphore_mem>>)
      %dma_wait3A = arith.constant 0 : i32
      %dma_wait3A_61 = tpu.memref_slice %arg7[%arg0, %add3A_38, %dma_wait3A] : memref<2x10240x128xf32, #tpu.memory_space<hbm>> -> memref<1x64x128xf32, #tpu.memory_space<hbm>>
      %dma_wait3A_62 = tpu.memref_squeeze %dma_wait3A_61 : memref<1x64x128xf32, #tpu.memory_space<hbm>> -> memref<64x128xf32, #tpu.memory_space<hbm>>
      %dma_wait3A_63 = arith.constant 0 : i32
      %dma_wait3A_64 = tpu.memref_slice %arg18[%add3A_38, %dma_wait3A_63] : memref<10240x128xf32, #tpu.memory_space<vmem_shared>> -> memref<64x128xf32, #tpu.memory_space<vmem_shared>>
      tpu.wait_dma2 semaphore(%run_scoped3A : memref<!tpu.dma_semaphore, #tpu.memory_space<semaphore_mem>>) src(%dma_wait3A_64 : memref<64x128xf32, #tpu.memory_space<vmem_shared>>) dst(%dma_wait3A_62 : memref<64x128xf32, #tpu.memory_space<hbm>>)
      tpu.yield
    }) : () -> ()
    %add3A_39 = arith.constant 64 : i32
    %add3A_40 = arith.addi %mul3A_10, %add3A_39 : i32
    "tpu.region"() ({
      %run_scoped3A = tpu.sem_alloc : memref<!tpu.dma_semaphore, #tpu.memory_space<semaphore_mem>>
      %dma_start3A = arith.constant 0 : i32
      %dma_start3A_57 = tpu.memref_slice %arg7[%arg0, %add3A_40, %dma_start3A] : memref<2x10240x128xf32, #tpu.memory_space<hbm>> -> memref<1x64x128xf32, #tpu.memory_space<hbm>>
      %dma_start3A_58 = tpu.memref_squeeze %dma_start3A_57 : memref<1x64x128xf32, #tpu.memory_space<hbm>> -> memref<64x128xf32, #tpu.memory_space<hbm>>
      %dma_start3A_59 = arith.constant 0 : i32
      %dma_start3A_60 = tpu.memref_slice %arg18[%add3A_40, %dma_start3A_59] : memref<10240x128xf32, #tpu.memory_space<vmem_shared>> -> memref<64x128xf32, #tpu.memory_space<vmem_shared>>
      tpu.enqueue_dma source(%dma_start3A_60 : memref<64x128xf32, #tpu.memory_space<vmem_shared>>) target(%dma_start3A_58 : memref<64x128xf32, #tpu.memory_space<hbm>>) target_semaphore(%run_scoped3A : memref<!tpu.dma_semaphore, #tpu.memory_space<semaphore_mem>>)
      %dma_wait3A = arith.constant 0 : i32
      %dma_wait3A_61 = tpu.memref_slice %arg7[%arg0, %add3A_40, %dma_wait3A] : memref<2x10240x128xf32, #tpu.memory_space<hbm>> -> memref<1x64x128xf32, #tpu.memory_space<hbm>>
      %dma_wait3A_62 = tpu.memref_squeeze %dma_wait3A_61 : memref<1x64x128xf32, #tpu.memory_space<hbm>> -> memref<64x128xf32, #tpu.memory_space<hbm>>
      %dma_wait3A_63 = arith.constant 0 : i32
      %dma_wait3A_64 = tpu.memref_slice %arg18[%add3A_40, %dma_wait3A_63] : memref<10240x128xf32, #tpu.memory_space<vmem_shared>> -> memref<64x128xf32, #tpu.memory_space<vmem_shared>>
      tpu.wait_dma2 semaphore(%run_scoped3A : memref<!tpu.dma_semaphore, #tpu.memory_space<semaphore_mem>>) src(%dma_wait3A_64 : memref<64x128xf32, #tpu.memory_space<vmem_shared>>) dst(%dma_wait3A_62 : memref<64x128xf32, #tpu.memory_space<hbm>>)
      tpu.yield
    }) : () -> ()
    %add3A_41 = arith.constant 128 : i32
    %add3A_42 = arith.addi %mul3A_10, %add3A_41 : i32
    "tpu.region"() ({
      %run_scoped3A = tpu.sem_alloc : memref<!tpu.dma_semaphore, #tpu.memory_space<semaphore_mem>>
      %dma_start3A = arith.constant 0 : i32
      %dma_start3A_57 = tpu.memref_slice %arg7[%arg0, %add3A_42, %dma_start3A] : memref<2x10240x128xf32, #tpu.memory_space<hbm>> -> memref<1x64x128xf32, #tpu.memory_space<hbm>>
      %dma_start3A_58 = tpu.memref_squeeze %dma_start3A_57 : memref<1x64x128xf32, #tpu.memory_space<hbm>> -> memref<64x128xf32, #tpu.memory_space<hbm>>
      %dma_start3A_59 = arith.constant 0 : i32
      %dma_start3A_60 = tpu.memref_slice %arg18[%add3A_42, %dma_start3A_59] : memref<10240x128xf32, #tpu.memory_space<vmem_shared>> -> memref<64x128xf32, #tpu.memory_space<vmem_shared>>
      tpu.enqueue_dma source(%dma_start3A_60 : memref<64x128xf32, #tpu.memory_space<vmem_shared>>) target(%dma_start3A_58 : memref<64x128xf32, #tpu.memory_space<hbm>>) target_semaphore(%run_scoped3A : memref<!tpu.dma_semaphore, #tpu.memory_space<semaphore_mem>>)
      %dma_wait3A = arith.constant 0 : i32
      %dma_wait3A_61 = tpu.memref_slice %arg7[%arg0, %add3A_42, %dma_wait3A] : memref<2x10240x128xf32, #tpu.memory_space<hbm>> -> memref<1x64x128xf32, #tpu.memory_space<hbm>>
      %dma_wait3A_62 = tpu.memref_squeeze %dma_wait3A_61 : memref<1x64x128xf32, #tpu.memory_space<hbm>> -> memref<64x128xf32, #tpu.memory_space<hbm>>
      %dma_wait3A_63 = arith.constant 0 : i32
      %dma_wait3A_64 = tpu.memref_slice %arg18[%add3A_42, %dma_wait3A_63] : memref<10240x128xf32, #tpu.memory_space<vmem_shared>> -> memref<64x128xf32, #tpu.memory_space<vmem_shared>>
      tpu.wait_dma2 semaphore(%run_scoped3A : memref<!tpu.dma_semaphore, #tpu.memory_space<semaphore_mem>>) src(%dma_wait3A_64 : memref<64x128xf32, #tpu.memory_space<vmem_shared>>) dst(%dma_wait3A_62 : memref<64x128xf32, #tpu.memory_space<hbm>>)
      tpu.yield
    }) : () -> ()
    %add3A_43 = arith.constant 192 : i32
    %add3A_44 = arith.addi %mul3A_10, %add3A_43 : i32
    "tpu.region"() ({
      %run_scoped3A = tpu.sem_alloc : memref<!tpu.dma_semaphore, #tpu.memory_space<semaphore_mem>>
      %dma_start3A = arith.constant 0 : i32
      %dma_start3A_57 = tpu.memref_slice %arg7[%arg0, %add3A_44, %dma_start3A] : memref<2x10240x128xf32, #tpu.memory_space<hbm>> -> memref<1x64x128xf32, #tpu.memory_space<hbm>>
      %dma_start3A_58 = tpu.memref_squeeze %dma_start3A_57 : memref<1x64x128xf32, #tpu.memory_space<hbm>> -> memref<64x128xf32, #tpu.memory_space<hbm>>
      %dma_start3A_59 = arith.constant 0 : i32
      %dma_start3A_60 = tpu.memref_slice %arg18[%add3A_44, %dma_start3A_59] : memref<10240x128xf32, #tpu.memory_space<vmem_shared>> -> memref<64x128xf32, #tpu.memory_space<vmem_shared>>
      tpu.enqueue_dma source(%dma_start3A_60 : memref<64x128xf32, #tpu.memory_space<vmem_shared>>) target(%dma_start3A_58 : memref<64x128xf32, #tpu.memory_space<hbm>>) target_semaphore(%run_scoped3A : memref<!tpu.dma_semaphore, #tpu.memory_space<semaphore_mem>>)
      %dma_wait3A = arith.constant 0 : i32
      %dma_wait3A_61 = tpu.memref_slice %arg7[%arg0, %add3A_44, %dma_wait3A] : memref<2x10240x128xf32, #tpu.memory_space<hbm>> -> memref<1x64x128xf32, #tpu.memory_space<hbm>>
      %dma_wait3A_62 = tpu.memref_squeeze %dma_wait3A_61 : memref<1x64x128xf32, #tpu.memory_space<hbm>> -> memref<64x128xf32, #tpu.memory_space<hbm>>
      %dma_wait3A_63 = arith.constant 0 : i32
      %dma_wait3A_64 = tpu.memref_slice %arg18[%add3A_44, %dma_wait3A_63] : memref<10240x128xf32, #tpu.memory_space<vmem_shared>> -> memref<64x128xf32, #tpu.memory_space<vmem_shared>>
      tpu.wait_dma2 semaphore(%run_scoped3A : memref<!tpu.dma_semaphore, #tpu.memory_space<semaphore_mem>>) src(%dma_wait3A_64 : memref<64x128xf32, #tpu.memory_space<vmem_shared>>) dst(%dma_wait3A_62 : memref<64x128xf32, #tpu.memory_space<hbm>>)
      tpu.yield
    }) : () -> ()
    %add3A_45 = arith.constant 256 : i32
    %add3A_46 = arith.addi %mul3A_10, %add3A_45 : i32
    "tpu.region"() ({
      %run_scoped3A = tpu.sem_alloc : memref<!tpu.dma_semaphore, #tpu.memory_space<semaphore_mem>>
      %dma_start3A = arith.constant 0 : i32
      %dma_start3A_57 = tpu.memref_slice %arg7[%arg0, %add3A_46, %dma_start3A] : memref<2x10240x128xf32, #tpu.memory_space<hbm>> -> memref<1x64x128xf32, #tpu.memory_space<hbm>>
      %dma_start3A_58 = tpu.memref_squeeze %dma_start3A_57 : memref<1x64x128xf32, #tpu.memory_space<hbm>> -> memref<64x128xf32, #tpu.memory_space<hbm>>
      %dma_start3A_59 = arith.constant 0 : i32
      %dma_start3A_60 = tpu.memref_slice %arg18[%add3A_46, %dma_start3A_59] : memref<10240x128xf32, #tpu.memory_space<vmem_shared>> -> memref<64x128xf32, #tpu.memory_space<vmem_shared>>
      tpu.enqueue_dma source(%dma_start3A_60 : memref<64x128xf32, #tpu.memory_space<vmem_shared>>) target(%dma_start3A_58 : memref<64x128xf32, #tpu.memory_space<hbm>>) target_semaphore(%run_scoped3A : memref<!tpu.dma_semaphore, #tpu.memory_space<semaphore_mem>>)
      %dma_wait3A = arith.constant 0 : i32
      %dma_wait3A_61 = tpu.memref_slice %arg7[%arg0, %add3A_46, %dma_wait3A] : memref<2x10240x128xf32, #tpu.memory_space<hbm>> -> memref<1x64x128xf32, #tpu.memory_space<hbm>>
      %dma_wait3A_62 = tpu.memref_squeeze %dma_wait3A_61 : memref<1x64x128xf32, #tpu.memory_space<hbm>> -> memref<64x128xf32, #tpu.memory_space<hbm>>
      %dma_wait3A_63 = arith.constant 0 : i32
      %dma_wait3A_64 = tpu.memref_slice %arg18[%add3A_46, %dma_wait3A_63] : memref<10240x128xf32, #tpu.memory_space<vmem_shared>> -> memref<64x128xf32, #tpu.memory_space<vmem_shared>>
      tpu.wait_dma2 semaphore(%run_scoped3A : memref<!tpu.dma_semaphore, #tpu.memory_space<semaphore_mem>>) src(%dma_wait3A_64 : memref<64x128xf32, #tpu.memory_space<vmem_shared>>) dst(%dma_wait3A_62 : memref<64x128xf32, #tpu.memory_space<hbm>>)
      tpu.yield
    }) : () -> ()
    %add3A_47 = arith.constant 320 : i32
    %add3A_48 = arith.addi %mul3A_10, %add3A_47 : i32
    "tpu.region"() ({
      %run_scoped3A = tpu.sem_alloc : memref<!tpu.dma_semaphore, #tpu.memory_space<semaphore_mem>>
      %dma_start3A = arith.constant 0 : i32
      %dma_start3A_57 = tpu.memref_slice %arg7[%arg0, %add3A_48, %dma_start3A] : memref<2x10240x128xf32, #tpu.memory_space<hbm>> -> memref<1x64x128xf32, #tpu.memory_space<hbm>>
      %dma_start3A_58 = tpu.memref_squeeze %dma_start3A_57 : memref<1x64x128xf32, #tpu.memory_space<hbm>> -> memref<64x128xf32, #tpu.memory_space<hbm>>
      %dma_start3A_59 = arith.constant 0 : i32
      %dma_start3A_60 = tpu.memref_slice %arg18[%add3A_48, %dma_start3A_59] : memref<10240x128xf32, #tpu.memory_space<vmem_shared>> -> memref<64x128xf32, #tpu.memory_space<vmem_shared>>
      tpu.enqueue_dma source(%dma_start3A_60 : memref<64x128xf32, #tpu.memory_space<vmem_shared>>) target(%dma_start3A_58 : memref<64x128xf32, #tpu.memory_space<hbm>>) target_semaphore(%run_scoped3A : memref<!tpu.dma_semaphore, #tpu.memory_space<semaphore_mem>>)
      %dma_wait3A = arith.constant 0 : i32
      %dma_wait3A_61 = tpu.memref_slice %arg7[%arg0, %add3A_48, %dma_wait3A] : memref<2x10240x128xf32, #tpu.memory_space<hbm>> -> memref<1x64x128xf32, #tpu.memory_space<hbm>>
      %dma_wait3A_62 = tpu.memref_squeeze %dma_wait3A_61 : memref<1x64x128xf32, #tpu.memory_space<hbm>> -> memref<64x128xf32, #tpu.memory_space<hbm>>
      %dma_wait3A_63 = arith.constant 0 : i32
      %dma_wait3A_64 = tpu.memref_slice %arg18[%add3A_48, %dma_wait3A_63] : memref<10240x128xf32, #tpu.memory_space<vmem_shared>> -> memref<64x128xf32, #tpu.memory_space<vmem_shared>>
      tpu.wait_dma2 semaphore(%run_scoped3A : memref<!tpu.dma_semaphore, #tpu.memory_space<semaphore_mem>>) src(%dma_wait3A_64 : memref<64x128xf32, #tpu.memory_space<vmem_shared>>) dst(%dma_wait3A_62 : memref<64x128xf32, #tpu.memory_space<hbm>>)
      tpu.yield
    }) : () -> ()
    %add3A_49 = arith.constant 384 : i32
    %add3A_50 = arith.addi %mul3A_10, %add3A_49 : i32
    "tpu.region"() ({
      %run_scoped3A = tpu.sem_alloc : memref<!tpu.dma_semaphore, #tpu.memory_space<semaphore_mem>>
      %dma_start3A = arith.constant 0 : i32
      %dma_start3A_57 = tpu.memref_slice %arg7[%arg0, %add3A_50, %dma_start3A] : memref<2x10240x128xf32, #tpu.memory_space<hbm>> -> memref<1x64x128xf32, #tpu.memory_space<hbm>>
      %dma_start3A_58 = tpu.memref_squeeze %dma_start3A_57 : memref<1x64x128xf32, #tpu.memory_space<hbm>> -> memref<64x128xf32, #tpu.memory_space<hbm>>
      %dma_start3A_59 = arith.constant 0 : i32
      %dma_start3A_60 = tpu.memref_slice %arg18[%add3A_50, %dma_start3A_59] : memref<10240x128xf32, #tpu.memory_space<vmem_shared>> -> memref<64x128xf32, #tpu.memory_space<vmem_shared>>
      tpu.enqueue_dma source(%dma_start3A_60 : memref<64x128xf32, #tpu.memory_space<vmem_shared>>) target(%dma_start3A_58 : memref<64x128xf32, #tpu.memory_space<hbm>>) target_semaphore(%run_scoped3A : memref<!tpu.dma_semaphore, #tpu.memory_space<semaphore_mem>>)
      %dma_wait3A = arith.constant 0 : i32
      %dma_wait3A_61 = tpu.memref_slice %arg7[%arg0, %add3A_50, %dma_wait3A] : memref<2x10240x128xf32, #tpu.memory_space<hbm>> -> memref<1x64x128xf32, #tpu.memory_space<hbm>>
      %dma_wait3A_62 = tpu.memref_squeeze %dma_wait3A_61 : memref<1x64x128xf32, #tpu.memory_space<hbm>> -> memref<64x128xf32, #tpu.memory_space<hbm>>
      %dma_wait3A_63 = arith.constant 0 : i32
      %dma_wait3A_64 = tpu.memref_slice %arg18[%add3A_50, %dma_wait3A_63] : memref<10240x128xf32, #tpu.memory_space<vmem_shared>> -> memref<64x128xf32, #tpu.memory_space<vmem_shared>>
      tpu.wait_dma2 semaphore(%run_scoped3A : memref<!tpu.dma_semaphore, #tpu.memory_space<semaphore_mem>>) src(%dma_wait3A_64 : memref<64x128xf32, #tpu.memory_space<vmem_shared>>) dst(%dma_wait3A_62 : memref<64x128xf32, #tpu.memory_space<hbm>>)
      tpu.yield
    }) : () -> ()
    %add3A_51 = arith.constant 448 : i32
    %add3A_52 = arith.addi %mul3A_10, %add3A_51 : i32
    "tpu.region"() ({
      %run_scoped3A = tpu.sem_alloc : memref<!tpu.dma_semaphore, #tpu.memory_space<semaphore_mem>>
      %dma_start3A = arith.constant 0 : i32
      %dma_start3A_57 = tpu.memref_slice %arg7[%arg0, %add3A_52, %dma_start3A] : memref<2x10240x128xf32, #tpu.memory_space<hbm>> -> memref<1x64x128xf32, #tpu.memory_space<hbm>>
      %dma_start3A_58 = tpu.memref_squeeze %dma_start3A_57 : memref<1x64x128xf32, #tpu.memory_space<hbm>> -> memref<64x128xf32, #tpu.memory_space<hbm>>
      %dma_start3A_59 = arith.constant 0 : i32
      %dma_start3A_60 = tpu.memref_slice %arg18[%add3A_52, %dma_start3A_59] : memref<10240x128xf32, #tpu.memory_space<vmem_shared>> -> memref<64x128xf32, #tpu.memory_space<vmem_shared>>
      tpu.enqueue_dma source(%dma_start3A_60 : memref<64x128xf32, #tpu.memory_space<vmem_shared>>) target(%dma_start3A_58 : memref<64x128xf32, #tpu.memory_space<hbm>>) target_semaphore(%run_scoped3A : memref<!tpu.dma_semaphore, #tpu.memory_space<semaphore_mem>>)
      %dma_wait3A = arith.constant 0 : i32
      %dma_wait3A_61 = tpu.memref_slice %arg7[%arg0, %add3A_52, %dma_wait3A] : memref<2x10240x128xf32, #tpu.memory_space<hbm>> -> memref<1x64x128xf32, #tpu.memory_space<hbm>>
      %dma_wait3A_62 = tpu.memref_squeeze %dma_wait3A_61 : memref<1x64x128xf32, #tpu.memory_space<hbm>> -> memref<64x128xf32, #tpu.memory_space<hbm>>
      %dma_wait3A_63 = arith.constant 0 : i32
      %dma_wait3A_64 = tpu.memref_slice %arg18[%add3A_52, %dma_wait3A_63] : memref<10240x128xf32, #tpu.memory_space<vmem_shared>> -> memref<64x128xf32, #tpu.memory_space<vmem_shared>>
      tpu.wait_dma2 semaphore(%run_scoped3A : memref<!tpu.dma_semaphore, #tpu.memory_space<semaphore_mem>>) src(%dma_wait3A_64 : memref<64x128xf32, #tpu.memory_space<vmem_shared>>) dst(%dma_wait3A_62 : memref<64x128xf32, #tpu.memory_space<hbm>>)
      tpu.yield
    }) : () -> ()
    %add3A_53 = arith.constant 512 : i32
    %add3A_54 = arith.addi %mul3A_10, %add3A_53 : i32
    "tpu.region"() ({
      %run_scoped3A = tpu.sem_alloc : memref<!tpu.dma_semaphore, #tpu.memory_space<semaphore_mem>>
      %dma_start3A = arith.constant 0 : i32
      %dma_start3A_57 = tpu.memref_slice %arg7[%arg0, %add3A_54, %dma_start3A] : memref<2x10240x128xf32, #tpu.memory_space<hbm>> -> memref<1x64x128xf32, #tpu.memory_space<hbm>>
      %dma_start3A_58 = tpu.memref_squeeze %dma_start3A_57 : memref<1x64x128xf32, #tpu.memory_space<hbm>> -> memref<64x128xf32, #tpu.memory_space<hbm>>
      %dma_start3A_59 = arith.constant 0 : i32
      %dma_start3A_60 = tpu.memref_slice %arg18[%add3A_54, %dma_start3A_59] : memref<10240x128xf32, #tpu.memory_space<vmem_shared>> -> memref<64x128xf32, #tpu.memory_space<vmem_shared>>
      tpu.enqueue_dma source(%dma_start3A_60 : memref<64x128xf32, #tpu.memory_space<vmem_shared>>) target(%dma_start3A_58 : memref<64x128xf32, #tpu.memory_space<hbm>>) target_semaphore(%run_scoped3A : memref<!tpu.dma_semaphore, #tpu.memory_space<semaphore_mem>>)
      %dma_wait3A = arith.constant 0 : i32
      %dma_wait3A_61 = tpu.memref_slice %arg7[%arg0, %add3A_54, %dma_wait3A] : memref<2x10240x128xf32, #tpu.memory_space<hbm>> -> memref<1x64x128xf32, #tpu.memory_space<hbm>>
      %dma_wait3A_62 = tpu.memref_squeeze %dma_wait3A_61 : memref<1x64x128xf32, #tpu.memory_space<hbm>> -> memref<64x128xf32, #tpu.memory_space<hbm>>
      %dma_wait3A_63 = arith.constant 0 : i32
      %dma_wait3A_64 = tpu.memref_slice %arg18[%add3A_54, %dma_wait3A_63] : memref<10240x128xf32, #tpu.memory_space<vmem_shared>> -> memref<64x128xf32, #tpu.memory_space<vmem_shared>>
      tpu.wait_dma2 semaphore(%run_scoped3A : memref<!tpu.dma_semaphore, #tpu.memory_space<semaphore_mem>>) src(%dma_wait3A_64 : memref<64x128xf32, #tpu.memory_space<vmem_shared>>) dst(%dma_wait3A_62 : memref<64x128xf32, #tpu.memory_space<hbm>>)
      tpu.yield
    }) : () -> ()
    %add3A_55 = arith.constant 576 : i32
    %add3A_56 = arith.addi %mul3A_10, %add3A_55 : i32
    "tpu.region"() ({
      %run_scoped3A = tpu.sem_alloc : memref<!tpu.dma_semaphore, #tpu.memory_space<semaphore_mem>>
      %dma_start3A = arith.constant 0 : i32
      %dma_start3A_57 = tpu.memref_slice %arg7[%arg0, %add3A_56, %dma_start3A] : memref<2x10240x128xf32, #tpu.memory_space<hbm>> -> memref<1x64x128xf32, #tpu.memory_space<hbm>>
      %dma_start3A_58 = tpu.memref_squeeze %dma_start3A_57 : memref<1x64x128xf32, #tpu.memory_space<hbm>> -> memref<64x128xf32, #tpu.memory_space<hbm>>
      %dma_start3A_59 = arith.constant 0 : i32
      %dma_start3A_60 = tpu.memref_slice %arg18[%add3A_56, %dma_start3A_59] : memref<10240x128xf32, #tpu.memory_space<vmem_shared>> -> memref<64x128xf32, #tpu.memory_space<vmem_shared>>
      tpu.enqueue_dma source(%dma_start3A_60 : memref<64x128xf32, #tpu.memory_space<vmem_shared>>) target(%dma_start3A_58 : memref<64x128xf32, #tpu.memory_space<hbm>>) target_semaphore(%run_scoped3A : memref<!tpu.dma_semaphore, #tpu.memory_space<semaphore_mem>>)
      %dma_wait3A = arith.constant 0 : i32
      %dma_wait3A_61 = tpu.memref_slice %arg7[%arg0, %add3A_56, %dma_wait3A] : memref<2x10240x128xf32, #tpu.memory_space<hbm>> -> memref<1x64x128xf32, #tpu.memory_space<hbm>>
      %dma_wait3A_62 = tpu.memref_squeeze %dma_wait3A_61 : memref<1x64x128xf32, #tpu.memory_space<hbm>> -> memref<64x128xf32, #tpu.memory_space<hbm>>
      %dma_wait3A_63 = arith.constant 0 : i32
      %dma_wait3A_64 = tpu.memref_slice %arg18[%add3A_56, %dma_wait3A_63] : memref<10240x128xf32, #tpu.memory_space<vmem_shared>> -> memref<64x128xf32, #tpu.memory_space<vmem_shared>>
      tpu.wait_dma2 semaphore(%run_scoped3A : memref<!tpu.dma_semaphore, #tpu.memory_space<semaphore_mem>>) src(%dma_wait3A_64 : memref<64x128xf32, #tpu.memory_space<vmem_shared>>) dst(%dma_wait3A_62 : memref<64x128xf32, #tpu.memory_space<hbm>>)
      tpu.yield
    }) : () -> ()
    return
  }
}

#map = affine_map<(d0, d1) -> (0, 0)>
#map1 = affine_map<(d0, d1) -> (0, 0, 0)>
module attributes {stable_mosaic.version = 14 : i64} {
  func.func @body(%arg0: i32, %arg1: i32, %arg2: memref<40960x128xf32, #tpu.memory_space<hbm>>, %arg3: memref<5120x64xi32, #tpu.memory_space<hbm>>, %arg4: memref<5120x64xi32, #tpu.memory_space<hbm>>, %arg5: memref<5120x64xi32, #tpu.memory_space<hbm>>, %arg6: memref<5120x64xi32, #tpu.memory_space<hbm>>, %arg7: memref<2x10240x128xf32, #tpu.memory_space<hbm>>, %arg8: memref<8x64xi32, #tpu.memory_space<vmem>>, %arg9: memref<8x64xi32, #tpu.memory_space<vmem>>, %arg10: memref<8x64xi32, #tpu.memory_space<vmem>>, %arg11: memref<8x64xi32, #tpu.memory_space<vmem>>, %arg12: memref<64x128xf32, #tpu.memory_space<vmem>>, %arg13: memref<64x128xf32, #tpu.memory_space<vmem>>, %arg14: memref<64x128xf32, #tpu.memory_space<vmem>>, %arg15: memref<64x128xf32, #tpu.memory_space<vmem>>, %arg16: memref<!tpu.dma_semaphore, #tpu.memory_space<semaphore_mem>>, %arg17: memref<!tpu.dma_semaphore, #tpu.memory_space<semaphore_mem>>, %arg18: memref<10240x128xf32, #tpu.memory_space<vmem_shared>>) attributes {dimension_semantics = [#tpu.dimension_semantics<core_parallel>, #tpu.dimension_semantics<subcore_parallel>], iteration_bounds = array<i64: 2, 16>, scalar_prefetch = 0 : i64, scratch_operands = 11 : i64, tpu.core_type = #tpu.core_type<sc_vector_subcore>, window_params = [{transform_indices = #map}, {transform_indices = #map}, {transform_indices = #map}, {transform_indices = #map}, {transform_indices = #map}, {transform_indices = #map1}]} {
    %mul3A = arith.constant 64 : i32
    %mul3A_0 = arith.muli %arg0, %mul3A : i32
    %mul3A_1 = arith.constant 320 : i32
    %mul3A_2 = arith.muli %arg1, %mul3A_1 : i32
    %broadcast_in_dim3A = arith.constant 0.000000e+00 : f32
    %broadcast_in_dim3A_3 = vector.broadcast %broadcast_in_dim3A : f32 to vector<16xf32>
    %scan3A = arith.constant 0 : i32
    %scan3A_4 = arith.constant 0 : i32
    %scan3A_5 = arith.constant 64 : i32
    %scan3A_6 = arith.addi %scan3A_4, %scan3A_5 : i32
    %scan3A_7 = arith.constant 1 : i32
    scf.for %scan3A_57 = %scan3A_4 to %scan3A_6 step %scan3A_7  : i32 {
      %swap3A = arith.index_cast %scan3A_57 : i32 to index
      %swap3A_58 = arith.constant 0 : index
      %swap3A_59 = tpu.vector_load %arg14[%swap3A, %swap3A_58] {strides = array<i32>} : memref<64x128xf32, #tpu.memory_space<vmem>>, vector<1x16xf32>,
      %swap3A_60 = vector.shape_cast %swap3A_59 : vector<1x16xf32> to vector<16xf32>
      %swap3A_61 = vector.shape_cast %broadcast_in_dim3A_3 : vector<16xf32> to vector<1x16xf32>
      tpu.vector_store %arg14[%swap3A, %swap3A_58], %swap3A_61 {strides = array<i32>} : memref<64x128xf32, #tpu.memory_space<vmem>>, vector<1x16xf32>,
      %swap3A_62 = arith.index_cast %scan3A_57 : i32 to index
      %swap3A_63 = arith.constant 0 : index
      %swap3A_64 = tpu.vector_load %arg15[%swap3A_62, %swap3A_63] {strides = array<i32>} : memref<64x128xf32, #tpu.memory_space<vmem>>, vector<1x16xf32>,
      %swap3A_65 = vector.shape_cast %swap3A_64 : vector<1x16xf32> to vector<16xf32>
      %swap3A_66 = vector.shape_cast %broadcast_in_dim3A_3 : vector<16xf32> to vector<1x16xf32>
      tpu.vector_store %arg15[%swap3A_62, %swap3A_63], %swap3A_66 {strides = array<i32>} : memref<64x128xf32, #tpu.memory_space<vmem>>, vector<1x16xf32>,
      %swap3A_67 = arith.index_cast %scan3A_57 : i32 to index
      %swap3A_68 = arith.constant 16 : index
      %swap3A_69 = tpu.vector_load %arg14[%swap3A_67, %swap3A_68] {strides = array<i32>} : memref<64x128xf32, #tpu.memory_space<vmem>>, vector<1x16xf32>,
      %swap3A_70 = vector.shape_cast %swap3A_69 : vector<1x16xf32> to vector<16xf32>
      %swap3A_71 = vector.shape_cast %broadcast_in_dim3A_3 : vector<16xf32> to vector<1x16xf32>
      tpu.vector_store %arg14[%swap3A_67, %swap3A_68], %swap3A_71 {strides = array<i32>} : memref<64x128xf32, #tpu.memory_space<vmem>>, vector<1x16xf32>,
      %swap3A_72 = arith.index_cast %scan3A_57 : i32 to index
      %swap3A_73 = arith.constant 16 : index
      %swap3A_74 = tpu.vector_load %arg15[%swap3A_72, %swap3A_73] {strides = array<i32>} : memref<64x128xf32, #tpu.memory_space<vmem>>, vector<1x16xf32>,
      %swap3A_75 = vector.shape_cast %swap3A_74 : vector<1x16xf32> to vector<16xf32>
      %swap3A_76 = vector.shape_cast %broadcast_in_dim3A_3 : vector<16xf32> to vector<1x16xf32>
      tpu.vector_store %arg15[%swap3A_72, %swap3A_73], %swap3A_76 {strides = array<i32>} : memref<64x128xf32, #tpu.memory_space<vmem>>, vector<1x16xf32>,
      %swap3A_77 = arith.index_cast %scan3A_57 : i32 to index
      %swap3A_78 = arith.constant 32 : index
      %swap3A_79 = tpu.vector_load %arg14[%swap3A_77, %swap3A_78] {strides = array<i32>} : memref<64x128xf32, #tpu.memory_space<vmem>>, vector<1x16xf32>,
      %swap3A_80 = vector.shape_cast %swap3A_79 : vector<1x16xf32> to vector<16xf32>
      %swap3A_81 = vector.shape_cast %broadcast_in_dim3A_3 : vector<16xf32> to vector<1x16xf32>
      tpu.vector_store %arg14[%swap3A_77, %swap3A_78], %swap3A_81 {strides = array<i32>} : memref<64x128xf32, #tpu.memory_space<vmem>>, vector<1x16xf32>,
      %swap3A_82 = arith.index_cast %scan3A_57 : i32 to index
      %swap3A_83 = arith.constant 32 : index
      %swap3A_84 = tpu.vector_load %arg15[%swap3A_82, %swap3A_83] {strides = array<i32>} : memref<64x128xf32, #tpu.memory_space<vmem>>, vector<1x16xf32>,
      %swap3A_85 = vector.shape_cast %swap3A_84 : vector<1x16xf32> to vector<16xf32>
      %swap3A_86 = vector.shape_cast %broadcast_in_dim3A_3 : vector<16xf32> to vector<1x16xf32>
      tpu.vector_store %arg15[%swap3A_82, %swap3A_83], %swap3A_86 {strides = array<i32>} : memref<64x128xf32, #tpu.memory_space<vmem>>, vector<1x16xf32>,
      %swap3A_87 = arith.index_cast %scan3A_57 : i32 to index
      %swap3A_88 = arith.constant 48 : index
      %swap3A_89 = tpu.vector_load %arg14[%swap3A_87, %swap3A_88] {strides = array<i32>} : memref<64x128xf32, #tpu.memory_space<vmem>>, vector<1x16xf32>,
      %swap3A_90 = vector.shape_cast %swap3A_89 : vector<1x16xf32> to vector<16xf32>
      %swap3A_91 = vector.shape_cast %broadcast_in_dim3A_3 : vector<16xf32> to vector<1x16xf32>
      tpu.vector_store %arg14[%swap3A_87, %swap3A_88], %swap3A_91 {strides = array<i32>} : memref<64x128xf32, #tpu.memory_space<vmem>>, vector<1x16xf32>,
      %swap3A_92 = arith.index_cast %scan3A_57 : i32 to index
      %swap3A_93 = arith.constant 48 : index
      %swap3A_94 = tpu.vector_load %arg15[%swap3A_92, %swap3A_93] {strides = array<i32>} : memref<64x128xf32, #tpu.memory_space<vmem>>, vector<1x16xf32>,
      %swap3A_95 = vector.shape_cast %swap3A_94 : vector<1x16xf32> to vector<16xf32>
      %swap3A_96 = vector.shape_cast %broadcast_in_dim3A_3 : vector<16xf32> to vector<1x16xf32>
      tpu.vector_store %arg15[%swap3A_92, %swap3A_93], %swap3A_96 {strides = array<i32>} : memref<64x128xf32, #tpu.memory_space<vmem>>, vector<1x16xf32>,
      %swap3A_97 = arith.index_cast %scan3A_57 : i32 to index
      %swap3A_98 = arith.constant 64 : index
      %swap3A_99 = tpu.vector_load %arg14[%swap3A_97, %swap3A_98] {strides = array<i32>} : memref<64x128xf32, #tpu.memory_space<vmem>>, vector<1x16xf32>,
      %swap3A_100 = vector.shape_cast %swap3A_99 : vector<1x16xf32> to vector<16xf32>
      %swap3A_101 = vector.shape_cast %broadcast_in_dim3A_3 : vector<16xf32> to vector<1x16xf32>
      tpu.vector_store %arg14[%swap3A_97, %swap3A_98], %swap3A_101 {strides = array<i32>} : memref<64x128xf32, #tpu.memory_space<vmem>>, vector<1x16xf32>,
      %swap3A_102 = arith.index_cast %scan3A_57 : i32 to index
      %swap3A_103 = arith.constant 64 : index
      %swap3A_104 = tpu.vector_load %arg15[%swap3A_102, %swap3A_103] {strides = array<i32>} : memref<64x128xf32, #tpu.memory_space<vmem>>, vector<1x16xf32>,
      %swap3A_105 = vector.shape_cast %swap3A_104 : vector<1x16xf32> to vector<16xf32>
      %swap3A_106 = vector.shape_cast %broadcast_in_dim3A_3 : vector<16xf32> to vector<1x16xf32>
      tpu.vector_store %arg15[%swap3A_102, %swap3A_103], %swap3A_106 {strides = array<i32>} : memref<64x128xf32, #tpu.memory_space<vmem>>, vector<1x16xf32>,
      %swap3A_107 = arith.index_cast %scan3A_57 : i32 to index
      %swap3A_108 = arith.constant 80 : index
      %swap3A_109 = tpu.vector_load %arg14[%swap3A_107, %swap3A_108] {strides = array<i32>} : memref<64x128xf32, #tpu.memory_space<vmem>>, vector<1x16xf32>,
      %swap3A_110 = vector.shape_cast %swap3A_109 : vector<1x16xf32> to vector<16xf32>
      %swap3A_111 = vector.shape_cast %broadcast_in_dim3A_3 : vector<16xf32> to vector<1x16xf32>
      tpu.vector_store %arg14[%swap3A_107, %swap3A_108], %swap3A_111 {strides = array<i32>} : memref<64x128xf32, #tpu.memory_space<vmem>>, vector<1x16xf32>,
      %swap3A_112 = arith.index_cast %scan3A_57 : i32 to index
      %swap3A_113 = arith.constant 80 : index
      %swap3A_114 = tpu.vector_load %arg15[%swap3A_112, %swap3A_113] {strides = array<i32>} : memref<64x128xf32, #tpu.memory_space<vmem>>, vector<1x16xf32>,
      %swap3A_115 = vector.shape_cast %swap3A_114 : vector<1x16xf32> to vector<16xf32>
      %swap3A_116 = vector.shape_cast %broadcast_in_dim3A_3 : vector<16xf32> to vector<1x16xf32>
      tpu.vector_store %arg15[%swap3A_112, %swap3A_113], %swap3A_116 {strides = array<i32>} : memref<64x128xf32, #tpu.memory_space<vmem>>, vector<1x16xf32>,
      %swap3A_117 = arith.index_cast %scan3A_57 : i32 to index
      %swap3A_118 = arith.constant 96 : index
      %swap3A_119 = tpu.vector_load %arg14[%swap3A_117, %swap3A_118] {strides = array<i32>} : memref<64x128xf32, #tpu.memory_space<vmem>>, vector<1x16xf32>,
      %swap3A_120 = vector.shape_cast %swap3A_119 : vector<1x16xf32> to vector<16xf32>
      %swap3A_121 = vector.shape_cast %broadcast_in_dim3A_3 : vector<16xf32> to vector<1x16xf32>
      tpu.vector_store %arg14[%swap3A_117, %swap3A_118], %swap3A_121 {strides = array<i32>} : memref<64x128xf32, #tpu.memory_space<vmem>>, vector<1x16xf32>,
      %swap3A_122 = arith.index_cast %scan3A_57 : i32 to index
      %swap3A_123 = arith.constant 96 : index
      %swap3A_124 = tpu.vector_load %arg15[%swap3A_122, %swap3A_123] {strides = array<i32>} : memref<64x128xf32, #tpu.memory_space<vmem>>, vector<1x16xf32>,
      %swap3A_125 = vector.shape_cast %swap3A_124 : vector<1x16xf32> to vector<16xf32>
      %swap3A_126 = vector.shape_cast %broadcast_in_dim3A_3 : vector<16xf32> to vector<1x16xf32>
      tpu.vector_store %arg15[%swap3A_122, %swap3A_123], %swap3A_126 {strides = array<i32>} : memref<64x128xf32, #tpu.memory_space<vmem>>, vector<1x16xf32>,
      %swap3A_127 = arith.index_cast %scan3A_57 : i32 to index
      %swap3A_128 = arith.constant 112 : index
      %swap3A_129 = tpu.vector_load %arg14[%swap3A_127, %swap3A_128] {strides = array<i32>} : memref<64x128xf32, #tpu.memory_space<vmem>>, vector<1x16xf32>,
      %swap3A_130 = vector.shape_cast %swap3A_129 : vector<1x16xf32> to vector<16xf32>
      %swap3A_131 = vector.shape_cast %broadcast_in_dim3A_3 : vector<16xf32> to vector<1x16xf32>
      tpu.vector_store %arg14[%swap3A_127, %swap3A_128], %swap3A_131 {strides = array<i32>} : memref<64x128xf32, #tpu.memory_space<vmem>>, vector<1x16xf32>,
      %swap3A_132 = arith.index_cast %scan3A_57 : i32 to index
      %swap3A_133 = arith.constant 112 : index
      %swap3A_134 = tpu.vector_load %arg15[%swap3A_132, %swap3A_133] {strides = array<i32>} : memref<64x128xf32, #tpu.memory_space<vmem>>, vector<1x16xf32>,
      %swap3A_135 = vector.shape_cast %swap3A_134 : vector<1x16xf32> to vector<16xf32>
      %swap3A_136 = vector.shape_cast %broadcast_in_dim3A_3 : vector<16xf32> to vector<1x16xf32>
      tpu.vector_store %arg15[%swap3A_132, %swap3A_133], %swap3A_136 {strides = array<i32>} : memref<64x128xf32, #tpu.memory_space<vmem>>, vector<1x16xf32>,
    }
    %scan3A_8 = arith.constant 64 : i32
    %mul3A_9 = arith.constant 640 : i32
    %mul3A_10 = arith.muli %arg1, %mul3A_9 : i32
    %add3A = arith.constant 0 : i32
    %add3A_11 = arith.addi %mul3A_10, %add3A : i32
    "tpu.region"() ({
      %run_scoped3A = tpu.sem_alloc : memref<!tpu.dma_semaphore, #tpu.memory_space<semaphore_mem>>
      %dma_start3A = arith.constant 0 : i32
      %dma_start3A_57 = tpu.memref_slice %arg18[%add3A_11, %dma_start3A] : memref<10240x128xf32, #tpu.memory_space<vmem_shared>> -> memref<64x128xf32, #tpu.memory_space<vmem_shared>>
      %dma_start3A_58 = arith.constant 0 : i32
      %dma_start3A_59 = tpu.memref_slice %arg18[%add3A_11, %dma_start3A_58] : memref<10240x128xf32, #tpu.memory_space<vmem_shared>> -> memref<64x128xf32, #tpu.memory_space<vmem_shared>>
      tpu.enqueue_dma source(%arg14 : memref<64x128xf32, #tpu.memory_space<vmem>>) target(%dma_start3A_59 : memref<64x128xf32, #tpu.memory_space<vmem_shared>>) target_semaphore(%run_scoped3A : memref<!tpu.dma_semaphore, #tpu.memory_space<semaphore_mem>>)
      %dma_wait3A = arith.constant 0 : i32
      %dma_wait3A_60 = tpu.memref_slice %arg18[%add3A_11, %dma_wait3A] : memref<10240x128xf32, #tpu.memory_space<vmem_shared>> -> memref<64x128xf32, #tpu.memory_space<vmem_shared>>
      %dma_wait3A_61 = arith.constant 0 : i32
      %dma_wait3A_62 = tpu.memref_slice %arg18[%add3A_11, %dma_wait3A_61] : memref<10240x128xf32, #tpu.memory_space<vmem_shared>> -> memref<64x128xf32, #tpu.memory_space<vmem_shared>>
      tpu.wait_dma2 semaphore(%run_scoped3A : memref<!tpu.dma_semaphore, #tpu.memory_space<semaphore_mem>>) src(%arg14 : memref<64x128xf32, #tpu.memory_space<vmem>>) dst(%dma_wait3A_62 : memref<64x128xf32, #tpu.memory_space<vmem_shared>>)
      tpu.yield
    }) : () -> ()
    %add3A_12 = arith.constant 64 : i32
    %add3A_13 = arith.addi %mul3A_10, %add3A_12 : i32
    "tpu.region"() ({
      %run_scoped3A = tpu.sem_alloc : memref<!tpu.dma_semaphore, #tpu.memory_space<semaphore_mem>>
      %dma_start3A = arith.constant 0 : i32
      %dma_start3A_57 = tpu.memref_slice %arg18[%add3A_13, %dma_start3A] : memref<10240x128xf32, #tpu.memory_space<vmem_shared>> -> memref<64x128xf32, #tpu.memory_space<vmem_shared>>
      %dma_start3A_58 = arith.constant 0 : i32
      %dma_start3A_59 = tpu.memref_slice %arg18[%add3A_13, %dma_start3A_58] : memref<10240x128xf32, #tpu.memory_space<vmem_shared>> -> memref<64x128xf32, #tpu.memory_space<vmem_shared>>
      tpu.enqueue_dma source(%arg14 : memref<64x128xf32, #tpu.memory_space<vmem>>) target(%dma_start3A_59 : memref<64x128xf32, #tpu.memory_space<vmem_shared>>) target_semaphore(%run_scoped3A : memref<!tpu.dma_semaphore, #tpu.memory_space<semaphore_mem>>)
      %dma_wait3A = arith.constant 0 : i32
      %dma_wait3A_60 = tpu.memref_slice %arg18[%add3A_13, %dma_wait3A] : memref<10240x128xf32, #tpu.memory_space<vmem_shared>> -> memref<64x128xf32, #tpu.memory_space<vmem_shared>>
      %dma_wait3A_61 = arith.constant 0 : i32
      %dma_wait3A_62 = tpu.memref_slice %arg18[%add3A_13, %dma_wait3A_61] : memref<10240x128xf32, #tpu.memory_space<vmem_shared>> -> memref<64x128xf32, #tpu.memory_space<vmem_shared>>
      tpu.wait_dma2 semaphore(%run_scoped3A : memref<!tpu.dma_semaphore, #tpu.memory_space<semaphore_mem>>) src(%arg14 : memref<64x128xf32, #tpu.memory_space<vmem>>) dst(%dma_wait3A_62 : memref<64x128xf32, #tpu.memory_space<vmem_shared>>)
      tpu.yield
    }) : () -> ()
    %add3A_14 = arith.constant 128 : i32
    %add3A_15 = arith.addi %mul3A_10, %add3A_14 : i32
    "tpu.region"() ({
      %run_scoped3A = tpu.sem_alloc : memref<!tpu.dma_semaphore, #tpu.memory_space<semaphore_mem>>
      %dma_start3A = arith.constant 0 : i32
      %dma_start3A_57 = tpu.memref_slice %arg18[%add3A_15, %dma_start3A] : memref<10240x128xf32, #tpu.memory_space<vmem_shared>> -> memref<64x128xf32, #tpu.memory_space<vmem_shared>>
      %dma_start3A_58 = arith.constant 0 : i32
      %dma_start3A_59 = tpu.memref_slice %arg18[%add3A_15, %dma_start3A_58] : memref<10240x128xf32, #tpu.memory_space<vmem_shared>> -> memref<64x128xf32, #tpu.memory_space<vmem_shared>>
      tpu.enqueue_dma source(%arg14 : memref<64x128xf32, #tpu.memory_space<vmem>>) target(%dma_start3A_59 : memref<64x128xf32, #tpu.memory_space<vmem_shared>>) target_semaphore(%run_scoped3A : memref<!tpu.dma_semaphore, #tpu.memory_space<semaphore_mem>>)
      %dma_wait3A = arith.constant 0 : i32
      %dma_wait3A_60 = tpu.memref_slice %arg18[%add3A_15, %dma_wait3A] : memref<10240x128xf32, #tpu.memory_space<vmem_shared>> -> memref<64x128xf32, #tpu.memory_space<vmem_shared>>
      %dma_wait3A_61 = arith.constant 0 : i32
      %dma_wait3A_62 = tpu.memref_slice %arg18[%add3A_15, %dma_wait3A_61] : memref<10240x128xf32, #tpu.memory_space<vmem_shared>> -> memref<64x128xf32, #tpu.memory_space<vmem_shared>>
      tpu.wait_dma2 semaphore(%run_scoped3A : memref<!tpu.dma_semaphore, #tpu.memory_space<semaphore_mem>>) src(%arg14 : memref<64x128xf32, #tpu.memory_space<vmem>>) dst(%dma_wait3A_62 : memref<64x128xf32, #tpu.memory_space<vmem_shared>>)
      tpu.yield
    }) : () -> ()
    %add3A_16 = arith.constant 192 : i32
    %add3A_17 = arith.addi %mul3A_10, %add3A_16 : i32
    "tpu.region"() ({
      %run_scoped3A = tpu.sem_alloc : memref<!tpu.dma_semaphore, #tpu.memory_space<semaphore_mem>>
      %dma_start3A = arith.constant 0 : i32
      %dma_start3A_57 = tpu.memref_slice %arg18[%add3A_17, %dma_start3A] : memref<10240x128xf32, #tpu.memory_space<vmem_shared>> -> memref<64x128xf32, #tpu.memory_space<vmem_shared>>
      %dma_start3A_58 = arith.constant 0 : i32
      %dma_start3A_59 = tpu.memref_slice %arg18[%add3A_17, %dma_start3A_58] : memref<10240x128xf32, #tpu.memory_space<vmem_shared>> -> memref<64x128xf32, #tpu.memory_space<vmem_shared>>
      tpu.enqueue_dma source(%arg14 : memref<64x128xf32, #tpu.memory_space<vmem>>) target(%dma_start3A_59 : memref<64x128xf32, #tpu.memory_space<vmem_shared>>) target_semaphore(%run_scoped3A : memref<!tpu.dma_semaphore, #tpu.memory_space<semaphore_mem>>)
      %dma_wait3A = arith.constant 0 : i32
      %dma_wait3A_60 = tpu.memref_slice %arg18[%add3A_17, %dma_wait3A] : memref<10240x128xf32, #tpu.memory_space<vmem_shared>> -> memref<64x128xf32, #tpu.memory_space<vmem_shared>>
      %dma_wait3A_61 = arith.constant 0 : i32
      %dma_wait3A_62 = tpu.memref_slice %arg18[%add3A_17, %dma_wait3A_61] : memref<10240x128xf32, #tpu.memory_space<vmem_shared>> -> memref<64x128xf32, #tpu.memory_space<vmem_shared>>
      tpu.wait_dma2 semaphore(%run_scoped3A : memref<!tpu.dma_semaphore, #tpu.memory_space<semaphore_mem>>) src(%arg14 : memref<64x128xf32, #tpu.memory_space<vmem>>) dst(%dma_wait3A_62 : memref<64x128xf32, #tpu.memory_space<vmem_shared>>)
      tpu.yield
    }) : () -> ()
    %add3A_18 = arith.constant 256 : i32
    %add3A_19 = arith.addi %mul3A_10, %add3A_18 : i32
    "tpu.region"() ({
      %run_scoped3A = tpu.sem_alloc : memref<!tpu.dma_semaphore, #tpu.memory_space<semaphore_mem>>
      %dma_start3A = arith.constant 0 : i32
      %dma_start3A_57 = tpu.memref_slice %arg18[%add3A_19, %dma_start3A] : memref<10240x128xf32, #tpu.memory_space<vmem_shared>> -> memref<64x128xf32, #tpu.memory_space<vmem_shared>>
      %dma_start3A_58 = arith.constant 0 : i32
      %dma_start3A_59 = tpu.memref_slice %arg18[%add3A_19, %dma_start3A_58] : memref<10240x128xf32, #tpu.memory_space<vmem_shared>> -> memref<64x128xf32, #tpu.memory_space<vmem_shared>>
      tpu.enqueue_dma source(%arg14 : memref<64x128xf32, #tpu.memory_space<vmem>>) target(%dma_start3A_59 : memref<64x128xf32, #tpu.memory_space<vmem_shared>>) target_semaphore(%run_scoped3A : memref<!tpu.dma_semaphore, #tpu.memory_space<semaphore_mem>>)
      %dma_wait3A = arith.constant 0 : i32
      %dma_wait3A_60 = tpu.memref_slice %arg18[%add3A_19, %dma_wait3A] : memref<10240x128xf32, #tpu.memory_space<vmem_shared>> -> memref<64x128xf32, #tpu.memory_space<vmem_shared>>
      %dma_wait3A_61 = arith.constant 0 : i32
      %dma_wait3A_62 = tpu.memref_slice %arg18[%add3A_19, %dma_wait3A_61] : memref<10240x128xf32, #tpu.memory_space<vmem_shared>> -> memref<64x128xf32, #tpu.memory_space<vmem_shared>>
      tpu.wait_dma2 semaphore(%run_scoped3A : memref<!tpu.dma_semaphore, #tpu.memory_space<semaphore_mem>>) src(%arg14 : memref<64x128xf32, #tpu.memory_space<vmem>>) dst(%dma_wait3A_62 : memref<64x128xf32, #tpu.memory_space<vmem_shared>>)
      tpu.yield
    }) : () -> ()
    %add3A_20 = arith.constant 320 : i32
    %add3A_21 = arith.addi %mul3A_10, %add3A_20 : i32
    "tpu.region"() ({
      %run_scoped3A = tpu.sem_alloc : memref<!tpu.dma_semaphore, #tpu.memory_space<semaphore_mem>>
      %dma_start3A = arith.constant 0 : i32
      %dma_start3A_57 = tpu.memref_slice %arg18[%add3A_21, %dma_start3A] : memref<10240x128xf32, #tpu.memory_space<vmem_shared>> -> memref<64x128xf32, #tpu.memory_space<vmem_shared>>
      %dma_start3A_58 = arith.constant 0 : i32
      %dma_start3A_59 = tpu.memref_slice %arg18[%add3A_21, %dma_start3A_58] : memref<10240x128xf32, #tpu.memory_space<vmem_shared>> -> memref<64x128xf32, #tpu.memory_space<vmem_shared>>
      tpu.enqueue_dma source(%arg14 : memref<64x128xf32, #tpu.memory_space<vmem>>) target(%dma_start3A_59 : memref<64x128xf32, #tpu.memory_space<vmem_shared>>) target_semaphore(%run_scoped3A : memref<!tpu.dma_semaphore, #tpu.memory_space<semaphore_mem>>)
      %dma_wait3A = arith.constant 0 : i32
      %dma_wait3A_60 = tpu.memref_slice %arg18[%add3A_21, %dma_wait3A] : memref<10240x128xf32, #tpu.memory_space<vmem_shared>> -> memref<64x128xf32, #tpu.memory_space<vmem_shared>>
      %dma_wait3A_61 = arith.constant 0 : i32
      %dma_wait3A_62 = tpu.memref_slice %arg18[%add3A_21, %dma_wait3A_61] : memref<10240x128xf32, #tpu.memory_space<vmem_shared>> -> memref<64x128xf32, #tpu.memory_space<vmem_shared>>
      tpu.wait_dma2 semaphore(%run_scoped3A : memref<!tpu.dma_semaphore, #tpu.memory_space<semaphore_mem>>) src(%arg14 : memref<64x128xf32, #tpu.memory_space<vmem>>) dst(%dma_wait3A_62 : memref<64x128xf32, #tpu.memory_space<vmem_shared>>)
      tpu.yield
    }) : () -> ()
    %add3A_22 = arith.constant 384 : i32
    %add3A_23 = arith.addi %mul3A_10, %add3A_22 : i32
    "tpu.region"() ({
      %run_scoped3A = tpu.sem_alloc : memref<!tpu.dma_semaphore, #tpu.memory_space<semaphore_mem>>
      %dma_start3A = arith.constant 0 : i32
      %dma_start3A_57 = tpu.memref_slice %arg18[%add3A_23, %dma_start3A] : memref<10240x128xf32, #tpu.memory_space<vmem_shared>> -> memref<64x128xf32, #tpu.memory_space<vmem_shared>>
      %dma_start3A_58 = arith.constant 0 : i32
      %dma_start3A_59 = tpu.memref_slice %arg18[%add3A_23, %dma_start3A_58] : memref<10240x128xf32, #tpu.memory_space<vmem_shared>> -> memref<64x128xf32, #tpu.memory_space<vmem_shared>>
      tpu.enqueue_dma source(%arg14 : memref<64x128xf32, #tpu.memory_space<vmem>>) target(%dma_start3A_59 : memref<64x128xf32, #tpu.memory_space<vmem_shared>>) target_semaphore(%run_scoped3A : memref<!tpu.dma_semaphore, #tpu.memory_space<semaphore_mem>>)
      %dma_wait3A = arith.constant 0 : i32
      %dma_wait3A_60 = tpu.memref_slice %arg18[%add3A_23, %dma_wait3A] : memref<10240x128xf32, #tpu.memory_space<vmem_shared>> -> memref<64x128xf32, #tpu.memory_space<vmem_shared>>
      %dma_wait3A_61 = arith.constant 0 : i32
      %dma_wait3A_62 = tpu.memref_slice %arg18[%add3A_23, %dma_wait3A_61] : memref<10240x128xf32, #tpu.memory_space<vmem_shared>> -> memref<64x128xf32, #tpu.memory_space<vmem_shared>>
      tpu.wait_dma2 semaphore(%run_scoped3A : memref<!tpu.dma_semaphore, #tpu.memory_space<semaphore_mem>>) src(%arg14 : memref<64x128xf32, #tpu.memory_space<vmem>>) dst(%dma_wait3A_62 : memref<64x128xf32, #tpu.memory_space<vmem_shared>>)
      tpu.yield
    }) : () -> ()
    %add3A_24 = arith.constant 448 : i32
    %add3A_25 = arith.addi %mul3A_10, %add3A_24 : i32
    "tpu.region"() ({
      %run_scoped3A = tpu.sem_alloc : memref<!tpu.dma_semaphore, #tpu.memory_space<semaphore_mem>>
      %dma_start3A = arith.constant 0 : i32
      %dma_start3A_57 = tpu.memref_slice %arg18[%add3A_25, %dma_start3A] : memref<10240x128xf32, #tpu.memory_space<vmem_shared>> -> memref<64x128xf32, #tpu.memory_space<vmem_shared>>
      %dma_start3A_58 = arith.constant 0 : i32
      %dma_start3A_59 = tpu.memref_slice %arg18[%add3A_25, %dma_start3A_58] : memref<10240x128xf32, #tpu.memory_space<vmem_shared>> -> memref<64x128xf32, #tpu.memory_space<vmem_shared>>
      tpu.enqueue_dma source(%arg14 : memref<64x128xf32, #tpu.memory_space<vmem>>) target(%dma_start3A_59 : memref<64x128xf32, #tpu.memory_space<vmem_shared>>) target_semaphore(%run_scoped3A : memref<!tpu.dma_semaphore, #tpu.memory_space<semaphore_mem>>)
      %dma_wait3A = arith.constant 0 : i32
      %dma_wait3A_60 = tpu.memref_slice %arg18[%add3A_25, %dma_wait3A] : memref<10240x128xf32, #tpu.memory_space<vmem_shared>> -> memref<64x128xf32, #tpu.memory_space<vmem_shared>>
      %dma_wait3A_61 = arith.constant 0 : i32
      %dma_wait3A_62 = tpu.memref_slice %arg18[%add3A_25, %dma_wait3A_61] : memref<10240x128xf32, #tpu.memory_space<vmem_shared>> -> memref<64x128xf32, #tpu.memory_space<vmem_shared>>
      tpu.wait_dma2 semaphore(%run_scoped3A : memref<!tpu.dma_semaphore, #tpu.memory_space<semaphore_mem>>) src(%arg14 : memref<64x128xf32, #tpu.memory_space<vmem>>) dst(%dma_wait3A_62 : memref<64x128xf32, #tpu.memory_space<vmem_shared>>)
      tpu.yield
    }) : () -> ()
    %add3A_26 = arith.constant 512 : i32
    %add3A_27 = arith.addi %mul3A_10, %add3A_26 : i32
    "tpu.region"() ({
      %run_scoped3A = tpu.sem_alloc : memref<!tpu.dma_semaphore, #tpu.memory_space<semaphore_mem>>
      %dma_start3A = arith.constant 0 : i32
      %dma_start3A_57 = tpu.memref_slice %arg18[%add3A_27, %dma_start3A] : memref<10240x128xf32, #tpu.memory_space<vmem_shared>> -> memref<64x128xf32, #tpu.memory_space<vmem_shared>>
      %dma_start3A_58 = arith.constant 0 : i32
      %dma_start3A_59 = tpu.memref_slice %arg18[%add3A_27, %dma_start3A_58] : memref<10240x128xf32, #tpu.memory_space<vmem_shared>> -> memref<64x128xf32, #tpu.memory_space<vmem_shared>>
      tpu.enqueue_dma source(%arg14 : memref<64x128xf32, #tpu.memory_space<vmem>>) target(%dma_start3A_59 : memref<64x128xf32, #tpu.memory_space<vmem_shared>>) target_semaphore(%run_scoped3A : memref<!tpu.dma_semaphore, #tpu.memory_space<semaphore_mem>>)
      %dma_wait3A = arith.constant 0 : i32
      %dma_wait3A_60 = tpu.memref_slice %arg18[%add3A_27, %dma_wait3A] : memref<10240x128xf32, #tpu.memory_space<vmem_shared>> -> memref<64x128xf32, #tpu.memory_space<vmem_shared>>
      %dma_wait3A_61 = arith.constant 0 : i32
      %dma_wait3A_62 = tpu.memref_slice %arg18[%add3A_27, %dma_wait3A_61] : memref<10240x128xf32, #tpu.memory_space<vmem_shared>> -> memref<64x128xf32, #tpu.memory_space<vmem_shared>>
      tpu.wait_dma2 semaphore(%run_scoped3A : memref<!tpu.dma_semaphore, #tpu.memory_space<semaphore_mem>>) src(%arg14 : memref<64x128xf32, #tpu.memory_space<vmem>>) dst(%dma_wait3A_62 : memref<64x128xf32, #tpu.memory_space<vmem_shared>>)
      tpu.yield
    }) : () -> ()
    %add3A_28 = arith.constant 576 : i32
    %add3A_29 = arith.addi %mul3A_10, %add3A_28 : i32
    "tpu.region"() ({
      %run_scoped3A = tpu.sem_alloc : memref<!tpu.dma_semaphore, #tpu.memory_space<semaphore_mem>>
      %dma_start3A = arith.constant 0 : i32
      %dma_start3A_57 = tpu.memref_slice %arg18[%add3A_29, %dma_start3A] : memref<10240x128xf32, #tpu.memory_space<vmem_shared>> -> memref<64x128xf32, #tpu.memory_space<vmem_shared>>
      %dma_start3A_58 = arith.constant 0 : i32
      %dma_start3A_59 = tpu.memref_slice %arg18[%add3A_29, %dma_start3A_58] : memref<10240x128xf32, #tpu.memory_space<vmem_shared>> -> memref<64x128xf32, #tpu.memory_space<vmem_shared>>
      tpu.enqueue_dma source(%arg14 : memref<64x128xf32, #tpu.memory_space<vmem>>) target(%dma_start3A_59 : memref<64x128xf32, #tpu.memory_space<vmem_shared>>) target_semaphore(%run_scoped3A : memref<!tpu.dma_semaphore, #tpu.memory_space<semaphore_mem>>)
      %dma_wait3A = arith.constant 0 : i32
      %dma_wait3A_60 = tpu.memref_slice %arg18[%add3A_29, %dma_wait3A] : memref<10240x128xf32, #tpu.memory_space<vmem_shared>> -> memref<64x128xf32, #tpu.memory_space<vmem_shared>>
      %dma_wait3A_61 = arith.constant 0 : i32
      %dma_wait3A_62 = tpu.memref_slice %arg18[%add3A_29, %dma_wait3A_61] : memref<10240x128xf32, #tpu.memory_space<vmem_shared>> -> memref<64x128xf32, #tpu.memory_space<vmem_shared>>
      tpu.wait_dma2 semaphore(%run_scoped3A : memref<!tpu.dma_semaphore, #tpu.memory_space<semaphore_mem>>) src(%arg14 : memref<64x128xf32, #tpu.memory_space<vmem>>) dst(%dma_wait3A_62 : memref<64x128xf32, #tpu.memory_space<vmem_shared>>)
      tpu.yield
    }) : () -> ()
    %barrier3A = arith.constant 0 : index
    tpu.barrier barrier_id(%barrier3A)
    %scan3A_30 = arith.constant 0 : i32
    %scan3A_31 = arith.constant 0 : i32
    %scan3A_32 = arith.constant 40 : i32
    %scan3A_33 = arith.addi %scan3A_31, %scan3A_32 : i32
    %scan3A_34 = arith.constant 1 : i32
    scf.for %scan3A_57 = %scan3A_31 to %scan3A_33 step %scan3A_34  : i32 {
      %mul3A_58 = arith.constant 8 : i32
      %mul3A_59 = arith.muli %scan3A_57, %mul3A_58 : i32
      %add3A_60 = arith.addi %mul3A_2, %mul3A_59 : i32
      "tpu.region"() ({
        %run_scoped3A = tpu.sem_alloc : memref<!tpu.dma_semaphore, #tpu.memory_space<semaphore_mem>>
        %dma_start3A = arith.constant 0 : i32
        %dma_start3A_67 = tpu.memref_slice %arg3[%add3A_60, %dma_start3A] : memref<5120x64xi32, #tpu.memory_space<hbm>> -> memref<8x64xi32, #tpu.memory_space<hbm>>
        %dma_start3A_68 = arith.constant 0 : i32
        %dma_start3A_69 = tpu.memref_slice %arg3[%add3A_60, %dma_start3A_68] : memref<5120x64xi32, #tpu.memory_space<hbm>> -> memref<8x64xi32, #tpu.memory_space<hbm>>
        tpu.enqueue_dma source(%dma_start3A_69 : memref<8x64xi32, #tpu.memory_space<hbm>>) target(%arg8 : memref<8x64xi32, #tpu.memory_space<vmem>>) target_semaphore(%run_scoped3A : memref<!tpu.dma_semaphore, #tpu.memory_space<semaphore_mem>>)
        %dma_wait3A = arith.constant 0 : i32
        %dma_wait3A_70 = tpu.memref_slice %arg3[%add3A_60, %dma_wait3A] : memref<5120x64xi32, #tpu.memory_space<hbm>> -> memref<8x64xi32, #tpu.memory_space<hbm>>
        %dma_wait3A_71 = arith.constant 0 : i32
        %dma_wait3A_72 = tpu.memref_slice %arg3[%add3A_60, %dma_wait3A_71] : memref<5120x64xi32, #tpu.memory_space<hbm>> -> memref<8x64xi32, #tpu.memory_space<hbm>>
        tpu.wait_dma2 semaphore(%run_scoped3A : memref<!tpu.dma_semaphore, #tpu.memory_space<semaphore_mem>>) src(%dma_wait3A_72 : memref<8x64xi32, #tpu.memory_space<hbm>>) dst(%arg8 : memref<8x64xi32, #tpu.memory_space<vmem>>)
        tpu.yield
      }) : () -> ()
      "tpu.region"() ({
        %run_scoped3A = tpu.sem_alloc : memref<!tpu.dma_semaphore, #tpu.memory_space<semaphore_mem>>
        %dma_start3A = arith.constant 0 : i32
        %dma_start3A_67 = tpu.memref_slice %arg4[%add3A_60, %dma_start3A] : memref<5120x64xi32, #tpu.memory_space<hbm>> -> memref<8x64xi32, #tpu.memory_space<hbm>>
        %dma_start3A_68 = arith.constant 0 : i32
        %dma_start3A_69 = tpu.memref_slice %arg4[%add3A_60, %dma_start3A_68] : memref<5120x64xi32, #tpu.memory_space<hbm>> -> memref<8x64xi32, #tpu.memory_space<hbm>>
        tpu.enqueue_dma source(%dma_start3A_69 : memref<8x64xi32, #tpu.memory_space<hbm>>) target(%arg9 : memref<8x64xi32, #tpu.memory_space<vmem>>) target_semaphore(%run_scoped3A : memref<!tpu.dma_semaphore, #tpu.memory_space<semaphore_mem>>)
        %dma_wait3A = arith.constant 0 : i32
        %dma_wait3A_70 = tpu.memref_slice %arg4[%add3A_60, %dma_wait3A] : memref<5120x64xi32, #tpu.memory_space<hbm>> -> memref<8x64xi32, #tpu.memory_space<hbm>>
        %dma_wait3A_71 = arith.constant 0 : i32
        %dma_wait3A_72 = tpu.memref_slice %arg4[%add3A_60, %dma_wait3A_71] : memref<5120x64xi32, #tpu.memory_space<hbm>> -> memref<8x64xi32, #tpu.memory_space<hbm>>
        tpu.wait_dma2 semaphore(%run_scoped3A : memref<!tpu.dma_semaphore, #tpu.memory_space<semaphore_mem>>) src(%dma_wait3A_72 : memref<8x64xi32, #tpu.memory_space<hbm>>) dst(%arg9 : memref<8x64xi32, #tpu.memory_space<vmem>>)
        tpu.yield
      }) : () -> ()
      "tpu.region"() ({
        %run_scoped3A = tpu.sem_alloc : memref<!tpu.dma_semaphore, #tpu.memory_space<semaphore_mem>>
        %dma_start3A = arith.constant 0 : i32
        %dma_start3A_67 = tpu.memref_slice %arg5[%add3A_60, %dma_start3A] : memref<5120x64xi32, #tpu.memory_space<hbm>> -> memref<8x64xi32, #tpu.memory_space<hbm>>
        %dma_start3A_68 = arith.constant 0 : i32
        %dma_start3A_69 = tpu.memref_slice %arg5[%add3A_60, %dma_start3A_68] : memref<5120x64xi32, #tpu.memory_space<hbm>> -> memref<8x64xi32, #tpu.memory_space<hbm>>
        tpu.enqueue_dma source(%dma_start3A_69 : memref<8x64xi32, #tpu.memory_space<hbm>>) target(%arg10 : memref<8x64xi32, #tpu.memory_space<vmem>>) target_semaphore(%run_scoped3A : memref<!tpu.dma_semaphore, #tpu.memory_space<semaphore_mem>>)
        %dma_wait3A = arith.constant 0 : i32
        %dma_wait3A_70 = tpu.memref_slice %arg5[%add3A_60, %dma_wait3A] : memref<5120x64xi32, #tpu.memory_space<hbm>> -> memref<8x64xi32, #tpu.memory_space<hbm>>
        %dma_wait3A_71 = arith.constant 0 : i32
        %dma_wait3A_72 = tpu.memref_slice %arg5[%add3A_60, %dma_wait3A_71] : memref<5120x64xi32, #tpu.memory_space<hbm>> -> memref<8x64xi32, #tpu.memory_space<hbm>>
        tpu.wait_dma2 semaphore(%run_scoped3A : memref<!tpu.dma_semaphore, #tpu.memory_space<semaphore_mem>>) src(%dma_wait3A_72 : memref<8x64xi32, #tpu.memory_space<hbm>>) dst(%arg10 : memref<8x64xi32, #tpu.memory_space<vmem>>)
        tpu.yield
      }) : () -> ()
      "tpu.region"() ({
        %run_scoped3A = tpu.sem_alloc : memref<!tpu.dma_semaphore, #tpu.memory_space<semaphore_mem>>
        %dma_start3A = arith.constant 0 : i32
        %dma_start3A_67 = tpu.memref_slice %arg6[%add3A_60, %dma_start3A] : memref<5120x64xi32, #tpu.memory_space<hbm>> -> memref<8x64xi32, #tpu.memory_space<hbm>>
        %dma_start3A_68 = arith.constant 0 : i32
        %dma_start3A_69 = tpu.memref_slice %arg6[%add3A_60, %dma_start3A_68] : memref<5120x64xi32, #tpu.memory_space<hbm>> -> memref<8x64xi32, #tpu.memory_space<hbm>>
        tpu.enqueue_dma source(%dma_start3A_69 : memref<8x64xi32, #tpu.memory_space<hbm>>) target(%arg11 : memref<8x64xi32, #tpu.memory_space<vmem>>) target_semaphore(%run_scoped3A : memref<!tpu.dma_semaphore, #tpu.memory_space<semaphore_mem>>)
        %dma_wait3A = arith.constant 0 : i32
        %dma_wait3A_70 = tpu.memref_slice %arg6[%add3A_60, %dma_wait3A] : memref<5120x64xi32, #tpu.memory_space<hbm>> -> memref<8x64xi32, #tpu.memory_space<hbm>>
        %dma_wait3A_71 = arith.constant 0 : i32
        %dma_wait3A_72 = tpu.memref_slice %arg6[%add3A_60, %dma_wait3A_71] : memref<5120x64xi32, #tpu.memory_space<hbm>> -> memref<8x64xi32, #tpu.memory_space<hbm>>
        tpu.wait_dma2 semaphore(%run_scoped3A : memref<!tpu.dma_semaphore, #tpu.memory_space<semaphore_mem>>) src(%dma_wait3A_72 : memref<8x64xi32, #tpu.memory_space<hbm>>) dst(%arg11 : memref<8x64xi32, #tpu.memory_space<vmem>>)
        tpu.yield
      }) : () -> ()
      %scan3A_61 = arith.constant 0 : i32
      %scan3A_62 = arith.constant 0 : i32
      %scan3A_63 = arith.constant 8 : i32
      %scan3A_64 = arith.addi %scan3A_62, %scan3A_63 : i32
      %scan3A_65 = arith.constant 1 : i32
      scf.for %scan3A_67 = %scan3A_62 to %scan3A_64 step %scan3A_65  : i32 {
        %dma_start3A = arith.constant 0 : i32
        %dma_start3A_68 = tpu.memref_slice %arg8[%scan3A_67, %dma_start3A] : memref<8x64xi32, #tpu.memory_space<vmem>> -> memref<1x64xi32, #tpu.memory_space<vmem>>
        %dma_start3A_69 = tpu.memref_squeeze %dma_start3A_68 : memref<1x64xi32, #tpu.memory_space<vmem>> -> memref<64xi32, #tpu.memory_space<vmem>>
        %dma_start3A_70 = arith.constant 0 : i32
        %dma_start3A_71 = arith.constant 0 : i32
        %dma_start3A_72 = tpu.memref_slice %arg2[%dma_start3A_70, %dma_start3A_71] : memref<40960x128xf32, #tpu.memory_space<hbm>> -> memref<40960x128xf32, #tpu.memory_space<hbm>>
        tpu.enqueue_indirect_dma source(%dma_start3A_72 : memref<40960x128xf32, #tpu.memory_space<hbm>>) target(%arg12 : memref<64x128xf32, #tpu.memory_space<vmem>>) offsets(%dma_start3A_69 : memref<64xi32, #tpu.memory_space<vmem>>) semaphore(%arg16 : memref<!tpu.dma_semaphore, #tpu.memory_space<semaphore_mem>>)
        %dma_start3A_73 = arith.constant 0 : i32
        %dma_start3A_74 = tpu.memref_slice %arg9[%scan3A_67, %dma_start3A_73] : memref<8x64xi32, #tpu.memory_space<vmem>> -> memref<1x64xi32, #tpu.memory_space<vmem>>
        %dma_start3A_75 = tpu.memref_squeeze %dma_start3A_74 : memref<1x64xi32, #tpu.memory_space<vmem>> -> memref<64xi32, #tpu.memory_space<vmem>>
        %dma_start3A_76 = arith.constant 0 : i32
        %dma_start3A_77 = arith.constant 0 : i32
        %dma_start3A_78 = tpu.memref_slice %arg2[%dma_start3A_76, %dma_start3A_77] : memref<40960x128xf32, #tpu.memory_space<hbm>> -> memref<40960x128xf32, #tpu.memory_space<hbm>>
        tpu.enqueue_indirect_dma source(%dma_start3A_78 : memref<40960x128xf32, #tpu.memory_space<hbm>>) target(%arg13 : memref<64x128xf32, #tpu.memory_space<vmem>>) offsets(%dma_start3A_75 : memref<64xi32, #tpu.memory_space<vmem>>) semaphore(%arg16 : memref<!tpu.dma_semaphore, #tpu.memory_space<semaphore_mem>>)
        %dma_wait3A = arith.constant 0 : i32
        %dma_wait3A_79 = tpu.memref_slice %arg8[%scan3A_67, %dma_wait3A] : memref<8x64xi32, #tpu.memory_space<vmem>> -> memref<1x64xi32, #tpu.memory_space<vmem>>
        %dma_wait3A_80 = tpu.memref_squeeze %dma_wait3A_79 : memref<1x64xi32, #tpu.memory_space<vmem>> -> memref<64xi32, #tpu.memory_space<vmem>>
        %dma_wait3A_81 = arith.constant 0 : i32
        %dma_wait3A_82 = arith.constant 0 : i32
        %dma_wait3A_83 = tpu.memref_slice %arg2[%dma_wait3A_81, %dma_wait3A_82] : memref<40960x128xf32, #tpu.memory_space<hbm>> -> memref<40960x128xf32, #tpu.memory_space<hbm>>
        tpu.wait_indirect_dma semaphore(%arg16 : memref<!tpu.dma_semaphore, #tpu.memory_space<semaphore_mem>>) src(%dma_wait3A_83 : memref<40960x128xf32, #tpu.memory_space<hbm>>) dst(%arg12 : memref<64x128xf32, #tpu.memory_space<vmem>>)
        %dma_wait3A_84 = arith.constant 0 : i32
        %dma_wait3A_85 = tpu.memref_slice %arg9[%scan3A_67, %dma_wait3A_84] : memref<8x64xi32, #tpu.memory_space<vmem>> -> memref<1x64xi32, #tpu.memory_space<vmem>>
        %dma_wait3A_86 = tpu.memref_squeeze %dma_wait3A_85 : memref<1x64xi32, #tpu.memory_space<vmem>> -> memref<64xi32, #tpu.memory_space<vmem>>
        %dma_wait3A_87 = arith.constant 0 : i32
        %dma_wait3A_88 = arith.constant 0 : i32
        %dma_wait3A_89 = tpu.memref_slice %arg2[%dma_wait3A_87, %dma_wait3A_88] : memref<40960x128xf32, #tpu.memory_space<hbm>> -> memref<40960x128xf32, #tpu.memory_space<hbm>>
        tpu.wait_indirect_dma semaphore(%arg16 : memref<!tpu.dma_semaphore, #tpu.memory_space<semaphore_mem>>) src(%dma_wait3A_89 : memref<40960x128xf32, #tpu.memory_space<hbm>>) dst(%arg13 : memref<64x128xf32, #tpu.memory_space<vmem>>)
        %scan3A_90 = arith.constant 0 : i32
        %scan3A_91 = arith.constant 0 : i32
        %scan3A_92 = arith.constant 64 : i32
        %scan3A_93 = arith.addi %scan3A_91, %scan3A_92 : i32
        %scan3A_94 = arith.constant 1 : i32
        scf.for %scan3A_223 = %scan3A_91 to %scan3A_93 step %scan3A_94  : i32 {
          %add3A_224 = arith.constant 0 : i32
          %add3A_225 = arith.addi %mul3A_0, %add3A_224 : i32
          %get3A_226 = arith.index_cast %scan3A_223 : i32 to index
          %get3A_227 = arith.index_cast %add3A_225 : i32 to index
          %get3A_228 = tpu.vector_load %arg12[%get3A_226, %get3A_227] {strides = array<i32>} : memref<64x128xf32, #tpu.memory_space<vmem>>, vector<1x16xf32>,
          %get3A_229 = vector.shape_cast %get3A_228 : vector<1x16xf32> to vector<16xf32>
          %get3A_230 = arith.index_cast %scan3A_223 : i32 to index
          %get3A_231 = arith.index_cast %add3A_225 : i32 to index
          %get3A_232 = tpu.vector_load %arg13[%get3A_230, %get3A_231] {strides = array<i32>} : memref<64x128xf32, #tpu.memory_space<vmem>>, vector<1x16xf32>,
          %get3A_233 = vector.shape_cast %get3A_232 : vector<1x16xf32> to vector<16xf32>
          %add3A_234 = arith.addf %get3A_229, %get3A_233 : vector<16xf32>
          %max3A = arith.constant 0.000000e+00 : f32
          %max3A_235 = vector.broadcast %max3A : f32 to vector<16xf32>
          %max3A_236 = arith.maximumf %add3A_234, %max3A_235 : vector<16xf32>
          %swap3A = arith.index_cast %scan3A_223 : i32 to index
          %swap3A_237 = arith.constant 0 : index
          %swap3A_238 = tpu.vector_load %arg14[%swap3A, %swap3A_237] {strides = array<i32>} : memref<64x128xf32, #tpu.memory_space<vmem>>, vector<1x16xf32>,
          %swap3A_239 = vector.shape_cast %swap3A_238 : vector<1x16xf32> to vector<16xf32>
          %swap3A_240 = vector.shape_cast %max3A_236 : vector<16xf32> to vector<1x16xf32>
          tpu.vector_store %arg14[%swap3A, %swap3A_237], %swap3A_240 {strides = array<i32>} : memref<64x128xf32, #tpu.memory_space<vmem>>, vector<1x16xf32>,
          %swap3A_241 = arith.index_cast %scan3A_223 : i32 to index
          %swap3A_242 = arith.constant 64 : index
          %swap3A_243 = tpu.vector_load %arg15[%swap3A_241, %swap3A_242] {strides = array<i32>} : memref<64x128xf32, #tpu.memory_space<vmem>>, vector<1x16xf32>,
          %swap3A_244 = vector.shape_cast %swap3A_243 : vector<1x16xf32> to vector<16xf32>
          %swap3A_245 = vector.shape_cast %max3A_236 : vector<16xf32> to vector<1x16xf32>
          tpu.vector_store %arg15[%swap3A_241, %swap3A_242], %swap3A_245 {strides = array<i32>} : memref<64x128xf32, #tpu.memory_space<vmem>>, vector<1x16xf32>,
          %add3A_246 = arith.constant 16 : i32
          %add3A_247 = arith.addi %mul3A_0, %add3A_246 : i32
          %get3A_248 = arith.index_cast %scan3A_223 : i32 to index
          %get3A_249 = arith.index_cast %add3A_247 : i32 to index
          %get3A_250 = tpu.vector_load %arg12[%get3A_248, %get3A_249] {strides = array<i32>} : memref<64x128xf32, #tpu.memory_space<vmem>>, vector<1x16xf32>,
          %get3A_251 = vector.shape_cast %get3A_250 : vector<1x16xf32> to vector<16xf32>
          %get3A_252 = arith.index_cast %scan3A_223 : i32 to index
          %get3A_253 = arith.index_cast %add3A_247 : i32 to index
          %get3A_254 = tpu.vector_load %arg13[%get3A_252, %get3A_253] {strides = array<i32>} : memref<64x128xf32, #tpu.memory_space<vmem>>, vector<1x16xf32>,
          %get3A_255 = vector.shape_cast %get3A_254 : vector<1x16xf32> to vector<16xf32>
          %add3A_256 = arith.addf %get3A_251, %get3A_255 : vector<16xf32>
          %max3A_257 = arith.constant 0.000000e+00 : f32
          %max3A_258 = vector.broadcast %max3A_257 : f32 to vector<16xf32>
          %max3A_259 = arith.maximumf %add3A_256, %max3A_258 : vector<16xf32>
          %swap3A_260 = arith.index_cast %scan3A_223 : i32 to index
          %swap3A_261 = arith.constant 16 : index
          %swap3A_262 = tpu.vector_load %arg14[%swap3A_260, %swap3A_261] {strides = array<i32>} : memref<64x128xf32, #tpu.memory_space<vmem>>, vector<1x16xf32>,
          %swap3A_263 = vector.shape_cast %swap3A_262 : vector<1x16xf32> to vector<16xf32>
          %swap3A_264 = vector.shape_cast %max3A_259 : vector<16xf32> to vector<1x16xf32>
          tpu.vector_store %arg14[%swap3A_260, %swap3A_261], %swap3A_264 {strides = array<i32>} : memref<64x128xf32, #tpu.memory_space<vmem>>, vector<1x16xf32>,
          %swap3A_265 = arith.index_cast %scan3A_223 : i32 to index
          %swap3A_266 = arith.constant 80 : index
          %swap3A_267 = tpu.vector_load %arg15[%swap3A_265, %swap3A_266] {strides = array<i32>} : memref<64x128xf32, #tpu.memory_space<vmem>>, vector<1x16xf32>,
          %swap3A_268 = vector.shape_cast %swap3A_267 : vector<1x16xf32> to vector<16xf32>
          %swap3A_269 = vector.shape_cast %max3A_259 : vector<16xf32> to vector<1x16xf32>
          tpu.vector_store %arg15[%swap3A_265, %swap3A_266], %swap3A_269 {strides = array<i32>} : memref<64x128xf32, #tpu.memory_space<vmem>>, vector<1x16xf32>,
          %add3A_270 = arith.constant 32 : i32
          %add3A_271 = arith.addi %mul3A_0, %add3A_270 : i32
          %get3A_272 = arith.index_cast %scan3A_223 : i32 to index
          %get3A_273 = arith.index_cast %add3A_271 : i32 to index
          %get3A_274 = tpu.vector_load %arg12[%get3A_272, %get3A_273] {strides = array<i32>} : memref<64x128xf32, #tpu.memory_space<vmem>>, vector<1x16xf32>,
          %get3A_275 = vector.shape_cast %get3A_274 : vector<1x16xf32> to vector<16xf32>
          %get3A_276 = arith.index_cast %scan3A_223 : i32 to index
          %get3A_277 = arith.index_cast %add3A_271 : i32 to index
          %get3A_278 = tpu.vector_load %arg13[%get3A_276, %get3A_277] {strides = array<i32>} : memref<64x128xf32, #tpu.memory_space<vmem>>, vector<1x16xf32>,
          %get3A_279 = vector.shape_cast %get3A_278 : vector<1x16xf32> to vector<16xf32>
          %add3A_280 = arith.addf %get3A_275, %get3A_279 : vector<16xf32>
          %max3A_281 = arith.constant 0.000000e+00 : f32
          %max3A_282 = vector.broadcast %max3A_281 : f32 to vector<16xf32>
          %max3A_283 = arith.maximumf %add3A_280, %max3A_282 : vector<16xf32>
          %swap3A_284 = arith.index_cast %scan3A_223 : i32 to index
          %swap3A_285 = arith.constant 32 : index
          %swap3A_286 = tpu.vector_load %arg14[%swap3A_284, %swap3A_285] {strides = array<i32>} : memref<64x128xf32, #tpu.memory_space<vmem>>, vector<1x16xf32>,
          %swap3A_287 = vector.shape_cast %swap3A_286 : vector<1x16xf32> to vector<16xf32>
          %swap3A_288 = vector.shape_cast %max3A_283 : vector<16xf32> to vector<1x16xf32>
          tpu.vector_store %arg14[%swap3A_284, %swap3A_285], %swap3A_288 {strides = array<i32>} : memref<64x128xf32, #tpu.memory_space<vmem>>, vector<1x16xf32>,
          %swap3A_289 = arith.index_cast %scan3A_223 : i32 to index
          %swap3A_290 = arith.constant 96 : index
          %swap3A_291 = tpu.vector_load %arg15[%swap3A_289, %swap3A_290] {strides = array<i32>} : memref<64x128xf32, #tpu.memory_space<vmem>>, vector<1x16xf32>,
          %swap3A_292 = vector.shape_cast %swap3A_291 : vector<1x16xf32> to vector<16xf32>
          %swap3A_293 = vector.shape_cast %max3A_283 : vector<16xf32> to vector<1x16xf32>
          tpu.vector_store %arg15[%swap3A_289, %swap3A_290], %swap3A_293 {strides = array<i32>} : memref<64x128xf32, #tpu.memory_space<vmem>>, vector<1x16xf32>,
          %add3A_294 = arith.constant 48 : i32
          %add3A_295 = arith.addi %mul3A_0, %add3A_294 : i32
          %get3A_296 = arith.index_cast %scan3A_223 : i32 to index
          %get3A_297 = arith.index_cast %add3A_295 : i32 to index
          %get3A_298 = tpu.vector_load %arg12[%get3A_296, %get3A_297] {strides = array<i32>} : memref<64x128xf32, #tpu.memory_space<vmem>>, vector<1x16xf32>,
          %get3A_299 = vector.shape_cast %get3A_298 : vector<1x16xf32> to vector<16xf32>
          %get3A_300 = arith.index_cast %scan3A_223 : i32 to index
          %get3A_301 = arith.index_cast %add3A_295 : i32 to index
          %get3A_302 = tpu.vector_load %arg13[%get3A_300, %get3A_301] {strides = array<i32>} : memref<64x128xf32, #tpu.memory_space<vmem>>, vector<1x16xf32>,
          %get3A_303 = vector.shape_cast %get3A_302 : vector<1x16xf32> to vector<16xf32>
          %add3A_304 = arith.addf %get3A_299, %get3A_303 : vector<16xf32>
          %max3A_305 = arith.constant 0.000000e+00 : f32
          %max3A_306 = vector.broadcast %max3A_305 : f32 to vector<16xf32>
          %max3A_307 = arith.maximumf %add3A_304, %max3A_306 : vector<16xf32>
          %swap3A_308 = arith.index_cast %scan3A_223 : i32 to index
          %swap3A_309 = arith.constant 48 : index
          %swap3A_310 = tpu.vector_load %arg14[%swap3A_308, %swap3A_309] {strides = array<i32>} : memref<64x128xf32, #tpu.memory_space<vmem>>, vector<1x16xf32>,
          %swap3A_311 = vector.shape_cast %swap3A_310 : vector<1x16xf32> to vector<16xf32>
          %swap3A_312 = vector.shape_cast %max3A_307 : vector<16xf32> to vector<1x16xf32>
          tpu.vector_store %arg14[%swap3A_308, %swap3A_309], %swap3A_312 {strides = array<i32>} : memref<64x128xf32, #tpu.memory_space<vmem>>, vector<1x16xf32>,
          %swap3A_313 = arith.index_cast %scan3A_223 : i32 to index
          %swap3A_314 = arith.constant 112 : index
          %swap3A_315 = tpu.vector_load %arg15[%swap3A_313, %swap3A_314] {strides = array<i32>} : memref<64x128xf32, #tpu.memory_space<vmem>>, vector<1x16xf32>,
          %swap3A_316 = vector.shape_cast %swap3A_315 : vector<1x16xf32> to vector<16xf32>
          %swap3A_317 = vector.shape_cast %max3A_307 : vector<16xf32> to vector<1x16xf32>
          tpu.vector_store %arg15[%swap3A_313, %swap3A_314], %swap3A_317 {strides = array<i32>} : memref<64x128xf32, #tpu.memory_space<vmem>>, vector<1x16xf32>,
        }
        %scan3A_95 = arith.constant 64 : i32
        %get3A = arith.index_cast %scan3A_67 : i32 to index
        %get3A_96 = arith.constant 0 : index
        %get3A_97 = tpu.vector_load %arg10[%get3A, %get3A_96] {strides = array<i32>} : memref<8x64xi32, #tpu.memory_space<vmem>>, vector<1x16xi32>,
        %get3A_98 = vector.shape_cast %get3A_97 : vector<1x16xi32> to vector<16xi32>
        %dma_start3A_99 = arith.constant 0 : i32
        %dma_start3A_100 = arith.constant 0 : i32
        %dma_start3A_101 = tpu.memref_slice %arg14[%dma_start3A_99, %dma_start3A_100] : memref<64x128xf32, #tpu.memory_space<vmem>> -> memref<16x128xf32, #tpu.memory_space<vmem>>
        %dma_start3A_102 = arith.constant 0 : i32
        %dma_start3A_103 = arith.constant 0 : i32
        %dma_start3A_104 = tpu.memref_slice %arg18[%dma_start3A_102, %dma_start3A_103] : memref<10240x128xf32, #tpu.memory_space<vmem_shared>> -> memref<10240x128xf32, #tpu.memory_space<vmem_shared>>
        tpu.enqueue_indirect_dma source(%dma_start3A_101 : memref<16x128xf32, #tpu.memory_space<vmem>>) target(%dma_start3A_104 : memref<10240x128xf32, #tpu.memory_space<vmem_shared>>) offsets(%get3A_98 : vector<16xi32>) semaphore(%arg17 : memref<!tpu.dma_semaphore, #tpu.memory_space<semaphore_mem>>) {add = true}
        %get3A_105 = arith.index_cast %scan3A_67 : i32 to index
        %get3A_106 = arith.constant 0 : index
        %get3A_107 = tpu.vector_load %arg11[%get3A_105, %get3A_106] {strides = array<i32>} : memref<8x64xi32, #tpu.memory_space<vmem>>, vector<1x16xi32>,
        %get3A_108 = vector.shape_cast %get3A_107 : vector<1x16xi32> to vector<16xi32>
        %dma_start3A_109 = arith.constant 0 : i32
        %dma_start3A_110 = arith.constant 0 : i32
        %dma_start3A_111 = tpu.memref_slice %arg15[%dma_start3A_109, %dma_start3A_110] : memref<64x128xf32, #tpu.memory_space<vmem>> -> memref<16x128xf32, #tpu.memory_space<vmem>>
        %dma_start3A_112 = arith.constant 0 : i32
        %dma_start3A_113 = arith.constant 0 : i32
        %dma_start3A_114 = tpu.memref_slice %arg18[%dma_start3A_112, %dma_start3A_113] : memref<10240x128xf32, #tpu.memory_space<vmem_shared>> -> memref<10240x128xf32, #tpu.memory_space<vmem_shared>>
        tpu.enqueue_indirect_dma source(%dma_start3A_111 : memref<16x128xf32, #tpu.memory_space<vmem>>) target(%dma_start3A_114 : memref<10240x128xf32, #tpu.memory_space<vmem_shared>>) offsets(%get3A_108 : vector<16xi32>) semaphore(%arg17 : memref<!tpu.dma_semaphore, #tpu.memory_space<semaphore_mem>>) {add = true}
        %get3A_115 = arith.index_cast %scan3A_67 : i32 to index
        %get3A_116 = arith.constant 16 : index
        %get3A_117 = tpu.vector_load %arg10[%get3A_115, %get3A_116] {strides = array<i32>} : memref<8x64xi32, #tpu.memory_space<vmem>>, vector<1x16xi32>,
        %get3A_118 = vector.shape_cast %get3A_117 : vector<1x16xi32> to vector<16xi32>
        %dma_start3A_119 = arith.constant 16 : i32
        %dma_start3A_120 = arith.constant 0 : i32
        %dma_start3A_121 = tpu.memref_slice %arg14[%dma_start3A_119, %dma_start3A_120] : memref<64x128xf32, #tpu.memory_space<vmem>> -> memref<16x128xf32, #tpu.memory_space<vmem>>
        %dma_start3A_122 = arith.constant 0 : i32
        %dma_start3A_123 = arith.constant 0 : i32
        %dma_start3A_124 = tpu.memref_slice %arg18[%dma_start3A_122, %dma_start3A_123] : memref<10240x128xf32, #tpu.memory_space<vmem_shared>> -> memref<10240x128xf32, #tpu.memory_space<vmem_shared>>
        tpu.enqueue_indirect_dma source(%dma_start3A_121 : memref<16x128xf32, #tpu.memory_space<vmem>>) target(%dma_start3A_124 : memref<10240x128xf32, #tpu.memory_space<vmem_shared>>) offsets(%get3A_118 : vector<16xi32>) semaphore(%arg17 : memref<!tpu.dma_semaphore, #tpu.memory_space<semaphore_mem>>) {add = true}
        %get3A_125 = arith.index_cast %scan3A_67 : i32 to index
        %get3A_126 = arith.constant 16 : index
        %get3A_127 = tpu.vector_load %arg11[%get3A_125, %get3A_126] {strides = array<i32>} : memref<8x64xi32, #tpu.memory_space<vmem>>, vector<1x16xi32>,
        %get3A_128 = vector.shape_cast %get3A_127 : vector<1x16xi32> to vector<16xi32>
        %dma_start3A_129 = arith.constant 16 : i32
        %dma_start3A_130 = arith.constant 0 : i32
        %dma_start3A_131 = tpu.memref_slice %arg15[%dma_start3A_129, %dma_start3A_130] : memref<64x128xf32, #tpu.memory_space<vmem>> -> memref<16x128xf32, #tpu.memory_space<vmem>>
        %dma_start3A_132 = arith.constant 0 : i32
        %dma_start3A_133 = arith.constant 0 : i32
        %dma_start3A_134 = tpu.memref_slice %arg18[%dma_start3A_132, %dma_start3A_133] : memref<10240x128xf32, #tpu.memory_space<vmem_shared>> -> memref<10240x128xf32, #tpu.memory_space<vmem_shared>>
        tpu.enqueue_indirect_dma source(%dma_start3A_131 : memref<16x128xf32, #tpu.memory_space<vmem>>) target(%dma_start3A_134 : memref<10240x128xf32, #tpu.memory_space<vmem_shared>>) offsets(%get3A_128 : vector<16xi32>) semaphore(%arg17 : memref<!tpu.dma_semaphore, #tpu.memory_space<semaphore_mem>>) {add = true}
        %get3A_135 = arith.index_cast %scan3A_67 : i32 to index
        %get3A_136 = arith.constant 32 : index
        %get3A_137 = tpu.vector_load %arg10[%get3A_135, %get3A_136] {strides = array<i32>} : memref<8x64xi32, #tpu.memory_space<vmem>>, vector<1x16xi32>,
        %get3A_138 = vector.shape_cast %get3A_137 : vector<1x16xi32> to vector<16xi32>
        %dma_start3A_139 = arith.constant 32 : i32
        %dma_start3A_140 = arith.constant 0 : i32
        %dma_start3A_141 = tpu.memref_slice %arg14[%dma_start3A_139, %dma_start3A_140] : memref<64x128xf32, #tpu.memory_space<vmem>> -> memref<16x128xf32, #tpu.memory_space<vmem>>
        %dma_start3A_142 = arith.constant 0 : i32
        %dma_start3A_143 = arith.constant 0 : i32
        %dma_start3A_144 = tpu.memref_slice %arg18[%dma_start3A_142, %dma_start3A_143] : memref<10240x128xf32, #tpu.memory_space<vmem_shared>> -> memref<10240x128xf32, #tpu.memory_space<vmem_shared>>
        tpu.enqueue_indirect_dma source(%dma_start3A_141 : memref<16x128xf32, #tpu.memory_space<vmem>>) target(%dma_start3A_144 : memref<10240x128xf32, #tpu.memory_space<vmem_shared>>) offsets(%get3A_138 : vector<16xi32>) semaphore(%arg17 : memref<!tpu.dma_semaphore, #tpu.memory_space<semaphore_mem>>) {add = true}
        %get3A_145 = arith.index_cast %scan3A_67 : i32 to index
        %get3A_146 = arith.constant 32 : index
        %get3A_147 = tpu.vector_load %arg11[%get3A_145, %get3A_146] {strides = array<i32>} : memref<8x64xi32, #tpu.memory_space<vmem>>, vector<1x16xi32>,
        %get3A_148 = vector.shape_cast %get3A_147 : vector<1x16xi32> to vector<16xi32>
        %dma_start3A_149 = arith.constant 32 : i32
        %dma_start3A_150 = arith.constant 0 : i32
        %dma_start3A_151 = tpu.memref_slice %arg15[%dma_start3A_149, %dma_start3A_150] : memref<64x128xf32, #tpu.memory_space<vmem>> -> memref<16x128xf32, #tpu.memory_space<vmem>>
        %dma_start3A_152 = arith.constant 0 : i32
        %dma_start3A_153 = arith.constant 0 : i32
        %dma_start3A_154 = tpu.memref_slice %arg18[%dma_start3A_152, %dma_start3A_153] : memref<10240x128xf32, #tpu.memory_space<vmem_shared>> -> memref<10240x128xf32, #tpu.memory_space<vmem_shared>>
        tpu.enqueue_indirect_dma source(%dma_start3A_151 : memref<16x128xf32, #tpu.memory_space<vmem>>) target(%dma_start3A_154 : memref<10240x128xf32, #tpu.memory_space<vmem_shared>>) offsets(%get3A_148 : vector<16xi32>) semaphore(%arg17 : memref<!tpu.dma_semaphore, #tpu.memory_space<semaphore_mem>>) {add = true}
        %get3A_155 = arith.index_cast %scan3A_67 : i32 to index
        %get3A_156 = arith.constant 48 : index
        %get3A_157 = tpu.vector_load %arg10[%get3A_155, %get3A_156] {strides = array<i32>} : memref<8x64xi32, #tpu.memory_space<vmem>>, vector<1x16xi32>,
        %get3A_158 = vector.shape_cast %get3A_157 : vector<1x16xi32> to vector<16xi32>
        %dma_start3A_159 = arith.constant 48 : i32
        %dma_start3A_160 = arith.constant 0 : i32
        %dma_start3A_161 = tpu.memref_slice %arg14[%dma_start3A_159, %dma_start3A_160] : memref<64x128xf32, #tpu.memory_space<vmem>> -> memref<16x128xf32, #tpu.memory_space<vmem>>
        %dma_start3A_162 = arith.constant 0 : i32
        %dma_start3A_163 = arith.constant 0 : i32
        %dma_start3A_164 = tpu.memref_slice %arg18[%dma_start3A_162, %dma_start3A_163] : memref<10240x128xf32, #tpu.memory_space<vmem_shared>> -> memref<10240x128xf32, #tpu.memory_space<vmem_shared>>
        tpu.enqueue_indirect_dma source(%dma_start3A_161 : memref<16x128xf32, #tpu.memory_space<vmem>>) target(%dma_start3A_164 : memref<10240x128xf32, #tpu.memory_space<vmem_shared>>) offsets(%get3A_158 : vector<16xi32>) semaphore(%arg17 : memref<!tpu.dma_semaphore, #tpu.memory_space<semaphore_mem>>) {add = true}
        %get3A_165 = arith.index_cast %scan3A_67 : i32 to index
        %get3A_166 = arith.constant 48 : index
        %get3A_167 = tpu.vector_load %arg11[%get3A_165, %get3A_166] {strides = array<i32>} : memref<8x64xi32, #tpu.memory_space<vmem>>, vector<1x16xi32>,
        %get3A_168 = vector.shape_cast %get3A_167 : vector<1x16xi32> to vector<16xi32>
        %dma_start3A_169 = arith.constant 48 : i32
        %dma_start3A_170 = arith.constant 0 : i32
        %dma_start3A_171 = tpu.memref_slice %arg15[%dma_start3A_169, %dma_start3A_170] : memref<64x128xf32, #tpu.memory_space<vmem>> -> memref<16x128xf32, #tpu.memory_space<vmem>>
        %dma_start3A_172 = arith.constant 0 : i32
        %dma_start3A_173 = arith.constant 0 : i32
        %dma_start3A_174 = tpu.memref_slice %arg18[%dma_start3A_172, %dma_start3A_173] : memref<10240x128xf32, #tpu.memory_space<vmem_shared>> -> memref<10240x128xf32, #tpu.memory_space<vmem_shared>>
        tpu.enqueue_indirect_dma source(%dma_start3A_171 : memref<16x128xf32, #tpu.memory_space<vmem>>) target(%dma_start3A_174 : memref<10240x128xf32, #tpu.memory_space<vmem_shared>>) offsets(%get3A_168 : vector<16xi32>) semaphore(%arg17 : memref<!tpu.dma_semaphore, #tpu.memory_space<semaphore_mem>>) {add = true}
        %dma_wait3A_175 = arith.constant 0 : i32
        %dma_wait3A_176 = arith.constant 0 : i32
        %dma_wait3A_177 = tpu.memref_slice %arg14[%dma_wait3A_175, %dma_wait3A_176] : memref<64x128xf32, #tpu.memory_space<vmem>> -> memref<16x128xf32, #tpu.memory_space<vmem>>
        %dma_wait3A_178 = arith.constant 0 : i32
        %dma_wait3A_179 = arith.constant 0 : i32
        %dma_wait3A_180 = tpu.memref_slice %arg18[%dma_wait3A_178, %dma_wait3A_179] : memref<10240x128xf32, #tpu.memory_space<vmem_shared>> -> memref<10240x128xf32, #tpu.memory_space<vmem_shared>>
        tpu.wait_indirect_dma semaphore(%arg17 : memref<!tpu.dma_semaphore, #tpu.memory_space<semaphore_mem>>) src(%dma_wait3A_177 : memref<16x128xf32, #tpu.memory_space<vmem>>) dst(%dma_wait3A_180 : memref<10240x128xf32, #tpu.memory_space<vmem_shared>>)
        %dma_wait3A_181 = arith.constant 0 : i32
        %dma_wait3A_182 = arith.constant 0 : i32
        %dma_wait3A_183 = tpu.memref_slice %arg15[%dma_wait3A_181, %dma_wait3A_182] : memref<64x128xf32, #tpu.memory_space<vmem>> -> memref<16x128xf32, #tpu.memory_space<vmem>>
        %dma_wait3A_184 = arith.constant 0 : i32
        %dma_wait3A_185 = arith.constant 0 : i32
        %dma_wait3A_186 = tpu.memref_slice %arg18[%dma_wait3A_184, %dma_wait3A_185] : memref<10240x128xf32, #tpu.memory_space<vmem_shared>> -> memref<10240x128xf32, #tpu.memory_space<vmem_shared>>
        tpu.wait_indirect_dma semaphore(%arg17 : memref<!tpu.dma_semaphore, #tpu.memory_space<semaphore_mem>>) src(%dma_wait3A_183 : memref<16x128xf32, #tpu.memory_space<vmem>>) dst(%dma_wait3A_186 : memref<10240x128xf32, #tpu.memory_space<vmem_shared>>)
        %dma_wait3A_187 = arith.constant 16 : i32
        %dma_wait3A_188 = arith.constant 0 : i32
        %dma_wait3A_189 = tpu.memref_slice %arg14[%dma_wait3A_187, %dma_wait3A_188] : memref<64x128xf32, #tpu.memory_space<vmem>> -> memref<16x128xf32, #tpu.memory_space<vmem>>
        %dma_wait3A_190 = arith.constant 0 : i32
        %dma_wait3A_191 = arith.constant 0 : i32
        %dma_wait3A_192 = tpu.memref_slice %arg18[%dma_wait3A_190, %dma_wait3A_191] : memref<10240x128xf32, #tpu.memory_space<vmem_shared>> -> memref<10240x128xf32, #tpu.memory_space<vmem_shared>>
        tpu.wait_indirect_dma semaphore(%arg17 : memref<!tpu.dma_semaphore, #tpu.memory_space<semaphore_mem>>) src(%dma_wait3A_189 : memref<16x128xf32, #tpu.memory_space<vmem>>) dst(%dma_wait3A_192 : memref<10240x128xf32, #tpu.memory_space<vmem_shared>>)
        %dma_wait3A_193 = arith.constant 16 : i32
        %dma_wait3A_194 = arith.constant 0 : i32
        %dma_wait3A_195 = tpu.memref_slice %arg15[%dma_wait3A_193, %dma_wait3A_194] : memref<64x128xf32, #tpu.memory_space<vmem>> -> memref<16x128xf32, #tpu.memory_space<vmem>>
        %dma_wait3A_196 = arith.constant 0 : i32
        %dma_wait3A_197 = arith.constant 0 : i32
        %dma_wait3A_198 = tpu.memref_slice %arg18[%dma_wait3A_196, %dma_wait3A_197] : memref<10240x128xf32, #tpu.memory_space<vmem_shared>> -> memref<10240x128xf32, #tpu.memory_space<vmem_shared>>
        tpu.wait_indirect_dma semaphore(%arg17 : memref<!tpu.dma_semaphore, #tpu.memory_space<semaphore_mem>>) src(%dma_wait3A_195 : memref<16x128xf32, #tpu.memory_space<vmem>>) dst(%dma_wait3A_198 : memref<10240x128xf32, #tpu.memory_space<vmem_shared>>)
        %dma_wait3A_199 = arith.constant 32 : i32
        %dma_wait3A_200 = arith.constant 0 : i32
        %dma_wait3A_201 = tpu.memref_slice %arg14[%dma_wait3A_199, %dma_wait3A_200] : memref<64x128xf32, #tpu.memory_space<vmem>> -> memref<16x128xf32, #tpu.memory_space<vmem>>
        %dma_wait3A_202 = arith.constant 0 : i32
        %dma_wait3A_203 = arith.constant 0 : i32
        %dma_wait3A_204 = tpu.memref_slice %arg18[%dma_wait3A_202, %dma_wait3A_203] : memref<10240x128xf32, #tpu.memory_space<vmem_shared>> -> memref<10240x128xf32, #tpu.memory_space<vmem_shared>>
        tpu.wait_indirect_dma semaphore(%arg17 : memref<!tpu.dma_semaphore, #tpu.memory_space<semaphore_mem>>) src(%dma_wait3A_201 : memref<16x128xf32, #tpu.memory_space<vmem>>) dst(%dma_wait3A_204 : memref<10240x128xf32, #tpu.memory_space<vmem_shared>>)
        %dma_wait3A_205 = arith.constant 32 : i32
        %dma_wait3A_206 = arith.constant 0 : i32
        %dma_wait3A_207 = tpu.memref_slice %arg15[%dma_wait3A_205, %dma_wait3A_206] : memref<64x128xf32, #tpu.memory_space<vmem>> -> memref<16x128xf32, #tpu.memory_space<vmem>>
        %dma_wait3A_208 = arith.constant 0 : i32
        %dma_wait3A_209 = arith.constant 0 : i32
        %dma_wait3A_210 = tpu.memref_slice %arg18[%dma_wait3A_208, %dma_wait3A_209] : memref<10240x128xf32, #tpu.memory_space<vmem_shared>> -> memref<10240x128xf32, #tpu.memory_space<vmem_shared>>
        tpu.wait_indirect_dma semaphore(%arg17 : memref<!tpu.dma_semaphore, #tpu.memory_space<semaphore_mem>>) src(%dma_wait3A_207 : memref<16x128xf32, #tpu.memory_space<vmem>>) dst(%dma_wait3A_210 : memref<10240x128xf32, #tpu.memory_space<vmem_shared>>)
        %dma_wait3A_211 = arith.constant 48 : i32
        %dma_wait3A_212 = arith.constant 0 : i32
        %dma_wait3A_213 = tpu.memref_slice %arg14[%dma_wait3A_211, %dma_wait3A_212] : memref<64x128xf32, #tpu.memory_space<vmem>> -> memref<16x128xf32, #tpu.memory_space<vmem>>
        %dma_wait3A_214 = arith.constant 0 : i32
        %dma_wait3A_215 = arith.constant 0 : i32
        %dma_wait3A_216 = tpu.memref_slice %arg18[%dma_wait3A_214, %dma_wait3A_215] : memref<10240x128xf32, #tpu.memory_space<vmem_shared>> -> memref<10240x128xf32, #tpu.memory_space<vmem_shared>>
        tpu.wait_indirect_dma semaphore(%arg17 : memref<!tpu.dma_semaphore, #tpu.memory_space<semaphore_mem>>) src(%dma_wait3A_213 : memref<16x128xf32, #tpu.memory_space<vmem>>) dst(%dma_wait3A_216 : memref<10240x128xf32, #tpu.memory_space<vmem_shared>>)
        %dma_wait3A_217 = arith.constant 48 : i32
        %dma_wait3A_218 = arith.constant 0 : i32
        %dma_wait3A_219 = tpu.memref_slice %arg15[%dma_wait3A_217, %dma_wait3A_218] : memref<64x128xf32, #tpu.memory_space<vmem>> -> memref<16x128xf32, #tpu.memory_space<vmem>>
        %dma_wait3A_220 = arith.constant 0 : i32
        %dma_wait3A_221 = arith.constant 0 : i32
        %dma_wait3A_222 = tpu.memref_slice %arg18[%dma_wait3A_220, %dma_wait3A_221] : memref<10240x128xf32, #tpu.memory_space<vmem_shared>> -> memref<10240x128xf32, #tpu.memory_space<vmem_shared>>
        tpu.wait_indirect_dma semaphore(%arg17 : memref<!tpu.dma_semaphore, #tpu.memory_space<semaphore_mem>>) src(%dma_wait3A_219 : memref<16x128xf32, #tpu.memory_space<vmem>>) dst(%dma_wait3A_222 : memref<10240x128xf32, #tpu.memory_space<vmem_shared>>)
      }
      %scan3A_66 = arith.constant 8 : i32
    }
    %scan3A_35 = arith.constant 40 : i32
    %barrier3A_36 = arith.constant 0 : index
    tpu.barrier barrier_id(%barrier3A_36)
    %add3A_37 = arith.constant 0 : i32
    %add3A_38 = arith.addi %mul3A_10, %add3A_37 : i32
    "tpu.region"() ({
      %run_scoped3A = tpu.sem_alloc : memref<!tpu.dma_semaphore, #tpu.memory_space<semaphore_mem>>
      %dma_start3A = arith.constant 0 : i32
      %dma_start3A_57 = tpu.memref_slice %arg7[%arg0, %add3A_38, %dma_start3A] : memref<2x10240x128xf32, #tpu.memory_space<hbm>> -> memref<1x64x128xf32, #tpu.memory_space<hbm>>
      %dma_start3A_58 = tpu.memref_squeeze %dma_start3A_57 : memref<1x64x128xf32, #tpu.memory_space<hbm>> -> memref<64x128xf32, #tpu.memory_space<hbm>>
      %dma_start3A_59 = arith.constant 0 : i32
      %dma_start3A_60 = tpu.memref_slice %arg18[%add3A_38, %dma_start3A_59] : memref<10240x128xf32, #tpu.memory_space<vmem_shared>> -> memref<64x128xf32, #tpu.memory_space<vmem_shared>>
      tpu.enqueue_dma source(%dma_start3A_60 : memref<64x128xf32, #tpu.memory_space<vmem_shared>>) target(%dma_start3A_58 : memref<64x128xf32, #tpu.memory_space<hbm>>) target_semaphore(%run_scoped3A : memref<!tpu.dma_semaphore, #tpu.memory_space<semaphore_mem>>)
      %dma_wait3A = arith.constant 0 : i32
      %dma_wait3A_61 = tpu.memref_slice %arg7[%arg0, %add3A_38, %dma_wait3A] : memref<2x10240x128xf32, #tpu.memory_space<hbm>> -> memref<1x64x128xf32, #tpu.memory_space<hbm>>
      %dma_wait3A_62 = tpu.memref_squeeze %dma_wait3A_61 : memref<1x64x128xf32, #tpu.memory_space<hbm>> -> memref<64x128xf32, #tpu.memory_space<hbm>>
      %dma_wait3A_63 = arith.constant 0 : i32
      %dma_wait3A_64 = tpu.memref_slice %arg18[%add3A_38, %dma_wait3A_63] : memref<10240x128xf32, #tpu.memory_space<vmem_shared>> -> memref<64x128xf32, #tpu.memory_space<vmem_shared>>
      tpu.wait_dma2 semaphore(%run_scoped3A : memref<!tpu.dma_semaphore, #tpu.memory_space<semaphore_mem>>) src(%dma_wait3A_64 : memref<64x128xf32, #tpu.memory_space<vmem_shared>>) dst(%dma_wait3A_62 : memref<64x128xf32, #tpu.memory_space<hbm>>)
      tpu.yield
    }) : () -> ()
    %add3A_39 = arith.constant 64 : i32
    %add3A_40 = arith.addi %mul3A_10, %add3A_39 : i32
    "tpu.region"() ({
      %run_scoped3A = tpu.sem_alloc : memref<!tpu.dma_semaphore, #tpu.memory_space<semaphore_mem>>
      %dma_start3A = arith.constant 0 : i32
      %dma_start3A_57 = tpu.memref_slice %arg7[%arg0, %add3A_40, %dma_start3A] : memref<2x10240x128xf32, #tpu.memory_space<hbm>> -> memref<1x64x128xf32, #tpu.memory_space<hbm>>
      %dma_start3A_58 = tpu.memref_squeeze %dma_start3A_57 : memref<1x64x128xf32, #tpu.memory_space<hbm>> -> memref<64x128xf32, #tpu.memory_space<hbm>>
      %dma_start3A_59 = arith.constant 0 : i32
      %dma_start3A_60 = tpu.memref_slice %arg18[%add3A_40, %dma_start3A_59] : memref<10240x128xf32, #tpu.memory_space<vmem_shared>> -> memref<64x128xf32, #tpu.memory_space<vmem_shared>>
      tpu.enqueue_dma source(%dma_start3A_60 : memref<64x128xf32, #tpu.memory_space<vmem_shared>>) target(%dma_start3A_58 : memref<64x128xf32, #tpu.memory_space<hbm>>) target_semaphore(%run_scoped3A : memref<!tpu.dma_semaphore, #tpu.memory_space<semaphore_mem>>)
      %dma_wait3A = arith.constant 0 : i32
      %dma_wait3A_61 = tpu.memref_slice %arg7[%arg0, %add3A_40, %dma_wait3A] : memref<2x10240x128xf32, #tpu.memory_space<hbm>> -> memref<1x64x128xf32, #tpu.memory_space<hbm>>
      %dma_wait3A_62 = tpu.memref_squeeze %dma_wait3A_61 : memref<1x64x128xf32, #tpu.memory_space<hbm>> -> memref<64x128xf32, #tpu.memory_space<hbm>>
      %dma_wait3A_63 = arith.constant 0 : i32
      %dma_wait3A_64 = tpu.memref_slice %arg18[%add3A_40, %dma_wait3A_63] : memref<10240x128xf32, #tpu.memory_space<vmem_shared>> -> memref<64x128xf32, #tpu.memory_space<vmem_shared>>
      tpu.wait_dma2 semaphore(%run_scoped3A : memref<!tpu.dma_semaphore, #tpu.memory_space<semaphore_mem>>) src(%dma_wait3A_64 : memref<64x128xf32, #tpu.memory_space<vmem_shared>>) dst(%dma_wait3A_62 : memref<64x128xf32, #tpu.memory_space<hbm>>)
      tpu.yield
    }) : () -> ()
    %add3A_41 = arith.constant 128 : i32
    %add3A_42 = arith.addi %mul3A_10, %add3A_41 : i32
    "tpu.region"() ({
      %run_scoped3A = tpu.sem_alloc : memref<!tpu.dma_semaphore, #tpu.memory_space<semaphore_mem>>
      %dma_start3A = arith.constant 0 : i32
      %dma_start3A_57 = tpu.memref_slice %arg7[%arg0, %add3A_42, %dma_start3A] : memref<2x10240x128xf32, #tpu.memory_space<hbm>> -> memref<1x64x128xf32, #tpu.memory_space<hbm>>
      %dma_start3A_58 = tpu.memref_squeeze %dma_start3A_57 : memref<1x64x128xf32, #tpu.memory_space<hbm>> -> memref<64x128xf32, #tpu.memory_space<hbm>>
      %dma_start3A_59 = arith.constant 0 : i32
      %dma_start3A_60 = tpu.memref_slice %arg18[%add3A_42, %dma_start3A_59] : memref<10240x128xf32, #tpu.memory_space<vmem_shared>> -> memref<64x128xf32, #tpu.memory_space<vmem_shared>>
      tpu.enqueue_dma source(%dma_start3A_60 : memref<64x128xf32, #tpu.memory_space<vmem_shared>>) target(%dma_start3A_58 : memref<64x128xf32, #tpu.memory_space<hbm>>) target_semaphore(%run_scoped3A : memref<!tpu.dma_semaphore, #tpu.memory_space<semaphore_mem>>)
      %dma_wait3A = arith.constant 0 : i32
      %dma_wait3A_61 = tpu.memref_slice %arg7[%arg0, %add3A_42, %dma_wait3A] : memref<2x10240x128xf32, #tpu.memory_space<hbm>> -> memref<1x64x128xf32, #tpu.memory_space<hbm>>
      %dma_wait3A_62 = tpu.memref_squeeze %dma_wait3A_61 : memref<1x64x128xf32, #tpu.memory_space<hbm>> -> memref<64x128xf32, #tpu.memory_space<hbm>>
      %dma_wait3A_63 = arith.constant 0 : i32
      %dma_wait3A_64 = tpu.memref_slice %arg18[%add3A_42, %dma_wait3A_63] : memref<10240x128xf32, #tpu.memory_space<vmem_shared>> -> memref<64x128xf32, #tpu.memory_space<vmem_shared>>
      tpu.wait_dma2 semaphore(%run_scoped3A : memref<!tpu.dma_semaphore, #tpu.memory_space<semaphore_mem>>) src(%dma_wait3A_64 : memref<64x128xf32, #tpu.memory_space<vmem_shared>>) dst(%dma_wait3A_62 : memref<64x128xf32, #tpu.memory_space<hbm>>)
      tpu.yield
    }) : () -> ()
    %add3A_43 = arith.constant 192 : i32
    %add3A_44 = arith.addi %mul3A_10, %add3A_43 : i32
    "tpu.region"() ({
      %run_scoped3A = tpu.sem_alloc : memref<!tpu.dma_semaphore, #tpu.memory_space<semaphore_mem>>
      %dma_start3A = arith.constant 0 : i32
      %dma_start3A_57 = tpu.memref_slice %arg7[%arg0, %add3A_44, %dma_start3A] : memref<2x10240x128xf32, #tpu.memory_space<hbm>> -> memref<1x64x128xf32, #tpu.memory_space<hbm>>
      %dma_start3A_58 = tpu.memref_squeeze %dma_start3A_57 : memref<1x64x128xf32, #tpu.memory_space<hbm>> -> memref<64x128xf32, #tpu.memory_space<hbm>>
      %dma_start3A_59 = arith.constant 0 : i32
      %dma_start3A_60 = tpu.memref_slice %arg18[%add3A_44, %dma_start3A_59] : memref<10240x128xf32, #tpu.memory_space<vmem_shared>> -> memref<64x128xf32, #tpu.memory_space<vmem_shared>>
      tpu.enqueue_dma source(%dma_start3A_60 : memref<64x128xf32, #tpu.memory_space<vmem_shared>>) target(%dma_start3A_58 : memref<64x128xf32, #tpu.memory_space<hbm>>) target_semaphore(%run_scoped3A : memref<!tpu.dma_semaphore, #tpu.memory_space<semaphore_mem>>)
      %dma_wait3A = arith.constant 0 : i32
      %dma_wait3A_61 = tpu.memref_slice %arg7[%arg0, %add3A_44, %dma_wait3A] : memref<2x10240x128xf32, #tpu.memory_space<hbm>> -> memref<1x64x128xf32, #tpu.memory_space<hbm>>
      %dma_wait3A_62 = tpu.memref_squeeze %dma_wait3A_61 : memref<1x64x128xf32, #tpu.memory_space<hbm>> -> memref<64x128xf32, #tpu.memory_space<hbm>>
      %dma_wait3A_63 = arith.constant 0 : i32
      %dma_wait3A_64 = tpu.memref_slice %arg18[%add3A_44, %dma_wait3A_63] : memref<10240x128xf32, #tpu.memory_space<vmem_shared>> -> memref<64x128xf32, #tpu.memory_space<vmem_shared>>
      tpu.wait_dma2 semaphore(%run_scoped3A : memref<!tpu.dma_semaphore, #tpu.memory_space<semaphore_mem>>) src(%dma_wait3A_64 : memref<64x128xf32, #tpu.memory_space<vmem_shared>>) dst(%dma_wait3A_62 : memref<64x128xf32, #tpu.memory_space<hbm>>)
      tpu.yield
    }) : () -> ()
    %add3A_45 = arith.constant 256 : i32
    %add3A_46 = arith.addi %mul3A_10, %add3A_45 : i32
    "tpu.region"() ({
      %run_scoped3A = tpu.sem_alloc : memref<!tpu.dma_semaphore, #tpu.memory_space<semaphore_mem>>
      %dma_start3A = arith.constant 0 : i32
      %dma_start3A_57 = tpu.memref_slice %arg7[%arg0, %add3A_46, %dma_start3A] : memref<2x10240x128xf32, #tpu.memory_space<hbm>> -> memref<1x64x128xf32, #tpu.memory_space<hbm>>
      %dma_start3A_58 = tpu.memref_squeeze %dma_start3A_57 : memref<1x64x128xf32, #tpu.memory_space<hbm>> -> memref<64x128xf32, #tpu.memory_space<hbm>>
      %dma_start3A_59 = arith.constant 0 : i32
      %dma_start3A_60 = tpu.memref_slice %arg18[%add3A_46, %dma_start3A_59] : memref<10240x128xf32, #tpu.memory_space<vmem_shared>> -> memref<64x128xf32, #tpu.memory_space<vmem_shared>>
      tpu.enqueue_dma source(%dma_start3A_60 : memref<64x128xf32, #tpu.memory_space<vmem_shared>>) target(%dma_start3A_58 : memref<64x128xf32, #tpu.memory_space<hbm>>) target_semaphore(%run_scoped3A : memref<!tpu.dma_semaphore, #tpu.memory_space<semaphore_mem>>)
      %dma_wait3A = arith.constant 0 : i32
      %dma_wait3A_61 = tpu.memref_slice %arg7[%arg0, %add3A_46, %dma_wait3A] : memref<2x10240x128xf32, #tpu.memory_space<hbm>> -> memref<1x64x128xf32, #tpu.memory_space<hbm>>
      %dma_wait3A_62 = tpu.memref_squeeze %dma_wait3A_61 : memref<1x64x128xf32, #tpu.memory_space<hbm>> -> memref<64x128xf32, #tpu.memory_space<hbm>>
      %dma_wait3A_63 = arith.constant 0 : i32
      %dma_wait3A_64 = tpu.memref_slice %arg18[%add3A_46, %dma_wait3A_63] : memref<10240x128xf32, #tpu.memory_space<vmem_shared>> -> memref<64x128xf32, #tpu.memory_space<vmem_shared>>
      tpu.wait_dma2 semaphore(%run_scoped3A : memref<!tpu.dma_semaphore, #tpu.memory_space<semaphore_mem>>) src(%dma_wait3A_64 : memref<64x128xf32, #tpu.memory_space<vmem_shared>>) dst(%dma_wait3A_62 : memref<64x128xf32, #tpu.memory_space<hbm>>)
      tpu.yield
    }) : () -> ()
    %add3A_47 = arith.constant 320 : i32
    %add3A_48 = arith.addi %mul3A_10, %add3A_47 : i32
    "tpu.region"() ({
      %run_scoped3A = tpu.sem_alloc : memref<!tpu.dma_semaphore, #tpu.memory_space<semaphore_mem>>
      %dma_start3A = arith.constant 0 : i32
      %dma_start3A_57 = tpu.memref_slice %arg7[%arg0, %add3A_48, %dma_start3A] : memref<2x10240x128xf32, #tpu.memory_space<hbm>> -> memref<1x64x128xf32, #tpu.memory_space<hbm>>
      %dma_start3A_58 = tpu.memref_squeeze %dma_start3A_57 : memref<1x64x128xf32, #tpu.memory_space<hbm>> -> memref<64x128xf32, #tpu.memory_space<hbm>>
      %dma_start3A_59 = arith.constant 0 : i32
      %dma_start3A_60 = tpu.memref_slice %arg18[%add3A_48, %dma_start3A_59] : memref<10240x128xf32, #tpu.memory_space<vmem_shared>> -> memref<64x128xf32, #tpu.memory_space<vmem_shared>>
      tpu.enqueue_dma source(%dma_start3A_60 : memref<64x128xf32, #tpu.memory_space<vmem_shared>>) target(%dma_start3A_58 : memref<64x128xf32, #tpu.memory_space<hbm>>) target_semaphore(%run_scoped3A : memref<!tpu.dma_semaphore, #tpu.memory_space<semaphore_mem>>)
      %dma_wait3A = arith.constant 0 : i32
      %dma_wait3A_61 = tpu.memref_slice %arg7[%arg0, %add3A_48, %dma_wait3A] : memref<2x10240x128xf32, #tpu.memory_space<hbm>> -> memref<1x64x128xf32, #tpu.memory_space<hbm>>
      %dma_wait3A_62 = tpu.memref_squeeze %dma_wait3A_61 : memref<1x64x128xf32, #tpu.memory_space<hbm>> -> memref<64x128xf32, #tpu.memory_space<hbm>>
      %dma_wait3A_63 = arith.constant 0 : i32
      %dma_wait3A_64 = tpu.memref_slice %arg18[%add3A_48, %dma_wait3A_63] : memref<10240x128xf32, #tpu.memory_space<vmem_shared>> -> memref<64x128xf32, #tpu.memory_space<vmem_shared>>
      tpu.wait_dma2 semaphore(%run_scoped3A : memref<!tpu.dma_semaphore, #tpu.memory_space<semaphore_mem>>) src(%dma_wait3A_64 : memref<64x128xf32, #tpu.memory_space<vmem_shared>>) dst(%dma_wait3A_62 : memref<64x128xf32, #tpu.memory_space<hbm>>)
      tpu.yield
    }) : () -> ()
    %add3A_49 = arith.constant 384 : i32
    %add3A_50 = arith.addi %mul3A_10, %add3A_49 : i32
    "tpu.region"() ({
      %run_scoped3A = tpu.sem_alloc : memref<!tpu.dma_semaphore, #tpu.memory_space<semaphore_mem>>
      %dma_start3A = arith.constant 0 : i32
      %dma_start3A_57 = tpu.memref_slice %arg7[%arg0, %add3A_50, %dma_start3A] : memref<2x10240x128xf32, #tpu.memory_space<hbm>> -> memref<1x64x128xf32, #tpu.memory_space<hbm>>
      %dma_start3A_58 = tpu.memref_squeeze %dma_start3A_57 : memref<1x64x128xf32, #tpu.memory_space<hbm>> -> memref<64x128xf32, #tpu.memory_space<hbm>>
      %dma_start3A_59 = arith.constant 0 : i32
      %dma_start3A_60 = tpu.memref_slice %arg18[%add3A_50, %dma_start3A_59] : memref<10240x128xf32, #tpu.memory_space<vmem_shared>> -> memref<64x128xf32, #tpu.memory_space<vmem_shared>>
      tpu.enqueue_dma source(%dma_start3A_60 : memref<64x128xf32, #tpu.memory_space<vmem_shared>>) target(%dma_start3A_58 : memref<64x128xf32, #tpu.memory_space<hbm>>) target_semaphore(%run_scoped3A : memref<!tpu.dma_semaphore, #tpu.memory_space<semaphore_mem>>)
      %dma_wait3A = arith.constant 0 : i32
      %dma_wait3A_61 = tpu.memref_slice %arg7[%arg0, %add3A_50, %dma_wait3A] : memref<2x10240x128xf32, #tpu.memory_space<hbm>> -> memref<1x64x128xf32, #tpu.memory_space<hbm>>
      %dma_wait3A_62 = tpu.memref_squeeze %dma_wait3A_61 : memref<1x64x128xf32, #tpu.memory_space<hbm>> -> memref<64x128xf32, #tpu.memory_space<hbm>>
      %dma_wait3A_63 = arith.constant 0 : i32
      %dma_wait3A_64 = tpu.memref_slice %arg18[%add3A_50, %dma_wait3A_63] : memref<10240x128xf32, #tpu.memory_space<vmem_shared>> -> memref<64x128xf32, #tpu.memory_space<vmem_shared>>
      tpu.wait_dma2 semaphore(%run_scoped3A : memref<!tpu.dma_semaphore, #tpu.memory_space<semaphore_mem>>) src(%dma_wait3A_64 : memref<64x128xf32, #tpu.memory_space<vmem_shared>>) dst(%dma_wait3A_62 : memref<64x128xf32, #tpu.memory_space<hbm>>)
      tpu.yield
    }) : () -> ()
    %add3A_51 = arith.constant 448 : i32
    %add3A_52 = arith.addi %mul3A_10, %add3A_51 : i32
    "tpu.region"() ({
      %run_scoped3A = tpu.sem_alloc : memref<!tpu.dma_semaphore, #tpu.memory_space<semaphore_mem>>
      %dma_start3A = arith.constant 0 : i32
      %dma_start3A_57 = tpu.memref_slice %arg7[%arg0, %add3A_52, %dma_start3A] : memref<2x10240x128xf32, #tpu.memory_space<hbm>> -> memref<1x64x128xf32, #tpu.memory_space<hbm>>
      %dma_start3A_58 = tpu.memref_squeeze %dma_start3A_57 : memref<1x64x128xf32, #tpu.memory_space<hbm>> -> memref<64x128xf32, #tpu.memory_space<hbm>>
      %dma_start3A_59 = arith.constant 0 : i32
      %dma_start3A_60 = tpu.memref_slice %arg18[%add3A_52, %dma_start3A_59] : memref<10240x128xf32, #tpu.memory_space<vmem_shared>> -> memref<64x128xf32, #tpu.memory_space<vmem_shared>>
      tpu.enqueue_dma source(%dma_start3A_60 : memref<64x128xf32, #tpu.memory_space<vmem_shared>>) target(%dma_start3A_58 : memref<64x128xf32, #tpu.memory_space<hbm>>) target_semaphore(%run_scoped3A : memref<!tpu.dma_semaphore, #tpu.memory_space<semaphore_mem>>)
      %dma_wait3A = arith.constant 0 : i32
      %dma_wait3A_61 = tpu.memref_slice %arg7[%arg0, %add3A_52, %dma_wait3A] : memref<2x10240x128xf32, #tpu.memory_space<hbm>> -> memref<1x64x128xf32, #tpu.memory_space<hbm>>
      %dma_wait3A_62 = tpu.memref_squeeze %dma_wait3A_61 : memref<1x64x128xf32, #tpu.memory_space<hbm>> -> memref<64x128xf32, #tpu.memory_space<hbm>>
      %dma_wait3A_63 = arith.constant 0 : i32
      %dma_wait3A_64 = tpu.memref_slice %arg18[%add3A_52, %dma_wait3A_63] : memref<10240x128xf32, #tpu.memory_space<vmem_shared>> -> memref<64x128xf32, #tpu.memory_space<vmem_shared>>
      tpu.wait_dma2 semaphore(%run_scoped3A : memref<!tpu.dma_semaphore, #tpu.memory_space<semaphore_mem>>) src(%dma_wait3A_64 : memref<64x128xf32, #tpu.memory_space<vmem_shared>>) dst(%dma_wait3A_62 : memref<64x128xf32, #tpu.memory_space<hbm>>)
      tpu.yield
    }) : () -> ()
    %add3A_53 = arith.constant 512 : i32
    %add3A_54 = arith.addi %mul3A_10, %add3A_53 : i32
    "tpu.region"() ({
      %run_scoped3A = tpu.sem_alloc : memref<!tpu.dma_semaphore, #tpu.memory_space<semaphore_mem>>
      %dma_start3A = arith.constant 0 : i32
      %dma_start3A_57 = tpu.memref_slice %arg7[%arg0, %add3A_54, %dma_start3A] : memref<2x10240x128xf32, #tpu.memory_space<hbm>> -> memref<1x64x128xf32, #tpu.memory_space<hbm>>
      %dma_start3A_58 = tpu.memref_squeeze %dma_start3A_57 : memref<1x64x128xf32, #tpu.memory_space<hbm>> -> memref<64x128xf32, #tpu.memory_space<hbm>>
      %dma_start3A_59 = arith.constant 0 : i32
      %dma_start3A_60 = tpu.memref_slice %arg18[%add3A_54, %dma_start3A_59] : memref<10240x128xf32, #tpu.memory_space<vmem_shared>> -> memref<64x128xf32, #tpu.memory_space<vmem_shared>>
      tpu.enqueue_dma source(%dma_start3A_60 : memref<64x128xf32, #tpu.memory_space<vmem_shared>>) target(%dma_start3A_58 : memref<64x128xf32, #tpu.memory_space<hbm>>) target_semaphore(%run_scoped3A : memref<!tpu.dma_semaphore, #tpu.memory_space<semaphore_mem>>)
      %dma_wait3A = arith.constant 0 : i32
      %dma_wait3A_61 = tpu.memref_slice %arg7[%arg0, %add3A_54, %dma_wait3A] : memref<2x10240x128xf32, #tpu.memory_space<hbm>> -> memref<1x64x128xf32, #tpu.memory_space<hbm>>
      %dma_wait3A_62 = tpu.memref_squeeze %dma_wait3A_61 : memref<1x64x128xf32, #tpu.memory_space<hbm>> -> memref<64x128xf32, #tpu.memory_space<hbm>>
      %dma_wait3A_63 = arith.constant 0 : i32
      %dma_wait3A_64 = tpu.memref_slice %arg18[%add3A_54, %dma_wait3A_63] : memref<10240x128xf32, #tpu.memory_space<vmem_shared>> -> memref<64x128xf32, #tpu.memory_space<vmem_shared>>
      tpu.wait_dma2 semaphore(%run_scoped3A : memref<!tpu.dma_semaphore, #tpu.memory_space<semaphore_mem>>) src(%dma_wait3A_64 : memref<64x128xf32, #tpu.memory_space<vmem_shared>>) dst(%dma_wait3A_62 : memref<64x128xf32, #tpu.memory_space<hbm>>)
      tpu.yield
    }) : () -> ()
    %add3A_55 = arith.constant 576 : i32
    %add3A_56 = arith.addi %mul3A_10, %add3A_55 : i32
    "tpu.region"() ({
      %run_scoped3A = tpu.sem_alloc : memref<!tpu.dma_semaphore, #tpu.memory_space<semaphore_mem>>
      %dma_start3A = arith.constant 0 : i32
      %dma_start3A_57 = tpu.memref_slice %arg7[%arg0, %add3A_56, %dma_start3A] : memref<2x10240x128xf32, #tpu.memory_space<hbm>> -> memref<1x64x128xf32, #tpu.memory_space<hbm>>
      %dma_start3A_58 = tpu.memref_squeeze %dma_start3A_57 : memref<1x64x128xf32, #tpu.memory_space<hbm>> -> memref<64x128xf32, #tpu.memory_space<hbm>>
      %dma_start3A_59 = arith.constant 0 : i32
      %dma_start3A_60 = tpu.memref_slice %arg18[%add3A_56, %dma_start3A_59] : memref<10240x128xf32, #tpu.memory_space<vmem_shared>> -> memref<64x128xf32, #tpu.memory_space<vmem_shared>>
      tpu.enqueue_dma source(%dma_start3A_60 : memref<64x128xf32, #tpu.memory_space<vmem_shared>>) target(%dma_start3A_58 : memref<64x128xf32, #tpu.memory_space<hbm>>) target_semaphore(%run_scoped3A : memref<!tpu.dma_semaphore, #tpu.memory_space<semaphore_mem>>)
      %dma_wait3A = arith.constant 0 : i32
      %dma_wait3A_61 = tpu.memref_slice %arg7[%arg0, %add3A_56, %dma_wait3A] : memref<2x10240x128xf32, #tpu.memory_space<hbm>> -> memref<1x64x128xf32, #tpu.memory_space<hbm>>
      %dma_wait3A_62 = tpu.memref_squeeze %dma_wait3A_61 : memref<1x64x128xf32, #tpu.memory_space<hbm>> -> memref<64x128xf32, #tpu.memory_space<hbm>>
      %dma_wait3A_63 = arith.constant 0 : i32
      %dma_wait3A_64 = tpu.memref_slice %arg18[%add3A_56, %dma_wait3A_63] : memref<10240x128xf32, #tpu.memory_space<vmem_shared>> -> memref<64x128xf32, #tpu.memory_space<vmem_shared>>
      tpu.wait_dma2 semaphore(%run_scoped3A : memref<!tpu.dma_semaphore, #tpu.memory_space<semaphore_mem>>) src(%dma_wait3A_64 : memref<64x128xf32, #tpu.memory_space<vmem_shared>>) dst(%dma_wait3A_62 : memref<64x128xf32, #tpu.memory_space<hbm>>)
      tpu.yield
    }) : () -> ()
    return
  }
}

#map = affine_map<(d0, d1) -> (0, 0)>
#map1 = affine_map<(d0, d1) -> (0, 0, 0)>
module attributes {stable_mosaic.version = 14 : i64} {
  func.func @body(%arg0: i32, %arg1: i32, %arg2: memref<40960x128xf32, #tpu.memory_space<hbm>>, %arg3: memref<5120x64xi32, #tpu.memory_space<hbm>>, %arg4: memref<5120x64xi32, #tpu.memory_space<hbm>>, %arg5: memref<5120x64xi32, #tpu.memory_space<hbm>>, %arg6: memref<5120x64xi32, #tpu.memory_space<hbm>>, %arg7: memref<2x10240x128xf32, #tpu.memory_space<hbm>>, %arg8: memref<8x64xi32, #tpu.memory_space<vmem>>, %arg9: memref<8x64xi32, #tpu.memory_space<vmem>>, %arg10: memref<8x64xi32, #tpu.memory_space<vmem>>, %arg11: memref<8x64xi32, #tpu.memory_space<vmem>>, %arg12: memref<64x128xf32, #tpu.memory_space<vmem>>, %arg13: memref<64x128xf32, #tpu.memory_space<vmem>>, %arg14: memref<64x128xf32, #tpu.memory_space<vmem>>, %arg15: memref<64x128xf32, #tpu.memory_space<vmem>>, %arg16: memref<!tpu.dma_semaphore, #tpu.memory_space<semaphore_mem>>, %arg17: memref<!tpu.dma_semaphore, #tpu.memory_space<semaphore_mem>>, %arg18: memref<10240x128xf32, #tpu.memory_space<vmem_shared>>) attributes {dimension_semantics = [#tpu.dimension_semantics<core_parallel>, #tpu.dimension_semantics<subcore_parallel>], iteration_bounds = array<i64: 2, 16>, scalar_prefetch = 0 : i64, scratch_operands = 11 : i64, tpu.core_type = #tpu.core_type<sc_vector_subcore>, window_params = [{transform_indices = #map}, {transform_indices = #map}, {transform_indices = #map}, {transform_indices = #map}, {transform_indices = #map}, {transform_indices = #map1}]} {
    %mul3A = arith.constant 64 : i32
    %mul3A_0 = arith.muli %arg0, %mul3A : i32
    %mul3A_1 = arith.constant 320 : i32
    %mul3A_2 = arith.muli %arg1, %mul3A_1 : i32
    %broadcast_in_dim3A = arith.constant 0.000000e+00 : f32
    %broadcast_in_dim3A_3 = vector.broadcast %broadcast_in_dim3A : f32 to vector<16xf32>
    %scan3A = arith.constant 0 : i32
    %scan3A_4 = arith.constant 0 : i32
    %scan3A_5 = arith.constant 64 : i32
    %scan3A_6 = arith.addi %scan3A_4, %scan3A_5 : i32
    %scan3A_7 = arith.constant 1 : i32
    scf.for %scan3A_57 = %scan3A_4 to %scan3A_6 step %scan3A_7  : i32 {
      %swap3A = arith.index_cast %scan3A_57 : i32 to index
      %swap3A_58 = arith.constant 0 : index
      %swap3A_59 = tpu.vector_load %arg14[%swap3A, %swap3A_58] {strides = array<i32>} : memref<64x128xf32, #tpu.memory_space<vmem>>, vector<1x16xf32>,
      %swap3A_60 = vector.shape_cast %swap3A_59 : vector<1x16xf32> to vector<16xf32>
      %swap3A_61 = vector.shape_cast %broadcast_in_dim3A_3 : vector<16xf32> to vector<1x16xf32>
      tpu.vector_store %arg14[%swap3A, %swap3A_58], %swap3A_61 {strides = array<i32>} : memref<64x128xf32, #tpu.memory_space<vmem>>, vector<1x16xf32>,
      %swap3A_62 = arith.index_cast %scan3A_57 : i32 to index
      %swap3A_63 = arith.constant 0 : index
      %swap3A_64 = tpu.vector_load %arg15[%swap3A_62, %swap3A_63] {strides = array<i32>} : memref<64x128xf32, #tpu.memory_space<vmem>>, vector<1x16xf32>,
      %swap3A_65 = vector.shape_cast %swap3A_64 : vector<1x16xf32> to vector<16xf32>
      %swap3A_66 = vector.shape_cast %broadcast_in_dim3A_3 : vector<16xf32> to vector<1x16xf32>
      tpu.vector_store %arg15[%swap3A_62, %swap3A_63], %swap3A_66 {strides = array<i32>} : memref<64x128xf32, #tpu.memory_space<vmem>>, vector<1x16xf32>,
      %swap3A_67 = arith.index_cast %scan3A_57 : i32 to index
      %swap3A_68 = arith.constant 16 : index
      %swap3A_69 = tpu.vector_load %arg14[%swap3A_67, %swap3A_68] {strides = array<i32>} : memref<64x128xf32, #tpu.memory_space<vmem>>, vector<1x16xf32>,
      %swap3A_70 = vector.shape_cast %swap3A_69 : vector<1x16xf32> to vector<16xf32>
      %swap3A_71 = vector.shape_cast %broadcast_in_dim3A_3 : vector<16xf32> to vector<1x16xf32>
      tpu.vector_store %arg14[%swap3A_67, %swap3A_68], %swap3A_71 {strides = array<i32>} : memref<64x128xf32, #tpu.memory_space<vmem>>, vector<1x16xf32>,
      %swap3A_72 = arith.index_cast %scan3A_57 : i32 to index
      %swap3A_73 = arith.constant 16 : index
      %swap3A_74 = tpu.vector_load %arg15[%swap3A_72, %swap3A_73] {strides = array<i32>} : memref<64x128xf32, #tpu.memory_space<vmem>>, vector<1x16xf32>,
      %swap3A_75 = vector.shape_cast %swap3A_74 : vector<1x16xf32> to vector<16xf32>
      %swap3A_76 = vector.shape_cast %broadcast_in_dim3A_3 : vector<16xf32> to vector<1x16xf32>
      tpu.vector_store %arg15[%swap3A_72, %swap3A_73], %swap3A_76 {strides = array<i32>} : memref<64x128xf32, #tpu.memory_space<vmem>>, vector<1x16xf32>,
      %swap3A_77 = arith.index_cast %scan3A_57 : i32 to index
      %swap3A_78 = arith.constant 32 : index
      %swap3A_79 = tpu.vector_load %arg14[%swap3A_77, %swap3A_78] {strides = array<i32>} : memref<64x128xf32, #tpu.memory_space<vmem>>, vector<1x16xf32>,
      %swap3A_80 = vector.shape_cast %swap3A_79 : vector<1x16xf32> to vector<16xf32>
      %swap3A_81 = vector.shape_cast %broadcast_in_dim3A_3 : vector<16xf32> to vector<1x16xf32>
      tpu.vector_store %arg14[%swap3A_77, %swap3A_78], %swap3A_81 {strides = array<i32>} : memref<64x128xf32, #tpu.memory_space<vmem>>, vector<1x16xf32>,
      %swap3A_82 = arith.index_cast %scan3A_57 : i32 to index
      %swap3A_83 = arith.constant 32 : index
      %swap3A_84 = tpu.vector_load %arg15[%swap3A_82, %swap3A_83] {strides = array<i32>} : memref<64x128xf32, #tpu.memory_space<vmem>>, vector<1x16xf32>,
      %swap3A_85 = vector.shape_cast %swap3A_84 : vector<1x16xf32> to vector<16xf32>
      %swap3A_86 = vector.shape_cast %broadcast_in_dim3A_3 : vector<16xf32> to vector<1x16xf32>
      tpu.vector_store %arg15[%swap3A_82, %swap3A_83], %swap3A_86 {strides = array<i32>} : memref<64x128xf32, #tpu.memory_space<vmem>>, vector<1x16xf32>,
      %swap3A_87 = arith.index_cast %scan3A_57 : i32 to index
      %swap3A_88 = arith.constant 48 : index
      %swap3A_89 = tpu.vector_load %arg14[%swap3A_87, %swap3A_88] {strides = array<i32>} : memref<64x128xf32, #tpu.memory_space<vmem>>, vector<1x16xf32>,
      %swap3A_90 = vector.shape_cast %swap3A_89 : vector<1x16xf32> to vector<16xf32>
      %swap3A_91 = vector.shape_cast %broadcast_in_dim3A_3 : vector<16xf32> to vector<1x16xf32>
      tpu.vector_store %arg14[%swap3A_87, %swap3A_88], %swap3A_91 {strides = array<i32>} : memref<64x128xf32, #tpu.memory_space<vmem>>, vector<1x16xf32>,
      %swap3A_92 = arith.index_cast %scan3A_57 : i32 to index
      %swap3A_93 = arith.constant 48 : index
      %swap3A_94 = tpu.vector_load %arg15[%swap3A_92, %swap3A_93] {strides = array<i32>} : memref<64x128xf32, #tpu.memory_space<vmem>>, vector<1x16xf32>,
      %swap3A_95 = vector.shape_cast %swap3A_94 : vector<1x16xf32> to vector<16xf32>
      %swap3A_96 = vector.shape_cast %broadcast_in_dim3A_3 : vector<16xf32> to vector<1x16xf32>
      tpu.vector_store %arg15[%swap3A_92, %swap3A_93], %swap3A_96 {strides = array<i32>} : memref<64x128xf32, #tpu.memory_space<vmem>>, vector<1x16xf32>,
      %swap3A_97 = arith.index_cast %scan3A_57 : i32 to index
      %swap3A_98 = arith.constant 64 : index
      %swap3A_99 = tpu.vector_load %arg14[%swap3A_97, %swap3A_98] {strides = array<i32>} : memref<64x128xf32, #tpu.memory_space<vmem>>, vector<1x16xf32>,
      %swap3A_100 = vector.shape_cast %swap3A_99 : vector<1x16xf32> to vector<16xf32>
      %swap3A_101 = vector.shape_cast %broadcast_in_dim3A_3 : vector<16xf32> to vector<1x16xf32>
      tpu.vector_store %arg14[%swap3A_97, %swap3A_98], %swap3A_101 {strides = array<i32>} : memref<64x128xf32, #tpu.memory_space<vmem>>, vector<1x16xf32>,
      %swap3A_102 = arith.index_cast %scan3A_57 : i32 to index
      %swap3A_103 = arith.constant 64 : index
      %swap3A_104 = tpu.vector_load %arg15[%swap3A_102, %swap3A_103] {strides = array<i32>} : memref<64x128xf32, #tpu.memory_space<vmem>>, vector<1x16xf32>,
      %swap3A_105 = vector.shape_cast %swap3A_104 : vector<1x16xf32> to vector<16xf32>
      %swap3A_106 = vector.shape_cast %broadcast_in_dim3A_3 : vector<16xf32> to vector<1x16xf32>
      tpu.vector_store %arg15[%swap3A_102, %swap3A_103], %swap3A_106 {strides = array<i32>} : memref<64x128xf32, #tpu.memory_space<vmem>>, vector<1x16xf32>,
      %swap3A_107 = arith.index_cast %scan3A_57 : i32 to index
      %swap3A_108 = arith.constant 80 : index
      %swap3A_109 = tpu.vector_load %arg14[%swap3A_107, %swap3A_108] {strides = array<i32>} : memref<64x128xf32, #tpu.memory_space<vmem>>, vector<1x16xf32>,
      %swap3A_110 = vector.shape_cast %swap3A_109 : vector<1x16xf32> to vector<16xf32>
      %swap3A_111 = vector.shape_cast %broadcast_in_dim3A_3 : vector<16xf32> to vector<1x16xf32>
      tpu.vector_store %arg14[%swap3A_107, %swap3A_108], %swap3A_111 {strides = array<i32>} : memref<64x128xf32, #tpu.memory_space<vmem>>, vector<1x16xf32>,
      %swap3A_112 = arith.index_cast %scan3A_57 : i32 to index
      %swap3A_113 = arith.constant 80 : index
      %swap3A_114 = tpu.vector_load %arg15[%swap3A_112, %swap3A_113] {strides = array<i32>} : memref<64x128xf32, #tpu.memory_space<vmem>>, vector<1x16xf32>,
      %swap3A_115 = vector.shape_cast %swap3A_114 : vector<1x16xf32> to vector<16xf32>
      %swap3A_116 = vector.shape_cast %broadcast_in_dim3A_3 : vector<16xf32> to vector<1x16xf32>
      tpu.vector_store %arg15[%swap3A_112, %swap3A_113], %swap3A_116 {strides = array<i32>} : memref<64x128xf32, #tpu.memory_space<vmem>>, vector<1x16xf32>,
      %swap3A_117 = arith.index_cast %scan3A_57 : i32 to index
      %swap3A_118 = arith.constant 96 : index
      %swap3A_119 = tpu.vector_load %arg14[%swap3A_117, %swap3A_118] {strides = array<i32>} : memref<64x128xf32, #tpu.memory_space<vmem>>, vector<1x16xf32>,
      %swap3A_120 = vector.shape_cast %swap3A_119 : vector<1x16xf32> to vector<16xf32>
      %swap3A_121 = vector.shape_cast %broadcast_in_dim3A_3 : vector<16xf32> to vector<1x16xf32>
      tpu.vector_store %arg14[%swap3A_117, %swap3A_118], %swap3A_121 {strides = array<i32>} : memref<64x128xf32, #tpu.memory_space<vmem>>, vector<1x16xf32>,
      %swap3A_122 = arith.index_cast %scan3A_57 : i32 to index
      %swap3A_123 = arith.constant 96 : index
      %swap3A_124 = tpu.vector_load %arg15[%swap3A_122, %swap3A_123] {strides = array<i32>} : memref<64x128xf32, #tpu.memory_space<vmem>>, vector<1x16xf32>,
      %swap3A_125 = vector.shape_cast %swap3A_124 : vector<1x16xf32> to vector<16xf32>
      %swap3A_126 = vector.shape_cast %broadcast_in_dim3A_3 : vector<16xf32> to vector<1x16xf32>
      tpu.vector_store %arg15[%swap3A_122, %swap3A_123], %swap3A_126 {strides = array<i32>} : memref<64x128xf32, #tpu.memory_space<vmem>>, vector<1x16xf32>,
      %swap3A_127 = arith.index_cast %scan3A_57 : i32 to index
      %swap3A_128 = arith.constant 112 : index
      %swap3A_129 = tpu.vector_load %arg14[%swap3A_127, %swap3A_128] {strides = array<i32>} : memref<64x128xf32, #tpu.memory_space<vmem>>, vector<1x16xf32>,
      %swap3A_130 = vector.shape_cast %swap3A_129 : vector<1x16xf32> to vector<16xf32>
      %swap3A_131 = vector.shape_cast %broadcast_in_dim3A_3 : vector<16xf32> to vector<1x16xf32>
      tpu.vector_store %arg14[%swap3A_127, %swap3A_128], %swap3A_131 {strides = array<i32>} : memref<64x128xf32, #tpu.memory_space<vmem>>, vector<1x16xf32>,
      %swap3A_132 = arith.index_cast %scan3A_57 : i32 to index
      %swap3A_133 = arith.constant 112 : index
      %swap3A_134 = tpu.vector_load %arg15[%swap3A_132, %swap3A_133] {strides = array<i32>} : memref<64x128xf32, #tpu.memory_space<vmem>>, vector<1x16xf32>,
      %swap3A_135 = vector.shape_cast %swap3A_134 : vector<1x16xf32> to vector<16xf32>
      %swap3A_136 = vector.shape_cast %broadcast_in_dim3A_3 : vector<16xf32> to vector<1x16xf32>
      tpu.vector_store %arg15[%swap3A_132, %swap3A_133], %swap3A_136 {strides = array<i32>} : memref<64x128xf32, #tpu.memory_space<vmem>>, vector<1x16xf32>,
    }
    %scan3A_8 = arith.constant 64 : i32
    %mul3A_9 = arith.constant 640 : i32
    %mul3A_10 = arith.muli %arg1, %mul3A_9 : i32
    %add3A = arith.constant 0 : i32
    %add3A_11 = arith.addi %mul3A_10, %add3A : i32
    "tpu.region"() ({
      %run_scoped3A = tpu.sem_alloc : memref<!tpu.dma_semaphore, #tpu.memory_space<semaphore_mem>>
      %dma_start3A = arith.constant 0 : i32
      %dma_start3A_57 = tpu.memref_slice %arg18[%add3A_11, %dma_start3A] : memref<10240x128xf32, #tpu.memory_space<vmem_shared>> -> memref<64x128xf32, #tpu.memory_space<vmem_shared>>
      %dma_start3A_58 = arith.constant 0 : i32
      %dma_start3A_59 = tpu.memref_slice %arg18[%add3A_11, %dma_start3A_58] : memref<10240x128xf32, #tpu.memory_space<vmem_shared>> -> memref<64x128xf32, #tpu.memory_space<vmem_shared>>
      tpu.enqueue_dma source(%arg14 : memref<64x128xf32, #tpu.memory_space<vmem>>) target(%dma_start3A_59 : memref<64x128xf32, #tpu.memory_space<vmem_shared>>) target_semaphore(%run_scoped3A : memref<!tpu.dma_semaphore, #tpu.memory_space<semaphore_mem>>)
      %dma_wait3A = arith.constant 0 : i32
      %dma_wait3A_60 = tpu.memref_slice %arg18[%add3A_11, %dma_wait3A] : memref<10240x128xf32, #tpu.memory_space<vmem_shared>> -> memref<64x128xf32, #tpu.memory_space<vmem_shared>>
      %dma_wait3A_61 = arith.constant 0 : i32
      %dma_wait3A_62 = tpu.memref_slice %arg18[%add3A_11, %dma_wait3A_61] : memref<10240x128xf32, #tpu.memory_space<vmem_shared>> -> memref<64x128xf32, #tpu.memory_space<vmem_shared>>
      tpu.wait_dma2 semaphore(%run_scoped3A : memref<!tpu.dma_semaphore, #tpu.memory_space<semaphore_mem>>) src(%arg14 : memref<64x128xf32, #tpu.memory_space<vmem>>) dst(%dma_wait3A_62 : memref<64x128xf32, #tpu.memory_space<vmem_shared>>)
      tpu.yield
    }) : () -> ()
    %add3A_12 = arith.constant 64 : i32
    %add3A_13 = arith.addi %mul3A_10, %add3A_12 : i32
    "tpu.region"() ({
      %run_scoped3A = tpu.sem_alloc : memref<!tpu.dma_semaphore, #tpu.memory_space<semaphore_mem>>
      %dma_start3A = arith.constant 0 : i32
      %dma_start3A_57 = tpu.memref_slice %arg18[%add3A_13, %dma_start3A] : memref<10240x128xf32, #tpu.memory_space<vmem_shared>> -> memref<64x128xf32, #tpu.memory_space<vmem_shared>>
      %dma_start3A_58 = arith.constant 0 : i32
      %dma_start3A_59 = tpu.memref_slice %arg18[%add3A_13, %dma_start3A_58] : memref<10240x128xf32, #tpu.memory_space<vmem_shared>> -> memref<64x128xf32, #tpu.memory_space<vmem_shared>>
      tpu.enqueue_dma source(%arg14 : memref<64x128xf32, #tpu.memory_space<vmem>>) target(%dma_start3A_59 : memref<64x128xf32, #tpu.memory_space<vmem_shared>>) target_semaphore(%run_scoped3A : memref<!tpu.dma_semaphore, #tpu.memory_space<semaphore_mem>>)
      %dma_wait3A = arith.constant 0 : i32
      %dma_wait3A_60 = tpu.memref_slice %arg18[%add3A_13, %dma_wait3A] : memref<10240x128xf32, #tpu.memory_space<vmem_shared>> -> memref<64x128xf32, #tpu.memory_space<vmem_shared>>
      %dma_wait3A_61 = arith.constant 0 : i32
      %dma_wait3A_62 = tpu.memref_slice %arg18[%add3A_13, %dma_wait3A_61] : memref<10240x128xf32, #tpu.memory_space<vmem_shared>> -> memref<64x128xf32, #tpu.memory_space<vmem_shared>>
      tpu.wait_dma2 semaphore(%run_scoped3A : memref<!tpu.dma_semaphore, #tpu.memory_space<semaphore_mem>>) src(%arg14 : memref<64x128xf32, #tpu.memory_space<vmem>>) dst(%dma_wait3A_62 : memref<64x128xf32, #tpu.memory_space<vmem_shared>>)
      tpu.yield
    }) : () -> ()
    %add3A_14 = arith.constant 128 : i32
    %add3A_15 = arith.addi %mul3A_10, %add3A_14 : i32
    "tpu.region"() ({
      %run_scoped3A = tpu.sem_alloc : memref<!tpu.dma_semaphore, #tpu.memory_space<semaphore_mem>>
      %dma_start3A = arith.constant 0 : i32
      %dma_start3A_57 = tpu.memref_slice %arg18[%add3A_15, %dma_start3A] : memref<10240x128xf32, #tpu.memory_space<vmem_shared>> -> memref<64x128xf32, #tpu.memory_space<vmem_shared>>
      %dma_start3A_58 = arith.constant 0 : i32
      %dma_start3A_59 = tpu.memref_slice %arg18[%add3A_15, %dma_start3A_58] : memref<10240x128xf32, #tpu.memory_space<vmem_shared>> -> memref<64x128xf32, #tpu.memory_space<vmem_shared>>
      tpu.enqueue_dma source(%arg14 : memref<64x128xf32, #tpu.memory_space<vmem>>) target(%dma_start3A_59 : memref<64x128xf32, #tpu.memory_space<vmem_shared>>) target_semaphore(%run_scoped3A : memref<!tpu.dma_semaphore, #tpu.memory_space<semaphore_mem>>)
      %dma_wait3A = arith.constant 0 : i32
      %dma_wait3A_60 = tpu.memref_slice %arg18[%add3A_15, %dma_wait3A] : memref<10240x128xf32, #tpu.memory_space<vmem_shared>> -> memref<64x128xf32, #tpu.memory_space<vmem_shared>>
      %dma_wait3A_61 = arith.constant 0 : i32
      %dma_wait3A_62 = tpu.memref_slice %arg18[%add3A_15, %dma_wait3A_61] : memref<10240x128xf32, #tpu.memory_space<vmem_shared>> -> memref<64x128xf32, #tpu.memory_space<vmem_shared>>
      tpu.wait_dma2 semaphore(%run_scoped3A : memref<!tpu.dma_semaphore, #tpu.memory_space<semaphore_mem>>) src(%arg14 : memref<64x128xf32, #tpu.memory_space<vmem>>) dst(%dma_wait3A_62 : memref<64x128xf32, #tpu.memory_space<vmem_shared>>)
      tpu.yield
    }) : () -> ()
    %add3A_16 = arith.constant 192 : i32
    %add3A_17 = arith.addi %mul3A_10, %add3A_16 : i32
    "tpu.region"() ({
      %run_scoped3A = tpu.sem_alloc : memref<!tpu.dma_semaphore, #tpu.memory_space<semaphore_mem>>
      %dma_start3A = arith.constant 0 : i32
      %dma_start3A_57 = tpu.memref_slice %arg18[%add3A_17, %dma_start3A] : memref<10240x128xf32, #tpu.memory_space<vmem_shared>> -> memref<64x128xf32, #tpu.memory_space<vmem_shared>>
      %dma_start3A_58 = arith.constant 0 : i32
      %dma_start3A_59 = tpu.memref_slice %arg18[%add3A_17, %dma_start3A_58] : memref<10240x128xf32, #tpu.memory_space<vmem_shared>> -> memref<64x128xf32, #tpu.memory_space<vmem_shared>>
      tpu.enqueue_dma source(%arg14 : memref<64x128xf32, #tpu.memory_space<vmem>>) target(%dma_start3A_59 : memref<64x128xf32, #tpu.memory_space<vmem_shared>>) target_semaphore(%run_scoped3A : memref<!tpu.dma_semaphore, #tpu.memory_space<semaphore_mem>>)
      %dma_wait3A = arith.constant 0 : i32
      %dma_wait3A_60 = tpu.memref_slice %arg18[%add3A_17, %dma_wait3A] : memref<10240x128xf32, #tpu.memory_space<vmem_shared>> -> memref<64x128xf32, #tpu.memory_space<vmem_shared>>
      %dma_wait3A_61 = arith.constant 0 : i32
      %dma_wait3A_62 = tpu.memref_slice %arg18[%add3A_17, %dma_wait3A_61] : memref<10240x128xf32, #tpu.memory_space<vmem_shared>> -> memref<64x128xf32, #tpu.memory_space<vmem_shared>>
      tpu.wait_dma2 semaphore(%run_scoped3A : memref<!tpu.dma_semaphore, #tpu.memory_space<semaphore_mem>>) src(%arg14 : memref<64x128xf32, #tpu.memory_space<vmem>>) dst(%dma_wait3A_62 : memref<64x128xf32, #tpu.memory_space<vmem_shared>>)
      tpu.yield
    }) : () -> ()
    %add3A_18 = arith.constant 256 : i32
    %add3A_19 = arith.addi %mul3A_10, %add3A_18 : i32
    "tpu.region"() ({
      %run_scoped3A = tpu.sem_alloc : memref<!tpu.dma_semaphore, #tpu.memory_space<semaphore_mem>>
      %dma_start3A = arith.constant 0 : i32
      %dma_start3A_57 = tpu.memref_slice %arg18[%add3A_19, %dma_start3A] : memref<10240x128xf32, #tpu.memory_space<vmem_shared>> -> memref<64x128xf32, #tpu.memory_space<vmem_shared>>
      %dma_start3A_58 = arith.constant 0 : i32
      %dma_start3A_59 = tpu.memref_slice %arg18[%add3A_19, %dma_start3A_58] : memref<10240x128xf32, #tpu.memory_space<vmem_shared>> -> memref<64x128xf32, #tpu.memory_space<vmem_shared>>
      tpu.enqueue_dma source(%arg14 : memref<64x128xf32, #tpu.memory_space<vmem>>) target(%dma_start3A_59 : memref<64x128xf32, #tpu.memory_space<vmem_shared>>) target_semaphore(%run_scoped3A : memref<!tpu.dma_semaphore, #tpu.memory_space<semaphore_mem>>)
      %dma_wait3A = arith.constant 0 : i32
      %dma_wait3A_60 = tpu.memref_slice %arg18[%add3A_19, %dma_wait3A] : memref<10240x128xf32, #tpu.memory_space<vmem_shared>> -> memref<64x128xf32, #tpu.memory_space<vmem_shared>>
      %dma_wait3A_61 = arith.constant 0 : i32
      %dma_wait3A_62 = tpu.memref_slice %arg18[%add3A_19, %dma_wait3A_61] : memref<10240x128xf32, #tpu.memory_space<vmem_shared>> -> memref<64x128xf32, #tpu.memory_space<vmem_shared>>
      tpu.wait_dma2 semaphore(%run_scoped3A : memref<!tpu.dma_semaphore, #tpu.memory_space<semaphore_mem>>) src(%arg14 : memref<64x128xf32, #tpu.memory_space<vmem>>) dst(%dma_wait3A_62 : memref<64x128xf32, #tpu.memory_space<vmem_shared>>)
      tpu.yield
    }) : () -> ()
    %add3A_20 = arith.constant 320 : i32
    %add3A_21 = arith.addi %mul3A_10, %add3A_20 : i32
    "tpu.region"() ({
      %run_scoped3A = tpu.sem_alloc : memref<!tpu.dma_semaphore, #tpu.memory_space<semaphore_mem>>
      %dma_start3A = arith.constant 0 : i32
      %dma_start3A_57 = tpu.memref_slice %arg18[%add3A_21, %dma_start3A] : memref<10240x128xf32, #tpu.memory_space<vmem_shared>> -> memref<64x128xf32, #tpu.memory_space<vmem_shared>>
      %dma_start3A_58 = arith.constant 0 : i32
      %dma_start3A_59 = tpu.memref_slice %arg18[%add3A_21, %dma_start3A_58] : memref<10240x128xf32, #tpu.memory_space<vmem_shared>> -> memref<64x128xf32, #tpu.memory_space<vmem_shared>>
      tpu.enqueue_dma source(%arg14 : memref<64x128xf32, #tpu.memory_space<vmem>>) target(%dma_start3A_59 : memref<64x128xf32, #tpu.memory_space<vmem_shared>>) target_semaphore(%run_scoped3A : memref<!tpu.dma_semaphore, #tpu.memory_space<semaphore_mem>>)
      %dma_wait3A = arith.constant 0 : i32
      %dma_wait3A_60 = tpu.memref_slice %arg18[%add3A_21, %dma_wait3A] : memref<10240x128xf32, #tpu.memory_space<vmem_shared>> -> memref<64x128xf32, #tpu.memory_space<vmem_shared>>
      %dma_wait3A_61 = arith.constant 0 : i32
      %dma_wait3A_62 = tpu.memref_slice %arg18[%add3A_21, %dma_wait3A_61] : memref<10240x128xf32, #tpu.memory_space<vmem_shared>> -> memref<64x128xf32, #tpu.memory_space<vmem_shared>>
      tpu.wait_dma2 semaphore(%run_scoped3A : memref<!tpu.dma_semaphore, #tpu.memory_space<semaphore_mem>>) src(%arg14 : memref<64x128xf32, #tpu.memory_space<vmem>>) dst(%dma_wait3A_62 : memref<64x128xf32, #tpu.memory_space<vmem_shared>>)
      tpu.yield
    }) : () -> ()
    %add3A_22 = arith.constant 384 : i32
    %add3A_23 = arith.addi %mul3A_10, %add3A_22 : i32
    "tpu.region"() ({
      %run_scoped3A = tpu.sem_alloc : memref<!tpu.dma_semaphore, #tpu.memory_space<semaphore_mem>>
      %dma_start3A = arith.constant 0 : i32
      %dma_start3A_57 = tpu.memref_slice %arg18[%add3A_23, %dma_start3A] : memref<10240x128xf32, #tpu.memory_space<vmem_shared>> -> memref<64x128xf32, #tpu.memory_space<vmem_shared>>
      %dma_start3A_58 = arith.constant 0 : i32
      %dma_start3A_59 = tpu.memref_slice %arg18[%add3A_23, %dma_start3A_58] : memref<10240x128xf32, #tpu.memory_space<vmem_shared>> -> memref<64x128xf32, #tpu.memory_space<vmem_shared>>
      tpu.enqueue_dma source(%arg14 : memref<64x128xf32, #tpu.memory_space<vmem>>) target(%dma_start3A_59 : memref<64x128xf32, #tpu.memory_space<vmem_shared>>) target_semaphore(%run_scoped3A : memref<!tpu.dma_semaphore, #tpu.memory_space<semaphore_mem>>)
      %dma_wait3A = arith.constant 0 : i32
      %dma_wait3A_60 = tpu.memref_slice %arg18[%add3A_23, %dma_wait3A] : memref<10240x128xf32, #tpu.memory_space<vmem_shared>> -> memref<64x128xf32, #tpu.memory_space<vmem_shared>>
      %dma_wait3A_61 = arith.constant 0 : i32
      %dma_wait3A_62 = tpu.memref_slice %arg18[%add3A_23, %dma_wait3A_61] : memref<10240x128xf32, #tpu.memory_space<vmem_shared>> -> memref<64x128xf32, #tpu.memory_space<vmem_shared>>
      tpu.wait_dma2 semaphore(%run_scoped3A : memref<!tpu.dma_semaphore, #tpu.memory_space<semaphore_mem>>) src(%arg14 : memref<64x128xf32, #tpu.memory_space<vmem>>) dst(%dma_wait3A_62 : memref<64x128xf32, #tpu.memory_space<vmem_shared>>)
      tpu.yield
    }) : () -> ()
    %add3A_24 = arith.constant 448 : i32
    %add3A_25 = arith.addi %mul3A_10, %add3A_24 : i32
    "tpu.region"() ({
      %run_scoped3A = tpu.sem_alloc : memref<!tpu.dma_semaphore, #tpu.memory_space<semaphore_mem>>
      %dma_start3A = arith.constant 0 : i32
      %dma_start3A_57 = tpu.memref_slice %arg18[%add3A_25, %dma_start3A] : memref<10240x128xf32, #tpu.memory_space<vmem_shared>> -> memref<64x128xf32, #tpu.memory_space<vmem_shared>>
      %dma_start3A_58 = arith.constant 0 : i32
      %dma_start3A_59 = tpu.memref_slice %arg18[%add3A_25, %dma_start3A_58] : memref<10240x128xf32, #tpu.memory_space<vmem_shared>> -> memref<64x128xf32, #tpu.memory_space<vmem_shared>>
      tpu.enqueue_dma source(%arg14 : memref<64x128xf32, #tpu.memory_space<vmem>>) target(%dma_start3A_59 : memref<64x128xf32, #tpu.memory_space<vmem_shared>>) target_semaphore(%run_scoped3A : memref<!tpu.dma_semaphore, #tpu.memory_space<semaphore_mem>>)
      %dma_wait3A = arith.constant 0 : i32
      %dma_wait3A_60 = tpu.memref_slice %arg18[%add3A_25, %dma_wait3A] : memref<10240x128xf32, #tpu.memory_space<vmem_shared>> -> memref<64x128xf32, #tpu.memory_space<vmem_shared>>
      %dma_wait3A_61 = arith.constant 0 : i32
      %dma_wait3A_62 = tpu.memref_slice %arg18[%add3A_25, %dma_wait3A_61] : memref<10240x128xf32, #tpu.memory_space<vmem_shared>> -> memref<64x128xf32, #tpu.memory_space<vmem_shared>>
      tpu.wait_dma2 semaphore(%run_scoped3A : memref<!tpu.dma_semaphore, #tpu.memory_space<semaphore_mem>>) src(%arg14 : memref<64x128xf32, #tpu.memory_space<vmem>>) dst(%dma_wait3A_62 : memref<64x128xf32, #tpu.memory_space<vmem_shared>>)
      tpu.yield
    }) : () -> ()
    %add3A_26 = arith.constant 512 : i32
    %add3A_27 = arith.addi %mul3A_10, %add3A_26 : i32
    "tpu.region"() ({
      %run_scoped3A = tpu.sem_alloc : memref<!tpu.dma_semaphore, #tpu.memory_space<semaphore_mem>>
      %dma_start3A = arith.constant 0 : i32
      %dma_start3A_57 = tpu.memref_slice %arg18[%add3A_27, %dma_start3A] : memref<10240x128xf32, #tpu.memory_space<vmem_shared>> -> memref<64x128xf32, #tpu.memory_space<vmem_shared>>
      %dma_start3A_58 = arith.constant 0 : i32
      %dma_start3A_59 = tpu.memref_slice %arg18[%add3A_27, %dma_start3A_58] : memref<10240x128xf32, #tpu.memory_space<vmem_shared>> -> memref<64x128xf32, #tpu.memory_space<vmem_shared>>
      tpu.enqueue_dma source(%arg14 : memref<64x128xf32, #tpu.memory_space<vmem>>) target(%dma_start3A_59 : memref<64x128xf32, #tpu.memory_space<vmem_shared>>) target_semaphore(%run_scoped3A : memref<!tpu.dma_semaphore, #tpu.memory_space<semaphore_mem>>)
      %dma_wait3A = arith.constant 0 : i32
      %dma_wait3A_60 = tpu.memref_slice %arg18[%add3A_27, %dma_wait3A] : memref<10240x128xf32, #tpu.memory_space<vmem_shared>> -> memref<64x128xf32, #tpu.memory_space<vmem_shared>>
      %dma_wait3A_61 = arith.constant 0 : i32
      %dma_wait3A_62 = tpu.memref_slice %arg18[%add3A_27, %dma_wait3A_61] : memref<10240x128xf32, #tpu.memory_space<vmem_shared>> -> memref<64x128xf32, #tpu.memory_space<vmem_shared>>
      tpu.wait_dma2 semaphore(%run_scoped3A : memref<!tpu.dma_semaphore, #tpu.memory_space<semaphore_mem>>) src(%arg14 : memref<64x128xf32, #tpu.memory_space<vmem>>) dst(%dma_wait3A_62 : memref<64x128xf32, #tpu.memory_space<vmem_shared>>)
      tpu.yield
    }) : () -> ()
    %add3A_28 = arith.constant 576 : i32
    %add3A_29 = arith.addi %mul3A_10, %add3A_28 : i32
    "tpu.region"() ({
      %run_scoped3A = tpu.sem_alloc : memref<!tpu.dma_semaphore, #tpu.memory_space<semaphore_mem>>
      %dma_start3A = arith.constant 0 : i32
      %dma_start3A_57 = tpu.memref_slice %arg18[%add3A_29, %dma_start3A] : memref<10240x128xf32, #tpu.memory_space<vmem_shared>> -> memref<64x128xf32, #tpu.memory_space<vmem_shared>>
      %dma_start3A_58 = arith.constant 0 : i32
      %dma_start3A_59 = tpu.memref_slice %arg18[%add3A_29, %dma_start3A_58] : memref<10240x128xf32, #tpu.memory_space<vmem_shared>> -> memref<64x128xf32, #tpu.memory_space<vmem_shared>>
      tpu.enqueue_dma source(%arg14 : memref<64x128xf32, #tpu.memory_space<vmem>>) target(%dma_start3A_59 : memref<64x128xf32, #tpu.memory_space<vmem_shared>>) target_semaphore(%run_scoped3A : memref<!tpu.dma_semaphore, #tpu.memory_space<semaphore_mem>>)
      %dma_wait3A = arith.constant 0 : i32
      %dma_wait3A_60 = tpu.memref_slice %arg18[%add3A_29, %dma_wait3A] : memref<10240x128xf32, #tpu.memory_space<vmem_shared>> -> memref<64x128xf32, #tpu.memory_space<vmem_shared>>
      %dma_wait3A_61 = arith.constant 0 : i32
      %dma_wait3A_62 = tpu.memref_slice %arg18[%add3A_29, %dma_wait3A_61] : memref<10240x128xf32, #tpu.memory_space<vmem_shared>> -> memref<64x128xf32, #tpu.memory_space<vmem_shared>>
      tpu.wait_dma2 semaphore(%run_scoped3A : memref<!tpu.dma_semaphore, #tpu.memory_space<semaphore_mem>>) src(%arg14 : memref<64x128xf32, #tpu.memory_space<vmem>>) dst(%dma_wait3A_62 : memref<64x128xf32, #tpu.memory_space<vmem_shared>>)
      tpu.yield
    }) : () -> ()
    %barrier3A = arith.constant 0 : index
    tpu.barrier barrier_id(%barrier3A)
    %scan3A_30 = arith.constant 0 : i32
    %scan3A_31 = arith.constant 0 : i32
    %scan3A_32 = arith.constant 40 : i32
    %scan3A_33 = arith.addi %scan3A_31, %scan3A_32 : i32
    %scan3A_34 = arith.constant 1 : i32
    scf.for %scan3A_57 = %scan3A_31 to %scan3A_33 step %scan3A_34  : i32 {
      %mul3A_58 = arith.constant 8 : i32
      %mul3A_59 = arith.muli %scan3A_57, %mul3A_58 : i32
      %add3A_60 = arith.addi %mul3A_2, %mul3A_59 : i32
      "tpu.region"() ({
        %run_scoped3A = tpu.sem_alloc : memref<!tpu.dma_semaphore, #tpu.memory_space<semaphore_mem>>
        %dma_start3A = arith.constant 0 : i32
        %dma_start3A_67 = tpu.memref_slice %arg3[%add3A_60, %dma_start3A] : memref<5120x64xi32, #tpu.memory_space<hbm>> -> memref<8x64xi32, #tpu.memory_space<hbm>>
        %dma_start3A_68 = arith.constant 0 : i32
        %dma_start3A_69 = tpu.memref_slice %arg3[%add3A_60, %dma_start3A_68] : memref<5120x64xi32, #tpu.memory_space<hbm>> -> memref<8x64xi32, #tpu.memory_space<hbm>>
        tpu.enqueue_dma source(%dma_start3A_69 : memref<8x64xi32, #tpu.memory_space<hbm>>) target(%arg8 : memref<8x64xi32, #tpu.memory_space<vmem>>) target_semaphore(%run_scoped3A : memref<!tpu.dma_semaphore, #tpu.memory_space<semaphore_mem>>)
        %dma_wait3A = arith.constant 0 : i32
        %dma_wait3A_70 = tpu.memref_slice %arg3[%add3A_60, %dma_wait3A] : memref<5120x64xi32, #tpu.memory_space<hbm>> -> memref<8x64xi32, #tpu.memory_space<hbm>>
        %dma_wait3A_71 = arith.constant 0 : i32
        %dma_wait3A_72 = tpu.memref_slice %arg3[%add3A_60, %dma_wait3A_71] : memref<5120x64xi32, #tpu.memory_space<hbm>> -> memref<8x64xi32, #tpu.memory_space<hbm>>
        tpu.wait_dma2 semaphore(%run_scoped3A : memref<!tpu.dma_semaphore, #tpu.memory_space<semaphore_mem>>) src(%dma_wait3A_72 : memref<8x64xi32, #tpu.memory_space<hbm>>) dst(%arg8 : memref<8x64xi32, #tpu.memory_space<vmem>>)
        tpu.yield
      }) : () -> ()
      "tpu.region"() ({
        %run_scoped3A = tpu.sem_alloc : memref<!tpu.dma_semaphore, #tpu.memory_space<semaphore_mem>>
        %dma_start3A = arith.constant 0 : i32
        %dma_start3A_67 = tpu.memref_slice %arg4[%add3A_60, %dma_start3A] : memref<5120x64xi32, #tpu.memory_space<hbm>> -> memref<8x64xi32, #tpu.memory_space<hbm>>
        %dma_start3A_68 = arith.constant 0 : i32
        %dma_start3A_69 = tpu.memref_slice %arg4[%add3A_60, %dma_start3A_68] : memref<5120x64xi32, #tpu.memory_space<hbm>> -> memref<8x64xi32, #tpu.memory_space<hbm>>
        tpu.enqueue_dma source(%dma_start3A_69 : memref<8x64xi32, #tpu.memory_space<hbm>>) target(%arg9 : memref<8x64xi32, #tpu.memory_space<vmem>>) target_semaphore(%run_scoped3A : memref<!tpu.dma_semaphore, #tpu.memory_space<semaphore_mem>>)
        %dma_wait3A = arith.constant 0 : i32
        %dma_wait3A_70 = tpu.memref_slice %arg4[%add3A_60, %dma_wait3A] : memref<5120x64xi32, #tpu.memory_space<hbm>> -> memref<8x64xi32, #tpu.memory_space<hbm>>
        %dma_wait3A_71 = arith.constant 0 : i32
        %dma_wait3A_72 = tpu.memref_slice %arg4[%add3A_60, %dma_wait3A_71] : memref<5120x64xi32, #tpu.memory_space<hbm>> -> memref<8x64xi32, #tpu.memory_space<hbm>>
        tpu.wait_dma2 semaphore(%run_scoped3A : memref<!tpu.dma_semaphore, #tpu.memory_space<semaphore_mem>>) src(%dma_wait3A_72 : memref<8x64xi32, #tpu.memory_space<hbm>>) dst(%arg9 : memref<8x64xi32, #tpu.memory_space<vmem>>)
        tpu.yield
      }) : () -> ()
      "tpu.region"() ({
        %run_scoped3A = tpu.sem_alloc : memref<!tpu.dma_semaphore, #tpu.memory_space<semaphore_mem>>
        %dma_start3A = arith.constant 0 : i32
        %dma_start3A_67 = tpu.memref_slice %arg5[%add3A_60, %dma_start3A] : memref<5120x64xi32, #tpu.memory_space<hbm>> -> memref<8x64xi32, #tpu.memory_space<hbm>>
        %dma_start3A_68 = arith.constant 0 : i32
        %dma_start3A_69 = tpu.memref_slice %arg5[%add3A_60, %dma_start3A_68] : memref<5120x64xi32, #tpu.memory_space<hbm>> -> memref<8x64xi32, #tpu.memory_space<hbm>>
        tpu.enqueue_dma source(%dma_start3A_69 : memref<8x64xi32, #tpu.memory_space<hbm>>) target(%arg10 : memref<8x64xi32, #tpu.memory_space<vmem>>) target_semaphore(%run_scoped3A : memref<!tpu.dma_semaphore, #tpu.memory_space<semaphore_mem>>)
        %dma_wait3A = arith.constant 0 : i32
        %dma_wait3A_70 = tpu.memref_slice %arg5[%add3A_60, %dma_wait3A] : memref<5120x64xi32, #tpu.memory_space<hbm>> -> memref<8x64xi32, #tpu.memory_space<hbm>>
        %dma_wait3A_71 = arith.constant 0 : i32
        %dma_wait3A_72 = tpu.memref_slice %arg5[%add3A_60, %dma_wait3A_71] : memref<5120x64xi32, #tpu.memory_space<hbm>> -> memref<8x64xi32, #tpu.memory_space<hbm>>
        tpu.wait_dma2 semaphore(%run_scoped3A : memref<!tpu.dma_semaphore, #tpu.memory_space<semaphore_mem>>) src(%dma_wait3A_72 : memref<8x64xi32, #tpu.memory_space<hbm>>) dst(%arg10 : memref<8x64xi32, #tpu.memory_space<vmem>>)
        tpu.yield
      }) : () -> ()
      "tpu.region"() ({
        %run_scoped3A = tpu.sem_alloc : memref<!tpu.dma_semaphore, #tpu.memory_space<semaphore_mem>>
        %dma_start3A = arith.constant 0 : i32
        %dma_start3A_67 = tpu.memref_slice %arg6[%add3A_60, %dma_start3A] : memref<5120x64xi32, #tpu.memory_space<hbm>> -> memref<8x64xi32, #tpu.memory_space<hbm>>
        %dma_start3A_68 = arith.constant 0 : i32
        %dma_start3A_69 = tpu.memref_slice %arg6[%add3A_60, %dma_start3A_68] : memref<5120x64xi32, #tpu.memory_space<hbm>> -> memref<8x64xi32, #tpu.memory_space<hbm>>
        tpu.enqueue_dma source(%dma_start3A_69 : memref<8x64xi32, #tpu.memory_space<hbm>>) target(%arg11 : memref<8x64xi32, #tpu.memory_space<vmem>>) target_semaphore(%run_scoped3A : memref<!tpu.dma_semaphore, #tpu.memory_space<semaphore_mem>>)
        %dma_wait3A = arith.constant 0 : i32
        %dma_wait3A_70 = tpu.memref_slice %arg6[%add3A_60, %dma_wait3A] : memref<5120x64xi32, #tpu.memory_space<hbm>> -> memref<8x64xi32, #tpu.memory_space<hbm>>
        %dma_wait3A_71 = arith.constant 0 : i32
        %dma_wait3A_72 = tpu.memref_slice %arg6[%add3A_60, %dma_wait3A_71] : memref<5120x64xi32, #tpu.memory_space<hbm>> -> memref<8x64xi32, #tpu.memory_space<hbm>>
        tpu.wait_dma2 semaphore(%run_scoped3A : memref<!tpu.dma_semaphore, #tpu.memory_space<semaphore_mem>>) src(%dma_wait3A_72 : memref<8x64xi32, #tpu.memory_space<hbm>>) dst(%arg11 : memref<8x64xi32, #tpu.memory_space<vmem>>)
        tpu.yield
      }) : () -> ()
      %scan3A_61 = arith.constant 0 : i32
      %scan3A_62 = arith.constant 0 : i32
      %scan3A_63 = arith.constant 8 : i32
      %scan3A_64 = arith.addi %scan3A_62, %scan3A_63 : i32
      %scan3A_65 = arith.constant 1 : i32
      scf.for %scan3A_67 = %scan3A_62 to %scan3A_64 step %scan3A_65  : i32 {
        %dma_start3A = arith.constant 0 : i32
        %dma_start3A_68 = tpu.memref_slice %arg8[%scan3A_67, %dma_start3A] : memref<8x64xi32, #tpu.memory_space<vmem>> -> memref<1x64xi32, #tpu.memory_space<vmem>>
        %dma_start3A_69 = tpu.memref_squeeze %dma_start3A_68 : memref<1x64xi32, #tpu.memory_space<vmem>> -> memref<64xi32, #tpu.memory_space<vmem>>
        %dma_start3A_70 = arith.constant 0 : i32
        %dma_start3A_71 = arith.constant 0 : i32
        %dma_start3A_72 = tpu.memref_slice %arg2[%dma_start3A_70, %dma_start3A_71] : memref<40960x128xf32, #tpu.memory_space<hbm>> -> memref<40960x128xf32, #tpu.memory_space<hbm>>
        tpu.enqueue_indirect_dma source(%dma_start3A_72 : memref<40960x128xf32, #tpu.memory_space<hbm>>) target(%arg12 : memref<64x128xf32, #tpu.memory_space<vmem>>) offsets(%dma_start3A_69 : memref<64xi32, #tpu.memory_space<vmem>>) semaphore(%arg16 : memref<!tpu.dma_semaphore, #tpu.memory_space<semaphore_mem>>)
        %dma_start3A_73 = arith.constant 0 : i32
        %dma_start3A_74 = tpu.memref_slice %arg9[%scan3A_67, %dma_start3A_73] : memref<8x64xi32, #tpu.memory_space<vmem>> -> memref<1x64xi32, #tpu.memory_space<vmem>>
        %dma_start3A_75 = tpu.memref_squeeze %dma_start3A_74 : memref<1x64xi32, #tpu.memory_space<vmem>> -> memref<64xi32, #tpu.memory_space<vmem>>
        %dma_start3A_76 = arith.constant 0 : i32
        %dma_start3A_77 = arith.constant 0 : i32
        %dma_start3A_78 = tpu.memref_slice %arg2[%dma_start3A_76, %dma_start3A_77] : memref<40960x128xf32, #tpu.memory_space<hbm>> -> memref<40960x128xf32, #tpu.memory_space<hbm>>
        tpu.enqueue_indirect_dma source(%dma_start3A_78 : memref<40960x128xf32, #tpu.memory_space<hbm>>) target(%arg13 : memref<64x128xf32, #tpu.memory_space<vmem>>) offsets(%dma_start3A_75 : memref<64xi32, #tpu.memory_space<vmem>>) semaphore(%arg16 : memref<!tpu.dma_semaphore, #tpu.memory_space<semaphore_mem>>)
        %dma_wait3A = arith.constant 0 : i32
        %dma_wait3A_79 = tpu.memref_slice %arg8[%scan3A_67, %dma_wait3A] : memref<8x64xi32, #tpu.memory_space<vmem>> -> memref<1x64xi32, #tpu.memory_space<vmem>>
        %dma_wait3A_80 = tpu.memref_squeeze %dma_wait3A_79 : memref<1x64xi32, #tpu.memory_space<vmem>> -> memref<64xi32, #tpu.memory_space<vmem>>
        %dma_wait3A_81 = arith.constant 0 : i32
        %dma_wait3A_82 = arith.constant 0 : i32
        %dma_wait3A_83 = tpu.memref_slice %arg2[%dma_wait3A_81, %dma_wait3A_82] : memref<40960x128xf32, #tpu.memory_space<hbm>> -> memref<40960x128xf32, #tpu.memory_space<hbm>>
        tpu.wait_indirect_dma semaphore(%arg16 : memref<!tpu.dma_semaphore, #tpu.memory_space<semaphore_mem>>) src(%dma_wait3A_83 : memref<40960x128xf32, #tpu.memory_space<hbm>>) dst(%arg12 : memref<64x128xf32, #tpu.memory_space<vmem>>)
        %dma_wait3A_84 = arith.constant 0 : i32
        %dma_wait3A_85 = tpu.memref_slice %arg9[%scan3A_67, %dma_wait3A_84] : memref<8x64xi32, #tpu.memory_space<vmem>> -> memref<1x64xi32, #tpu.memory_space<vmem>>
        %dma_wait3A_86 = tpu.memref_squeeze %dma_wait3A_85 : memref<1x64xi32, #tpu.memory_space<vmem>> -> memref<64xi32, #tpu.memory_space<vmem>>
        %dma_wait3A_87 = arith.constant 0 : i32
        %dma_wait3A_88 = arith.constant 0 : i32
        %dma_wait3A_89 = tpu.memref_slice %arg2[%dma_wait3A_87, %dma_wait3A_88] : memref<40960x128xf32, #tpu.memory_space<hbm>> -> memref<40960x128xf32, #tpu.memory_space<hbm>>
        tpu.wait_indirect_dma semaphore(%arg16 : memref<!tpu.dma_semaphore, #tpu.memory_space<semaphore_mem>>) src(%dma_wait3A_89 : memref<40960x128xf32, #tpu.memory_space<hbm>>) dst(%arg13 : memref<64x128xf32, #tpu.memory_space<vmem>>)
        %scan3A_90 = arith.constant 0 : i32
        %scan3A_91 = arith.constant 0 : i32
        %scan3A_92 = arith.constant 64 : i32
        %scan3A_93 = arith.addi %scan3A_91, %scan3A_92 : i32
        %scan3A_94 = arith.constant 1 : i32
        scf.for %scan3A_223 = %scan3A_91 to %scan3A_93 step %scan3A_94  : i32 {
          %add3A_224 = arith.constant 0 : i32
          %add3A_225 = arith.addi %mul3A_0, %add3A_224 : i32
          %get3A_226 = arith.index_cast %scan3A_223 : i32 to index
          %get3A_227 = arith.index_cast %add3A_225 : i32 to index
          %get3A_228 = tpu.vector_load %arg12[%get3A_226, %get3A_227] {strides = array<i32>} : memref<64x128xf32, #tpu.memory_space<vmem>>, vector<1x16xf32>,
          %get3A_229 = vector.shape_cast %get3A_228 : vector<1x16xf32> to vector<16xf32>
          %get3A_230 = arith.index_cast %scan3A_223 : i32 to index
          %get3A_231 = arith.index_cast %add3A_225 : i32 to index
          %get3A_232 = tpu.vector_load %arg13[%get3A_230, %get3A_231] {strides = array<i32>} : memref<64x128xf32, #tpu.memory_space<vmem>>, vector<1x16xf32>,
          %get3A_233 = vector.shape_cast %get3A_232 : vector<1x16xf32> to vector<16xf32>
          %add3A_234 = arith.addf %get3A_229, %get3A_233 : vector<16xf32>
          %max3A = arith.constant 0.000000e+00 : f32
          %max3A_235 = vector.broadcast %max3A : f32 to vector<16xf32>
          %max3A_236 = arith.maximumf %add3A_234, %max3A_235 : vector<16xf32>
          %swap3A = arith.index_cast %scan3A_223 : i32 to index
          %swap3A_237 = arith.constant 0 : index
          %swap3A_238 = tpu.vector_load %arg14[%swap3A, %swap3A_237] {strides = array<i32>} : memref<64x128xf32, #tpu.memory_space<vmem>>, vector<1x16xf32>,
          %swap3A_239 = vector.shape_cast %swap3A_238 : vector<1x16xf32> to vector<16xf32>
          %swap3A_240 = vector.shape_cast %max3A_236 : vector<16xf32> to vector<1x16xf32>
          tpu.vector_store %arg14[%swap3A, %swap3A_237], %swap3A_240 {strides = array<i32>} : memref<64x128xf32, #tpu.memory_space<vmem>>, vector<1x16xf32>,
          %swap3A_241 = arith.index_cast %scan3A_223 : i32 to index
          %swap3A_242 = arith.constant 64 : index
          %swap3A_243 = tpu.vector_load %arg15[%swap3A_241, %swap3A_242] {strides = array<i32>} : memref<64x128xf32, #tpu.memory_space<vmem>>, vector<1x16xf32>,
          %swap3A_244 = vector.shape_cast %swap3A_243 : vector<1x16xf32> to vector<16xf32>
          %swap3A_245 = vector.shape_cast %max3A_236 : vector<16xf32> to vector<1x16xf32>
          tpu.vector_store %arg15[%swap3A_241, %swap3A_242], %swap3A_245 {strides = array<i32>} : memref<64x128xf32, #tpu.memory_space<vmem>>, vector<1x16xf32>,
          %add3A_246 = arith.constant 16 : i32
          %add3A_247 = arith.addi %mul3A_0, %add3A_246 : i32
          %get3A_248 = arith.index_cast %scan3A_223 : i32 to index
          %get3A_249 = arith.index_cast %add3A_247 : i32 to index
          %get3A_250 = tpu.vector_load %arg12[%get3A_248, %get3A_249] {strides = array<i32>} : memref<64x128xf32, #tpu.memory_space<vmem>>, vector<1x16xf32>,
          %get3A_251 = vector.shape_cast %get3A_250 : vector<1x16xf32> to vector<16xf32>
          %get3A_252 = arith.index_cast %scan3A_223 : i32 to index
          %get3A_253 = arith.index_cast %add3A_247 : i32 to index
          %get3A_254 = tpu.vector_load %arg13[%get3A_252, %get3A_253] {strides = array<i32>} : memref<64x128xf32, #tpu.memory_space<vmem>>, vector<1x16xf32>,
          %get3A_255 = vector.shape_cast %get3A_254 : vector<1x16xf32> to vector<16xf32>
          %add3A_256 = arith.addf %get3A_251, %get3A_255 : vector<16xf32>
          %max3A_257 = arith.constant 0.000000e+00 : f32
          %max3A_258 = vector.broadcast %max3A_257 : f32 to vector<16xf32>
          %max3A_259 = arith.maximumf %add3A_256, %max3A_258 : vector<16xf32>
          %swap3A_260 = arith.index_cast %scan3A_223 : i32 to index
          %swap3A_261 = arith.constant 16 : index
          %swap3A_262 = tpu.vector_load %arg14[%swap3A_260, %swap3A_261] {strides = array<i32>} : memref<64x128xf32, #tpu.memory_space<vmem>>, vector<1x16xf32>,
          %swap3A_263 = vector.shape_cast %swap3A_262 : vector<1x16xf32> to vector<16xf32>
          %swap3A_264 = vector.shape_cast %max3A_259 : vector<16xf32> to vector<1x16xf32>
          tpu.vector_store %arg14[%swap3A_260, %swap3A_261], %swap3A_264 {strides = array<i32>} : memref<64x128xf32, #tpu.memory_space<vmem>>, vector<1x16xf32>,
          %swap3A_265 = arith.index_cast %scan3A_223 : i32 to index
          %swap3A_266 = arith.constant 80 : index
          %swap3A_267 = tpu.vector_load %arg15[%swap3A_265, %swap3A_266] {strides = array<i32>} : memref<64x128xf32, #tpu.memory_space<vmem>>, vector<1x16xf32>,
          %swap3A_268 = vector.shape_cast %swap3A_267 : vector<1x16xf32> to vector<16xf32>
          %swap3A_269 = vector.shape_cast %max3A_259 : vector<16xf32> to vector<1x16xf32>
          tpu.vector_store %arg15[%swap3A_265, %swap3A_266], %swap3A_269 {strides = array<i32>} : memref<64x128xf32, #tpu.memory_space<vmem>>, vector<1x16xf32>,
          %add3A_270 = arith.constant 32 : i32
          %add3A_271 = arith.addi %mul3A_0, %add3A_270 : i32
          %get3A_272 = arith.index_cast %scan3A_223 : i32 to index
          %get3A_273 = arith.index_cast %add3A_271 : i32 to index
          %get3A_274 = tpu.vector_load %arg12[%get3A_272, %get3A_273] {strides = array<i32>} : memref<64x128xf32, #tpu.memory_space<vmem>>, vector<1x16xf32>,
          %get3A_275 = vector.shape_cast %get3A_274 : vector<1x16xf32> to vector<16xf32>
          %get3A_276 = arith.index_cast %scan3A_223 : i32 to index
          %get3A_277 = arith.index_cast %add3A_271 : i32 to index
          %get3A_278 = tpu.vector_load %arg13[%get3A_276, %get3A_277] {strides = array<i32>} : memref<64x128xf32, #tpu.memory_space<vmem>>, vector<1x16xf32>,
          %get3A_279 = vector.shape_cast %get3A_278 : vector<1x16xf32> to vector<16xf32>
          %add3A_280 = arith.addf %get3A_275, %get3A_279 : vector<16xf32>
          %max3A_281 = arith.constant 0.000000e+00 : f32
          %max3A_282 = vector.broadcast %max3A_281 : f32 to vector<16xf32>
          %max3A_283 = arith.maximumf %add3A_280, %max3A_282 : vector<16xf32>
          %swap3A_284 = arith.index_cast %scan3A_223 : i32 to index
          %swap3A_285 = arith.constant 32 : index
          %swap3A_286 = tpu.vector_load %arg14[%swap3A_284, %swap3A_285] {strides = array<i32>} : memref<64x128xf32, #tpu.memory_space<vmem>>, vector<1x16xf32>,
          %swap3A_287 = vector.shape_cast %swap3A_286 : vector<1x16xf32> to vector<16xf32>
          %swap3A_288 = vector.shape_cast %max3A_283 : vector<16xf32> to vector<1x16xf32>
          tpu.vector_store %arg14[%swap3A_284, %swap3A_285], %swap3A_288 {strides = array<i32>} : memref<64x128xf32, #tpu.memory_space<vmem>>, vector<1x16xf32>,
          %swap3A_289 = arith.index_cast %scan3A_223 : i32 to index
          %swap3A_290 = arith.constant 96 : index
          %swap3A_291 = tpu.vector_load %arg15[%swap3A_289, %swap3A_290] {strides = array<i32>} : memref<64x128xf32, #tpu.memory_space<vmem>>, vector<1x16xf32>,
          %swap3A_292 = vector.shape_cast %swap3A_291 : vector<1x16xf32> to vector<16xf32>
          %swap3A_293 = vector.shape_cast %max3A_283 : vector<16xf32> to vector<1x16xf32>
          tpu.vector_store %arg15[%swap3A_289, %swap3A_290], %swap3A_293 {strides = array<i32>} : memref<64x128xf32, #tpu.memory_space<vmem>>, vector<1x16xf32>,
          %add3A_294 = arith.constant 48 : i32
          %add3A_295 = arith.addi %mul3A_0, %add3A_294 : i32
          %get3A_296 = arith.index_cast %scan3A_223 : i32 to index
          %get3A_297 = arith.index_cast %add3A_295 : i32 to index
          %get3A_298 = tpu.vector_load %arg12[%get3A_296, %get3A_297] {strides = array<i32>} : memref<64x128xf32, #tpu.memory_space<vmem>>, vector<1x16xf32>,
          %get3A_299 = vector.shape_cast %get3A_298 : vector<1x16xf32> to vector<16xf32>
          %get3A_300 = arith.index_cast %scan3A_223 : i32 to index
          %get3A_301 = arith.index_cast %add3A_295 : i32 to index
          %get3A_302 = tpu.vector_load %arg13[%get3A_300, %get3A_301] {strides = array<i32>} : memref<64x128xf32, #tpu.memory_space<vmem>>, vector<1x16xf32>,
          %get3A_303 = vector.shape_cast %get3A_302 : vector<1x16xf32> to vector<16xf32>
          %add3A_304 = arith.addf %get3A_299, %get3A_303 : vector<16xf32>
          %max3A_305 = arith.constant 0.000000e+00 : f32
          %max3A_306 = vector.broadcast %max3A_305 : f32 to vector<16xf32>
          %max3A_307 = arith.maximumf %add3A_304, %max3A_306 : vector<16xf32>
          %swap3A_308 = arith.index_cast %scan3A_223 : i32 to index
          %swap3A_309 = arith.constant 48 : index
          %swap3A_310 = tpu.vector_load %arg14[%swap3A_308, %swap3A_309] {strides = array<i32>} : memref<64x128xf32, #tpu.memory_space<vmem>>, vector<1x16xf32>,
          %swap3A_311 = vector.shape_cast %swap3A_310 : vector<1x16xf32> to vector<16xf32>
          %swap3A_312 = vector.shape_cast %max3A_307 : vector<16xf32> to vector<1x16xf32>
          tpu.vector_store %arg14[%swap3A_308, %swap3A_309], %swap3A_312 {strides = array<i32>} : memref<64x128xf32, #tpu.memory_space<vmem>>, vector<1x16xf32>,
          %swap3A_313 = arith.index_cast %scan3A_223 : i32 to index
          %swap3A_314 = arith.constant 112 : index
          %swap3A_315 = tpu.vector_load %arg15[%swap3A_313, %swap3A_314] {strides = array<i32>} : memref<64x128xf32, #tpu.memory_space<vmem>>, vector<1x16xf32>,
          %swap3A_316 = vector.shape_cast %swap3A_315 : vector<1x16xf32> to vector<16xf32>
          %swap3A_317 = vector.shape_cast %max3A_307 : vector<16xf32> to vector<1x16xf32>
          tpu.vector_store %arg15[%swap3A_313, %swap3A_314], %swap3A_317 {strides = array<i32>} : memref<64x128xf32, #tpu.memory_space<vmem>>, vector<1x16xf32>,
        }
        %scan3A_95 = arith.constant 64 : i32
        %get3A = arith.index_cast %scan3A_67 : i32 to index
        %get3A_96 = arith.constant 0 : index
        %get3A_97 = tpu.vector_load %arg10[%get3A, %get3A_96] {strides = array<i32>} : memref<8x64xi32, #tpu.memory_space<vmem>>, vector<1x16xi32>,
        %get3A_98 = vector.shape_cast %get3A_97 : vector<1x16xi32> to vector<16xi32>
        %dma_start3A_99 = arith.constant 0 : i32
        %dma_start3A_100 = arith.constant 0 : i32
        %dma_start3A_101 = tpu.memref_slice %arg14[%dma_start3A_99, %dma_start3A_100] : memref<64x128xf32, #tpu.memory_space<vmem>> -> memref<16x128xf32, #tpu.memory_space<vmem>>
        %dma_start3A_102 = arith.constant 0 : i32
        %dma_start3A_103 = arith.constant 0 : i32
        %dma_start3A_104 = tpu.memref_slice %arg18[%dma_start3A_102, %dma_start3A_103] : memref<10240x128xf32, #tpu.memory_space<vmem_shared>> -> memref<10240x128xf32, #tpu.memory_space<vmem_shared>>
        tpu.enqueue_indirect_dma source(%dma_start3A_101 : memref<16x128xf32, #tpu.memory_space<vmem>>) target(%dma_start3A_104 : memref<10240x128xf32, #tpu.memory_space<vmem_shared>>) offsets(%get3A_98 : vector<16xi32>) semaphore(%arg17 : memref<!tpu.dma_semaphore, #tpu.memory_space<semaphore_mem>>) {add = true}
        %get3A_105 = arith.index_cast %scan3A_67 : i32 to index
        %get3A_106 = arith.constant 0 : index
        %get3A_107 = tpu.vector_load %arg11[%get3A_105, %get3A_106] {strides = array<i32>} : memref<8x64xi32, #tpu.memory_space<vmem>>, vector<1x16xi32>,
        %get3A_108 = vector.shape_cast %get3A_107 : vector<1x16xi32> to vector<16xi32>
        %dma_start3A_109 = arith.constant 0 : i32
        %dma_start3A_110 = arith.constant 0 : i32
        %dma_start3A_111 = tpu.memref_slice %arg15[%dma_start3A_109, %dma_start3A_110] : memref<64x128xf32, #tpu.memory_space<vmem>> -> memref<16x128xf32, #tpu.memory_space<vmem>>
        %dma_start3A_112 = arith.constant 0 : i32
        %dma_start3A_113 = arith.constant 0 : i32
        %dma_start3A_114 = tpu.memref_slice %arg18[%dma_start3A_112, %dma_start3A_113] : memref<10240x128xf32, #tpu.memory_space<vmem_shared>> -> memref<10240x128xf32, #tpu.memory_space<vmem_shared>>
        tpu.enqueue_indirect_dma source(%dma_start3A_111 : memref<16x128xf32, #tpu.memory_space<vmem>>) target(%dma_start3A_114 : memref<10240x128xf32, #tpu.memory_space<vmem_shared>>) offsets(%get3A_108 : vector<16xi32>) semaphore(%arg17 : memref<!tpu.dma_semaphore, #tpu.memory_space<semaphore_mem>>) {add = true}
        %get3A_115 = arith.index_cast %scan3A_67 : i32 to index
        %get3A_116 = arith.constant 16 : index
        %get3A_117 = tpu.vector_load %arg10[%get3A_115, %get3A_116] {strides = array<i32>} : memref<8x64xi32, #tpu.memory_space<vmem>>, vector<1x16xi32>,
        %get3A_118 = vector.shape_cast %get3A_117 : vector<1x16xi32> to vector<16xi32>
        %dma_start3A_119 = arith.constant 16 : i32
        %dma_start3A_120 = arith.constant 0 : i32
        %dma_start3A_121 = tpu.memref_slice %arg14[%dma_start3A_119, %dma_start3A_120] : memref<64x128xf32, #tpu.memory_space<vmem>> -> memref<16x128xf32, #tpu.memory_space<vmem>>
        %dma_start3A_122 = arith.constant 0 : i32
        %dma_start3A_123 = arith.constant 0 : i32
        %dma_start3A_124 = tpu.memref_slice %arg18[%dma_start3A_122, %dma_start3A_123] : memref<10240x128xf32, #tpu.memory_space<vmem_shared>> -> memref<10240x128xf32, #tpu.memory_space<vmem_shared>>
        tpu.enqueue_indirect_dma source(%dma_start3A_121 : memref<16x128xf32, #tpu.memory_space<vmem>>) target(%dma_start3A_124 : memref<10240x128xf32, #tpu.memory_space<vmem_shared>>) offsets(%get3A_118 : vector<16xi32>) semaphore(%arg17 : memref<!tpu.dma_semaphore, #tpu.memory_space<semaphore_mem>>) {add = true}
        %get3A_125 = arith.index_cast %scan3A_67 : i32 to index
        %get3A_126 = arith.constant 16 : index
        %get3A_127 = tpu.vector_load %arg11[%get3A_125, %get3A_126] {strides = array<i32>} : memref<8x64xi32, #tpu.memory_space<vmem>>, vector<1x16xi32>,
        %get3A_128 = vector.shape_cast %get3A_127 : vector<1x16xi32> to vector<16xi32>
        %dma_start3A_129 = arith.constant 16 : i32
        %dma_start3A_130 = arith.constant 0 : i32
        %dma_start3A_131 = tpu.memref_slice %arg15[%dma_start3A_129, %dma_start3A_130] : memref<64x128xf32, #tpu.memory_space<vmem>> -> memref<16x128xf32, #tpu.memory_space<vmem>>
        %dma_start3A_132 = arith.constant 0 : i32
        %dma_start3A_133 = arith.constant 0 : i32
        %dma_start3A_134 = tpu.memref_slice %arg18[%dma_start3A_132, %dma_start3A_133] : memref<10240x128xf32, #tpu.memory_space<vmem_shared>> -> memref<10240x128xf32, #tpu.memory_space<vmem_shared>>
        tpu.enqueue_indirect_dma source(%dma_start3A_131 : memref<16x128xf32, #tpu.memory_space<vmem>>) target(%dma_start3A_134 : memref<10240x128xf32, #tpu.memory_space<vmem_shared>>) offsets(%get3A_128 : vector<16xi32>) semaphore(%arg17 : memref<!tpu.dma_semaphore, #tpu.memory_space<semaphore_mem>>) {add = true}
        %get3A_135 = arith.index_cast %scan3A_67 : i32 to index
        %get3A_136 = arith.constant 32 : index
        %get3A_137 = tpu.vector_load %arg10[%get3A_135, %get3A_136] {strides = array<i32>} : memref<8x64xi32, #tpu.memory_space<vmem>>, vector<1x16xi32>,
        %get3A_138 = vector.shape_cast %get3A_137 : vector<1x16xi32> to vector<16xi32>
        %dma_start3A_139 = arith.constant 32 : i32
        %dma_start3A_140 = arith.constant 0 : i32
        %dma_start3A_141 = tpu.memref_slice %arg14[%dma_start3A_139, %dma_start3A_140] : memref<64x128xf32, #tpu.memory_space<vmem>> -> memref<16x128xf32, #tpu.memory_space<vmem>>
        %dma_start3A_142 = arith.constant 0 : i32
        %dma_start3A_143 = arith.constant 0 : i32
        %dma_start3A_144 = tpu.memref_slice %arg18[%dma_start3A_142, %dma_start3A_143] : memref<10240x128xf32, #tpu.memory_space<vmem_shared>> -> memref<10240x128xf32, #tpu.memory_space<vmem_shared>>
        tpu.enqueue_indirect_dma source(%dma_start3A_141 : memref<16x128xf32, #tpu.memory_space<vmem>>) target(%dma_start3A_144 : memref<10240x128xf32, #tpu.memory_space<vmem_shared>>) offsets(%get3A_138 : vector<16xi32>) semaphore(%arg17 : memref<!tpu.dma_semaphore, #tpu.memory_space<semaphore_mem>>) {add = true}
        %get3A_145 = arith.index_cast %scan3A_67 : i32 to index
        %get3A_146 = arith.constant 32 : index
        %get3A_147 = tpu.vector_load %arg11[%get3A_145, %get3A_146] {strides = array<i32>} : memref<8x64xi32, #tpu.memory_space<vmem>>, vector<1x16xi32>,
        %get3A_148 = vector.shape_cast %get3A_147 : vector<1x16xi32> to vector<16xi32>
        %dma_start3A_149 = arith.constant 32 : i32
        %dma_start3A_150 = arith.constant 0 : i32
        %dma_start3A_151 = tpu.memref_slice %arg15[%dma_start3A_149, %dma_start3A_150] : memref<64x128xf32, #tpu.memory_space<vmem>> -> memref<16x128xf32, #tpu.memory_space<vmem>>
        %dma_start3A_152 = arith.constant 0 : i32
        %dma_start3A_153 = arith.constant 0 : i32
        %dma_start3A_154 = tpu.memref_slice %arg18[%dma_start3A_152, %dma_start3A_153] : memref<10240x128xf32, #tpu.memory_space<vmem_shared>> -> memref<10240x128xf32, #tpu.memory_space<vmem_shared>>
        tpu.enqueue_indirect_dma source(%dma_start3A_151 : memref<16x128xf32, #tpu.memory_space<vmem>>) target(%dma_start3A_154 : memref<10240x128xf32, #tpu.memory_space<vmem_shared>>) offsets(%get3A_148 : vector<16xi32>) semaphore(%arg17 : memref<!tpu.dma_semaphore, #tpu.memory_space<semaphore_mem>>) {add = true}
        %get3A_155 = arith.index_cast %scan3A_67 : i32 to index
        %get3A_156 = arith.constant 48 : index
        %get3A_157 = tpu.vector_load %arg10[%get3A_155, %get3A_156] {strides = array<i32>} : memref<8x64xi32, #tpu.memory_space<vmem>>, vector<1x16xi32>,
        %get3A_158 = vector.shape_cast %get3A_157 : vector<1x16xi32> to vector<16xi32>
        %dma_start3A_159 = arith.constant 48 : i32
        %dma_start3A_160 = arith.constant 0 : i32
        %dma_start3A_161 = tpu.memref_slice %arg14[%dma_start3A_159, %dma_start3A_160] : memref<64x128xf32, #tpu.memory_space<vmem>> -> memref<16x128xf32, #tpu.memory_space<vmem>>
        %dma_start3A_162 = arith.constant 0 : i32
        %dma_start3A_163 = arith.constant 0 : i32
        %dma_start3A_164 = tpu.memref_slice %arg18[%dma_start3A_162, %dma_start3A_163] : memref<10240x128xf32, #tpu.memory_space<vmem_shared>> -> memref<10240x128xf32, #tpu.memory_space<vmem_shared>>
        tpu.enqueue_indirect_dma source(%dma_start3A_161 : memref<16x128xf32, #tpu.memory_space<vmem>>) target(%dma_start3A_164 : memref<10240x128xf32, #tpu.memory_space<vmem_shared>>) offsets(%get3A_158 : vector<16xi32>) semaphore(%arg17 : memref<!tpu.dma_semaphore, #tpu.memory_space<semaphore_mem>>) {add = true}
        %get3A_165 = arith.index_cast %scan3A_67 : i32 to index
        %get3A_166 = arith.constant 48 : index
        %get3A_167 = tpu.vector_load %arg11[%get3A_165, %get3A_166] {strides = array<i32>} : memref<8x64xi32, #tpu.memory_space<vmem>>, vector<1x16xi32>,
        %get3A_168 = vector.shape_cast %get3A_167 : vector<1x16xi32> to vector<16xi32>
        %dma_start3A_169 = arith.constant 48 : i32
        %dma_start3A_170 = arith.constant 0 : i32
        %dma_start3A_171 = tpu.memref_slice %arg15[%dma_start3A_169, %dma_start3A_170] : memref<64x128xf32, #tpu.memory_space<vmem>> -> memref<16x128xf32, #tpu.memory_space<vmem>>
        %dma_start3A_172 = arith.constant 0 : i32
        %dma_start3A_173 = arith.constant 0 : i32
        %dma_start3A_174 = tpu.memref_slice %arg18[%dma_start3A_172, %dma_start3A_173] : memref<10240x128xf32, #tpu.memory_space<vmem_shared>> -> memref<10240x128xf32, #tpu.memory_space<vmem_shared>>
        tpu.enqueue_indirect_dma source(%dma_start3A_171 : memref<16x128xf32, #tpu.memory_space<vmem>>) target(%dma_start3A_174 : memref<10240x128xf32, #tpu.memory_space<vmem_shared>>) offsets(%get3A_168 : vector<16xi32>) semaphore(%arg17 : memref<!tpu.dma_semaphore, #tpu.memory_space<semaphore_mem>>) {add = true}
        %dma_wait3A_175 = arith.constant 0 : i32
        %dma_wait3A_176 = arith.constant 0 : i32
        %dma_wait3A_177 = tpu.memref_slice %arg14[%dma_wait3A_175, %dma_wait3A_176] : memref<64x128xf32, #tpu.memory_space<vmem>> -> memref<16x128xf32, #tpu.memory_space<vmem>>
        %dma_wait3A_178 = arith.constant 0 : i32
        %dma_wait3A_179 = arith.constant 0 : i32
        %dma_wait3A_180 = tpu.memref_slice %arg18[%dma_wait3A_178, %dma_wait3A_179] : memref<10240x128xf32, #tpu.memory_space<vmem_shared>> -> memref<10240x128xf32, #tpu.memory_space<vmem_shared>>
        tpu.wait_indirect_dma semaphore(%arg17 : memref<!tpu.dma_semaphore, #tpu.memory_space<semaphore_mem>>) src(%dma_wait3A_177 : memref<16x128xf32, #tpu.memory_space<vmem>>) dst(%dma_wait3A_180 : memref<10240x128xf32, #tpu.memory_space<vmem_shared>>)
        %dma_wait3A_181 = arith.constant 0 : i32
        %dma_wait3A_182 = arith.constant 0 : i32
        %dma_wait3A_183 = tpu.memref_slice %arg15[%dma_wait3A_181, %dma_wait3A_182] : memref<64x128xf32, #tpu.memory_space<vmem>> -> memref<16x128xf32, #tpu.memory_space<vmem>>
        %dma_wait3A_184 = arith.constant 0 : i32
        %dma_wait3A_185 = arith.constant 0 : i32
        %dma_wait3A_186 = tpu.memref_slice %arg18[%dma_wait3A_184, %dma_wait3A_185] : memref<10240x128xf32, #tpu.memory_space<vmem_shared>> -> memref<10240x128xf32, #tpu.memory_space<vmem_shared>>
        tpu.wait_indirect_dma semaphore(%arg17 : memref<!tpu.dma_semaphore, #tpu.memory_space<semaphore_mem>>) src(%dma_wait3A_183 : memref<16x128xf32, #tpu.memory_space<vmem>>) dst(%dma_wait3A_186 : memref<10240x128xf32, #tpu.memory_space<vmem_shared>>)
        %dma_wait3A_187 = arith.constant 16 : i32
        %dma_wait3A_188 = arith.constant 0 : i32
        %dma_wait3A_189 = tpu.memref_slice %arg14[%dma_wait3A_187, %dma_wait3A_188] : memref<64x128xf32, #tpu.memory_space<vmem>> -> memref<16x128xf32, #tpu.memory_space<vmem>>
        %dma_wait3A_190 = arith.constant 0 : i32
        %dma_wait3A_191 = arith.constant 0 : i32
        %dma_wait3A_192 = tpu.memref_slice %arg18[%dma_wait3A_190, %dma_wait3A_191] : memref<10240x128xf32, #tpu.memory_space<vmem_shared>> -> memref<10240x128xf32, #tpu.memory_space<vmem_shared>>
        tpu.wait_indirect_dma semaphore(%arg17 : memref<!tpu.dma_semaphore, #tpu.memory_space<semaphore_mem>>) src(%dma_wait3A_189 : memref<16x128xf32, #tpu.memory_space<vmem>>) dst(%dma_wait3A_192 : memref<10240x128xf32, #tpu.memory_space<vmem_shared>>)
        %dma_wait3A_193 = arith.constant 16 : i32
        %dma_wait3A_194 = arith.constant 0 : i32
        %dma_wait3A_195 = tpu.memref_slice %arg15[%dma_wait3A_193, %dma_wait3A_194] : memref<64x128xf32, #tpu.memory_space<vmem>> -> memref<16x128xf32, #tpu.memory_space<vmem>>
        %dma_wait3A_196 = arith.constant 0 : i32
        %dma_wait3A_197 = arith.constant 0 : i32
        %dma_wait3A_198 = tpu.memref_slice %arg18[%dma_wait3A_196, %dma_wait3A_197] : memref<10240x128xf32, #tpu.memory_space<vmem_shared>> -> memref<10240x128xf32, #tpu.memory_space<vmem_shared>>
        tpu.wait_indirect_dma semaphore(%arg17 : memref<!tpu.dma_semaphore, #tpu.memory_space<semaphore_mem>>) src(%dma_wait3A_195 : memref<16x128xf32, #tpu.memory_space<vmem>>) dst(%dma_wait3A_198 : memref<10240x128xf32, #tpu.memory_space<vmem_shared>>)
        %dma_wait3A_199 = arith.constant 32 : i32
        %dma_wait3A_200 = arith.constant 0 : i32
        %dma_wait3A_201 = tpu.memref_slice %arg14[%dma_wait3A_199, %dma_wait3A_200] : memref<64x128xf32, #tpu.memory_space<vmem>> -> memref<16x128xf32, #tpu.memory_space<vmem>>
        %dma_wait3A_202 = arith.constant 0 : i32
        %dma_wait3A_203 = arith.constant 0 : i32
        %dma_wait3A_204 = tpu.memref_slice %arg18[%dma_wait3A_202, %dma_wait3A_203] : memref<10240x128xf32, #tpu.memory_space<vmem_shared>> -> memref<10240x128xf32, #tpu.memory_space<vmem_shared>>
        tpu.wait_indirect_dma semaphore(%arg17 : memref<!tpu.dma_semaphore, #tpu.memory_space<semaphore_mem>>) src(%dma_wait3A_201 : memref<16x128xf32, #tpu.memory_space<vmem>>) dst(%dma_wait3A_204 : memref<10240x128xf32, #tpu.memory_space<vmem_shared>>)
        %dma_wait3A_205 = arith.constant 32 : i32
        %dma_wait3A_206 = arith.constant 0 : i32
        %dma_wait3A_207 = tpu.memref_slice %arg15[%dma_wait3A_205, %dma_wait3A_206] : memref<64x128xf32, #tpu.memory_space<vmem>> -> memref<16x128xf32, #tpu.memory_space<vmem>>
        %dma_wait3A_208 = arith.constant 0 : i32
        %dma_wait3A_209 = arith.constant 0 : i32
        %dma_wait3A_210 = tpu.memref_slice %arg18[%dma_wait3A_208, %dma_wait3A_209] : memref<10240x128xf32, #tpu.memory_space<vmem_shared>> -> memref<10240x128xf32, #tpu.memory_space<vmem_shared>>
        tpu.wait_indirect_dma semaphore(%arg17 : memref<!tpu.dma_semaphore, #tpu.memory_space<semaphore_mem>>) src(%dma_wait3A_207 : memref<16x128xf32, #tpu.memory_space<vmem>>) dst(%dma_wait3A_210 : memref<10240x128xf32, #tpu.memory_space<vmem_shared>>)
        %dma_wait3A_211 = arith.constant 48 : i32
        %dma_wait3A_212 = arith.constant 0 : i32
        %dma_wait3A_213 = tpu.memref_slice %arg14[%dma_wait3A_211, %dma_wait3A_212] : memref<64x128xf32, #tpu.memory_space<vmem>> -> memref<16x128xf32, #tpu.memory_space<vmem>>
        %dma_wait3A_214 = arith.constant 0 : i32
        %dma_wait3A_215 = arith.constant 0 : i32
        %dma_wait3A_216 = tpu.memref_slice %arg18[%dma_wait3A_214, %dma_wait3A_215] : memref<10240x128xf32, #tpu.memory_space<vmem_shared>> -> memref<10240x128xf32, #tpu.memory_space<vmem_shared>>
        tpu.wait_indirect_dma semaphore(%arg17 : memref<!tpu.dma_semaphore, #tpu.memory_space<semaphore_mem>>) src(%dma_wait3A_213 : memref<16x128xf32, #tpu.memory_space<vmem>>) dst(%dma_wait3A_216 : memref<10240x128xf32, #tpu.memory_space<vmem_shared>>)
        %dma_wait3A_217 = arith.constant 48 : i32
        %dma_wait3A_218 = arith.constant 0 : i32
        %dma_wait3A_219 = tpu.memref_slice %arg15[%dma_wait3A_217, %dma_wait3A_218] : memref<64x128xf32, #tpu.memory_space<vmem>> -> memref<16x128xf32, #tpu.memory_space<vmem>>
        %dma_wait3A_220 = arith.constant 0 : i32
        %dma_wait3A_221 = arith.constant 0 : i32
        %dma_wait3A_222 = tpu.memref_slice %arg18[%dma_wait3A_220, %dma_wait3A_221] : memref<10240x128xf32, #tpu.memory_space<vmem_shared>> -> memref<10240x128xf32, #tpu.memory_space<vmem_shared>>
        tpu.wait_indirect_dma semaphore(%arg17 : memref<!tpu.dma_semaphore, #tpu.memory_space<semaphore_mem>>) src(%dma_wait3A_219 : memref<16x128xf32, #tpu.memory_space<vmem>>) dst(%dma_wait3A_222 : memref<10240x128xf32, #tpu.memory_space<vmem_shared>>)
      }
      %scan3A_66 = arith.constant 8 : i32
    }
    %scan3A_35 = arith.constant 40 : i32
    %barrier3A_36 = arith.constant 0 : index
    tpu.barrier barrier_id(%barrier3A_36)
    %add3A_37 = arith.constant 0 : i32
    %add3A_38 = arith.addi %mul3A_10, %add3A_37 : i32
    "tpu.region"() ({
      %run_scoped3A = tpu.sem_alloc : memref<!tpu.dma_semaphore, #tpu.memory_space<semaphore_mem>>
      %dma_start3A = arith.constant 0 : i32
      %dma_start3A_57 = tpu.memref_slice %arg7[%arg0, %add3A_38, %dma_start3A] : memref<2x10240x128xf32, #tpu.memory_space<hbm>> -> memref<1x64x128xf32, #tpu.memory_space<hbm>>
      %dma_start3A_58 = tpu.memref_squeeze %dma_start3A_57 : memref<1x64x128xf32, #tpu.memory_space<hbm>> -> memref<64x128xf32, #tpu.memory_space<hbm>>
      %dma_start3A_59 = arith.constant 0 : i32
      %dma_start3A_60 = tpu.memref_slice %arg18[%add3A_38, %dma_start3A_59] : memref<10240x128xf32, #tpu.memory_space<vmem_shared>> -> memref<64x128xf32, #tpu.memory_space<vmem_shared>>
      tpu.enqueue_dma source(%dma_start3A_60 : memref<64x128xf32, #tpu.memory_space<vmem_shared>>) target(%dma_start3A_58 : memref<64x128xf32, #tpu.memory_space<hbm>>) target_semaphore(%run_scoped3A : memref<!tpu.dma_semaphore, #tpu.memory_space<semaphore_mem>>)
      %dma_wait3A = arith.constant 0 : i32
      %dma_wait3A_61 = tpu.memref_slice %arg7[%arg0, %add3A_38, %dma_wait3A] : memref<2x10240x128xf32, #tpu.memory_space<hbm>> -> memref<1x64x128xf32, #tpu.memory_space<hbm>>
      %dma_wait3A_62 = tpu.memref_squeeze %dma_wait3A_61 : memref<1x64x128xf32, #tpu.memory_space<hbm>> -> memref<64x128xf32, #tpu.memory_space<hbm>>
      %dma_wait3A_63 = arith.constant 0 : i32
      %dma_wait3A_64 = tpu.memref_slice %arg18[%add3A_38, %dma_wait3A_63] : memref<10240x128xf32, #tpu.memory_space<vmem_shared>> -> memref<64x128xf32, #tpu.memory_space<vmem_shared>>
      tpu.wait_dma2 semaphore(%run_scoped3A : memref<!tpu.dma_semaphore, #tpu.memory_space<semaphore_mem>>) src(%dma_wait3A_64 : memref<64x128xf32, #tpu.memory_space<vmem_shared>>) dst(%dma_wait3A_62 : memref<64x128xf32, #tpu.memory_space<hbm>>)
      tpu.yield
    }) : () -> ()
    %add3A_39 = arith.constant 64 : i32
    %add3A_40 = arith.addi %mul3A_10, %add3A_39 : i32
    "tpu.region"() ({
      %run_scoped3A = tpu.sem_alloc : memref<!tpu.dma_semaphore, #tpu.memory_space<semaphore_mem>>
      %dma_start3A = arith.constant 0 : i32
      %dma_start3A_57 = tpu.memref_slice %arg7[%arg0, %add3A_40, %dma_start3A] : memref<2x10240x128xf32, #tpu.memory_space<hbm>> -> memref<1x64x128xf32, #tpu.memory_space<hbm>>
      %dma_start3A_58 = tpu.memref_squeeze %dma_start3A_57 : memref<1x64x128xf32, #tpu.memory_space<hbm>> -> memref<64x128xf32, #tpu.memory_space<hbm>>
      %dma_start3A_59 = arith.constant 0 : i32
      %dma_start3A_60 = tpu.memref_slice %arg18[%add3A_40, %dma_start3A_59] : memref<10240x128xf32, #tpu.memory_space<vmem_shared>> -> memref<64x128xf32, #tpu.memory_space<vmem_shared>>
      tpu.enqueue_dma source(%dma_start3A_60 : memref<64x128xf32, #tpu.memory_space<vmem_shared>>) target(%dma_start3A_58 : memref<64x128xf32, #tpu.memory_space<hbm>>) target_semaphore(%run_scoped3A : memref<!tpu.dma_semaphore, #tpu.memory_space<semaphore_mem>>)
      %dma_wait3A = arith.constant 0 : i32
      %dma_wait3A_61 = tpu.memref_slice %arg7[%arg0, %add3A_40, %dma_wait3A] : memref<2x10240x128xf32, #tpu.memory_space<hbm>> -> memref<1x64x128xf32, #tpu.memory_space<hbm>>
      %dma_wait3A_62 = tpu.memref_squeeze %dma_wait3A_61 : memref<1x64x128xf32, #tpu.memory_space<hbm>> -> memref<64x128xf32, #tpu.memory_space<hbm>>
      %dma_wait3A_63 = arith.constant 0 : i32
      %dma_wait3A_64 = tpu.memref_slice %arg18[%add3A_40, %dma_wait3A_63] : memref<10240x128xf32, #tpu.memory_space<vmem_shared>> -> memref<64x128xf32, #tpu.memory_space<vmem_shared>>
      tpu.wait_dma2 semaphore(%run_scoped3A : memref<!tpu.dma_semaphore, #tpu.memory_space<semaphore_mem>>) src(%dma_wait3A_64 : memref<64x128xf32, #tpu.memory_space<vmem_shared>>) dst(%dma_wait3A_62 : memref<64x128xf32, #tpu.memory_space<hbm>>)
      tpu.yield
    }) : () -> ()
    %add3A_41 = arith.constant 128 : i32
    %add3A_42 = arith.addi %mul3A_10, %add3A_41 : i32
    "tpu.region"() ({
      %run_scoped3A = tpu.sem_alloc : memref<!tpu.dma_semaphore, #tpu.memory_space<semaphore_mem>>
      %dma_start3A = arith.constant 0 : i32
      %dma_start3A_57 = tpu.memref_slice %arg7[%arg0, %add3A_42, %dma_start3A] : memref<2x10240x128xf32, #tpu.memory_space<hbm>> -> memref<1x64x128xf32, #tpu.memory_space<hbm>>
      %dma_start3A_58 = tpu.memref_squeeze %dma_start3A_57 : memref<1x64x128xf32, #tpu.memory_space<hbm>> -> memref<64x128xf32, #tpu.memory_space<hbm>>
      %dma_start3A_59 = arith.constant 0 : i32
      %dma_start3A_60 = tpu.memref_slice %arg18[%add3A_42, %dma_start3A_59] : memref<10240x128xf32, #tpu.memory_space<vmem_shared>> -> memref<64x128xf32, #tpu.memory_space<vmem_shared>>
      tpu.enqueue_dma source(%dma_start3A_60 : memref<64x128xf32, #tpu.memory_space<vmem_shared>>) target(%dma_start3A_58 : memref<64x128xf32, #tpu.memory_space<hbm>>) target_semaphore(%run_scoped3A : memref<!tpu.dma_semaphore, #tpu.memory_space<semaphore_mem>>)
      %dma_wait3A = arith.constant 0 : i32
      %dma_wait3A_61 = tpu.memref_slice %arg7[%arg0, %add3A_42, %dma_wait3A] : memref<2x10240x128xf32, #tpu.memory_space<hbm>> -> memref<1x64x128xf32, #tpu.memory_space<hbm>>
      %dma_wait3A_62 = tpu.memref_squeeze %dma_wait3A_61 : memref<1x64x128xf32, #tpu.memory_space<hbm>> -> memref<64x128xf32, #tpu.memory_space<hbm>>
      %dma_wait3A_63 = arith.constant 0 : i32
      %dma_wait3A_64 = tpu.memref_slice %arg18[%add3A_42, %dma_wait3A_63] : memref<10240x128xf32, #tpu.memory_space<vmem_shared>> -> memref<64x128xf32, #tpu.memory_space<vmem_shared>>
      tpu.wait_dma2 semaphore(%run_scoped3A : memref<!tpu.dma_semaphore, #tpu.memory_space<semaphore_mem>>) src(%dma_wait3A_64 : memref<64x128xf32, #tpu.memory_space<vmem_shared>>) dst(%dma_wait3A_62 : memref<64x128xf32, #tpu.memory_space<hbm>>)
      tpu.yield
    }) : () -> ()
    %add3A_43 = arith.constant 192 : i32
    %add3A_44 = arith.addi %mul3A_10, %add3A_43 : i32
    "tpu.region"() ({
      %run_scoped3A = tpu.sem_alloc : memref<!tpu.dma_semaphore, #tpu.memory_space<semaphore_mem>>
      %dma_start3A = arith.constant 0 : i32
      %dma_start3A_57 = tpu.memref_slice %arg7[%arg0, %add3A_44, %dma_start3A] : memref<2x10240x128xf32, #tpu.memory_space<hbm>> -> memref<1x64x128xf32, #tpu.memory_space<hbm>>
      %dma_start3A_58 = tpu.memref_squeeze %dma_start3A_57 : memref<1x64x128xf32, #tpu.memory_space<hbm>> -> memref<64x128xf32, #tpu.memory_space<hbm>>
      %dma_start3A_59 = arith.constant 0 : i32
      %dma_start3A_60 = tpu.memref_slice %arg18[%add3A_44, %dma_start3A_59] : memref<10240x128xf32, #tpu.memory_space<vmem_shared>> -> memref<64x128xf32, #tpu.memory_space<vmem_shared>>
      tpu.enqueue_dma source(%dma_start3A_60 : memref<64x128xf32, #tpu.memory_space<vmem_shared>>) target(%dma_start3A_58 : memref<64x128xf32, #tpu.memory_space<hbm>>) target_semaphore(%run_scoped3A : memref<!tpu.dma_semaphore, #tpu.memory_space<semaphore_mem>>)
      %dma_wait3A = arith.constant 0 : i32
      %dma_wait3A_61 = tpu.memref_slice %arg7[%arg0, %add3A_44, %dma_wait3A] : memref<2x10240x128xf32, #tpu.memory_space<hbm>> -> memref<1x64x128xf32, #tpu.memory_space<hbm>>
      %dma_wait3A_62 = tpu.memref_squeeze %dma_wait3A_61 : memref<1x64x128xf32, #tpu.memory_space<hbm>> -> memref<64x128xf32, #tpu.memory_space<hbm>>
      %dma_wait3A_63 = arith.constant 0 : i32
      %dma_wait3A_64 = tpu.memref_slice %arg18[%add3A_44, %dma_wait3A_63] : memref<10240x128xf32, #tpu.memory_space<vmem_shared>> -> memref<64x128xf32, #tpu.memory_space<vmem_shared>>
      tpu.wait_dma2 semaphore(%run_scoped3A : memref<!tpu.dma_semaphore, #tpu.memory_space<semaphore_mem>>) src(%dma_wait3A_64 : memref<64x128xf32, #tpu.memory_space<vmem_shared>>) dst(%dma_wait3A_62 : memref<64x128xf32, #tpu.memory_space<hbm>>)
      tpu.yield
    }) : () -> ()
    %add3A_45 = arith.constant 256 : i32
    %add3A_46 = arith.addi %mul3A_10, %add3A_45 : i32
    "tpu.region"() ({
      %run_scoped3A = tpu.sem_alloc : memref<!tpu.dma_semaphore, #tpu.memory_space<semaphore_mem>>
      %dma_start3A = arith.constant 0 : i32
      %dma_start3A_57 = tpu.memref_slice %arg7[%arg0, %add3A_46, %dma_start3A] : memref<2x10240x128xf32, #tpu.memory_space<hbm>> -> memref<1x64x128xf32, #tpu.memory_space<hbm>>
      %dma_start3A_58 = tpu.memref_squeeze %dma_start3A_57 : memref<1x64x128xf32, #tpu.memory_space<hbm>> -> memref<64x128xf32, #tpu.memory_space<hbm>>
      %dma_start3A_59 = arith.constant 0 : i32
      %dma_start3A_60 = tpu.memref_slice %arg18[%add3A_46, %dma_start3A_59] : memref<10240x128xf32, #tpu.memory_space<vmem_shared>> -> memref<64x128xf32, #tpu.memory_space<vmem_shared>>
      tpu.enqueue_dma source(%dma_start3A_60 : memref<64x128xf32, #tpu.memory_space<vmem_shared>>) target(%dma_start3A_58 : memref<64x128xf32, #tpu.memory_space<hbm>>) target_semaphore(%run_scoped3A : memref<!tpu.dma_semaphore, #tpu.memory_space<semaphore_mem>>)
      %dma_wait3A = arith.constant 0 : i32
      %dma_wait3A_61 = tpu.memref_slice %arg7[%arg0, %add3A_46, %dma_wait3A] : memref<2x10240x128xf32, #tpu.memory_space<hbm>> -> memref<1x64x128xf32, #tpu.memory_space<hbm>>
      %dma_wait3A_62 = tpu.memref_squeeze %dma_wait3A_61 : memref<1x64x128xf32, #tpu.memory_space<hbm>> -> memref<64x128xf32, #tpu.memory_space<hbm>>
      %dma_wait3A_63 = arith.constant 0 : i32
      %dma_wait3A_64 = tpu.memref_slice %arg18[%add3A_46, %dma_wait3A_63] : memref<10240x128xf32, #tpu.memory_space<vmem_shared>> -> memref<64x128xf32, #tpu.memory_space<vmem_shared>>
      tpu.wait_dma2 semaphore(%run_scoped3A : memref<!tpu.dma_semaphore, #tpu.memory_space<semaphore_mem>>) src(%dma_wait3A_64 : memref<64x128xf32, #tpu.memory_space<vmem_shared>>) dst(%dma_wait3A_62 : memref<64x128xf32, #tpu.memory_space<hbm>>)
      tpu.yield
    }) : () -> ()
    %add3A_47 = arith.constant 320 : i32
    %add3A_48 = arith.addi %mul3A_10, %add3A_47 : i32
    "tpu.region"() ({
      %run_scoped3A = tpu.sem_alloc : memref<!tpu.dma_semaphore, #tpu.memory_space<semaphore_mem>>
      %dma_start3A = arith.constant 0 : i32
      %dma_start3A_57 = tpu.memref_slice %arg7[%arg0, %add3A_48, %dma_start3A] : memref<2x10240x128xf32, #tpu.memory_space<hbm>> -> memref<1x64x128xf32, #tpu.memory_space<hbm>>
      %dma_start3A_58 = tpu.memref_squeeze %dma_start3A_57 : memref<1x64x128xf32, #tpu.memory_space<hbm>> -> memref<64x128xf32, #tpu.memory_space<hbm>>
      %dma_start3A_59 = arith.constant 0 : i32
      %dma_start3A_60 = tpu.memref_slice %arg18[%add3A_48, %dma_start3A_59] : memref<10240x128xf32, #tpu.memory_space<vmem_shared>> -> memref<64x128xf32, #tpu.memory_space<vmem_shared>>
      tpu.enqueue_dma source(%dma_start3A_60 : memref<64x128xf32, #tpu.memory_space<vmem_shared>>) target(%dma_start3A_58 : memref<64x128xf32, #tpu.memory_space<hbm>>) target_semaphore(%run_scoped3A : memref<!tpu.dma_semaphore, #tpu.memory_space<semaphore_mem>>)
      %dma_wait3A = arith.constant 0 : i32
      %dma_wait3A_61 = tpu.memref_slice %arg7[%arg0, %add3A_48, %dma_wait3A] : memref<2x10240x128xf32, #tpu.memory_space<hbm>> -> memref<1x64x128xf32, #tpu.memory_space<hbm>>
      %dma_wait3A_62 = tpu.memref_squeeze %dma_wait3A_61 : memref<1x64x128xf32, #tpu.memory_space<hbm>> -> memref<64x128xf32, #tpu.memory_space<hbm>>
      %dma_wait3A_63 = arith.constant 0 : i32
      %dma_wait3A_64 = tpu.memref_slice %arg18[%add3A_48, %dma_wait3A_63] : memref<10240x128xf32, #tpu.memory_space<vmem_shared>> -> memref<64x128xf32, #tpu.memory_space<vmem_shared>>
      tpu.wait_dma2 semaphore(%run_scoped3A : memref<!tpu.dma_semaphore, #tpu.memory_space<semaphore_mem>>) src(%dma_wait3A_64 : memref<64x128xf32, #tpu.memory_space<vmem_shared>>) dst(%dma_wait3A_62 : memref<64x128xf32, #tpu.memory_space<hbm>>)
      tpu.yield
    }) : () -> ()
    %add3A_49 = arith.constant 384 : i32
    %add3A_50 = arith.addi %mul3A_10, %add3A_49 : i32
    "tpu.region"() ({
      %run_scoped3A = tpu.sem_alloc : memref<!tpu.dma_semaphore, #tpu.memory_space<semaphore_mem>>
      %dma_start3A = arith.constant 0 : i32
      %dma_start3A_57 = tpu.memref_slice %arg7[%arg0, %add3A_50, %dma_start3A] : memref<2x10240x128xf32, #tpu.memory_space<hbm>> -> memref<1x64x128xf32, #tpu.memory_space<hbm>>
      %dma_start3A_58 = tpu.memref_squeeze %dma_start3A_57 : memref<1x64x128xf32, #tpu.memory_space<hbm>> -> memref<64x128xf32, #tpu.memory_space<hbm>>
      %dma_start3A_59 = arith.constant 0 : i32
      %dma_start3A_60 = tpu.memref_slice %arg18[%add3A_50, %dma_start3A_59] : memref<10240x128xf32, #tpu.memory_space<vmem_shared>> -> memref<64x128xf32, #tpu.memory_space<vmem_shared>>
      tpu.enqueue_dma source(%dma_start3A_60 : memref<64x128xf32, #tpu.memory_space<vmem_shared>>) target(%dma_start3A_58 : memref<64x128xf32, #tpu.memory_space<hbm>>) target_semaphore(%run_scoped3A : memref<!tpu.dma_semaphore, #tpu.memory_space<semaphore_mem>>)
      %dma_wait3A = arith.constant 0 : i32
      %dma_wait3A_61 = tpu.memref_slice %arg7[%arg0, %add3A_50, %dma_wait3A] : memref<2x10240x128xf32, #tpu.memory_space<hbm>> -> memref<1x64x128xf32, #tpu.memory_space<hbm>>
      %dma_wait3A_62 = tpu.memref_squeeze %dma_wait3A_61 : memref<1x64x128xf32, #tpu.memory_space<hbm>> -> memref<64x128xf32, #tpu.memory_space<hbm>>
      %dma_wait3A_63 = arith.constant 0 : i32
      %dma_wait3A_64 = tpu.memref_slice %arg18[%add3A_50, %dma_wait3A_63] : memref<10240x128xf32, #tpu.memory_space<vmem_shared>> -> memref<64x128xf32, #tpu.memory_space<vmem_shared>>
      tpu.wait_dma2 semaphore(%run_scoped3A : memref<!tpu.dma_semaphore, #tpu.memory_space<semaphore_mem>>) src(%dma_wait3A_64 : memref<64x128xf32, #tpu.memory_space<vmem_shared>>) dst(%dma_wait3A_62 : memref<64x128xf32, #tpu.memory_space<hbm>>)
      tpu.yield
    }) : () -> ()
    %add3A_51 = arith.constant 448 : i32
    %add3A_52 = arith.addi %mul3A_10, %add3A_51 : i32
    "tpu.region"() ({
      %run_scoped3A = tpu.sem_alloc : memref<!tpu.dma_semaphore, #tpu.memory_space<semaphore_mem>>
      %dma_start3A = arith.constant 0 : i32
      %dma_start3A_57 = tpu.memref_slice %arg7[%arg0, %add3A_52, %dma_start3A] : memref<2x10240x128xf32, #tpu.memory_space<hbm>> -> memref<1x64x128xf32, #tpu.memory_space<hbm>>
      %dma_start3A_58 = tpu.memref_squeeze %dma_start3A_57 : memref<1x64x128xf32, #tpu.memory_space<hbm>> -> memref<64x128xf32, #tpu.memory_space<hbm>>
      %dma_start3A_59 = arith.constant 0 : i32
      %dma_start3A_60 = tpu.memref_slice %arg18[%add3A_52, %dma_start3A_59] : memref<10240x128xf32, #tpu.memory_space<vmem_shared>> -> memref<64x128xf32, #tpu.memory_space<vmem_shared>>
      tpu.enqueue_dma source(%dma_start3A_60 : memref<64x128xf32, #tpu.memory_space<vmem_shared>>) target(%dma_start3A_58 : memref<64x128xf32, #tpu.memory_space<hbm>>) target_semaphore(%run_scoped3A : memref<!tpu.dma_semaphore, #tpu.memory_space<semaphore_mem>>)
      %dma_wait3A = arith.constant 0 : i32
      %dma_wait3A_61 = tpu.memref_slice %arg7[%arg0, %add3A_52, %dma_wait3A] : memref<2x10240x128xf32, #tpu.memory_space<hbm>> -> memref<1x64x128xf32, #tpu.memory_space<hbm>>
      %dma_wait3A_62 = tpu.memref_squeeze %dma_wait3A_61 : memref<1x64x128xf32, #tpu.memory_space<hbm>> -> memref<64x128xf32, #tpu.memory_space<hbm>>
      %dma_wait3A_63 = arith.constant 0 : i32
      %dma_wait3A_64 = tpu.memref_slice %arg18[%add3A_52, %dma_wait3A_63] : memref<10240x128xf32, #tpu.memory_space<vmem_shared>> -> memref<64x128xf32, #tpu.memory_space<vmem_shared>>
      tpu.wait_dma2 semaphore(%run_scoped3A : memref<!tpu.dma_semaphore, #tpu.memory_space<semaphore_mem>>) src(%dma_wait3A_64 : memref<64x128xf32, #tpu.memory_space<vmem_shared>>) dst(%dma_wait3A_62 : memref<64x128xf32, #tpu.memory_space<hbm>>)
      tpu.yield
    }) : () -> ()
    %add3A_53 = arith.constant 512 : i32
    %add3A_54 = arith.addi %mul3A_10, %add3A_53 : i32
    "tpu.region"() ({
      %run_scoped3A = tpu.sem_alloc : memref<!tpu.dma_semaphore, #tpu.memory_space<semaphore_mem>>
      %dma_start3A = arith.constant 0 : i32
      %dma_start3A_57 = tpu.memref_slice %arg7[%arg0, %add3A_54, %dma_start3A] : memref<2x10240x128xf32, #tpu.memory_space<hbm>> -> memref<1x64x128xf32, #tpu.memory_space<hbm>>
      %dma_start3A_58 = tpu.memref_squeeze %dma_start3A_57 : memref<1x64x128xf32, #tpu.memory_space<hbm>> -> memref<64x128xf32, #tpu.memory_space<hbm>>
      %dma_start3A_59 = arith.constant 0 : i32
      %dma_start3A_60 = tpu.memref_slice %arg18[%add3A_54, %dma_start3A_59] : memref<10240x128xf32, #tpu.memory_space<vmem_shared>> -> memref<64x128xf32, #tpu.memory_space<vmem_shared>>
      tpu.enqueue_dma source(%dma_start3A_60 : memref<64x128xf32, #tpu.memory_space<vmem_shared>>) target(%dma_start3A_58 : memref<64x128xf32, #tpu.memory_space<hbm>>) target_semaphore(%run_scoped3A : memref<!tpu.dma_semaphore, #tpu.memory_space<semaphore_mem>>)
      %dma_wait3A = arith.constant 0 : i32
      %dma_wait3A_61 = tpu.memref_slice %arg7[%arg0, %add3A_54, %dma_wait3A] : memref<2x10240x128xf32, #tpu.memory_space<hbm>> -> memref<1x64x128xf32, #tpu.memory_space<hbm>>
      %dma_wait3A_62 = tpu.memref_squeeze %dma_wait3A_61 : memref<1x64x128xf32, #tpu.memory_space<hbm>> -> memref<64x128xf32, #tpu.memory_space<hbm>>
      %dma_wait3A_63 = arith.constant 0 : i32
      %dma_wait3A_64 = tpu.memref_slice %arg18[%add3A_54, %dma_wait3A_63] : memref<10240x128xf32, #tpu.memory_space<vmem_shared>> -> memref<64x128xf32, #tpu.memory_space<vmem_shared>>
      tpu.wait_dma2 semaphore(%run_scoped3A : memref<!tpu.dma_semaphore, #tpu.memory_space<semaphore_mem>>) src(%dma_wait3A_64 : memref<64x128xf32, #tpu.memory_space<vmem_shared>>) dst(%dma_wait3A_62 : memref<64x128xf32, #tpu.memory_space<hbm>>)
      tpu.yield
    }) : () -> ()
    %add3A_55 = arith.constant 576 : i32
    %add3A_56 = arith.addi %mul3A_10, %add3A_55 : i32
    "tpu.region"() ({
      %run_scoped3A = tpu.sem_alloc : memref<!tpu.dma_semaphore, #tpu.memory_space<semaphore_mem>>
      %dma_start3A = arith.constant 0 : i32
      %dma_start3A_57 = tpu.memref_slice %arg7[%arg0, %add3A_56, %dma_start3A] : memref<2x10240x128xf32, #tpu.memory_space<hbm>> -> memref<1x64x128xf32, #tpu.memory_space<hbm>>
      %dma_start3A_58 = tpu.memref_squeeze %dma_start3A_57 : memref<1x64x128xf32, #tpu.memory_space<hbm>> -> memref<64x128xf32, #tpu.memory_space<hbm>>
      %dma_start3A_59 = arith.constant 0 : i32
      %dma_start3A_60 = tpu.memref_slice %arg18[%add3A_56, %dma_start3A_59] : memref<10240x128xf32, #tpu.memory_space<vmem_shared>> -> memref<64x128xf32, #tpu.memory_space<vmem_shared>>
      tpu.enqueue_dma source(%dma_start3A_60 : memref<64x128xf32, #tpu.memory_space<vmem_shared>>) target(%dma_start3A_58 : memref<64x128xf32, #tpu.memory_space<hbm>>) target_semaphore(%run_scoped3A : memref<!tpu.dma_semaphore, #tpu.memory_space<semaphore_mem>>)
      %dma_wait3A = arith.constant 0 : i32
      %dma_wait3A_61 = tpu.memref_slice %arg7[%arg0, %add3A_56, %dma_wait3A] : memref<2x10240x128xf32, #tpu.memory_space<hbm>> -> memref<1x64x128xf32, #tpu.memory_space<hbm>>
      %dma_wait3A_62 = tpu.memref_squeeze %dma_wait3A_61 : memref<1x64x128xf32, #tpu.memory_space<hbm>> -> memref<64x128xf32, #tpu.memory_space<hbm>>
      %dma_wait3A_63 = arith.constant 0 : i32
      %dma_wait3A_64 = tpu.memref_slice %arg18[%add3A_56, %dma_wait3A_63] : memref<10240x128xf32, #tpu.memory_space<vmem_shared>> -> memref<64x128xf32, #tpu.memory_space<vmem_shared>>
      tpu.wait_dma2 semaphore(%run_scoped3A : memref<!tpu.dma_semaphore, #tpu.memory_space<semaphore_mem>>) src(%dma_wait3A_64 : memref<64x128xf32, #tpu.memory_space<vmem_shared>>) dst(%dma_wait3A_62 : memref<64x128xf32, #tpu.memory_space<hbm>>)
      tpu.yield
    }) : () -> ()
    return
  }
}

module attributes {stable_mosaic.version = 14 : i64} {
  func.func @body(%arg0: i32, %arg1: memref<1024x128xf32, #tpu.memory_space<vmem>>, %arg2: memref<128x512xf32, #tpu.memory_space<vmem>>, %arg3: memref<1x512xf32, #tpu.memory_space<vmem>>, %arg4: memref<4x1024x128xf32, #tpu.memory_space<vmem>>) attributes {dimension_semantics = [#tpu.dimension_semantics<arbitrary>], iteration_bounds = array<i64: 10>, scalar_prefetch = 0 : i64, scratch_operands = 0 : i64, tpu.core_type = #tpu.core_type<tc>, window_params = [{transform_indices = @transform_0, window_bounds = array<i64: 1024, 128>}, {pipeline_mode = #tpu.pipeline_mode<synchronous>, transform_indices = @transform_1, window_bounds = array<i64: 128, 512>}, {pipeline_mode = #tpu.pipeline_mode<synchronous>, transform_indices = @transform_2, window_bounds = array<i64: 1, 512>}, {transform_indices = @transform_3, window_bounds = array<i64: 4, 1024, 128>}]} {
    %get3A = arith.constant 0 : index
    %get3A_0 = arith.constant 0 : index
    %get3A_1 = vector.load %arg1[%get3A, %get3A_0] : memref<1024x128xf32, #tpu.memory_space<vmem>>, vector<1024x128xf32>
    %get3A_2 = arith.constant 0 : index
    %get3A_3 = arith.constant 0 : index
    %get3A_4 = vector.load %arg2[%get3A_2, %get3A_3] : memref<128x512xf32, #tpu.memory_space<vmem>>, vector<128x512xf32>
    %dot_general3A = arith.constant dense<0.000000e+00> : vector<1024x512xf32>
    %dot_general3A_5 = tpu.matmul %get3A_1, %get3A_4, %dot_general3A {dimension_numbers = #tpu.dot_dimension_numbers<[1], [0], [0], [1], [0, 0, 1, 1], [], []>, transpose_lhs_hint = false} : vector<1024x128xf32>, vector<128x512xf32>, vector<1024x512xf32> -> vector<1024x512xf32>
    %get3A_6 = arith.constant 0 : index
    %get3A_7 = arith.constant 0 : index
    %get3A_8 = vector.load %arg3[%get3A_6, %get3A_7] : memref<1x512xf32, #tpu.memory_space<vmem>>, vector<1x512xf32>
    %add3A = vector.broadcast %get3A_8 : vector<1x512xf32> to vector<1024x512xf32>
    %add3A_9 = arith.addf %dot_general3A_5, %add3A : vector<1024x512xf32>
    %slice3A = vector.extract_strided_slice %add3A_9 {offsets = [0, 0], sizes = [1024, 128], strides = [1, 1]} : vector<1024x512xf32> to vector<1024x128xf32>
    %swap3A = arith.constant 0 : index
    %swap3A_10 = arith.constant 0 : index
    %swap3A_11 = arith.constant 0 : index
    %swap3A_12 = vector.load %arg4[%swap3A, %swap3A_10, %swap3A_11] : memref<4x1024x128xf32, #tpu.memory_space<vmem>>, vector<1x1024x128xf32>
    %swap3A_13 = vector.shape_cast %swap3A_12 : vector<1x1024x128xf32> to vector<1024x128xf32>
    %swap3A_14 = vector.shape_cast %slice3A : vector<1024x128xf32> to vector<1x1024x128xf32>
    tpu.vector_store %arg4[%swap3A, %swap3A_10, %swap3A_11], %swap3A_14 {strides = array<i32>} : memref<4x1024x128xf32, #tpu.memory_space<vmem>>, vector<1x1024x128xf32>,
    %slice3A_15 = vector.extract_strided_slice %add3A_9 {offsets = [0, 128], sizes = [1024, 128], strides = [1, 1]} : vector<1024x512xf32> to vector<1024x128xf32>
    %swap3A_16 = arith.constant 1 : index
    %swap3A_17 = arith.constant 0 : index
    %swap3A_18 = arith.constant 0 : index
    %swap3A_19 = vector.load %arg4[%swap3A_16, %swap3A_17, %swap3A_18] : memref<4x1024x128xf32, #tpu.memory_space<vmem>>, vector<1x1024x128xf32>
    %swap3A_20 = vector.shape_cast %swap3A_19 : vector<1x1024x128xf32> to vector<1024x128xf32>
    %swap3A_21 = vector.shape_cast %slice3A_15 : vector<1024x128xf32> to vector<1x1024x128xf32>
    tpu.vector_store %arg4[%swap3A_16, %swap3A_17, %swap3A_18], %swap3A_21 {strides = array<i32>} : memref<4x1024x128xf32, #tpu.memory_space<vmem>>, vector<1x1024x128xf32>,
    %slice3A_22 = vector.extract_strided_slice %add3A_9 {offsets = [0, 256], sizes = [1024, 128], strides = [1, 1]} : vector<1024x512xf32> to vector<1024x128xf32>
    %swap3A_23 = arith.constant 2 : index
    %swap3A_24 = arith.constant 0 : index
    %swap3A_25 = arith.constant 0 : index
    %swap3A_26 = vector.load %arg4[%swap3A_23, %swap3A_24, %swap3A_25] : memref<4x1024x128xf32, #tpu.memory_space<vmem>>, vector<1x1024x128xf32>
    %swap3A_27 = vector.shape_cast %swap3A_26 : vector<1x1024x128xf32> to vector<1024x128xf32>
    %swap3A_28 = vector.shape_cast %slice3A_22 : vector<1024x128xf32> to vector<1x1024x128xf32>
    tpu.vector_store %arg4[%swap3A_23, %swap3A_24, %swap3A_25], %swap3A_28 {strides = array<i32>} : memref<4x1024x128xf32, #tpu.memory_space<vmem>>, vector<1x1024x128xf32>,
    %slice3A_29 = vector.extract_strided_slice %add3A_9 {offsets = [0, 384], sizes = [1024, 128], strides = [1, 1]} : vector<1024x512xf32> to vector<1024x128xf32>
    %swap3A_30 = arith.constant 3 : index
    %swap3A_31 = arith.constant 0 : index
    %swap3A_32 = arith.constant 0 : index
    %swap3A_33 = vector.load %arg4[%swap3A_30, %swap3A_31, %swap3A_32] : memref<4x1024x128xf32, #tpu.memory_space<vmem>>, vector<1x1024x128xf32>
    %swap3A_34 = vector.shape_cast %swap3A_33 : vector<1x1024x128xf32> to vector<1024x128xf32>
    %swap3A_35 = vector.shape_cast %slice3A_29 : vector<1024x128xf32> to vector<1x1024x128xf32>
    tpu.vector_store %arg4[%swap3A_30, %swap3A_31, %swap3A_32], %swap3A_35 {strides = array<i32>} : memref<4x1024x128xf32, #tpu.memory_space<vmem>>, vector<1x1024x128xf32>,
    return
  }
  func.func @transform_0(%arg0: i32) -> (i32, i32) {
    %c0_i32 = arith.constant 0 : i32
    %c0_i32_0 = arith.constant 0 : i32
    return %arg0, %c0_i32 : i32, i32
  }
  func.func @transform_1(%arg0: i32) -> (i32, i32) {
    %c0_i32 = arith.constant 0 : i32
    %c0_i32_0 = arith.constant 0 : i32
    %c0_i32_1 = arith.constant 0 : i32
    return %c0_i32, %c0_i32_0 : i32, i32
  }
  func.func @transform_2(%arg0: i32) -> (i32, i32) {
    %c0_i32 = arith.constant 0 : i32
    %c0_i32_0 = arith.constant 0 : i32
    %c0_i32_1 = arith.constant 0 : i32
    return %c0_i32, %c0_i32_0 : i32, i32
  }
  func.func @transform_3(%arg0: i32) -> (i32, i32, i32) {
    %c0_i32 = arith.constant 0 : i32
    %c0_i32_0 = arith.constant 0 : i32
    %c0_i32_1 = arith.constant 0 : i32
    return %c0_i32, %arg0, %c0_i32_0 : i32, i32, i32
  }
}

module attributes {stable_mosaic.version = 14 : i64} {
  func.func @body(%arg0: i32, %arg1: memref<1024x128xf32, #tpu.memory_space<vmem>>, %arg2: memref<1024x128xf32, #tpu.memory_space<vmem>>, %arg3: memref<1024x128xf32, #tpu.memory_space<vmem>>, %arg4: memref<1024x128xf32, #tpu.memory_space<vmem>>, %arg5: memref<64x128xf32, #tpu.memory_space<vmem>>, %arg6: memref<64x128xf32, #tpu.memory_space<vmem>>, %arg7: memref<64x128xf32, #tpu.memory_space<vmem>>, %arg8: memref<64x128xf32, #tpu.memory_space<vmem>>, %arg9: memref<1x128xf32, #tpu.memory_space<vmem>>, %arg10: memref<1x128xf32, #tpu.memory_space<vmem>>, %arg11: memref<128x384xf32, #tpu.memory_space<vmem>>, %arg12: memref<128x384xf32, #tpu.memory_space<vmem>>, %arg13: memref<1x384xf32, #tpu.memory_space<vmem>>, %arg14: memref<1x384xf32, #tpu.memory_space<vmem>>, %arg15: memref<128x512xf32, #tpu.memory_space<vmem>>, %arg16: memref<1x512xf32, #tpu.memory_space<vmem>>, %arg17: memref<1024x128xf32, #tpu.memory_space<vmem>>, %arg18: memref<4x1024x128xf32, #tpu.memory_space<vmem>>) attributes {dimension_semantics = [#tpu.dimension_semantics<arbitrary>], iteration_bounds = array<i64: 10>, scalar_prefetch = 0 : i64, scratch_operands = 0 : i64, tpu.core_type = #tpu.core_type<tc>, window_params = [{transform_indices = @transform_0, window_bounds = array<i64: 1024, 128>}, {transform_indices = @transform_1, window_bounds = array<i64: 1024, 128>}, {transform_indices = @transform_2, window_bounds = array<i64: 1024, 128>}, {transform_indices = @transform_3, window_bounds = array<i64: 1024, 128>}, {pipeline_mode = #tpu.pipeline_mode<synchronous>, transform_indices = @transform_4, window_bounds = array<i64: 64, 128>}, {pipeline_mode = #tpu.pipeline_mode<synchronous>, transform_indices = @transform_5, window_bounds = array<i64: 64, 128>}, {pipeline_mode = #tpu.pipeline_mode<synchronous>, transform_indices = @transform_6, window_bounds = array<i64: 64, 128>}, {pipeline_mode = #tpu.pipeline_mode<synchronous>, transform_indices = @transform_7, window_bounds = array<i64: 64, 128>}, {pipeline_mode = #tpu.pipeline_mode<synchronous>, transform_indices = @transform_8, window_bounds = array<i64: 1, 128>}, {pipeline_mode = #tpu.pipeline_mode<synchronous>, transform_indices = @transform_9, window_bounds = array<i64: 1, 128>}, {pipeline_mode = #tpu.pipeline_mode<synchronous>, transform_indices = @transform_10, window_bounds = array<i64: 128, 384>}, {pipeline_mode = #tpu.pipeline_mode<synchronous>, transform_indices = @transform_11, window_bounds = array<i64: 128, 384>}, {pipeline_mode = #tpu.pipeline_mode<synchronous>, transform_indices = @transform_12, window_bounds = array<i64: 1, 384>}, {pipeline_mode = #tpu.pipeline_mode<synchronous>, transform_indices = @transform_13, window_bounds = array<i64: 1, 384>}, {pipeline_mode = #tpu.pipeline_mode<synchronous>, transform_indices = @transform_14, window_bounds = array<i64: 128, 512>}, {pipeline_mode = #tpu.pipeline_mode<synchronous>, transform_indices = @transform_15, window_bounds = array<i64: 1, 512>}, {transform_indices = @transform_16, window_bounds = array<i64: 1024, 128>}, {transform_indices = @transform_17, window_bounds = array<i64: 4, 1024, 128>}]} {
    %get3A = arith.constant 0 : index
    %get3A_0 = arith.constant 0 : index
    %get3A_1 = vector.load %arg1[%get3A, %get3A_0] : memref<1024x128xf32, #tpu.memory_space<vmem>>, vector<1024x128xf32>
    %get3A_2 = arith.constant 0 : index
    %get3A_3 = arith.constant 0 : index
    %get3A_4 = vector.load %arg2[%get3A_2, %get3A_3] : memref<1024x128xf32, #tpu.memory_space<vmem>>, vector<1024x128xf32>
    %get3A_5 = arith.constant 0 : index
    %get3A_6 = arith.constant 0 : index
    %get3A_7 = vector.load %arg3[%get3A_5, %get3A_6] : memref<1024x128xf32, #tpu.memory_space<vmem>>, vector<1024x128xf32>
    %get3A_8 = arith.constant 0 : index
    %get3A_9 = arith.constant 0 : index
    %get3A_10 = vector.load %arg4[%get3A_8, %get3A_9] : memref<1024x128xf32, #tpu.memory_space<vmem>>, vector<1024x1xf32>
    %get3A_11 = arith.constant 0 : index
    %get3A_12 = arith.constant 0 : index
    %get3A_13 = vector.load %arg9[%get3A_11, %get3A_12] : memref<1x128xf32, #tpu.memory_space<vmem>>, vector<1x128xf32>
    %mul3A = vector.broadcast %get3A_10 : vector<1024x1xf32> to vector<1024x128xf32>
    %mul3A_14 = vector.broadcast %get3A_13 : vector<1x128xf32> to vector<1024x128xf32>
    %mul3A_15 = arith.mulf %mul3A, %mul3A_14 : vector<1024x128xf32>
    %get3A_16 = arith.constant 0 : index
    %get3A_17 = arith.constant 64 : index
    %get3A_18 = vector.load %arg4[%get3A_16, %get3A_17] : memref<1024x128xf32, #tpu.memory_space<vmem>>, vector<1024x1xf32>
    %get3A_19 = arith.constant 0 : index
    %get3A_20 = arith.constant 0 : index
    %get3A_21 = vector.load %arg10[%get3A_19, %get3A_20] : memref<1x128xf32, #tpu.memory_space<vmem>>, vector<1x128xf32>
    %mul3A_22 = vector.broadcast %get3A_18 : vector<1024x1xf32> to vector<1024x128xf32>
    %mul3A_23 = vector.broadcast %get3A_21 : vector<1x128xf32> to vector<1024x128xf32>
    %mul3A_24 = arith.mulf %mul3A_22, %mul3A_23 : vector<1024x128xf32>
    %add3A = arith.addf %mul3A_15, %mul3A_24 : vector<1024x128xf32>
    %slice3A = vector.extract_strided_slice %get3A_4 {offsets = [0, 0], sizes = [1024, 64], strides = [1, 1]} : vector<1024x128xf32> to vector<1024x64xf32>
    %get3A_25 = arith.constant 0 : index
    %get3A_26 = arith.constant 0 : index
    %get3A_27 = vector.load %arg5[%get3A_25, %get3A_26] : memref<64x128xf32, #tpu.memory_space<vmem>>, vector<64x128xf32>
    %dot_general3A = arith.constant dense<0.000000e+00> : vector<1024x128xf32>
    %dot_general3A_28 = tpu.matmul %slice3A, %get3A_27, %dot_general3A {dimension_numbers = #tpu.dot_dimension_numbers<[1], [0], [0], [1], [0, 0, 1, 1], [], []>, transpose_lhs_hint = false} : vector<1024x64xf32>, vector<64x128xf32>, vector<1024x128xf32> -> vector<1024x128xf32>
    %slice3A_29 = vector.extract_strided_slice %get3A_4 {offsets = [0, 64], sizes = [1024, 64], strides = [1, 1]} : vector<1024x128xf32> to vector<1024x64xf32>
    %get3A_30 = arith.constant 0 : index
    %get3A_31 = arith.constant 0 : index
    %get3A_32 = vector.load %arg7[%get3A_30, %get3A_31] : memref<64x128xf32, #tpu.memory_space<vmem>>, vector<64x128xf32>
    %dot_general3A_33 = arith.constant dense<0.000000e+00> : vector<1024x128xf32>
    %dot_general3A_34 = tpu.matmul %slice3A_29, %get3A_32, %dot_general3A_33 {dimension_numbers = #tpu.dot_dimension_numbers<[1], [0], [0], [1], [0, 0, 1, 1], [], []>, transpose_lhs_hint = false} : vector<1024x64xf32>, vector<64x128xf32>, vector<1024x128xf32> -> vector<1024x128xf32>
    %add3A_35 = arith.addf %dot_general3A_28, %dot_general3A_34 : vector<1024x128xf32>
    %slice3A_36 = vector.extract_strided_slice %get3A_7 {offsets = [0, 0], sizes = [1024, 64], strides = [1, 1]} : vector<1024x128xf32> to vector<1024x64xf32>
    %get3A_37 = arith.constant 0 : index
    %get3A_38 = arith.constant 0 : index
    %get3A_39 = vector.load %arg6[%get3A_37, %get3A_38] : memref<64x128xf32, #tpu.memory_space<vmem>>, vector<64x128xf32>
    %dot_general3A_40 = arith.constant dense<0.000000e+00> : vector<1024x128xf32>
    %dot_general3A_41 = tpu.matmul %slice3A_36, %get3A_39, %dot_general3A_40 {dimension_numbers = #tpu.dot_dimension_numbers<[1], [0], [0], [1], [0, 0, 1, 1], [], []>, transpose_lhs_hint = false} : vector<1024x64xf32>, vector<64x128xf32>, vector<1024x128xf32> -> vector<1024x128xf32>
    %add3A_42 = arith.addf %add3A_35, %dot_general3A_41 : vector<1024x128xf32>
    %slice3A_43 = vector.extract_strided_slice %get3A_7 {offsets = [0, 64], sizes = [1024, 64], strides = [1, 1]} : vector<1024x128xf32> to vector<1024x64xf32>
    %get3A_44 = arith.constant 0 : index
    %get3A_45 = arith.constant 0 : index
    %get3A_46 = vector.load %arg8[%get3A_44, %get3A_45] : memref<64x128xf32, #tpu.memory_space<vmem>>, vector<64x128xf32>
    %dot_general3A_47 = arith.constant dense<0.000000e+00> : vector<1024x128xf32>
    %dot_general3A_48 = tpu.matmul %slice3A_43, %get3A_46, %dot_general3A_47 {dimension_numbers = #tpu.dot_dimension_numbers<[1], [0], [0], [1], [0, 0, 1, 1], [], []>, transpose_lhs_hint = false} : vector<1024x64xf32>, vector<64x128xf32>, vector<1024x128xf32> -> vector<1024x128xf32>
    %add3A_49 = arith.addf %add3A_42, %dot_general3A_48 : vector<1024x128xf32>
    %add3A_50 = arith.addf %add3A_49, %add3A : vector<1024x128xf32>
    %get3A_51 = arith.constant 0 : index
    %get3A_52 = arith.constant 0 : index
    %get3A_53 = vector.load %arg11[%get3A_51, %get3A_52] : memref<128x384xf32, #tpu.memory_space<vmem>>, vector<128x384xf32>
    %dot_general3A_54 = arith.constant dense<0.000000e+00> : vector<1024x384xf32>
    %dot_general3A_55 = tpu.matmul %add3A_50, %get3A_53, %dot_general3A_54 {dimension_numbers = #tpu.dot_dimension_numbers<[1], [0], [0], [1], [0, 0, 1, 1], [], []>, transpose_lhs_hint = false} : vector<1024x128xf32>, vector<128x384xf32>, vector<1024x384xf32> -> vector<1024x384xf32>
    %get3A_56 = arith.constant 0 : index
    %get3A_57 = arith.constant 0 : index
    %get3A_58 = vector.load %arg13[%get3A_56, %get3A_57] : memref<1x384xf32, #tpu.memory_space<vmem>>, vector<1x384xf32>
    %add3A_59 = vector.broadcast %get3A_58 : vector<1x384xf32> to vector<1024x384xf32>
    %add3A_60 = arith.addf %dot_general3A_55, %add3A_59 : vector<1024x384xf32>
    %get3A_61 = arith.constant 0 : index
    %get3A_62 = arith.constant 0 : index
    %get3A_63 = vector.load %arg12[%get3A_61, %get3A_62] : memref<128x384xf32, #tpu.memory_space<vmem>>, vector<128x384xf32>
    %dot_general3A_64 = arith.constant dense<0.000000e+00> : vector<1024x384xf32>
    %dot_general3A_65 = tpu.matmul %get3A_1, %get3A_63, %dot_general3A_64 {dimension_numbers = #tpu.dot_dimension_numbers<[1], [0], [0], [1], [0, 0, 1, 1], [], []>, transpose_lhs_hint = false} : vector<1024x128xf32>, vector<128x384xf32>, vector<1024x384xf32> -> vector<1024x384xf32>
    %get3A_66 = arith.constant 0 : index
    %get3A_67 = arith.constant 0 : index
    %get3A_68 = vector.load %arg14[%get3A_66, %get3A_67] : memref<1x384xf32, #tpu.memory_space<vmem>>, vector<1x384xf32>
    %add3A_69 = vector.broadcast %get3A_68 : vector<1x384xf32> to vector<1024x384xf32>
    %add3A_70 = arith.addf %dot_general3A_65, %add3A_69 : vector<1024x384xf32>
    %slice3A_71 = vector.extract_strided_slice %add3A_60 {offsets = [0, 0], sizes = [1024, 128], strides = [1, 1]} : vector<1024x384xf32> to vector<1024x128xf32>
    %slice3A_72 = vector.extract_strided_slice %add3A_70 {offsets = [0, 0], sizes = [1024, 128], strides = [1, 1]} : vector<1024x384xf32> to vector<1024x128xf32>
    %add3A_73 = arith.addf %slice3A_71, %slice3A_72 : vector<1024x128xf32>
    %neg3A = arith.constant 0.000000e+00 : f32
    %neg3A_74 = vector.broadcast %neg3A : f32 to vector<1024x128xf32>
    %neg3A_75 = arith.subf %neg3A_74, %add3A_73 : vector<1024x128xf32>
    %exp3A = math.exp %neg3A_75 : vector<1024x128xf32>
    %add3A_76 = arith.constant 1.000000e+00 : f32
    %add3A_77 = vector.broadcast %add3A_76 : f32 to vector<1024x128xf32>
    %add3A_78 = arith.addf %add3A_77, %exp3A : vector<1024x128xf32>
    %div3A = arith.constant 1.000000e+00 : f32
    %div3A_79 = vector.broadcast %div3A : f32 to vector<1024x128xf32>
    %div3A_80 = arith.divf %div3A_79, %add3A_78 : vector<1024x128xf32>
    %slice3A_81 = vector.extract_strided_slice %add3A_60 {offsets = [0, 128], sizes = [1024, 128], strides = [1, 1]} : vector<1024x384xf32> to vector<1024x128xf32>
    %slice3A_82 = vector.extract_strided_slice %add3A_70 {offsets = [0, 128], sizes = [1024, 128], strides = [1, 1]} : vector<1024x384xf32> to vector<1024x128xf32>
    %add3A_83 = arith.addf %slice3A_81, %slice3A_82 : vector<1024x128xf32>
    %neg3A_84 = arith.constant 0.000000e+00 : f32
    %neg3A_85 = vector.broadcast %neg3A_84 : f32 to vector<1024x128xf32>
    %neg3A_86 = arith.subf %neg3A_85, %add3A_83 : vector<1024x128xf32>
    %exp3A_87 = math.exp %neg3A_86 : vector<1024x128xf32>
    %add3A_88 = arith.constant 1.000000e+00 : f32
    %add3A_89 = vector.broadcast %add3A_88 : f32 to vector<1024x128xf32>
    %add3A_90 = arith.addf %add3A_89, %exp3A_87 : vector<1024x128xf32>
    %div3A_91 = arith.constant 1.000000e+00 : f32
    %div3A_92 = vector.broadcast %div3A_91 : f32 to vector<1024x128xf32>
    %div3A_93 = arith.divf %div3A_92, %add3A_90 : vector<1024x128xf32>
    %slice3A_94 = vector.extract_strided_slice %add3A_60 {offsets = [0, 256], sizes = [1024, 128], strides = [1, 1]} : vector<1024x384xf32> to vector<1024x128xf32>
    %slice3A_95 = vector.extract_strided_slice %add3A_70 {offsets = [0, 256], sizes = [1024, 128], strides = [1, 1]} : vector<1024x384xf32> to vector<1024x128xf32>
    %mul3A_96 = arith.mulf %div3A_80, %slice3A_95 : vector<1024x128xf32>
    %add3A_97 = arith.addf %slice3A_94, %mul3A_96 : vector<1024x128xf32>
    %tanh3A = math.tanh %add3A_97 : vector<1024x128xf32>
    %sub3A = arith.constant 1.000000e+00 : f32
    %sub3A_98 = vector.broadcast %sub3A : f32 to vector<1024x128xf32>
    %sub3A_99 = arith.subf %sub3A_98, %div3A_93 : vector<1024x128xf32>
    %mul3A_100 = arith.mulf %sub3A_99, %tanh3A : vector<1024x128xf32>
    %mul3A_101 = arith.mulf %div3A_93, %get3A_1 : vector<1024x128xf32>
    %add3A_102 = arith.addf %mul3A_100, %mul3A_101 : vector<1024x128xf32>
    %swap3A = arith.constant 0 : index
    %swap3A_103 = arith.constant 0 : index
    %swap3A_104 = vector.load %arg17[%swap3A, %swap3A_103] : memref<1024x128xf32, #tpu.memory_space<vmem>>, vector<1024x128xf32>
    tpu.vector_store %arg17[%swap3A, %swap3A_103], %add3A_102 {strides = array<i32>} : memref<1024x128xf32, #tpu.memory_space<vmem>>, vector<1024x128xf32>,
    %get3A_105 = arith.constant 0 : index
    %get3A_106 = arith.constant 0 : index
    %get3A_107 = vector.load %arg15[%get3A_105, %get3A_106] : memref<128x512xf32, #tpu.memory_space<vmem>>, vector<128x512xf32>
    %dot_general3A_108 = arith.constant dense<0.000000e+00> : vector<1024x512xf32>
    %dot_general3A_109 = tpu.matmul %add3A_102, %get3A_107, %dot_general3A_108 {dimension_numbers = #tpu.dot_dimension_numbers<[1], [0], [0], [1], [0, 0, 1, 1], [], []>, transpose_lhs_hint = false} : vector<1024x128xf32>, vector<128x512xf32>, vector<1024x512xf32> -> vector<1024x512xf32>
    %get3A_110 = arith.constant 0 : index
    %get3A_111 = arith.constant 0 : index
    %get3A_112 = vector.load %arg16[%get3A_110, %get3A_111] : memref<1x512xf32, #tpu.memory_space<vmem>>, vector<1x512xf32>
    %add3A_113 = vector.broadcast %get3A_112 : vector<1x512xf32> to vector<1024x512xf32>
    %add3A_114 = arith.addf %dot_general3A_109, %add3A_113 : vector<1024x512xf32>
    %slice3A_115 = vector.extract_strided_slice %add3A_114 {offsets = [0, 0], sizes = [1024, 128], strides = [1, 1]} : vector<1024x512xf32> to vector<1024x128xf32>
    %swap3A_116 = arith.constant 0 : index
    %swap3A_117 = arith.constant 0 : index
    %swap3A_118 = arith.constant 0 : index
    %swap3A_119 = vector.load %arg18[%swap3A_116, %swap3A_117, %swap3A_118] : memref<4x1024x128xf32, #tpu.memory_space<vmem>>, vector<1x1024x128xf32>
    %swap3A_120 = vector.shape_cast %swap3A_119 : vector<1x1024x128xf32> to vector<1024x128xf32>
    %swap3A_121 = vector.shape_cast %slice3A_115 : vector<1024x128xf32> to vector<1x1024x128xf32>
    tpu.vector_store %arg18[%swap3A_116, %swap3A_117, %swap3A_118], %swap3A_121 {strides = array<i32>} : memref<4x1024x128xf32, #tpu.memory_space<vmem>>, vector<1x1024x128xf32>,
    %slice3A_122 = vector.extract_strided_slice %add3A_114 {offsets = [0, 128], sizes = [1024, 128], strides = [1, 1]} : vector<1024x512xf32> to vector<1024x128xf32>
    %swap3A_123 = arith.constant 1 : index
    %swap3A_124 = arith.constant 0 : index
    %swap3A_125 = arith.constant 0 : index
    %swap3A_126 = vector.load %arg18[%swap3A_123, %swap3A_124, %swap3A_125] : memref<4x1024x128xf32, #tpu.memory_space<vmem>>, vector<1x1024x128xf32>
    %swap3A_127 = vector.shape_cast %swap3A_126 : vector<1x1024x128xf32> to vector<1024x128xf32>
    %swap3A_128 = vector.shape_cast %slice3A_122 : vector<1024x128xf32> to vector<1x1024x128xf32>
    tpu.vector_store %arg18[%swap3A_123, %swap3A_124, %swap3A_125], %swap3A_128 {strides = array<i32>} : memref<4x1024x128xf32, #tpu.memory_space<vmem>>, vector<1x1024x128xf32>,
    %slice3A_129 = vector.extract_strided_slice %add3A_114 {offsets = [0, 256], sizes = [1024, 128], strides = [1, 1]} : vector<1024x512xf32> to vector<1024x128xf32>
    %swap3A_130 = arith.constant 2 : index
    %swap3A_131 = arith.constant 0 : index
    %swap3A_132 = arith.constant 0 : index
    %swap3A_133 = vector.load %arg18[%swap3A_130, %swap3A_131, %swap3A_132] : memref<4x1024x128xf32, #tpu.memory_space<vmem>>, vector<1x1024x128xf32>
    %swap3A_134 = vector.shape_cast %swap3A_133 : vector<1x1024x128xf32> to vector<1024x128xf32>
    %swap3A_135 = vector.shape_cast %slice3A_129 : vector<1024x128xf32> to vector<1x1024x128xf32>
    tpu.vector_store %arg18[%swap3A_130, %swap3A_131, %swap3A_132], %swap3A_135 {strides = array<i32>} : memref<4x1024x128xf32, #tpu.memory_space<vmem>>, vector<1x1024x128xf32>,
    %slice3A_136 = vector.extract_strided_slice %add3A_114 {offsets = [0, 384], sizes = [1024, 128], strides = [1, 1]} : vector<1024x512xf32> to vector<1024x128xf32>
    %swap3A_137 = arith.constant 3 : index
    %swap3A_138 = arith.constant 0 : index
    %swap3A_139 = arith.constant 0 : index
    %swap3A_140 = vector.load %arg18[%swap3A_137, %swap3A_138, %swap3A_139] : memref<4x1024x128xf32, #tpu.memory_space<vmem>>, vector<1x1024x128xf32>
    %swap3A_141 = vector.shape_cast %swap3A_140 : vector<1x1024x128xf32> to vector<1024x128xf32>
    %swap3A_142 = vector.shape_cast %slice3A_136 : vector<1024x128xf32> to vector<1x1024x128xf32>
    tpu.vector_store %arg18[%swap3A_137, %swap3A_138, %swap3A_139], %swap3A_142 {strides = array<i32>} : memref<4x1024x128xf32, #tpu.memory_space<vmem>>, vector<1x1024x128xf32>,
    return
  }
  func.func @transform_0(%arg0: i32) -> (i32, i32) {
    %c0_i32 = arith.constant 0 : i32
    %c0_i32_0 = arith.constant 0 : i32
    return %arg0, %c0_i32 : i32, i32
  }
  func.func @transform_1(%arg0: i32) -> (i32, i32) {
    %c0_i32 = arith.constant 0 : i32
    %c0_i32_0 = arith.constant 0 : i32
    return %arg0, %c0_i32 : i32, i32
  }
  func.func @transform_2(%arg0: i32) -> (i32, i32) {
    %c0_i32 = arith.constant 0 : i32
    %c0_i32_0 = arith.constant 0 : i32
    return %arg0, %c0_i32 : i32, i32
  }
  func.func @transform_3(%arg0: i32) -> (i32, i32) {
    %c0_i32 = arith.constant 0 : i32
    %c0_i32_0 = arith.constant 0 : i32
    return %arg0, %c0_i32 : i32, i32
  }
  func.func @transform_4(%arg0: i32) -> (i32, i32) {
    %c0_i32 = arith.constant 0 : i32
    %c0_i32_0 = arith.constant 0 : i32
    %c0_i32_1 = arith.constant 0 : i32
    return %c0_i32, %c0_i32_0 : i32, i32
  }
  func.func @transform_5(%arg0: i32) -> (i32, i32) {
    %c0_i32 = arith.constant 0 : i32
    %c0_i32_0 = arith.constant 0 : i32
    %c0_i32_1 = arith.constant 0 : i32
    return %c0_i32, %c0_i32_0 : i32, i32
  }
  func.func @transform_6(%arg0: i32) -> (i32, i32) {
    %c0_i32 = arith.constant 0 : i32
    %c0_i32_0 = arith.constant 0 : i32
    %c0_i32_1 = arith.constant 0 : i32
    return %c0_i32, %c0_i32_0 : i32, i32
  }
  func.func @transform_7(%arg0: i32) -> (i32, i32) {
    %c0_i32 = arith.constant 0 : i32
    %c0_i32_0 = arith.constant 0 : i32
    %c0_i32_1 = arith.constant 0 : i32
    return %c0_i32, %c0_i32_0 : i32, i32
  }
  func.func @transform_8(%arg0: i32) -> (i32, i32) {
    %c0_i32 = arith.constant 0 : i32
    %c0_i32_0 = arith.constant 0 : i32
    %c0_i32_1 = arith.constant 0 : i32
    return %c0_i32, %c0_i32_0 : i32, i32
  }
  func.func @transform_9(%arg0: i32) -> (i32, i32) {
    %c0_i32 = arith.constant 0 : i32
    %c0_i32_0 = arith.constant 0 : i32
    %c0_i32_1 = arith.constant 0 : i32
    return %c0_i32, %c0_i32_0 : i32, i32
  }
  func.func @transform_10(%arg0: i32) -> (i32, i32) {
    %c0_i32 = arith.constant 0 : i32
    %c0_i32_0 = arith.constant 0 : i32
    %c0_i32_1 = arith.constant 0 : i32
    return %c0_i32, %c0_i32_0 : i32, i32
  }
  func.func @transform_11(%arg0: i32) -> (i32, i32) {
    %c0_i32 = arith.constant 0 : i32
    %c0_i32_0 = arith.constant 0 : i32
    %c0_i32_1 = arith.constant 0 : i32
    return %c0_i32, %c0_i32_0 : i32, i32
  }
  func.func @transform_12(%arg0: i32) -> (i32, i32) {
    %c0_i32 = arith.constant 0 : i32
    %c0_i32_0 = arith.constant 0 : i32
    %c0_i32_1 = arith.constant 0 : i32
    return %c0_i32, %c0_i32_0 : i32, i32
  }
  func.func @transform_13(%arg0: i32) -> (i32, i32) {
    %c0_i32 = arith.constant 0 : i32
    %c0_i32_0 = arith.constant 0 : i32
    %c0_i32_1 = arith.constant 0 : i32
    return %c0_i32, %c0_i32_0 : i32, i32
  }
  func.func @transform_14(%arg0: i32) -> (i32, i32) {
    %c0_i32 = arith.constant 0 : i32
    %c0_i32_0 = arith.constant 0 : i32
    %c0_i32_1 = arith.constant 0 : i32
    return %c0_i32, %c0_i32_0 : i32, i32
  }
  func.func @transform_15(%arg0: i32) -> (i32, i32) {
    %c0_i32 = arith.constant 0 : i32
    %c0_i32_0 = arith.constant 0 : i32
    %c0_i32_1 = arith.constant 0 : i32
    return %c0_i32, %c0_i32_0 : i32, i32
  }
  func.func @transform_16(%arg0: i32) -> (i32, i32) {
    %c0_i32 = arith.constant 0 : i32
    %c0_i32_0 = arith.constant 0 : i32
    return %arg0, %c0_i32 : i32, i32
  }
  func.func @transform_17(%arg0: i32) -> (i32, i32, i32) {
    %c0_i32 = arith.constant 0 : i32
    %c0_i32_0 = arith.constant 0 : i32
    %c0_i32_1 = arith.constant 0 : i32
    return %c0_i32, %arg0, %c0_i32_0 : i32, i32, i32
  }
}

module attributes {stable_mosaic.version = 14 : i64} {
  func.func @body(%arg0: i32, %arg1: memref<1024x128xf32, #tpu.memory_space<vmem>>, %arg2: memref<1024x128xf32, #tpu.memory_space<vmem>>, %arg3: memref<1024x128xf32, #tpu.memory_space<vmem>>, %arg4: memref<1024x128xf32, #tpu.memory_space<vmem>>, %arg5: memref<64x128xf32, #tpu.memory_space<vmem>>, %arg6: memref<64x128xf32, #tpu.memory_space<vmem>>, %arg7: memref<64x128xf32, #tpu.memory_space<vmem>>, %arg8: memref<64x128xf32, #tpu.memory_space<vmem>>, %arg9: memref<1x128xf32, #tpu.memory_space<vmem>>, %arg10: memref<1x128xf32, #tpu.memory_space<vmem>>, %arg11: memref<128x384xf32, #tpu.memory_space<vmem>>, %arg12: memref<128x384xf32, #tpu.memory_space<vmem>>, %arg13: memref<1x384xf32, #tpu.memory_space<vmem>>, %arg14: memref<1x384xf32, #tpu.memory_space<vmem>>, %arg15: memref<128x128xf32, #tpu.memory_space<vmem>>, %arg16: memref<1x128xf32, #tpu.memory_space<vmem>>, %arg17: memref<128x128xf32, #tpu.memory_space<vmem>>, %arg18: memref<1x128xf32, #tpu.memory_space<vmem>>, %arg19: memref<1024x128xf32, #tpu.memory_space<vmem>>) attributes {dimension_semantics = [#tpu.dimension_semantics<arbitrary>], iteration_bounds = array<i64: 10>, scalar_prefetch = 0 : i64, scratch_operands = 0 : i64, tpu.core_type = #tpu.core_type<tc>, window_params = [{transform_indices = @transform_0, window_bounds = array<i64: 1024, 128>}, {transform_indices = @transform_1, window_bounds = array<i64: 1024, 128>}, {transform_indices = @transform_2, window_bounds = array<i64: 1024, 128>}, {transform_indices = @transform_3, window_bounds = array<i64: 1024, 128>}, {pipeline_mode = #tpu.pipeline_mode<synchronous>, transform_indices = @transform_4, window_bounds = array<i64: 64, 128>}, {pipeline_mode = #tpu.pipeline_mode<synchronous>, transform_indices = @transform_5, window_bounds = array<i64: 64, 128>}, {pipeline_mode = #tpu.pipeline_mode<synchronous>, transform_indices = @transform_6, window_bounds = array<i64: 64, 128>}, {pipeline_mode = #tpu.pipeline_mode<synchronous>, transform_indices = @transform_7, window_bounds = array<i64: 64, 128>}, {pipeline_mode = #tpu.pipeline_mode<synchronous>, transform_indices = @transform_8, window_bounds = array<i64: 1, 128>}, {pipeline_mode = #tpu.pipeline_mode<synchronous>, transform_indices = @transform_9, window_bounds = array<i64: 1, 128>}, {pipeline_mode = #tpu.pipeline_mode<synchronous>, transform_indices = @transform_10, window_bounds = array<i64: 128, 384>}, {pipeline_mode = #tpu.pipeline_mode<synchronous>, transform_indices = @transform_11, window_bounds = array<i64: 128, 384>}, {pipeline_mode = #tpu.pipeline_mode<synchronous>, transform_indices = @transform_12, window_bounds = array<i64: 1, 384>}, {pipeline_mode = #tpu.pipeline_mode<synchronous>, transform_indices = @transform_13, window_bounds = array<i64: 1, 384>}, {pipeline_mode = #tpu.pipeline_mode<synchronous>, transform_indices = @transform_14, window_bounds = array<i64: 128, 128>}, {pipeline_mode = #tpu.pipeline_mode<synchronous>, transform_indices = @transform_15, window_bounds = array<i64: 1, 128>}, {pipeline_mode = #tpu.pipeline_mode<synchronous>, transform_indices = @transform_16, window_bounds = array<i64: 128, 128>}, {pipeline_mode = #tpu.pipeline_mode<synchronous>, transform_indices = @transform_17, window_bounds = array<i64: 1, 128>}, {transform_indices = @transform_18, window_bounds = array<i64: 1024, 128>}]} {
    %get3A = arith.constant 0 : index
    %get3A_0 = arith.constant 0 : index
    %get3A_1 = vector.load %arg1[%get3A, %get3A_0] : memref<1024x128xf32, #tpu.memory_space<vmem>>, vector<1024x128xf32>
    %get3A_2 = arith.constant 0 : index
    %get3A_3 = arith.constant 0 : index
    %get3A_4 = vector.load %arg2[%get3A_2, %get3A_3] : memref<1024x128xf32, #tpu.memory_space<vmem>>, vector<1024x128xf32>
    %get3A_5 = arith.constant 0 : index
    %get3A_6 = arith.constant 0 : index
    %get3A_7 = vector.load %arg3[%get3A_5, %get3A_6] : memref<1024x128xf32, #tpu.memory_space<vmem>>, vector<1024x128xf32>
    %get3A_8 = arith.constant 0 : index
    %get3A_9 = arith.constant 0 : index
    %get3A_10 = vector.load %arg4[%get3A_8, %get3A_9] : memref<1024x128xf32, #tpu.memory_space<vmem>>, vector<1024x1xf32>
    %get3A_11 = arith.constant 0 : index
    %get3A_12 = arith.constant 0 : index
    %get3A_13 = vector.load %arg9[%get3A_11, %get3A_12] : memref<1x128xf32, #tpu.memory_space<vmem>>, vector<1x128xf32>
    %mul3A = vector.broadcast %get3A_10 : vector<1024x1xf32> to vector<1024x128xf32>
    %mul3A_14 = vector.broadcast %get3A_13 : vector<1x128xf32> to vector<1024x128xf32>
    %mul3A_15 = arith.mulf %mul3A, %mul3A_14 : vector<1024x128xf32>
    %get3A_16 = arith.constant 0 : index
    %get3A_17 = arith.constant 64 : index
    %get3A_18 = vector.load %arg4[%get3A_16, %get3A_17] : memref<1024x128xf32, #tpu.memory_space<vmem>>, vector<1024x1xf32>
    %get3A_19 = arith.constant 0 : index
    %get3A_20 = arith.constant 0 : index
    %get3A_21 = vector.load %arg10[%get3A_19, %get3A_20] : memref<1x128xf32, #tpu.memory_space<vmem>>, vector<1x128xf32>
    %mul3A_22 = vector.broadcast %get3A_18 : vector<1024x1xf32> to vector<1024x128xf32>
    %mul3A_23 = vector.broadcast %get3A_21 : vector<1x128xf32> to vector<1024x128xf32>
    %mul3A_24 = arith.mulf %mul3A_22, %mul3A_23 : vector<1024x128xf32>
    %add3A = arith.addf %mul3A_15, %mul3A_24 : vector<1024x128xf32>
    %slice3A = vector.extract_strided_slice %get3A_4 {offsets = [0, 0], sizes = [1024, 64], strides = [1, 1]} : vector<1024x128xf32> to vector<1024x64xf32>
    %get3A_25 = arith.constant 0 : index
    %get3A_26 = arith.constant 0 : index
    %get3A_27 = vector.load %arg5[%get3A_25, %get3A_26] : memref<64x128xf32, #tpu.memory_space<vmem>>, vector<64x128xf32>
    %dot_general3A = arith.constant dense<0.000000e+00> : vector<1024x128xf32>
    %dot_general3A_28 = tpu.matmul %slice3A, %get3A_27, %dot_general3A {dimension_numbers = #tpu.dot_dimension_numbers<[1], [0], [0], [1], [0, 0, 1, 1], [], []>, transpose_lhs_hint = false} : vector<1024x64xf32>, vector<64x128xf32>, vector<1024x128xf32> -> vector<1024x128xf32>
    %slice3A_29 = vector.extract_strided_slice %get3A_4 {offsets = [0, 64], sizes = [1024, 64], strides = [1, 1]} : vector<1024x128xf32> to vector<1024x64xf32>
    %get3A_30 = arith.constant 0 : index
    %get3A_31 = arith.constant 0 : index
    %get3A_32 = vector.load %arg7[%get3A_30, %get3A_31] : memref<64x128xf32, #tpu.memory_space<vmem>>, vector<64x128xf32>
    %dot_general3A_33 = arith.constant dense<0.000000e+00> : vector<1024x128xf32>
    %dot_general3A_34 = tpu.matmul %slice3A_29, %get3A_32, %dot_general3A_33 {dimension_numbers = #tpu.dot_dimension_numbers<[1], [0], [0], [1], [0, 0, 1, 1], [], []>, transpose_lhs_hint = false} : vector<1024x64xf32>, vector<64x128xf32>, vector<1024x128xf32> -> vector<1024x128xf32>
    %add3A_35 = arith.addf %dot_general3A_28, %dot_general3A_34 : vector<1024x128xf32>
    %slice3A_36 = vector.extract_strided_slice %get3A_7 {offsets = [0, 0], sizes = [1024, 64], strides = [1, 1]} : vector<1024x128xf32> to vector<1024x64xf32>
    %get3A_37 = arith.constant 0 : index
    %get3A_38 = arith.constant 0 : index
    %get3A_39 = vector.load %arg6[%get3A_37, %get3A_38] : memref<64x128xf32, #tpu.memory_space<vmem>>, vector<64x128xf32>
    %dot_general3A_40 = arith.constant dense<0.000000e+00> : vector<1024x128xf32>
    %dot_general3A_41 = tpu.matmul %slice3A_36, %get3A_39, %dot_general3A_40 {dimension_numbers = #tpu.dot_dimension_numbers<[1], [0], [0], [1], [0, 0, 1, 1], [], []>, transpose_lhs_hint = false} : vector<1024x64xf32>, vector<64x128xf32>, vector<1024x128xf32> -> vector<1024x128xf32>
    %add3A_42 = arith.addf %add3A_35, %dot_general3A_41 : vector<1024x128xf32>
    %slice3A_43 = vector.extract_strided_slice %get3A_7 {offsets = [0, 64], sizes = [1024, 64], strides = [1, 1]} : vector<1024x128xf32> to vector<1024x64xf32>
    %get3A_44 = arith.constant 0 : index
    %get3A_45 = arith.constant 0 : index
    %get3A_46 = vector.load %arg8[%get3A_44, %get3A_45] : memref<64x128xf32, #tpu.memory_space<vmem>>, vector<64x128xf32>
    %dot_general3A_47 = arith.constant dense<0.000000e+00> : vector<1024x128xf32>
    %dot_general3A_48 = tpu.matmul %slice3A_43, %get3A_46, %dot_general3A_47 {dimension_numbers = #tpu.dot_dimension_numbers<[1], [0], [0], [1], [0, 0, 1, 1], [], []>, transpose_lhs_hint = false} : vector<1024x64xf32>, vector<64x128xf32>, vector<1024x128xf32> -> vector<1024x128xf32>
    %add3A_49 = arith.addf %add3A_42, %dot_general3A_48 : vector<1024x128xf32>
    %add3A_50 = arith.addf %add3A_49, %add3A : vector<1024x128xf32>
    %get3A_51 = arith.constant 0 : index
    %get3A_52 = arith.constant 0 : index
    %get3A_53 = vector.load %arg11[%get3A_51, %get3A_52] : memref<128x384xf32, #tpu.memory_space<vmem>>, vector<128x384xf32>
    %dot_general3A_54 = arith.constant dense<0.000000e+00> : vector<1024x384xf32>
    %dot_general3A_55 = tpu.matmul %add3A_50, %get3A_53, %dot_general3A_54 {dimension_numbers = #tpu.dot_dimension_numbers<[1], [0], [0], [1], [0, 0, 1, 1], [], []>, transpose_lhs_hint = false} : vector<1024x128xf32>, vector<128x384xf32>, vector<1024x384xf32> -> vector<1024x384xf32>
    %get3A_56 = arith.constant 0 : index
    %get3A_57 = arith.constant 0 : index
    %get3A_58 = vector.load %arg13[%get3A_56, %get3A_57] : memref<1x384xf32, #tpu.memory_space<vmem>>, vector<1x384xf32>
    %add3A_59 = vector.broadcast %get3A_58 : vector<1x384xf32> to vector<1024x384xf32>
    %add3A_60 = arith.addf %dot_general3A_55, %add3A_59 : vector<1024x384xf32>
    %get3A_61 = arith.constant 0 : index
    %get3A_62 = arith.constant 0 : index
    %get3A_63 = vector.load %arg12[%get3A_61, %get3A_62] : memref<128x384xf32, #tpu.memory_space<vmem>>, vector<128x384xf32>
    %dot_general3A_64 = arith.constant dense<0.000000e+00> : vector<1024x384xf32>
    %dot_general3A_65 = tpu.matmul %get3A_1, %get3A_63, %dot_general3A_64 {dimension_numbers = #tpu.dot_dimension_numbers<[1], [0], [0], [1], [0, 0, 1, 1], [], []>, transpose_lhs_hint = false} : vector<1024x128xf32>, vector<128x384xf32>, vector<1024x384xf32> -> vector<1024x384xf32>
    %get3A_66 = arith.constant 0 : index
    %get3A_67 = arith.constant 0 : index
    %get3A_68 = vector.load %arg14[%get3A_66, %get3A_67] : memref<1x384xf32, #tpu.memory_space<vmem>>, vector<1x384xf32>
    %add3A_69 = vector.broadcast %get3A_68 : vector<1x384xf32> to vector<1024x384xf32>
    %add3A_70 = arith.addf %dot_general3A_65, %add3A_69 : vector<1024x384xf32>
    %slice3A_71 = vector.extract_strided_slice %add3A_60 {offsets = [0, 0], sizes = [1024, 128], strides = [1, 1]} : vector<1024x384xf32> to vector<1024x128xf32>
    %slice3A_72 = vector.extract_strided_slice %add3A_70 {offsets = [0, 0], sizes = [1024, 128], strides = [1, 1]} : vector<1024x384xf32> to vector<1024x128xf32>
    %add3A_73 = arith.addf %slice3A_71, %slice3A_72 : vector<1024x128xf32>
    %neg3A = arith.constant 0.000000e+00 : f32
    %neg3A_74 = vector.broadcast %neg3A : f32 to vector<1024x128xf32>
    %neg3A_75 = arith.subf %neg3A_74, %add3A_73 : vector<1024x128xf32>
    %exp3A = math.exp %neg3A_75 : vector<1024x128xf32>
    %add3A_76 = arith.constant 1.000000e+00 : f32
    %add3A_77 = vector.broadcast %add3A_76 : f32 to vector<1024x128xf32>
    %add3A_78 = arith.addf %add3A_77, %exp3A : vector<1024x128xf32>
    %div3A = arith.constant 1.000000e+00 : f32
    %div3A_79 = vector.broadcast %div3A : f32 to vector<1024x128xf32>
    %div3A_80 = arith.divf %div3A_79, %add3A_78 : vector<1024x128xf32>
    %slice3A_81 = vector.extract_strided_slice %add3A_60 {offsets = [0, 128], sizes = [1024, 128], strides = [1, 1]} : vector<1024x384xf32> to vector<1024x128xf32>
    %slice3A_82 = vector.extract_strided_slice %add3A_70 {offsets = [0, 128], sizes = [1024, 128], strides = [1, 1]} : vector<1024x384xf32> to vector<1024x128xf32>
    %add3A_83 = arith.addf %slice3A_81, %slice3A_82 : vector<1024x128xf32>
    %neg3A_84 = arith.constant 0.000000e+00 : f32
    %neg3A_85 = vector.broadcast %neg3A_84 : f32 to vector<1024x128xf32>
    %neg3A_86 = arith.subf %neg3A_85, %add3A_83 : vector<1024x128xf32>
    %exp3A_87 = math.exp %neg3A_86 : vector<1024x128xf32>
    %add3A_88 = arith.constant 1.000000e+00 : f32
    %add3A_89 = vector.broadcast %add3A_88 : f32 to vector<1024x128xf32>
    %add3A_90 = arith.addf %add3A_89, %exp3A_87 : vector<1024x128xf32>
    %div3A_91 = arith.constant 1.000000e+00 : f32
    %div3A_92 = vector.broadcast %div3A_91 : f32 to vector<1024x128xf32>
    %div3A_93 = arith.divf %div3A_92, %add3A_90 : vector<1024x128xf32>
    %slice3A_94 = vector.extract_strided_slice %add3A_60 {offsets = [0, 256], sizes = [1024, 128], strides = [1, 1]} : vector<1024x384xf32> to vector<1024x128xf32>
    %slice3A_95 = vector.extract_strided_slice %add3A_70 {offsets = [0, 256], sizes = [1024, 128], strides = [1, 1]} : vector<1024x384xf32> to vector<1024x128xf32>
    %mul3A_96 = arith.mulf %div3A_80, %slice3A_95 : vector<1024x128xf32>
    %add3A_97 = arith.addf %slice3A_94, %mul3A_96 : vector<1024x128xf32>
    %tanh3A = math.tanh %add3A_97 : vector<1024x128xf32>
    %sub3A = arith.constant 1.000000e+00 : f32
    %sub3A_98 = vector.broadcast %sub3A : f32 to vector<1024x128xf32>
    %sub3A_99 = arith.subf %sub3A_98, %div3A_93 : vector<1024x128xf32>
    %mul3A_100 = arith.mulf %sub3A_99, %tanh3A : vector<1024x128xf32>
    %mul3A_101 = arith.mulf %div3A_93, %get3A_1 : vector<1024x128xf32>
    %add3A_102 = arith.addf %mul3A_100, %mul3A_101 : vector<1024x128xf32>
    %get3A_103 = arith.constant 0 : index
    %get3A_104 = arith.constant 0 : index
    %get3A_105 = vector.load %arg15[%get3A_103, %get3A_104] : memref<128x128xf32, #tpu.memory_space<vmem>>, vector<128x128xf32>
    %dot_general3A_106 = arith.constant dense<0.000000e+00> : vector<1024x128xf32>
    %dot_general3A_107 = tpu.matmul %add3A_102, %get3A_105, %dot_general3A_106 {dimension_numbers = #tpu.dot_dimension_numbers<[1], [0], [0], [1], [0, 0, 1, 1], [], []>, transpose_lhs_hint = false} : vector<1024x128xf32>, vector<128x128xf32>, vector<1024x128xf32> -> vector<1024x128xf32>
    %get3A_108 = arith.constant 0 : index
    %get3A_109 = arith.constant 0 : index
    %get3A_110 = vector.load %arg16[%get3A_108, %get3A_109] : memref<1x128xf32, #tpu.memory_space<vmem>>, vector<1x128xf32>
    %add3A_111 = vector.broadcast %get3A_110 : vector<1x128xf32> to vector<1024x128xf32>
    %add3A_112 = arith.addf %dot_general3A_107, %add3A_111 : vector<1024x128xf32>
    %max3A = arith.constant 0.000000e+00 : f32
    %max3A_113 = vector.broadcast %max3A : f32 to vector<1024x128xf32>
    %max3A_114 = arith.maximumf %add3A_112, %max3A_113 : vector<1024x128xf32>
    %get3A_115 = arith.constant 0 : index
    %get3A_116 = arith.constant 0 : index
    %get3A_117 = vector.load %arg17[%get3A_115, %get3A_116] : memref<128x128xf32, #tpu.memory_space<vmem>>, vector<128x128xf32>
    %dot_general3A_118 = arith.constant dense<0.000000e+00> : vector<1024x128xf32>
    %dot_general3A_119 = tpu.matmul %max3A_114, %get3A_117, %dot_general3A_118 {dimension_numbers = #tpu.dot_dimension_numbers<[1], [0], [0], [1], [0, 0, 1, 1], [], []>, transpose_lhs_hint = false} : vector<1024x128xf32>, vector<128x128xf32>, vector<1024x128xf32> -> vector<1024x128xf32>
    %get3A_120 = arith.constant 0 : index
    %get3A_121 = arith.constant 0 : index
    %get3A_122 = vector.load %arg18[%get3A_120, %get3A_121] : memref<1x128xf32, #tpu.memory_space<vmem>>, vector<1x128xf32>
    %add3A_123 = vector.broadcast %get3A_122 : vector<1x128xf32> to vector<1024x128xf32>
    %add3A_124 = arith.addf %dot_general3A_119, %add3A_123 : vector<1024x128xf32>
    %reduce_max3A = arith.constant dense<0xFF800000> : vector<1024xf32>
    %reduce_max3A_125 = vector.multi_reduction <maximumf>, %add3A_124, %reduce_max3A [1] : vector<1024x128xf32> to vector<1024xf32>
    %broadcast_in_dim3A = vector.shape_cast %reduce_max3A_125 : vector<1024xf32> to vector<1024x1xf32>
    %sub3A_126 = vector.broadcast %broadcast_in_dim3A : vector<1024x1xf32> to vector<1024x128xf32>
    %sub3A_127 = arith.subf %add3A_124, %sub3A_126 : vector<1024x128xf32>
    %exp3A_128 = math.exp %sub3A_127 : vector<1024x128xf32>
    %reduce_sum3A = arith.constant dense<0.000000e+00> : vector<1024xf32>
    %reduce_sum3A_129 = vector.multi_reduction <add>, %exp3A_128, %reduce_sum3A [1] : vector<1024x128xf32> to vector<1024xf32>
    %broadcast_in_dim3A_130 = vector.shape_cast %reduce_sum3A_129 : vector<1024xf32> to vector<1024x1xf32>
    %div3A_131 = vector.broadcast %broadcast_in_dim3A_130 : vector<1024x1xf32> to vector<1024x128xf32>
    %div3A_132 = arith.divf %exp3A_128, %div3A_131 : vector<1024x128xf32>
    %swap3A = arith.constant 0 : index
    %swap3A_133 = arith.constant 0 : index
    %swap3A_134 = vector.load %arg19[%swap3A, %swap3A_133] : memref<1024x128xf32, #tpu.memory_space<vmem>>, vector<1024x128xf32>
    tpu.vector_store %arg19[%swap3A, %swap3A_133], %div3A_132 {strides = array<i32>} : memref<1024x128xf32, #tpu.memory_space<vmem>>, vector<1024x128xf32>,
    return
  }
  func.func @transform_0(%arg0: i32) -> (i32, i32) {
    %c0_i32 = arith.constant 0 : i32
    %c0_i32_0 = arith.constant 0 : i32
    return %arg0, %c0_i32 : i32, i32
  }
  func.func @transform_1(%arg0: i32) -> (i32, i32) {
    %c0_i32 = arith.constant 0 : i32
    %c0_i32_0 = arith.constant 0 : i32
    return %arg0, %c0_i32 : i32, i32
  }
  func.func @transform_2(%arg0: i32) -> (i32, i32) {
    %c0_i32 = arith.constant 0 : i32
    %c0_i32_0 = arith.constant 0 : i32
    return %arg0, %c0_i32 : i32, i32
  }
  func.func @transform_3(%arg0: i32) -> (i32, i32) {
    %c0_i32 = arith.constant 0 : i32
    %c0_i32_0 = arith.constant 0 : i32
    return %arg0, %c0_i32 : i32, i32
  }
  func.func @transform_4(%arg0: i32) -> (i32, i32) {
    %c0_i32 = arith.constant 0 : i32
    %c0_i32_0 = arith.constant 0 : i32
    %c0_i32_1 = arith.constant 0 : i32
    return %c0_i32, %c0_i32_0 : i32, i32
  }
  func.func @transform_5(%arg0: i32) -> (i32, i32) {
    %c0_i32 = arith.constant 0 : i32
    %c0_i32_0 = arith.constant 0 : i32
    %c0_i32_1 = arith.constant 0 : i32
    return %c0_i32, %c0_i32_0 : i32, i32
  }
  func.func @transform_6(%arg0: i32) -> (i32, i32) {
    %c0_i32 = arith.constant 0 : i32
    %c0_i32_0 = arith.constant 0 : i32
    %c0_i32_1 = arith.constant 0 : i32
    return %c0_i32, %c0_i32_0 : i32, i32
  }
  func.func @transform_7(%arg0: i32) -> (i32, i32) {
    %c0_i32 = arith.constant 0 : i32
    %c0_i32_0 = arith.constant 0 : i32
    %c0_i32_1 = arith.constant 0 : i32
    return %c0_i32, %c0_i32_0 : i32, i32
  }
  func.func @transform_8(%arg0: i32) -> (i32, i32) {
    %c0_i32 = arith.constant 0 : i32
    %c0_i32_0 = arith.constant 0 : i32
    %c0_i32_1 = arith.constant 0 : i32
    return %c0_i32, %c0_i32_0 : i32, i32
  }
  func.func @transform_9(%arg0: i32) -> (i32, i32) {
    %c0_i32 = arith.constant 0 : i32
    %c0_i32_0 = arith.constant 0 : i32
    %c0_i32_1 = arith.constant 0 : i32
    return %c0_i32, %c0_i32_0 : i32, i32
  }
  func.func @transform_10(%arg0: i32) -> (i32, i32) {
    %c0_i32 = arith.constant 0 : i32
    %c0_i32_0 = arith.constant 0 : i32
    %c0_i32_1 = arith.constant 0 : i32
    return %c0_i32, %c0_i32_0 : i32, i32
  }
  func.func @transform_11(%arg0: i32) -> (i32, i32) {
    %c0_i32 = arith.constant 0 : i32
    %c0_i32_0 = arith.constant 0 : i32
    %c0_i32_1 = arith.constant 0 : i32
    return %c0_i32, %c0_i32_0 : i32, i32
  }
  func.func @transform_12(%arg0: i32) -> (i32, i32) {
    %c0_i32 = arith.constant 0 : i32
    %c0_i32_0 = arith.constant 0 : i32
    %c0_i32_1 = arith.constant 0 : i32
    return %c0_i32, %c0_i32_0 : i32, i32
  }
  func.func @transform_13(%arg0: i32) -> (i32, i32) {
    %c0_i32 = arith.constant 0 : i32
    %c0_i32_0 = arith.constant 0 : i32
    %c0_i32_1 = arith.constant 0 : i32
    return %c0_i32, %c0_i32_0 : i32, i32
  }
  func.func @transform_14(%arg0: i32) -> (i32, i32) {
    %c0_i32 = arith.constant 0 : i32
    %c0_i32_0 = arith.constant 0 : i32
    %c0_i32_1 = arith.constant 0 : i32
    return %c0_i32, %c0_i32_0 : i32, i32
  }
  func.func @transform_15(%arg0: i32) -> (i32, i32) {
    %c0_i32 = arith.constant 0 : i32
    %c0_i32_0 = arith.constant 0 : i32
    %c0_i32_1 = arith.constant 0 : i32
    return %c0_i32, %c0_i32_0 : i32, i32
  }
  func.func @transform_16(%arg0: i32) -> (i32, i32) {
    %c0_i32 = arith.constant 0 : i32
    %c0_i32_0 = arith.constant 0 : i32
    %c0_i32_1 = arith.constant 0 : i32
    return %c0_i32, %c0_i32_0 : i32, i32
  }
  func.func @transform_17(%arg0: i32) -> (i32, i32) {
    %c0_i32 = arith.constant 0 : i32
    %c0_i32_0 = arith.constant 0 : i32
    %c0_i32_1 = arith.constant 0 : i32
    return %c0_i32, %c0_i32_0 : i32, i32
  }
  func.func @transform_18(%arg0: i32) -> (i32, i32) {
    %c0_i32 = arith.constant 0 : i32
    %c0_i32_0 = arith.constant 0 : i32
    return %arg0, %c0_i32 : i32, i32
  }
}

</mosaic_0001>

<sc_bundles>
// kernel: kernel.10.cloned.1.call-start
scs
__scs_entry_jumppad:
0x0: {  	(pc) =	sbr.rel $0x88, $3  }
0x1: {  	(tag) =	ssettag $0x0;
	lr =	simm.s32 $0x1  }
0x2: {  	[smem:$0x3F8E] =	sst lr;
	_ =	strace $0xD0000000  }
0x3: {  	_ = 	snop  }
0x4: {  	_ = 	snop  }
0x5: {  	_ = 	snop  }
0x6: {  	_ = 	snop  }
0x7: {  	_ = 	snop  }
__scs_overlays_trampoline_lowered:
0x8: {  	[smem:$0x3F9D] =	sst s0  }
0x9: {  	[smem:$0x3F9E] =	sst s1  }
0xa: {  	[smem:$0x3F9F] =	sst s2  }
0xb: {  	[smem:$0x3FA0] =	sst s3  }
0xc: {  	[smem:$0x3FA1] =	sst s4  }
0xd: {  	[smem:$0x3FA2] =	sst s5  }
0xe: {  	[smem:$0x3FA3] =	sst s6  }
0xf: {  	[smem:$0x3FA4] =	sst s7  }
0x10: {  	[smem:$0x3FA5] =	sst s8  }
0x11: {  	[smem:$0x3FA6] =	sst s9;
	s0 =	simm.s32 @!p0 $0x0  }
0x12: {  	s1 =	sld [smem:$0x3F8C];
	s0 =	simm.s32 @p0 $0x1  }
0x13: {  	[smem:$0x3FA7] =	sst s0;
	s0 =	simm.s32 @!p1 $0x0  }
0x14: {  	s2 =	sld [smem:$0x3F8B];
	s0 =	simm.s32 @p1 $0x1  }
0x15: {  	[smem:$0x3FA8] =	sst s0;
	s0 =	simm.s32 @!p2 $0x0  }
0x16: {  	s3 =	sld [smem:$0x3FDB];
	s0 =	simm.s32 @p2 $0x1  }
0x17: {  	s4 =	simm.s32 $0x1BF5;
	[smem:$0x3FAA] =	sst s0  }
0x18: {  	s0 =	sld [smem:$0x3F8D];
	_ =	swait.ge [sflag:s4], $0x0  }
0x19: {  	s7 =	sld [smem:$0x3F8E]  }
0x1a: {  	s8 =	sadd.s32 $0xFFFFE003, lr  }
0x1b: {  	s9 =	sadd.s32 $0xFFFFFEF7, lr;
	s5 =	simm.s32 $0xFFFFFFFF;
	p2 =	slt.u32 s8, $0xFFFFF086  }
0x1c: {  	p1 =	slt.u32 s9, $0xF7A;
	s5 =	simm.s32 @!p2 $0x0  }
0x1d: {  	s5 =	simm.s32 @p1 $0x1;
	p0 =	seq.s32 s7, s2  }
0x1e: {  	s7 =	smul.u32 @!p0 $0xF7A, s2;
	p2 =	seq.s32 @!p0 s5, $0x0  }
0x1f: {  	s9 =	smul.u32 $0xF7A, s1;
	s8 =	simm.s32 @!p0 $0x1BF5;
	p2 =	por !p2, p0  }
0x20: {  	[sflag:s8] =	ssyncset.s32 @!p0 $0xFFFFF086;
	s6 =	sadd.s32 @!p0 s3, s7;
	s7 =	simm.s32 @!p0 $0x108  }
0x21: {  	s3 =	sadd.s32 s3, s9;
	s6 =	sadd.s32 @!p0 $0x88, s6;
	s7 =	simm.s32 @p2 $0x1082  }
0x22: {  	[simem:s7], [sflag:s8] =	dma.local @!p0 [hbm:s6], $0xF7A  }
0x23: {  	s9 =	sor.u32 $0xD0000000, s2;
	s6 =	simm.s32 $0x108;
	_ =	swait.ge @!p0 [sflag:s8], $0x0  }
0x24: {  	s3 =	sadd.s32 $0x88, s3;
	s6 =	simm.s32 @!p1 $0x1082;
	[sflag:s4] =	ssyncset.s32 $0xFFFFF086  }
0x25: {  	[simem:s6], [sflag:s4] =	dma.local [hbm:s3], $0xF7A  }
0x26: {  	[smem:$0x3F8E] =	sst s1;
	(tag) =	ssettag s2;
	_ =	strace s9  }
0x27: {  	s1 =	sld [smem:$0x3F9E]  }
0x28: {  	s2 =	sld [smem:$0x3F9F]  }
0x29: {  	s4 =	sld [smem:$0x3FA1]  }
0x2a: {  	p0 =	seq.s32 s5, $0x0;
	s5 =	sld [smem:$0x3FA2]  }
0x2b: {  	s6 =	sld [smem:$0x3FA3]  }
0x2c: {  	s7 =	sld [smem:$0x3FA4]  }
0x2d: {  	s3 =	simm.s32 $0x108;
	s8 =	sld [smem:$0x3FA5]  }
0x2e: {  	s3 =	simm.s32 @!p0 $0x1082;
	s9 =	sld [smem:$0x3FA6]  }
0x2f: {  	lr =	sadd.s32 s0, s3;
	s0 =	sld [smem:$0x3F9D]  }
0x30: {  	s3 =	sld [smem:$0x3FA0]  }
0x31: {  	[smem:$0x3FA9] =	sst s10  }
0x32: {  	s10 =	sld [smem:$0x3FA7];
	_ =	sdelay $0x3  }
0x33: {  	p0 =	seq.s32 s10, $0x1;
	s10 =	sld [smem:$0x3FA9];
	_ =	sdelay $0x3  }
0x34: {  	[smem:$0x3FA9] =	sst s10  }
0x35: {  	s10 =	sld [smem:$0x3FA8];
	_ =	sdelay $0x3  }
0x36: {  	p1 =	seq.s32 s10, $0x1;
	s10 =	sld [smem:$0x3FA9];
	_ =	sdelay $0x3  }
0x37: {  	[smem:$0x3FA9] =	sst s10  }
0x38: {  	s10 =	sld [smem:$0x3FAA]  }
0x39: {  	_ = 	snop;
	(pc) =	sbr.ind lr, $3  }
0x3a: {  	_ = 	snop  }
0x3b: {  	_ = 	snop  }
0x3c: {  	p2 =	seq.s32 s10, $0x1;
	s10 =	sld [smem:$0x3FA9]  }
0x3d: {  	_ =	shalt  }
0x3e: {  	_ =	shalt  }
0x3f: {  	_ =	shalt  }
0x40: {  	_ =	shalt  }
0x41: {  	_ =	shalt  }
0x42: {  	_ =	shalt  }
0x43: {  	_ =	shalt  }
0x44: {  	_ =	shalt  }
0x45: {  	_ =	shalt  }
0x46: {  	_ =	shalt  }
0x47: {  	_ =	shalt  }
0x48: {  	_ =	shalt  }
0x49: {  	_ =	shalt  }
0x4a: {  	_ =	shalt  }
0x4b: {  	_ =	shalt  }
0x4c: {  	_ =	shalt  }
0x4d: {  	_ =	shalt  }
0x4e: {  	_ =	shalt  }
0x4f: {  	_ =	shalt  }
0x50: {  	_ =	shalt  }
0x51: {  	_ =	shalt  }
0x52: {  	_ =	shalt  }
0x53: {  	_ =	shalt  }
0x54: {  	_ =	shalt  }
0x55: {  	_ =	shalt  }
0x56: {  	_ =	shalt  }
0x57: {  	_ =	shalt  }
0x58: {  	_ =	shalt  }
0x59: {  	_ =	shalt  }
0x5a: {  	_ =	shalt  }
0x5b: {  	_ =	shalt  }
0x5c: {  	_ =	shalt  }
0x5d: {  	_ =	shalt  }
0x5e: {  	_ =	shalt  }
0x5f: {  	_ =	shalt  }
0x60: {  	_ =	shalt  }
0x61: {  	_ =	shalt  }
0x62: {  	_ =	shalt  }
0x63: {  	_ =	shalt  }
0x64: {  	_ =	shalt  }
0x65: {  	_ =	shalt  }
0x66: {  	_ =	shalt  }
0x67: {  	_ =	shalt  }
0x68: {  	_ =	shalt  }
0x69: {  	_ =	shalt  }
0x6a: {  	_ =	shalt  }
0x6b: {  	_ =	shalt  }
0x6c: {  	_ =	shalt  }
0x6d: {  	_ =	shalt  }
0x6e: {  	_ =	shalt  }
0x6f: {  	_ =	shalt  }
0x70: {  	_ =	shalt  }
0x71: {  	_ =	shalt  }
0x72: {  	_ =	shalt  }
0x73: {  	_ =	shalt  }
0x74: {  	_ =	shalt  }
0x75: {  	_ =	shalt  }
0x76: {  	_ =	shalt  }
0x77: {  	_ =	shalt  }
0x78: {  	_ =	shalt  }
0x79: {  	_ =	shalt  }
0x7a: {  	_ =	shalt  }
0x7b: {  	_ =	shalt  }
0x7c: {  	_ =	shalt  }
0x7d: {  	_ =	shalt  }
0x7e: {  	_ =	shalt  }
0x7f: {  	_ =	shalt  }
0x80: {  	_ =	shalt  }
0x81: {  	_ =	shalt  }
0x82: {  	_ =	shalt  }
0x83: {  	_ =	shalt  }
0x84: {  	_ =	shalt  }
0x85: {  	_ =	shalt  }
0x86: {  	_ =	shalt  }
0x87: {  	_ =	shalt  }
.Lfunc_end0:
.L_simem_size_0:
called_computation_lowered:
.L_overlay_start_0:
0x88: {  	s2 =	sld [smem:$0x3FD9]  }
0x89: {  	s3 =	sld [smem:$0x3FFE];
	_ =	sdelay $0x1  }
0x8a: {  	s1 =	srdreg.scid  }
0x8b: {  	s0 =	sand.u32 $0x1, s1  }
0x8c: {  	s17 =	sshll.u32 s0, $0xA;
	s2 =	sadd.s32 s3, s2  }
0x8d: {  	s2 =	sadd.s32 s2, s17  }
0x8e: {  	[smem:$0x3FB5] =	sst s2  }
0x8f: {  	_ = 	snop  }
0x90: {  	s18 =	sld [smem:$0x3FD0];
	(tm) =	ssettm $0x1  }
0x91: {  	s19 =	sld [smem:$0x3FFB];
	_ =	sdelay $0x3  }
0x92: {  	_ =	strace s19  }
0x93: {  	s2 =	sld [smem:$0x3FFC];
	_ =	sdelay $0x3  }
0x94: {  	_ =	strace s2  }
0x95: {  	s2 =	sld [smem:$0x3FFD];
	_ =	sdelay $0x3  }
0x96: {  	_ =	strace s2  }
0x97: {  	_ =	strace $0x8FFFFFFF  }
0x98: {  	s20 =	sld [smem:$0x3FDB];
	_ =	sdelay $0x1  }
0x99: {  	s4 =	simm.s32 $_scs_section_size  }
0x9a: {  	s5 =	simm.s32 $_size__tile_overlayer_lowered;
	s6 =	simm.s32 $_tile_overlayer_lowered  }
0x9b: {  	s7 =	simm.s32 $0x1BFF;
	s21 =	sshll.u32 s6, $0x1;
	s4 =	sadd.s32 s4, s20  }
0x9c: {  	s22 =	simm.s32 $0x0;
	s5 =	sshll.u32 s5, $0x1;
	s6 =	sadd.s32 s21, s4  }
0x9d: {  	[timem:s22], [sflag:s7] =	dma.local [hbm:s6], s5  }
0x9e: {  	_ =	swait.ge [sflag:s7], s5  }
0x9f: {  	s5 =	ssub.s32 $0x0, s5;
	[sflag:s7] =	ssyncset.done $0x0  }
0xa0: {  	[sflag:s7] =	ssyncadd.s32 s5;
	_ =	sdelay $0x1  }
0xa1: {  	s23 =	simm.s32 $0x1B8B  }
0xa2: {  	_ =	swait.ge [sflag:s23], $0x1  }
0xa3: {  	[sflag:s23] =	ssyncset.done $0x0  }
0xa4: {  	[sflag:s23] =	ssyncadd.s32 $0xFFFFFFFF  }
0xa5: {  	s5 =	sld [smem:$0x0]  }
0xa6: {  	s6 =	sand.u32 $0xFFFFFFFE, s1  }
0xa7: {  	p0 =	sne.s32 s1, s6  }
0xa8: {  	s6 =	sshll.u32 @p0 s6, $0xE  }
0xa9: {  	s6 =	sadd.s32 @p0 $0x11B8D, s6;
	s7 =	sshll.u32 @p0 s5, $0x11  }
0xaa: {  	s6 =	sor.u32 @p0 s7, s6  }
0xab: {  	[sflag:s6] =	ssyncadd.remote.s32 @p0 $0x1;
	_ =	sdelay $0x1  }
0xac: {  	s6 =	simm.s32 @p0 $0x1B8D  }
0xad: {  	_ =	swait.eq @p0 [sflag:s6], $0x1  }
0xae: {  	[sflag:s6] =	ssyncadd.s32 @p0 $0xFFFFFFFF  }
0xaf: {  	s7 =	sshll.u32 @!p0 s1, $0xE  }
0xb0: {  	s7 =	sor.u32 @!p0 $0x4000, s7;
	s6 =	simm.s32 @!p0 $0x1B8D  }
0xb1: {  	s5 =	sshll.u32 @!p0 s5, $0x11;
	s7 =	sadd.s32 @!p0 $0x11B8D, s7;
	_ =	swait.eq @!p0 [sflag:s6], $0x1  }
0xb2: {  	s5 =	sor.u32 @!p0 s5, s7;
	[sflag:s6] =	ssyncadd.s32 @!p0 $0xFFFFFFFF  }
0xb3: {  	s25 =	simm.s32 $0x1B8E;
	s24 =	sld [smem:$0x3FFE];
	[sflag:s5] =	ssyncadd.remote.s32 @!p0 $0x1  }
0xb4: {  	s26 =	simm.s32 $execute0_lowered;
	[smem:$0x3FD2] =	sst s25  }
0xb5: {  	s6 =	sshll.u32 s26, $0x1;
	_ =	strace $0x80000049;
	[dreg:$0x1] =	wrdreg $0xFFFFFFFF  }
0xb6: {  	s28 =	simm.s32 $_size_execute0_lowered;
	s4 =	sadd.s32 s4, s6;
	[dreg:$0x0] =	wrdreg $0x0  }
0xb7: {  	s6 =	sshll.u32 s28, $0x1;
	[dreg:$0x2] =	wrdreg s4  }
0xb8: {  	[dreg:$0x3] =	wrdreg s6  }
0xb9: {  	[dreg:$0x4] =	wrdreg $0xC0  }
0xba: {  	_ =	task [dreg:s22], $0x5FFFF  }
0xbb: {  	[dreg:$0x1] =	wrdreg $0xFFFFFFFF  }
0xbc: {  	[dreg:$0x0] =	wrdreg $0x60  }
0xbd: {  	[dreg:$0x2] =	wrdreg s24  }
0xbe: {  	[dreg:$0x3] =	wrdreg s18  }
0xbf: {  	[dreg:$0x4] =	wrdreg $0x90000  }
0xc0: {  	[dreg:$0x5] =	wrdreg $0x9  }
0xc1: {  	_ =	task.clear_ibuf [dreg:s22], $0x6FFFF;
	_ =	strace $0x90000049  }
0xc2: {  	s29 =	simm.s32 $0x9;
	_ =	strace $0x8000004B  }
0xc3: {  	_ =	swait.ge [sflag:s29], $0x1  }
0xc4: {  	[sflag:s29] =	ssyncadd.s32 $0xFFFFFFFF  }
0xc5: {  	_ =	strace $0x9000004B  }
0xc6: {  	_ =	sfence  }
0xc7: {  	s30 =	sld [smem:$0x0];
	_ =	sdelay $0x2  }
0xc8: {  	s31 =	sshll.u32 s1, $0xD;
	s1 =	sshrl.u32 s1, $0x2  }
0xc9: {  	s4 =	sand.u32 $0x4000, s31;
	s1 =	sadd.s32 s1, s30  }
0xca: {  	s0 =	sor.u32 s4, s0;
	s1 =	sshll.u32 s1, $0x11  }
0xcb: {  	s0 =	sor.u32 s1, s0  }
0xcc: {  	s0 =	sadd.s32 $0x8F2B, s0  }
0xcd: {  	[sflag:s0] =	ssyncadd.remote.s32 $0x1  }
0xce: {  	_ =	sfence.sel $0xFFFF  }
0xcf: {  	[dreg:$0x0] =	wrdreg $0xFFFFFFFF;
	(pc) =	sbr.abs _section_cstart, $3  }
0xd0: {  	[dreg:$0x1] =	wrdreg $0xFFFFFFFF  }
0xd1: {  	_ =	task.clear_ibuf [dreg:s22], $0x2FFFF;
	_ =	strace $0x9FFFFFFF  }
0xd2: {  	(tm) =	ssettm $0x7FFFFFFF  }
0xd3: {  	_ =	shalt  }
tec
execute0_lowered:
.L_overlay_start_1:
0x0: {  	(tag) =	ssettag $0x1  }
0x1: {  	s0 =	srdreg.scid;
	s3 =	rddreg [dreg:$0x0]  }
0x2: {  	s1 =	rddreg [dreg:$0x1];
	s2 =	stileid.u32;
	s23 =	simm.s32 $0x0  }
0x3: {  	s30 =	simm.s32 $0x6000;
	s0 =	sand.u32 $0x1, s0;
	s6 =	smul.u32 $0x14000, s2  }
0x4: {  	[smem:$0x7FF] =	sst s23;
	s7 =	sadd.s32 $0x1D0000, s3;
	s31 =	smul.u32 $0x28, s2  }
0x5: {  	s4 =	ssub.s32 $0x2, s0;
	s12 =	smul.u32 $0x140000, s0;
	s0 =	sshll.u32 s0, $0x6  }
0x6: {  	s5 =	sshrl.u32 s4, $0x1;
	s8 =	sadd.s32 $0x4000, s6;
	s9 =	sadd.s32 $0x6000, s6  }
0x7: {  	s10 =	sadd.s32 $0x8000, s6;
	s11 =	sadd.s32 $0xA000, s6;
	s13 =	sadd.s32 $0xC000, s6  }
0x8: {  	s14 =	sadd.s32 $0xE000, s6;
	s19 =	sadd.s32 $0x10000, s6;
	s20 =	sadd.s32 $0x12000, s6  }
0x9: {  	s4 =	ssub.s32 s4, s5;
	s5 =	sor.u32 $0x2000, s6;
	s6 =	sadd.s32 s6, s12  }
0xa: {  	s16 =	sadd.s32 s12, s8;
	s22 =	sadd.s32 s12, s9;
	s24 =	sadd.s32 s12, s10  }
0xb: {  	s25 =	sadd.s32 s12, s11;
	s15 =	sadd.s32 s12, s5;
	s6 =	sshrl.u32 s6, $0x3  }
0xc: {  	s17 =	sadd.s32 s12, s14;
	s15 =	sshrl.u32 s15, $0x3;
	s6 =	sadd.s32 s7, s6  }
0xd: {  	s21 =	sshrl.u32 s16, $0x3;
	[dreg:$0x5] =	wrdreg s6;
	s18 =	sadd.s32 s7, s15  }
0xe: {  	s16 =	sadd.s32 s12, s13;
	s6 =	sadd.s32 s7, s21;
	[dreg:$0x6] =	wrdreg s18  }
0xf: {  	s15 =	sshrl.u32 s24, $0x3;
	s24 =	sadd.s32 s12, s20;
	[dreg:$0x7] =	wrdreg s6  }
0x10: {  	s6 =	sshrl.u32 s22, $0x3;
	s26 =	sadd.s32 s7, s15;
	s15 =	sshrl.u32 s25, $0x3  }
0x11: {  	s18 =	sadd.s32 s12, s19;
	s12 =	rddreg [dreg:$0x2];
	s25 =	smul.u32 $0x50000, s2  }
0x12: {  	s6 =	sadd.s32 s7, s6;
	[dreg:$0x9] =	wrdreg s26;
	s22 =	sshrl.u32 s18, $0x3  }
0x13: {  	s26 =	sshrl.u32 s24, $0x3;
	s18 =	sadd.s32 $0x2C000, s3;
	s28 =	sadd.s32 s8, s12  }
0x14: {  	s29 =	sadd.s32 s9, s12;
	s10 =	sadd.s32 s10, s12;
	s11 =	sadd.s32 s11, s12  }
0x15: {  	s13 =	sadd.s32 s13, s12;
	s14 =	sadd.s32 s14, s12;
	s19 =	sadd.s32 s19, s12  }
0x16: {  	[dreg:$0x8] =	wrdreg s6;
	s6 =	sadd.s32 s7, s15;
	s15 =	sshrl.u32 s17, $0x3  }
0x17: {  	[dreg:$0xa] =	wrdreg s6;
	s6 =	sshrl.u32 s16, $0x3;
	s21 =	sadd.s32 s7, s15  }
0x18: {  	s20 =	sadd.s32 s20, s12;
	s6 =	sadd.s32 s7, s6;
	[dreg:$0xc] =	wrdreg s21  }
0x19: {  	s24 =	sor.u32 $0x1000, s0;
	[dreg:$0xb] =	wrdreg s6;
	s6 =	sadd.s32 s7, s22  }
0x1a: {  	s8 =	simm.s32 $0x3000;
	[dreg:$0xd] =	wrdreg s6;
	s6 =	sadd.s32 s7, s26  }
0x1b: {  	s9 =	simm.s32 $0x1;
	s17 =	sadd.s32 $0x18000, s3;
	[dreg:$0xe] =	wrdreg s6  }
0x1c: {  	s15 =	sadd.s32 $0x130000, s3;
	_ =	strace $0x8000004A;
	[dreg:$0x13] =	wrdreg s10  }
0x1d: {  	s16 =	sadd.s32 $0x4000, s3;
	s3 =	simm.s32 $0x400;
	[dreg:$0x14] =	wrdreg s11  }
0x1e: {  	s21 =	smax.u32 s4, $0x1;
	s4 =	simm.s32 $0x800;
	[dreg:$0x15] =	wrdreg s13  }
0x1f: {  	s22 =	sor.u32 $0x3000, s0;
	s0 =	simm.s32 $0x3;
	[dreg:$0x16] =	wrdreg s14  }
0x20: {  	s7 =	sshrl.u32 s25, $0x2;
	s26 =	sadd.s32 s5, s12;
	[dreg:$0x17] =	wrdreg s19  }
0x21: {  	s5 =	simm.s32 $0xC00;
	v1 =	vmov s22;
	s22 =	simm.s32 $0x2;
	[dreg:$0x18] =	wrdreg s20  }
0x22: {  	s25 =	sadd.s32 s7, s12;
	s6 =	simm.s32 $0x40;
	[dreg:$0x19] =	wrdreg s21  }
0x23: {  	s7 =	simm.s32 $0x1000;
	s11 =	simm.s32 $0x5000;
	[dreg:$0xf] =	wrdreg s25  }
0x24: {  	s10 =	simm.s32 $0x7000;
	s13 =	simm.s32 $0x5800;
	[dreg:$0x10] =	wrdreg s26  }
0x25: {  	s14 =	simm.s32 $0x7800;
	s19 =	simm.s32 $0x8000;
	[dreg:$0x11] =	wrdreg s28  }
0x26: {  	v2 =	vimm.f32 $0.0e+00;
	vm0 =	vmmov $0xffff;
	v0 =	vmov s24;
	s20 =	simm.s32 $0x6800;
	s21 =	simm.s32 $0x8800;
	[dreg:$0x12] =	wrdreg s29  }
.LBB2_1:
0x27: {  	[dreg:$0x4] =	wrdreg s23;
	s23 =	simm.s32 $0x0;
	s24 =	simm.s32 $0x200  }
.LBB2_2:
0x28: {  	p0 =	sne.s32 s24, $0x7E00;
	[tilespmem:s23+$0x7070] =	vst v2  }
0x29: {  	[tilespmem:s23+$0x5000] =	vst v2  }
0x2a: {  	[tilespmem:s23+$0x7000] =	vst v2  }
0x2b: {  	[tilespmem:s23+$0x5010] =	vst v2  }
0x2c: {  	[tilespmem:s23+$0x7010] =	vst v2  }
0x2d: {  	[tilespmem:s23+$0x5020] =	vst v2  }
0x2e: {  	[tilespmem:s23+$0x7020] =	vst v2  }
0x2f: {  	[tilespmem:s23+$0x5030] =	vst v2  }
0x30: {  	[tilespmem:s23+$0x7030] =	vst v2  }
0x31: {  	[tilespmem:s23+$0x5040] =	vst v2  }
0x32: {  	[tilespmem:s23+$0x7040] =	vst v2  }
.Ltmp0:
0x33: {  	[tilespmem:s23+$0x5050] =	vst v2;
	(pc) =	sbr.rel @p0 .LBB2_2-.Ltmp0, $4  }
0x34: {  	[tilespmem:s23+$0x7050] =	vst v2  }
0x35: {  	[tilespmem:s23+$0x5060] =	vst v2  }
0x36: {  	[tilespmem:s23+$0x7060] =	vst v2  }
0x37: {  	[tilespmem:s23+$0x5070] =	vst v2;
	s23 =	sshra.s32 s24, $0x2;
	s24 =	sadd.s32 $0x200, s24  }
0x38: {  	[tilespmem:s23+$0x7070] =	vst v2  }
0x39: {  	[tilespmem:s23+$0x5000] =	vst v2  }
0x3a: {  	[tilespmem:s23+$0x7000] =	vst v2  }
0x3b: {  	[tilespmem:s23+$0x5010] =	vst v2  }
0x3c: {  	[tilespmem:s23+$0x7010] =	vst v2  }
0x3d: {  	[tilespmem:s23+$0x5020] =	vst v2  }
0x3e: {  	[tilespmem:s23+$0x7020] =	vst v2  }
0x3f: {  	[tilespmem:s23+$0x5030] =	vst v2  }
0x40: {  	[tilespmem:s23+$0x7030] =	vst v2  }
0x41: {  	[tilespmem:s23+$0x5040] =	vst v2  }
0x42: {  	[tilespmem:s23+$0x7040] =	vst v2  }
0x43: {  	[tilespmem:s23+$0x5050] =	vst v2  }
0x44: {  	[tilespmem:s23+$0x7050] =	vst v2  }
0x45: {  	[tilespmem:s23+$0x5060] =	vst v2  }
0x46: {  	[tilespmem:s23+$0x7060] =	vst v2  }
0x47: {  	[tilespmem:s23+$0x5070] =	vst v2  }
0x48: {  	[spmem:s25] =	stream.linear.scatter [tilespmem:s11], [sflag:$0x3], $0x2000, $0x38;
	[tilespmem:$0x1D000] =	vst v63  }
0x49: {  	_ =	swait.ge [sflag:s0], $0x2000  }
0x4a: {  	[sflag:s0] =	ssyncset.done $0x0  }
0x4b: {  	[sflag:s0] =	ssyncadd.s32 $0xFFFFE000  }
0x4c: {  	[spmem:s26] =	stream.linear.scatter [tilespmem:s11], [sflag:$0x3], $0x2000, $0x38;
	[tilespmem:$0x1D000] =	vst v63  }
0x4d: {  	_ =	swait.ge [sflag:s0], $0x2000  }
0x4e: {  	[sflag:s0] =	ssyncset.done $0x0  }
0x4f: {  	[sflag:s0] =	ssyncadd.s32 $0xFFFFE000  }
0x50: {  	[spmem:s28] =	stream.linear.scatter [tilespmem:s11], [sflag:$0x3], $0x2000, $0x38;
	[tilespmem:$0x1D000] =	vst v63  }
0x51: {  	_ =	swait.ge [sflag:s0], $0x2000  }
0x52: {  	[sflag:s0] =	ssyncset.done $0x0  }
0x53: {  	[sflag:s0] =	ssyncadd.s32 $0xFFFFE000  }
0x54: {  	[spmem:s29] =	stream.linear.scatter [tilespmem:s11], [sflag:$0x3], $0x2000, $0x38;
	[tilespmem:$0x1D000] =	vst v63  }
0x55: {  	_ =	swait.ge [sflag:s0], $0x2000  }
0x56: {  	[sflag:s0] =	ssyncset.done $0x0  }
0x57: {  	s2 =	rddreg [dreg:$0x13];
	[sflag:s0] =	ssyncadd.s32 $0xFFFFE000  }
0x58: {  	[spmem:s2] =	stream.linear.scatter [tilespmem:s11], [sflag:$0x3], $0x2000, $0x38;
	[tilespmem:$0x1D000] =	vst v63  }
0x59: {  	_ =	swait.ge [sflag:s0], $0x2000  }
0x5a: {  	[sflag:s0] =	ssyncset.done $0x0  }
0x5b: {  	s24 =	rddreg [dreg:$0x14];
	[sflag:s0] =	ssyncadd.s32 $0xFFFFE000  }
0x5c: {  	[spmem:s24] =	stream.linear.scatter [tilespmem:s11], [sflag:$0x3], $0x2000, $0x38;
	[tilespmem:$0x1D000] =	vst v63  }
0x5d: {  	_ =	swait.ge [sflag:s0], $0x2000  }
0x5e: {  	[sflag:s0] =	ssyncset.done $0x0  }
0x5f: {  	s25 =	rddreg [dreg:$0x15];
	[sflag:s0] =	ssyncadd.s32 $0xFFFFE000  }
0x60: {  	[spmem:s25] =	stream.linear.scatter [tilespmem:s11], [sflag:$0x3], $0x2000, $0x38;
	[tilespmem:$0x1D000] =	vst v63  }
0x61: {  	_ =	swait.ge [sflag:s0], $0x2000  }
0x62: {  	[sflag:s0] =	ssyncset.done $0x0  }
0x63: {  	s26 =	rddreg [dreg:$0x16];
	[sflag:s0] =	ssyncadd.s32 $0xFFFFE000  }
0x64: {  	[spmem:s26] =	stream.linear.scatter [tilespmem:s11], [sflag:$0x3], $0x2000, $0x38;
	[tilespmem:$0x1D000] =	vst v63  }
0x65: {  	_ =	swait.ge [sflag:s0], $0x2000  }
0x66: {  	[sflag:s0] =	ssyncset.done $0x0  }
0x67: {  	s28 =	rddreg [dreg:$0x17];
	[sflag:s0] =	ssyncadd.s32 $0xFFFFE000  }
0x68: {  	[spmem:s28] =	stream.linear.scatter [tilespmem:s11], [sflag:$0x3], $0x2000, $0x38;
	[tilespmem:$0x1D000] =	vst v63  }
0x69: {  	_ =	swait.ge [sflag:s0], $0x2000  }
0x6a: {  	[sflag:s0] =	ssyncset.done $0x0  }
0x6b: {  	s29 =	rddreg [dreg:$0x18];
	[sflag:s0] =	ssyncadd.s32 $0xFFFFE000  }
0x6c: {  	[spmem:s29] =	stream.linear.scatter [tilespmem:s11], [sflag:$0x3], $0x2000, $0x38;
	[tilespmem:$0x1D000] =	vst v63  }
0x6d: {  	_ =	swait.ge [sflag:s0], $0x2000  }
0x6e: {  	[sflag:s0] =	ssyncset.done $0x0  }
0x6f: {  	[sflag:s0] =	ssyncadd.s32 $0xFFFFE000  }
0x70: {  	s23 =	simm.s32 $0x0;
	s24 =	simm.s32 $0x0;
	[bflag:$0x0] =	sbarrier.arrive $0xFFFF  }
.LBB2_4:
0x71: {  	s25 =	sadd.s32 s31, s24  }
0x72: {  	s25 =	sshll.u32 s25, $0x7  }
0x73: {  	s26 =	sadd.s32 s1, s25  }
0x74: {  	[tilespmem:s23], [sflag:$0x3] =	stream.linear.gather [hbm4b:s26+s23], $0x400, $0x38;
	[tilespmem:$0x1D000] =	vst v63  }
0x75: {  	_ =	swait.ge [sflag:s0], $0x400  }
0x76: {  	[sflag:s0] =	ssyncset.done $0x0  }
0x77: {  	s28 =	sadd.s32 s16, s25;
	[sflag:s0] =	ssyncadd.s32 $0xFFFFFC00  }
0x78: {  	[tilespmem:s3], [sflag:$0x3] =	stream.linear.gather [hbm4b:s28+s23], $0x400, $0x38;
	[tilespmem:$0x1D000] =	vst v63  }
0x79: {  	_ =	swait.ge [sflag:s0], $0x400  }
0x7a: {  	[sflag:s0] =	ssyncset.done $0x0  }
0x7b: {  	s29 =	sadd.s32 s17, s25;
	[sflag:s0] =	ssyncadd.s32 $0xFFFFFC00  }
0x7c: {  	[tilespmem:s4], [sflag:$0x3] =	stream.linear.gather [hbm4b:s29+s23], $0x400, $0x38;
	[tilespmem:$0x1D000] =	vst v63  }
0x7d: {  	_ =	swait.ge [sflag:s0], $0x400  }
0x7e: {  	[sflag:s0] =	ssyncset.done $0x0  }
0x7f: {  	s25 =	sadd.s32 s18, s25;
	[sflag:s0] =	ssyncadd.s32 $0xFFFFFC00  }
0x80: {  	[tilespmem:s5], [sflag:$0x3] =	stream.linear.gather [hbm4b:s25+s23], $0x400, $0x38;
	[tilespmem:$0x1D000] =	vst v63  }
0x81: {  	_ =	swait.ge [sflag:s0], $0x400  }
0x82: {  	[sflag:s0] =	ssyncset.done $0x0  }
0x83: {  	s25 =	simm.s32 $0x0;
	[sflag:s0] =	ssyncadd.s32 $0xFFFFFC00  }
.LBB2_5:
0x84: {  	s26 =	sshll.u32 s25, $0x7  }
0x85: {  	[tilespmem:s7], [sflag:$0x1] =	stream.indirect.gather [hbm4b:s15+s6], $0x80, s26, s6, $0xb8;
	[tilespmem:$0x1D000] =	vst v63  }
0x86: {  	s28 =	sadd.s32 $0x400, s26  }
0x87: {  	[tilespmem:s8], [sflag:$0x1] =	stream.indirect.gather [hbm4b:s15+s6], $0x80, s28, s6, $0xb8;
	[tilespmem:$0x1D000] =	vst v63  }
0x88: {  	_ =	swait.ge [sflag:s9], $0x2000  }
0x89: {  	[sflag:s9] =	ssyncset.done $0x0  }
0x8a: {  	[sflag:s9] =	ssyncadd.s32 $0xFFFFE000  }
0x8b: {  	_ =	swait.ge [sflag:s9], $0x2000  }
0x8c: {  	[sflag:s9] =	ssyncset.done $0x0  }
0x8d: {  	s28 =	simm.s32 $0x0;
	[sflag:s9] =	ssyncadd.s32 $0xFFFFE000  }
0x8e: {  	v3 =	vld.idx.msk [tilespmem:v0+s28+$0x0 ss:$0x1], $0xffff  }
0x8f: {  	v4 =	vld.idx.msk [tilespmem:v1+s28+$0x0 ss:$0x1], $0xffff;
	_ =	sdelay $0x4  }
0x90: {  	v3 =	vadd.f32 v4, v3;
	_ =	sdelay $0x1  }
0x91: {  	v3 =	vmax.f32 v3, $0.0e+00  }
0x92: {  	[tilespmem:s28+$0x5000] =	vst v3  }
0x93: {  	[tilespmem:s28+$0x7040] =	vst v3  }
0x94: {  	v3 =	vld.idx.msk [tilespmem:v0+s28+$0x10 ss:$0x1], $0xffff  }
0x95: {  	v4 =	vld.idx.msk [tilespmem:v1+s28+$0x10 ss:$0x1], $0xffff;
	_ =	sdelay $0x4  }
0x96: {  	v3 =	vadd.f32 v4, v3;
	_ =	sdelay $0x1  }
0x97: {  	v3 =	vmax.f32 v3, $0.0e+00  }
0x98: {  	[tilespmem:s28+$0x5010] =	vst v3  }
0x99: {  	[tilespmem:s28+$0x7050] =	vst v3  }
0x9a: {  	v3 =	vld.idx.msk [tilespmem:v0+s28+$0x20 ss:$0x1], $0xffff  }
0x9b: {  	v4 =	vld.idx.msk [tilespmem:v1+s28+$0x20 ss:$0x1], $0xffff;
	_ =	sdelay $0x4  }
0x9c: {  	v3 =	vadd.f32 v4, v3;
	_ =	sdelay $0x1  }
0x9d: {  	v3 =	vmax.f32 v3, $0.0e+00  }
0x9e: {  	[tilespmem:s28+$0x5020] =	vst v3  }
0x9f: {  	[tilespmem:s28+$0x7060] =	vst v3  }
0xa0: {  	v3 =	vld.idx.msk [tilespmem:v0+s28+$0x30 ss:$0x1], $0xffff  }
0xa1: {  	s29 =	simm.s32 $0x200;
	v4 =	vld.idx.msk [tilespmem:v1+s28+$0x30 ss:$0x1], $0xffff  }
.LBB2_6:
0xa2: {  	p0 =	sne.s32 s29, $0x7E00;
	s2 =	smov.u32 s29;
	s29 =	sadd.s32 $0x200, s29  }
0xa3: {  	_ =	sdelay $0x2  }
0xa4: {  	v3 =	vadd.f32 v4, v3;
	_ =	sdelay $0x1  }
0xa5: {  	v3 =	vmax.f32 v3, $0.0e+00  }
0xa6: {  	[tilespmem:s28+$0x5030] =	vst v3  }
0xa7: {  	[tilespmem:s28+$0x7070] =	vst v3;
	s28 =	sshra.s32 s2, $0x2  }
0xa8: {  	v3 =	vld.idx.msk [tilespmem:v0+s28+$0x0 ss:$0x1], $0xffff  }
0xa9: {  	v4 =	vld.idx.msk [tilespmem:v1+s28+$0x0 ss:$0x1], $0xffff;
	_ =	sdelay $0x5  }
0xaa: {  	v3 =	vadd.f32 v4, v3;
	_ =	sdelay $0x1  }
0xab: {  	v3 =	vmax.f32 v3, $0.0e+00  }
0xac: {  	[tilespmem:s28+$0x5000] =	vst v3  }
0xad: {  	[tilespmem:s28+$0x7040] =	vst v3  }
0xae: {  	v3 =	vld.idx.msk [tilespmem:v0+s28+$0x10 ss:$0x1], $0xffff  }
0xaf: {  	v4 =	vld.idx.msk [tilespmem:v1+s28+$0x10 ss:$0x1], $0xffff;
	_ =	sdelay $0x5  }
0xb0: {  	v3 =	vadd.f32 v4, v3;
	_ =	sdelay $0x1  }
0xb1: {  	v3 =	vmax.f32 v3, $0.0e+00  }
0xb2: {  	[tilespmem:s28+$0x5010] =	vst v3  }
0xb3: {  	[tilespmem:s28+$0x7050] =	vst v3  }
0xb4: {  	v3 =	vld.idx.msk [tilespmem:v0+s28+$0x20 ss:$0x1], $0xffff  }
0xb5: {  	v4 =	vld.idx.msk [tilespmem:v1+s28+$0x20 ss:$0x1], $0xffff;
	_ =	sdelay $0x5  }
0xb6: {  	v3 =	vadd.f32 v4, v3;
	_ =	sdelay $0x1  }
.Ltmp1:
0xb7: {  	v3 =	vmax.f32 v3, $0.0e+00;
	(pc) =	sbr.rel @p0 .LBB2_6-.Ltmp1, $4  }
0xb8: {  	[tilespmem:s28+$0x5020] =	vst v3  }
0xb9: {  	[tilespmem:s28+$0x7060] =	vst v3  }
0xba: {  	v3 =	vld.idx.msk [tilespmem:v0+s28+$0x30 ss:$0x1], $0xffff  }
0xbb: {  	v4 =	vld.idx.msk [tilespmem:v1+s28+$0x30 ss:$0x1], $0xffff  }
0xbc: {  	_ =	sdelay $0x3  }
0xbd: {  	v3 =	vadd.f32 v4, v3;
	_ =	sdelay $0x1  }
0xbe: {  	v3 =	vmax.f32 v3, $0.0e+00  }
0xbf: {  	[tilespmem:s28+$0x5030] =	vst v3  }
0xc0: {  	[tilespmem:s28+$0x7070] =	vst v3  }
0xc1: {  	v3 =	vld [tilespmem:s26+$0x800];
	_ =	sdelay $0x7  }
0xc2: {  	[spmem:s12] =	stream.indirect_vreg.scatter.add.f32 [tilespmem:s11], [sflag:$0x2], $0x80, v3, vm0, $0xb8;
	[tilespmem:$0x1D000] =	vst v63  }
0xc3: {  	v3 =	vld [tilespmem:s26+$0xC00];
	_ =	sdelay $0x7  }
0xc4: {  	[spmem:s12] =	stream.indirect_vreg.scatter.add.f32 [tilespmem:s10], [sflag:$0x2], $0x80, v3, vm0, $0xb8;
	[tilespmem:$0x1D000] =	vst v63  }
0xc5: {  	v3 =	vld [tilespmem:s26+$0x810];
	_ =	sdelay $0x7  }
0xc6: {  	[spmem:s12] =	stream.indirect_vreg.scatter.add.f32 [tilespmem:s13], [sflag:$0x2], $0x80, v3, vm0, $0xb8;
	[tilespmem:$0x1D000] =	vst v63  }
0xc7: {  	v3 =	vld [tilespmem:s26+$0xC10];
	_ =	sdelay $0x7  }
0xc8: {  	[spmem:s12] =	stream.indirect_vreg.scatter.add.f32 [tilespmem:s14], [sflag:$0x2], $0x80, v3, vm0, $0xb8;
	[tilespmem:$0x1D000] =	vst v63  }
0xc9: {  	v3 =	vld [tilespmem:s26+$0x820];
	_ =	sdelay $0x7  }
0xca: {  	[spmem:s12] =	stream.indirect_vreg.scatter.add.f32 [tilespmem:s30], [sflag:$0x2], $0x80, v3, vm0, $0xb8;
	[tilespmem:$0x1D000] =	vst v63  }
0xcb: {  	v3 =	vld [tilespmem:s26+$0xC20];
	_ =	sdelay $0x7  }
0xcc: {  	[spmem:s12] =	stream.indirect_vreg.scatter.add.f32 [tilespmem:s19], [sflag:$0x2], $0x80, v3, vm0, $0xb8;
	[tilespmem:$0x1D000] =	vst v63  }
0xcd: {  	v3 =	vld [tilespmem:s26+$0x830];
	_ =	sdelay $0x7  }
0xce: {  	[spmem:s12] =	stream.indirect_vreg.scatter.add.f32 [tilespmem:s20], [sflag:$0x2], $0x80, v3, vm0, $0xb8;
	[tilespmem:$0x1D000] =	vst v63  }
0xcf: {  	v3 =	vld [tilespmem:s26+$0xC30];
	_ =	sdelay $0x7  }
0xd0: {  	[spmem:s12] =	stream.indirect_vreg.scatter.add.f32 [tilespmem:s21], [sflag:$0x2], $0x80, v3, vm0, $0xb8;
	[tilespmem:$0x1D000] =	vst v63  }
0xd1: {  	_ =	swait.ge [sflag:s22], $0x800  }
0xd2: {  	[sflag:s22] =	ssyncset.done $0x0  }
0xd3: {  	[sflag:s22] =	ssyncadd.s32 $0xFFFFF800  }
0xd4: {  	_ =	swait.ge [sflag:s22], $0x800  }
0xd5: {  	[sflag:s22] =	ssyncset.done $0x0  }
0xd6: {  	[sflag:s22] =	ssyncadd.s32 $0xFFFFF800  }
0xd7: {  	_ =	swait.ge [sflag:s22], $0x800  }
0xd8: {  	[sflag:s22] =	ssyncset.done $0x0  }
0xd9: {  	[sflag:s22] =	ssyncadd.s32 $0xFFFFF800  }
0xda: {  	_ =	swait.ge [sflag:s22], $0x800  }
0xdb: {  	[sflag:s22] =	ssyncset.done $0x0  }
0xdc: {  	[sflag:s22] =	ssyncadd.s32 $0xFFFFF800  }
0xdd: {  	_ =	swait.ge [sflag:s22], $0x800  }
0xde: {  	[sflag:s22] =	ssyncset.done $0x0  }
0xdf: {  	[sflag:s22] =	ssyncadd.s32 $0xFFFFF800  }
0xe0: {  	_ =	swait.ge [sflag:s22], $0x800  }
0xe1: {  	[sflag:s22] =	ssyncset.done $0x0  }
0xe2: {  	s25 =	sadd.s32 $0x1, s25;
	[sflag:s22] =	ssyncadd.s32 $0xFFFFF800  }
0xe3: {  	p0 =	sne.s32 s25, $0x8;
	_ =	swait.ge [sflag:s22], $0x800  }
.Ltmp2:
0xe4: {  	[sflag:s22] =	ssyncset.done $0x0;
	(pc) =	sbr.rel @p0 .LBB2_5-.Ltmp2, $4  }
0xe5: {  	[sflag:s22] =	ssyncadd.s32 $0xFFFFF800  }
0xe6: {  	_ =	swait.ge [sflag:s22], $0x800  }
0xe7: {  	[sflag:s22] =	ssyncset.done $0x0  }
0xe8: {  	[sflag:s22] =	ssyncadd.s32 $0xFFFFF800  }
0xe9: {  	s24 =	sadd.s32 $0x1, s24  }
0xea: {  	p0 =	sne.s32 s24, $0x28  }
.Ltmp3:
0xeb: {  	_ = 	snop;
	(pc) =	sbr.rel @p0 .LBB2_4-.Ltmp3, $1  }
0xec: {  	_ =	sdelay $0x3  }
0xed: {  	s2 =	stileid.u32;
	[bflag:$0x0] =	sbarrier.arrive $0xFFFF  }
0xee: {  	s2 =	sshll.u32 s2, $0x6;
	s25 =	rddreg [dreg:$0xf]  }
0xef: {  	s24 =	rddreg [dreg:$0x5];
	s2 =	sor.u32 $0x1C03, s2;
	s23 =	sshrl.u32 s25, $0x3  }
0xf0: {  	[hbm:s24], [sflag:s2] =	dma.local [spmem:s23], $0x400  }
0xf1: {  	_ =	swait.ge [sflag:s0], $0x400  }
0xf2: {  	[sflag:s0] =	ssyncset.done $0x0;
	s26 =	rddreg [dreg:$0x10]  }
0xf3: {  	s24 =	rddreg [dreg:$0x6];
	[sflag:s0] =	ssyncadd.s32 $0xFFFFFC00;
	s23 =	sshrl.u32 s26, $0x3  }
0xf4: {  	[hbm:s24], [sflag:s2] =	dma.local [spmem:s23], $0x400  }
0xf5: {  	_ =	swait.ge [sflag:s0], $0x400  }
0xf6: {  	[sflag:s0] =	ssyncset.done $0x0;
	s28 =	rddreg [dreg:$0x11]  }
0xf7: {  	s24 =	rddreg [dreg:$0x7];
	[sflag:s0] =	ssyncadd.s32 $0xFFFFFC00;
	s23 =	sshrl.u32 s28, $0x3  }
0xf8: {  	[hbm:s24], [sflag:s2] =	dma.local [spmem:s23], $0x400  }
0xf9: {  	_ =	swait.ge [sflag:s0], $0x400  }
0xfa: {  	[sflag:s0] =	ssyncset.done $0x0;
	s29 =	rddreg [dreg:$0x12]  }
0xfb: {  	s24 =	rddreg [dreg:$0x8];
	[sflag:s0] =	ssyncadd.s32 $0xFFFFFC00;
	s23 =	sshrl.u32 s29, $0x3  }
0xfc: {  	[hbm:s24], [sflag:s2] =	dma.local [spmem:s23], $0x400  }
0xfd: {  	_ =	swait.ge [sflag:s0], $0x400  }
0xfe: {  	[sflag:s0] =	ssyncset.done $0x0;
	s24 =	rddreg [dreg:$0x13]  }
0xff: {  	[sflag:s0] =	ssyncadd.s32 $0xFFFFFC00;
	s23 =	sshrl.u32 s24, $0x3;
	s24 =	rddreg [dreg:$0x9]  }
0x100: {  	[hbm:s24], [sflag:s2] =	dma.local [spmem:s23], $0x400  }
0x101: {  	_ =	swait.ge [sflag:s0], $0x400  }
0x102: {  	[sflag:s0] =	ssyncset.done $0x0;
	s24 =	rddreg [dreg:$0x14]  }
0x103: {  	[sflag:s0] =	ssyncadd.s32 $0xFFFFFC00;
	s23 =	sshrl.u32 s24, $0x3;
	s24 =	rddreg [dreg:$0xa]  }
0x104: {  	[hbm:s24], [sflag:s2] =	dma.local [spmem:s23], $0x400  }
0x105: {  	_ =	swait.ge [sflag:s0], $0x400  }
0x106: {  	[sflag:s0] =	ssyncset.done $0x0;
	s24 =	rddreg [dreg:$0x15]  }
0x107: {  	[sflag:s0] =	ssyncadd.s32 $0xFFFFFC00;
	s23 =	sshrl.u32 s24, $0x3;
	s24 =	rddreg [dreg:$0xb]  }
0x108: {  	[hbm:s24], [sflag:s2] =	dma.local [spmem:s23], $0x400  }
0x109: {  	_ =	swait.ge [sflag:s0], $0x400  }
0x10a: {  	[sflag:s0] =	ssyncset.done $0x0;
	s24 =	rddreg [dreg:$0x16]  }
0x10b: {  	[sflag:s0] =	ssyncadd.s32 $0xFFFFFC00;
	s23 =	sshrl.u32 s24, $0x3;
	s24 =	rddreg [dreg:$0xc]  }
0x10c: {  	[hbm:s24], [sflag:s2] =	dma.local [spmem:s23], $0x400  }
0x10d: {  	_ =	swait.ge [sflag:s0], $0x400  }
0x10e: {  	[sflag:s0] =	ssyncset.done $0x0;
	s24 =	rddreg [dreg:$0x17]  }
0x10f: {  	[sflag:s0] =	ssyncadd.s32 $0xFFFFFC00;
	s23 =	sshrl.u32 s24, $0x3;
	s24 =	rddreg [dreg:$0xd]  }
0x110: {  	[hbm:s24], [sflag:s2] =	dma.local [spmem:s23], $0x400  }
0x111: {  	_ =	swait.ge [sflag:s0], $0x400  }
0x112: {  	[sflag:s0] =	ssyncset.done $0x0;
	s24 =	rddreg [dreg:$0x18]  }
0x113: {  	[sflag:s0] =	ssyncadd.s32 $0xFFFFFC00;
	s23 =	sshrl.u32 s24, $0x3;
	s24 =	rddreg [dreg:$0xe]  }
0x114: {  	[hbm:s24], [sflag:s2] =	dma.local [spmem:s23], $0x400  }
0x115: {  	_ =	swait.ge [sflag:s0], $0x400  }
0x116: {  	s2 =	rddreg [dreg:$0x4]  }
0x117: {  	s24 =	rddreg [dreg:$0x19];
	s23 =	sadd.s32 $0x1, s2  }
0x118: {  	p0 =	sne.s32 s23, s24  }
.Ltmp4:
0x119: {  	_ = 	snop;
	(pc) =	sbr.rel @p0 .LBB2_1-.Ltmp4, $3  }
0x11a: {  	_ =	sdelay $0x1  }
0x11b: {  	[sflag:s0] =	ssyncset.done $0x0  }
0x11c: {  	[sflag:s0] =	ssyncadd.s32 $0xFFFFFC00  }
0x11d: {  	_ =	sfence.sel $0x180000  }
0x11e: {  	[bflag:$0x0] =	sbarrier.arrive $0xFFFF  }
0x11f: {  	_ =	strace $0x9000004A  }
0x120: {  	s0 =	stileid.u32;
	[bflag:$0x2] =	sbarrier.arrive $0xFFFF  }
0x121: {  	p0 =	sne.s32 s0, $0x0;
	s0 =	rddreg [dreg:$0x3]  }
0x122: {  	s0 =	sadd.s32 @!p0 $0x100000, s0  }
0x123: {  	[sflag:s0] =	ssyncadd.tile.s32 @!p0 $0x1;
	_ =	shalt  }
.Lfunc_end2:
_tile_overlayer_lowered:
.L_overlay_start_2:
0x124: {  	(tag) =	ssettag $0x2  }
0x125: {  	s0 =	rddreg [dreg:$0x0];
	s2 =	stileid.u32  }
0x126: {  	s1 =	rddreg [dreg:$0x1];
	p0 =	sne.s32 s2, $0x0  }
0x127: {  	s3 =	rddreg [dreg:$0x2];
	[bflag:$0x3] =	sbarrier.arrive $0xFFFF;
	s2 =	simm.s32 @!p0 $0x1C03  }
0x128: {  	[timem:s3], [sflag:s2] =	dma.local @!p0 [hbm:s0], s1  }
0x129: {  	s0 =	simm.s32 @!p0 $0x3  }
0x12a: {  	_ =	swait.ge @!p0 [sflag:s0], s1  }
0x12b: {  	s1 =	ssub.s32 @!p0 $0x0, s1;
	[sflag:s0] =	ssyncset.done @!p0 $0x0  }
0x12c: {  	[sflag:s0] =	ssyncadd.s32 @!p0 s1  }
0x12d: {  	[bflag:$0x3] =	sbarrier.arrive $0xFFFF  }
0x12e: {  	_ =	shalt  }

// kernel: kernel.13.cloned.1.call-start
scs
__scs_entry_jumppad:
0x0: {  	(pc) =	sbr.rel $0x88, $3  }
0x1: {  	(tag) =	ssettag $0x0;
	lr =	simm.s32 $0x1  }
0x2: {  	[smem:$0x3F8E] =	sst lr;
	_ =	strace $0xD0000000  }
0x3: {  	_ = 	snop  }
0x4: {  	_ = 	snop  }
0x5: {  	_ = 	snop  }
0x6: {  	_ = 	snop  }
0x7: {  	_ = 	snop  }
__scs_overlays_trampoline_lowered:
0x8: {  	[smem:$0x3F9D] =	sst s0  }
0x9: {  	[smem:$0x3F9E] =	sst s1  }
0xa: {  	[smem:$0x3F9F] =	sst s2  }
0xb: {  	[smem:$0x3FA0] =	sst s3  }
0xc: {  	[smem:$0x3FA1] =	sst s4  }
0xd: {  	[smem:$0x3FA2] =	sst s5  }
0xe: {  	[smem:$0x3FA3] =	sst s6  }
0xf: {  	[smem:$0x3FA4] =	sst s7  }
0x10: {  	[smem:$0x3FA5] =	sst s8  }
0x11: {  	[smem:$0x3FA6] =	sst s9;
	s0 =	simm.s32 @!p0 $0x0  }
0x12: {  	s1 =	sld [smem:$0x3F8C];
	s0 =	simm.s32 @p0 $0x1  }
0x13: {  	[smem:$0x3FA7] =	sst s0;
	s0 =	simm.s32 @!p1 $0x0  }
0x14: {  	s2 =	sld [smem:$0x3F8B];
	s0 =	simm.s32 @p1 $0x1  }
0x15: {  	[smem:$0x3FA8] =	sst s0;
	s0 =	simm.s32 @!p2 $0x0  }
0x16: {  	s3 =	sld [smem:$0x3FDB];
	s0 =	simm.s32 @p2 $0x1  }
0x17: {  	s4 =	simm.s32 $0x1BF5;
	[smem:$0x3FAA] =	sst s0  }
0x18: {  	s0 =	sld [smem:$0x3F8D];
	_ =	swait.ge [sflag:s4], $0x0  }
0x19: {  	s7 =	sld [smem:$0x3F8E]  }
0x1a: {  	s8 =	sadd.s32 $0xFFFFE003, lr  }
0x1b: {  	s9 =	sadd.s32 $0xFFFFFEF7, lr;
	s5 =	simm.s32 $0xFFFFFFFF;
	p2 =	slt.u32 s8, $0xFFFFF086  }
0x1c: {  	p1 =	slt.u32 s9, $0xF7A;
	s5 =	simm.s32 @!p2 $0x0  }
0x1d: {  	s5 =	simm.s32 @p1 $0x1;
	p0 =	seq.s32 s7, s2  }
0x1e: {  	s7 =	smul.u32 @!p0 $0xF7A, s2;
	p2 =	seq.s32 @!p0 s5, $0x0  }
0x1f: {  	s9 =	smul.u32 $0xF7A, s1;
	s8 =	simm.s32 @!p0 $0x1BF5;
	p2 =	por !p2, p0  }
0x20: {  	[sflag:s8] =	ssyncset.s32 @!p0 $0xFFFFF086;
	s6 =	sadd.s32 @!p0 s3, s7;
	s7 =	simm.s32 @!p0 $0x108  }
0x21: {  	s3 =	sadd.s32 s3, s9;
	s6 =	sadd.s32 @!p0 $0x88, s6;
	s7 =	simm.s32 @p2 $0x1082  }
0x22: {  	[simem:s7], [sflag:s8] =	dma.local @!p0 [hbm:s6], $0xF7A  }
0x23: {  	s9 =	sor.u32 $0xD0000000, s2;
	s6 =	simm.s32 $0x108;
	_ =	swait.ge @!p0 [sflag:s8], $0x0  }
0x24: {  	s3 =	sadd.s32 $0x88, s3;
	s6 =	simm.s32 @!p1 $0x1082;
	[sflag:s4] =	ssyncset.s32 $0xFFFFF086  }
0x25: {  	[simem:s6], [sflag:s4] =	dma.local [hbm:s3], $0xF7A  }
0x26: {  	[smem:$0x3F8E] =	sst s1;
	(tag) =	ssettag s2;
	_ =	strace s9  }
0x27: {  	s1 =	sld [smem:$0x3F9E]  }
0x28: {  	s2 =	sld [smem:$0x3F9F]  }
0x29: {  	s4 =	sld [smem:$0x3FA1]  }
0x2a: {  	p0 =	seq.s32 s5, $0x0;
	s5 =	sld [smem:$0x3FA2]  }
0x2b: {  	s6 =	sld [smem:$0x3FA3]  }
0x2c: {  	s7 =	sld [smem:$0x3FA4]  }
0x2d: {  	s3 =	simm.s32 $0x108;
	s8 =	sld [smem:$0x3FA5]  }
0x2e: {  	s3 =	simm.s32 @!p0 $0x1082;
	s9 =	sld [smem:$0x3FA6]  }
0x2f: {  	lr =	sadd.s32 s0, s3;
	s0 =	sld [smem:$0x3F9D]  }
0x30: {  	s3 =	sld [smem:$0x3FA0]  }
0x31: {  	[smem:$0x3FA9] =	sst s10  }
0x32: {  	s10 =	sld [smem:$0x3FA7];
	_ =	sdelay $0x3  }
0x33: {  	p0 =	seq.s32 s10, $0x1;
	s10 =	sld [smem:$0x3FA9];
	_ =	sdelay $0x3  }
0x34: {  	[smem:$0x3FA9] =	sst s10  }
0x35: {  	s10 =	sld [smem:$0x3FA8];
	_ =	sdelay $0x3  }
0x36: {  	p1 =	seq.s32 s10, $0x1;
	s10 =	sld [smem:$0x3FA9];
	_ =	sdelay $0x3  }
0x37: {  	[smem:$0x3FA9] =	sst s10  }
0x38: {  	s10 =	sld [smem:$0x3FAA]  }
0x39: {  	_ = 	snop;
	(pc) =	sbr.ind lr, $3  }
0x3a: {  	_ = 	snop  }
0x3b: {  	_ = 	snop  }
0x3c: {  	p2 =	seq.s32 s10, $0x1;
	s10 =	sld [smem:$0x3FA9]  }
0x3d: {  	_ =	shalt  }
0x3e: {  	_ =	shalt  }
0x3f: {  	_ =	shalt  }
0x40: {  	_ =	shalt  }
0x41: {  	_ =	shalt  }
0x42: {  	_ =	shalt  }
0x43: {  	_ =	shalt  }
0x44: {  	_ =	shalt  }
0x45: {  	_ =	shalt  }
0x46: {  	_ =	shalt  }
0x47: {  	_ =	shalt  }
0x48: {  	_ =	shalt  }
0x49: {  	_ =	shalt  }
0x4a: {  	_ =	shalt  }
0x4b: {  	_ =	shalt  }
0x4c: {  	_ =	shalt  }
0x4d: {  	_ =	shalt  }
0x4e: {  	_ =	shalt  }
0x4f: {  	_ =	shalt  }
0x50: {  	_ =	shalt  }
0x51: {  	_ =	shalt  }
0x52: {  	_ =	shalt  }
0x53: {  	_ =	shalt  }
0x54: {  	_ =	shalt  }
0x55: {  	_ =	shalt  }
0x56: {  	_ =	shalt  }
0x57: {  	_ =	shalt  }
0x58: {  	_ =	shalt  }
0x59: {  	_ =	shalt  }
0x5a: {  	_ =	shalt  }
0x5b: {  	_ =	shalt  }
0x5c: {  	_ =	shalt  }
0x5d: {  	_ =	shalt  }
0x5e: {  	_ =	shalt  }
0x5f: {  	_ =	shalt  }
0x60: {  	_ =	shalt  }
0x61: {  	_ =	shalt  }
0x62: {  	_ =	shalt  }
0x63: {  	_ =	shalt  }
0x64: {  	_ =	shalt  }
0x65: {  	_ =	shalt  }
0x66: {  	_ =	shalt  }
0x67: {  	_ =	shalt  }
0x68: {  	_ =	shalt  }
0x69: {  	_ =	shalt  }
0x6a: {  	_ =	shalt  }
0x6b: {  	_ =	shalt  }
0x6c: {  	_ =	shalt  }
0x6d: {  	_ =	shalt  }
0x6e: {  	_ =	shalt  }
0x6f: {  	_ =	shalt  }
0x70: {  	_ =	shalt  }
0x71: {  	_ =	shalt  }
0x72: {  	_ =	shalt  }
0x73: {  	_ =	shalt  }
0x74: {  	_ =	shalt  }
0x75: {  	_ =	shalt  }
0x76: {  	_ =	shalt  }
0x77: {  	_ =	shalt  }
0x78: {  	_ =	shalt  }
0x79: {  	_ =	shalt  }
0x7a: {  	_ =	shalt  }
0x7b: {  	_ =	shalt  }
0x7c: {  	_ =	shalt  }
0x7d: {  	_ =	shalt  }
0x7e: {  	_ =	shalt  }
0x7f: {  	_ =	shalt  }
0x80: {  	_ =	shalt  }
0x81: {  	_ =	shalt  }
0x82: {  	_ =	shalt  }
0x83: {  	_ =	shalt  }
0x84: {  	_ =	shalt  }
0x85: {  	_ =	shalt  }
0x86: {  	_ =	shalt  }
0x87: {  	_ =	shalt  }
.Lfunc_end0:
.L_simem_size_0:
called_computation.1_lowered:
.L_overlay_start_0:
0x88: {  	s2 =	sld [smem:$0x3FD9]  }
0x89: {  	s3 =	sld [smem:$0x3FFE];
	_ =	sdelay $0x1  }
0x8a: {  	s1 =	srdreg.scid  }
0x8b: {  	s0 =	sand.u32 $0x1, s1  }
0x8c: {  	s17 =	sshll.u32 s0, $0xA;
	s2 =	sadd.s32 s3, s2  }
0x8d: {  	s2 =	sadd.s32 s2, s17  }
0x8e: {  	[smem:$0x3FB5] =	sst s2  }
0x8f: {  	_ = 	snop  }
0x90: {  	s2 =	sld [smem:$0x3FD0];
	(tm) =	ssettm $0x1  }
0x91: {  	s18 =	sld [smem:$0x3FFB];
	_ =	sdelay $0x3  }
0x92: {  	_ =	strace s18  }
0x93: {  	s3 =	sld [smem:$0x3FFC];
	_ =	sdelay $0x3  }
0x94: {  	_ =	strace s3  }
0x95: {  	s3 =	sld [smem:$0x3FFD];
	_ =	sdelay $0x3  }
0x96: {  	_ =	strace s3  }
0x97: {  	_ =	strace $0x8FFFFFFF  }
0x98: {  	s19 =	sld [smem:$0x3FDB];
	_ =	sdelay $0x1  }
0x99: {  	s4 =	simm.s32 $_scs_section_size  }
0x9a: {  	s5 =	simm.s32 $_size__tile_overlayer_lowered;
	s6 =	simm.s32 $_tile_overlayer_lowered  }
0x9b: {  	s22 =	simm.s32 $0x1BFF;
	s21 =	sshll.u32 s6, $0x1;
	s3 =	sadd.s32 s4, s19  }
0x9c: {  	s7 =	simm.s32 $0x0;
	s20 =	sshll.u32 s5, $0x1;
	s5 =	sadd.s32 s21, s3  }
0x9d: {  	[timem:s7], [sflag:s22] =	dma.local [hbm:s5], s20  }
0x9e: {  	_ =	swait.ge [sflag:s22], s20  }
0x9f: {  	s4 =	ssub.s32 $0x0, s20;
	[sflag:s22] =	ssyncset.done $0x0  }
0xa0: {  	[sflag:s22] =	ssyncadd.s32 s4;
	_ =	sdelay $0x1  }
0xa1: {  	s23 =	simm.s32 $0x1B8B  }
0xa2: {  	_ =	swait.ge [sflag:s23], $0x1  }
0xa3: {  	[sflag:s23] =	ssyncset.done $0x0  }
0xa4: {  	s25 =	simm.s32 $0x1B8E;
	s24 =	sld [smem:$0x3FFE];
	[sflag:s23] =	ssyncadd.s32 $0xFFFFFFFF  }
0xa5: {  	s26 =	simm.s32 $execute0_lowered;
	[smem:$0x3FD2] =	sst s25  }
0xa6: {  	s5 =	sshll.u32 s26, $0x1;
	_ =	strace $0x80000046;
	[dreg:$0x1] =	wrdreg $0xFFFFFFFF  }
0xa7: {  	s28 =	simm.s32 $_size_execute0_lowered;
	s3 =	sadd.s32 s3, s5;
	[dreg:$0x0] =	wrdreg $0x0  }
0xa8: {  	s5 =	sshll.u32 s28, $0x1;
	[dreg:$0x2] =	wrdreg s3  }
0xa9: {  	[dreg:$0x3] =	wrdreg s5  }
0xaa: {  	[dreg:$0x4] =	wrdreg $0xC0  }
0xab: {  	_ =	task [dreg:s7], $0x5FFFF  }
0xac: {  	[dreg:$0x1] =	wrdreg $0xFFFFFFFF  }
0xad: {  	[dreg:$0x0] =	wrdreg $0x60  }
0xae: {  	[dreg:$0x2] =	wrdreg s24  }
0xaf: {  	[dreg:$0x3] =	wrdreg s2  }
0xb0: {  	[dreg:$0x4] =	wrdreg $0x90000  }
0xb1: {  	[dreg:$0x5] =	wrdreg $0xA  }
0xb2: {  	_ =	task.clear_ibuf [dreg:s7], $0x6FFFF;
	_ =	strace $0x90000046  }
0xb3: {  	s29 =	simm.s32 $0xA;
	_ =	strace $0x80000048  }
0xb4: {  	_ =	swait.ge [sflag:s29], $0x1  }
0xb5: {  	[sflag:s29] =	ssyncadd.s32 $0xFFFFFFFF  }
0xb6: {  	_ =	strace $0x90000048  }
0xb7: {  	_ =	sfence  }
0xb8: {  	s30 =	sld [smem:$0x0];
	_ =	sdelay $0x2  }
0xb9: {  	s31 =	sshll.u32 s1, $0xD;
	s1 =	sshrl.u32 s1, $0x2  }
0xba: {  	s3 =	sand.u32 $0x4000, s31;
	s1 =	sadd.s32 s1, s30  }
0xbb: {  	s0 =	sor.u32 s3, s0;
	s1 =	sshll.u32 s1, $0x11  }
0xbc: {  	s0 =	sor.u32 s1, s0  }
0xbd: {  	s0 =	sadd.s32 $0x8F2B, s0  }
0xbe: {  	[sflag:s0] =	ssyncadd.remote.s32 $0x1  }
0xbf: {  	_ =	sfence.sel $0xFFFF  }
0xc0: {  	[dreg:$0x0] =	wrdreg $0xFFFFFFFF;
	(pc) =	sbr.abs _section_cstart, $3  }
0xc1: {  	[dreg:$0x1] =	wrdreg $0xFFFFFFFF  }
0xc2: {  	_ =	task.clear_ibuf [dreg:s7], $0x2FFFF;
	_ =	strace $0x9FFFFFFF  }
0xc3: {  	(tm) =	ssettm $0x7FFFFFFF  }
tec
execute0_lowered:
.L_overlay_start_1:
0x0: {  	(tag) =	ssettag $0x1  }
0x1: {  	s0 =	srdreg.scid;
	s3 =	rddreg [dreg:$0x0]  }
0x2: {  	s1 =	rddreg [dreg:$0x1];
	s2 =	stileid.u32;
	s23 =	simm.s32 $0x0  }
0x3: {  	s30 =	simm.s32 $0x6000;
	s0 =	sand.u32 $0x1, s0;
	s6 =	smul.u32 $0x14000, s2  }
0x4: {  	[smem:$0x7FF] =	sst s23;
	s7 =	sadd.s32 $0xE0000, s3;
	s31 =	smul.u32 $0x28, s2  }
0x5: {  	s4 =	ssub.s32 $0x2, s0;
	s12 =	smul.u32 $0x140000, s0;
	s0 =	sshll.u32 s0, $0x6  }
0x6: {  	s5 =	sshrl.u32 s4, $0x1;
	s8 =	sadd.s32 $0x4000, s6;
	s9 =	sadd.s32 $0x6000, s6  }
0x7: {  	s10 =	sadd.s32 $0x8000, s6;
	s11 =	sadd.s32 $0xA000, s6;
	s13 =	sadd.s32 $0xC000, s6  }
0x8: {  	s14 =	sadd.s32 $0xE000, s6;
	s19 =	sadd.s32 $0x10000, s6;
	s20 =	sadd.s32 $0x12000, s6  }
0x9: {  	s4 =	ssub.s32 s4, s5;
	s5 =	sor.u32 $0x2000, s6;
	s6 =	sadd.s32 s6, s12  }
0xa: {  	s16 =	sadd.s32 s12, s8;
	s22 =	sadd.s32 s12, s9;
	s24 =	sadd.s32 s12, s10  }
0xb: {  	s25 =	sadd.s32 s12, s11;
	s15 =	sadd.s32 s12, s5;
	s6 =	sshrl.u32 s6, $0x3  }
0xc: {  	s17 =	sadd.s32 s12, s14;
	s15 =	sshrl.u32 s15, $0x3;
	s6 =	sadd.s32 s7, s6  }
0xd: {  	s21 =	sshrl.u32 s16, $0x3;
	[dreg:$0x5] =	wrdreg s6;
	s18 =	sadd.s32 s7, s15  }
0xe: {  	s16 =	sadd.s32 s12, s13;
	s6 =	sadd.s32 s7, s21;
	[dreg:$0x6] =	wrdreg s18  }
0xf: {  	s15 =	sshrl.u32 s24, $0x3;
	s24 =	sadd.s32 s12, s20;
	[dreg:$0x7] =	wrdreg s6  }
0x10: {  	s6 =	sshrl.u32 s22, $0x3;
	s26 =	sadd.s32 s7, s15;
	s15 =	sshrl.u32 s25, $0x3  }
0x11: {  	s18 =	sadd.s32 s12, s19;
	s12 =	rddreg [dreg:$0x2];
	s25 =	smul.u32 $0x50000, s2  }
0x12: {  	s6 =	sadd.s32 s7, s6;
	[dreg:$0x9] =	wrdreg s26;
	s22 =	sshrl.u32 s18, $0x3  }
0x13: {  	s26 =	sshrl.u32 s24, $0x3;
	s18 =	sadd.s32 $0x2C000, s3;
	s28 =	sadd.s32 s8, s12  }
0x14: {  	s29 =	sadd.s32 s9, s12;
	s10 =	sadd.s32 s10, s12;
	s11 =	sadd.s32 s11, s12  }
0x15: {  	s13 =	sadd.s32 s13, s12;
	s14 =	sadd.s32 s14, s12;
	s19 =	sadd.s32 s19, s12  }
0x16: {  	[dreg:$0x8] =	wrdreg s6;
	s6 =	sadd.s32 s7, s15;
	s15 =	sshrl.u32 s17, $0x3  }
0x17: {  	[dreg:$0xa] =	wrdreg s6;
	s6 =	sshrl.u32 s16, $0x3;
	s21 =	sadd.s32 s7, s15  }
0x18: {  	s20 =	sadd.s32 s20, s12;
	s6 =	sadd.s32 s7, s6;
	[dreg:$0xc] =	wrdreg s21  }
0x19: {  	s24 =	sor.u32 $0x1000, s0;
	[dreg:$0xb] =	wrdreg s6;
	s6 =	sadd.s32 s7, s22  }
0x1a: {  	s8 =	simm.s32 $0x3000;
	[dreg:$0xd] =	wrdreg s6;
	s6 =	sadd.s32 s7, s26  }
0x1b: {  	s9 =	simm.s32 $0x1;
	s17 =	sadd.s32 $0x18000, s3;
	[dreg:$0xe] =	wrdreg s6  }
0x1c: {  	s15 =	sadd.s32 $0x40000, s3;
	_ =	strace $0x80000047;
	[dreg:$0x13] =	wrdreg s10  }
0x1d: {  	s16 =	sadd.s32 $0x4000, s3;
	s3 =	simm.s32 $0x400;
	[dreg:$0x14] =	wrdreg s11  }
0x1e: {  	s21 =	smax.u32 s4, $0x1;
	s4 =	simm.s32 $0x800;
	[dreg:$0x15] =	wrdreg s13  }
0x1f: {  	s22 =	sor.u32 $0x3000, s0;
	s0 =	simm.s32 $0x3;
	[dreg:$0x16] =	wrdreg s14  }
0x20: {  	s7 =	sshrl.u32 s25, $0x2;
	s26 =	sadd.s32 s5, s12;
	[dreg:$0x17] =	wrdreg s19  }
0x21: {  	s5 =	simm.s32 $0xC00;
	v1 =	vmov s22;
	s22 =	simm.s32 $0x2;
	[dreg:$0x18] =	wrdreg s20  }
0x22: {  	s25 =	sadd.s32 s7, s12;
	s6 =	simm.s32 $0x40;
	[dreg:$0x19] =	wrdreg s21  }
0x23: {  	s7 =	simm.s32 $0x1000;
	s11 =	simm.s32 $0x5000;
	[dreg:$0xf] =	wrdreg s25  }
0x24: {  	s10 =	simm.s32 $0x7000;
	s13 =	simm.s32 $0x5800;
	[dreg:$0x10] =	wrdreg s26  }
0x25: {  	s14 =	simm.s32 $0x7800;
	s19 =	simm.s32 $0x8000;
	[dreg:$0x11] =	wrdreg s28  }
0x26: {  	v2 =	vimm.f32 $0.0e+00;
	vm0 =	vmmov $0xffff;
	v0 =	vmov s24;
	s20 =	simm.s32 $0x6800;
	s21 =	simm.s32 $0x8800;
	[dreg:$0x12] =	wrdreg s29  }
.LBB2_1:
0x27: {  	[dreg:$0x4] =	wrdreg s23;
	s23 =	simm.s32 $0x0;
	s24 =	simm.s32 $0x200  }
.LBB2_2:
0x28: {  	p0 =	sne.s32 s24, $0x7E00;
	[tilespmem:s23+$0x7070] =	vst v2  }
0x29: {  	[tilespmem:s23+$0x5000] =	vst v2  }
0x2a: {  	[tilespmem:s23+$0x7000] =	vst v2  }
0x2b: {  	[tilespmem:s23+$0x5010] =	vst v2  }
0x2c: {  	[tilespmem:s23+$0x7010] =	vst v2  }
0x2d: {  	[tilespmem:s23+$0x5020] =	vst v2  }
0x2e: {  	[tilespmem:s23+$0x7020] =	vst v2  }
0x2f: {  	[tilespmem:s23+$0x5030] =	vst v2  }
0x30: {  	[tilespmem:s23+$0x7030] =	vst v2  }
0x31: {  	[tilespmem:s23+$0x5040] =	vst v2  }
0x32: {  	[tilespmem:s23+$0x7040] =	vst v2  }
.Ltmp0:
0x33: {  	[tilespmem:s23+$0x5050] =	vst v2;
	(pc) =	sbr.rel @p0 .LBB2_2-.Ltmp0, $4  }
0x34: {  	[tilespmem:s23+$0x7050] =	vst v2  }
0x35: {  	[tilespmem:s23+$0x5060] =	vst v2  }
0x36: {  	[tilespmem:s23+$0x7060] =	vst v2  }
0x37: {  	[tilespmem:s23+$0x5070] =	vst v2;
	s23 =	sshra.s32 s24, $0x2;
	s24 =	sadd.s32 $0x200, s24  }
0x38: {  	[tilespmem:s23+$0x7070] =	vst v2  }
0x39: {  	[tilespmem:s23+$0x5000] =	vst v2  }
0x3a: {  	[tilespmem:s23+$0x7000] =	vst v2  }
0x3b: {  	[tilespmem:s23+$0x5010] =	vst v2  }
0x3c: {  	[tilespmem:s23+$0x7010] =	vst v2  }
0x3d: {  	[tilespmem:s23+$0x5020] =	vst v2  }
0x3e: {  	[tilespmem:s23+$0x7020] =	vst v2  }
0x3f: {  	[tilespmem:s23+$0x5030] =	vst v2  }
0x40: {  	[tilespmem:s23+$0x7030] =	vst v2  }
0x41: {  	[tilespmem:s23+$0x5040] =	vst v2  }
0x42: {  	[tilespmem:s23+$0x7040] =	vst v2  }
0x43: {  	[tilespmem:s23+$0x5050] =	vst v2  }
0x44: {  	[tilespmem:s23+$0x7050] =	vst v2  }
0x45: {  	[tilespmem:s23+$0x5060] =	vst v2  }
0x46: {  	[tilespmem:s23+$0x7060] =	vst v2  }
0x47: {  	[tilespmem:s23+$0x5070] =	vst v2  }
0x48: {  	[spmem:s25] =	stream.linear.scatter [tilespmem:s11], [sflag:$0x3], $0x2000, $0x38;
	[tilespmem:$0x1D000] =	vst v63  }
0x49: {  	_ =	swait.ge [sflag:s0], $0x2000  }
0x4a: {  	[sflag:s0] =	ssyncset.done $0x0  }
0x4b: {  	[sflag:s0] =	ssyncadd.s32 $0xFFFFE000  }
0x4c: {  	[spmem:s26] =	stream.linear.scatter [tilespmem:s11], [sflag:$0x3], $0x2000, $0x38;
	[tilespmem:$0x1D000] =	vst v63  }
0x4d: {  	_ =	swait.ge [sflag:s0], $0x2000  }
0x4e: {  	[sflag:s0] =	ssyncset.done $0x0  }
0x4f: {  	[sflag:s0] =	ssyncadd.s32 $0xFFFFE000  }
0x50: {  	[spmem:s28] =	stream.linear.scatter [tilespmem:s11], [sflag:$0x3], $0x2000, $0x38;
	[tilespmem:$0x1D000] =	vst v63  }
0x51: {  	_ =	swait.ge [sflag:s0], $0x2000  }
0x52: {  	[sflag:s0] =	ssyncset.done $0x0  }
0x53: {  	[sflag:s0] =	ssyncadd.s32 $0xFFFFE000  }
0x54: {  	[spmem:s29] =	stream.linear.scatter [tilespmem:s11], [sflag:$0x3], $0x2000, $0x38;
	[tilespmem:$0x1D000] =	vst v63  }
0x55: {  	_ =	swait.ge [sflag:s0], $0x2000  }
0x56: {  	[sflag:s0] =	ssyncset.done $0x0  }
0x57: {  	s2 =	rddreg [dreg:$0x13];
	[sflag:s0] =	ssyncadd.s32 $0xFFFFE000  }
0x58: {  	[spmem:s2] =	stream.linear.scatter [tilespmem:s11], [sflag:$0x3], $0x2000, $0x38;
	[tilespmem:$0x1D000] =	vst v63  }
0x59: {  	_ =	swait.ge [sflag:s0], $0x2000  }
0x5a: {  	[sflag:s0] =	ssyncset.done $0x0  }
0x5b: {  	s24 =	rddreg [dreg:$0x14];
	[sflag:s0] =	ssyncadd.s32 $0xFFFFE000  }
0x5c: {  	[spmem:s24] =	stream.linear.scatter [tilespmem:s11], [sflag:$0x3], $0x2000, $0x38;
	[tilespmem:$0x1D000] =	vst v63  }
0x5d: {  	_ =	swait.ge [sflag:s0], $0x2000  }
0x5e: {  	[sflag:s0] =	ssyncset.done $0x0  }
0x5f: {  	s25 =	rddreg [dreg:$0x15];
	[sflag:s0] =	ssyncadd.s32 $0xFFFFE000  }
0x60: {  	[spmem:s25] =	stream.linear.scatter [tilespmem:s11], [sflag:$0x3], $0x2000, $0x38;
	[tilespmem:$0x1D000] =	vst v63  }
0x61: {  	_ =	swait.ge [sflag:s0], $0x2000  }
0x62: {  	[sflag:s0] =	ssyncset.done $0x0  }
0x63: {  	s26 =	rddreg [dreg:$0x16];
	[sflag:s0] =	ssyncadd.s32 $0xFFFFE000  }
0x64: {  	[spmem:s26] =	stream.linear.scatter [tilespmem:s11], [sflag:$0x3], $0x2000, $0x38;
	[tilespmem:$0x1D000] =	vst v63  }
0x65: {  	_ =	swait.ge [sflag:s0], $0x2000  }
0x66: {  	[sflag:s0] =	ssyncset.done $0x0  }
0x67: {  	s28 =	rddreg [dreg:$0x17];
	[sflag:s0] =	ssyncadd.s32 $0xFFFFE000  }
0x68: {  	[spmem:s28] =	stream.linear.scatter [tilespmem:s11], [sflag:$0x3], $0x2000, $0x38;
	[tilespmem:$0x1D000] =	vst v63  }
0x69: {  	_ =	swait.ge [sflag:s0], $0x2000  }
0x6a: {  	[sflag:s0] =	ssyncset.done $0x0  }
0x6b: {  	s29 =	rddreg [dreg:$0x18];
	[sflag:s0] =	ssyncadd.s32 $0xFFFFE000  }
0x6c: {  	[spmem:s29] =	stream.linear.scatter [tilespmem:s11], [sflag:$0x3], $0x2000, $0x38;
	[tilespmem:$0x1D000] =	vst v63  }
0x6d: {  	_ =	swait.ge [sflag:s0], $0x2000  }
0x6e: {  	[sflag:s0] =	ssyncset.done $0x0  }
0x6f: {  	[sflag:s0] =	ssyncadd.s32 $0xFFFFE000  }
0x70: {  	s23 =	simm.s32 $0x0;
	s24 =	simm.s32 $0x0;
	[bflag:$0x0] =	sbarrier.arrive $0xFFFF  }
.LBB2_4:
0x71: {  	s25 =	sadd.s32 s31, s24  }
0x72: {  	s25 =	sshll.u32 s25, $0x7  }
0x73: {  	s26 =	sadd.s32 s1, s25  }
0x74: {  	[tilespmem:s23], [sflag:$0x3] =	stream.linear.gather [hbm4b:s26+s23], $0x400, $0x38;
	[tilespmem:$0x1D000] =	vst v63  }
0x75: {  	_ =	swait.ge [sflag:s0], $0x400  }
0x76: {  	[sflag:s0] =	ssyncset.done $0x0  }
0x77: {  	s28 =	sadd.s32 s16, s25;
	[sflag:s0] =	ssyncadd.s32 $0xFFFFFC00  }
0x78: {  	[tilespmem:s3], [sflag:$0x3] =	stream.linear.gather [hbm4b:s28+s23], $0x400, $0x38;
	[tilespmem:$0x1D000] =	vst v63  }
0x79: {  	_ =	swait.ge [sflag:s0], $0x400  }
0x7a: {  	[sflag:s0] =	ssyncset.done $0x0  }
0x7b: {  	s29 =	sadd.s32 s17, s25;
	[sflag:s0] =	ssyncadd.s32 $0xFFFFFC00  }
0x7c: {  	[tilespmem:s4], [sflag:$0x3] =	stream.linear.gather [hbm4b:s29+s23], $0x400, $0x38;
	[tilespmem:$0x1D000] =	vst v63  }
0x7d: {  	_ =	swait.ge [sflag:s0], $0x400  }
0x7e: {  	[sflag:s0] =	ssyncset.done $0x0  }
0x7f: {  	s25 =	sadd.s32 s18, s25;
	[sflag:s0] =	ssyncadd.s32 $0xFFFFFC00  }
0x80: {  	[tilespmem:s5], [sflag:$0x3] =	stream.linear.gather [hbm4b:s25+s23], $0x400, $0x38;
	[tilespmem:$0x1D000] =	vst v63  }
0x81: {  	_ =	swait.ge [sflag:s0], $0x400  }
0x82: {  	[sflag:s0] =	ssyncset.done $0x0  }
0x83: {  	s25 =	simm.s32 $0x0;
	[sflag:s0] =	ssyncadd.s32 $0xFFFFFC00  }
.LBB2_5:
0x84: {  	s26 =	sshll.u32 s25, $0x7  }
0x85: {  	[tilespmem:s7], [sflag:$0x1] =	stream.indirect.gather [hbm4b:s15+s6], $0x80, s26, s6, $0xb8;
	[tilespmem:$0x1D000] =	vst v63  }
0x86: {  	s28 =	sadd.s32 $0x400, s26  }
0x87: {  	[tilespmem:s8], [sflag:$0x1] =	stream.indirect.gather [hbm4b:s15+s6], $0x80, s28, s6, $0xb8;
	[tilespmem:$0x1D000] =	vst v63  }
0x88: {  	_ =	swait.ge [sflag:s9], $0x2000  }
0x89: {  	[sflag:s9] =	ssyncset.done $0x0  }
0x8a: {  	[sflag:s9] =	ssyncadd.s32 $0xFFFFE000  }
0x8b: {  	_ =	swait.ge [sflag:s9], $0x2000  }
0x8c: {  	[sflag:s9] =	ssyncset.done $0x0  }
0x8d: {  	s28 =	simm.s32 $0x0;
	[sflag:s9] =	ssyncadd.s32 $0xFFFFE000  }
0x8e: {  	v3 =	vld.idx.msk [tilespmem:v0+s28+$0x0 ss:$0x1], $0xffff  }
0x8f: {  	v4 =	vld.idx.msk [tilespmem:v1+s28+$0x0 ss:$0x1], $0xffff;
	_ =	sdelay $0x4  }
0x90: {  	v3 =	vadd.f32 v4, v3;
	_ =	sdelay $0x1  }
0x91: {  	v3 =	vmax.f32 v3, $0.0e+00  }
0x92: {  	[tilespmem:s28+$0x5000] =	vst v3  }
0x93: {  	[tilespmem:s28+$0x7040] =	vst v3  }
0x94: {  	v3 =	vld.idx.msk [tilespmem:v0+s28+$0x10 ss:$0x1], $0xffff  }
0x95: {  	v4 =	vld.idx.msk [tilespmem:v1+s28+$0x10 ss:$0x1], $0xffff;
	_ =	sdelay $0x4  }
0x96: {  	v3 =	vadd.f32 v4, v3;
	_ =	sdelay $0x1  }
0x97: {  	v3 =	vmax.f32 v3, $0.0e+00  }
0x98: {  	[tilespmem:s28+$0x5010] =	vst v3  }
0x99: {  	[tilespmem:s28+$0x7050] =	vst v3  }
0x9a: {  	v3 =	vld.idx.msk [tilespmem:v0+s28+$0x20 ss:$0x1], $0xffff  }
0x9b: {  	v4 =	vld.idx.msk [tilespmem:v1+s28+$0x20 ss:$0x1], $0xffff;
	_ =	sdelay $0x4  }
0x9c: {  	v3 =	vadd.f32 v4, v3;
	_ =	sdelay $0x1  }
0x9d: {  	v3 =	vmax.f32 v3, $0.0e+00  }
0x9e: {  	[tilespmem:s28+$0x5020] =	vst v3  }
0x9f: {  	[tilespmem:s28+$0x7060] =	vst v3  }
0xa0: {  	v3 =	vld.idx.msk [tilespmem:v0+s28+$0x30 ss:$0x1], $0xffff  }
0xa1: {  	s29 =	simm.s32 $0x200;
	v4 =	vld.idx.msk [tilespmem:v1+s28+$0x30 ss:$0x1], $0xffff  }
.LBB2_6:
0xa2: {  	p0 =	sne.s32 s29, $0x7E00;
	s2 =	smov.u32 s29;
	s29 =	sadd.s32 $0x200, s29  }
0xa3: {  	_ =	sdelay $0x2  }
0xa4: {  	v3 =	vadd.f32 v4, v3;
	_ =	sdelay $0x1  }
0xa5: {  	v3 =	vmax.f32 v3, $0.0e+00  }
0xa6: {  	[tilespmem:s28+$0x5030] =	vst v3  }
0xa7: {  	[tilespmem:s28+$0x7070] =	vst v3;
	s28 =	sshra.s32 s2, $0x2  }
0xa8: {  	v3 =	vld.idx.msk [tilespmem:v0+s28+$0x0 ss:$0x1], $0xffff  }
0xa9: {  	v4 =	vld.idx.msk [tilespmem:v1+s28+$0x0 ss:$0x1], $0xffff;
	_ =	sdelay $0x5  }
0xaa: {  	v3 =	vadd.f32 v4, v3;
	_ =	sdelay $0x1  }
0xab: {  	v3 =	vmax.f32 v3, $0.0e+00  }
0xac: {  	[tilespmem:s28+$0x5000] =	vst v3  }
0xad: {  	[tilespmem:s28+$0x7040] =	vst v3  }
0xae: {  	v3 =	vld.idx.msk [tilespmem:v0+s28+$0x10 ss:$0x1], $0xffff  }
0xaf: {  	v4 =	vld.idx.msk [tilespmem:v1+s28+$0x10 ss:$0x1], $0xffff;
	_ =	sdelay $0x5  }
0xb0: {  	v3 =	vadd.f32 v4, v3;
	_ =	sdelay $0x1  }
0xb1: {  	v3 =	vmax.f32 v3, $0.0e+00  }
0xb2: {  	[tilespmem:s28+$0x5010] =	vst v3  }
0xb3: {  	[tilespmem:s28+$0x7050] =	vst v3  }
0xb4: {  	v3 =	vld.idx.msk [tilespmem:v0+s28+$0x20 ss:$0x1], $0xffff  }
0xb5: {  	v4 =	vld.idx.msk [tilespmem:v1+s28+$0x20 ss:$0x1], $0xffff;
	_ =	sdelay $0x5  }
0xb6: {  	v3 =	vadd.f32 v4, v3;
	_ =	sdelay $0x1  }
.Ltmp1:
0xb7: {  	v3 =	vmax.f32 v3, $0.0e+00;
	(pc) =	sbr.rel @p0 .LBB2_6-.Ltmp1, $4  }
0xb8: {  	[tilespmem:s28+$0x5020] =	vst v3  }
0xb9: {  	[tilespmem:s28+$0x7060] =	vst v3  }
0xba: {  	v3 =	vld.idx.msk [tilespmem:v0+s28+$0x30 ss:$0x1], $0xffff  }
0xbb: {  	v4 =	vld.idx.msk [tilespmem:v1+s28+$0x30 ss:$0x1], $0xffff  }
0xbc: {  	_ =	sdelay $0x3  }
0xbd: {  	v3 =	vadd.f32 v4, v3;
	_ =	sdelay $0x1  }
0xbe: {  	v3 =	vmax.f32 v3, $0.0e+00  }
0xbf: {  	[tilespmem:s28+$0x5030] =	vst v3  }
0xc0: {  	[tilespmem:s28+$0x7070] =	vst v3  }
0xc1: {  	v3 =	vld [tilespmem:s26+$0x800];
	_ =	sdelay $0x7  }
0xc2: {  	[spmem:s12] =	stream.indirect_vreg.scatter.add.f32 [tilespmem:s11], [sflag:$0x2], $0x80, v3, vm0, $0xb8;
	[tilespmem:$0x1D000] =	vst v63  }
0xc3: {  	v3 =	vld [tilespmem:s26+$0xC00];
	_ =	sdelay $0x7  }
0xc4: {  	[spmem:s12] =	stream.indirect_vreg.scatter.add.f32 [tilespmem:s10], [sflag:$0x2], $0x80, v3, vm0, $0xb8;
	[tilespmem:$0x1D000] =	vst v63  }
0xc5: {  	v3 =	vld [tilespmem:s26+$0x810];
	_ =	sdelay $0x7  }
0xc6: {  	[spmem:s12] =	stream.indirect_vreg.scatter.add.f32 [tilespmem:s13], [sflag:$0x2], $0x80, v3, vm0, $0xb8;
	[tilespmem:$0x1D000] =	vst v63  }
0xc7: {  	v3 =	vld [tilespmem:s26+$0xC10];
	_ =	sdelay $0x7  }
0xc8: {  	[spmem:s12] =	stream.indirect_vreg.scatter.add.f32 [tilespmem:s14], [sflag:$0x2], $0x80, v3, vm0, $0xb8;
	[tilespmem:$0x1D000] =	vst v63  }
0xc9: {  	v3 =	vld [tilespmem:s26+$0x820];
	_ =	sdelay $0x7  }
0xca: {  	[spmem:s12] =	stream.indirect_vreg.scatter.add.f32 [tilespmem:s30], [sflag:$0x2], $0x80, v3, vm0, $0xb8;
	[tilespmem:$0x1D000] =	vst v63  }
0xcb: {  	v3 =	vld [tilespmem:s26+$0xC20];
	_ =	sdelay $0x7  }
0xcc: {  	[spmem:s12] =	stream.indirect_vreg.scatter.add.f32 [tilespmem:s19], [sflag:$0x2], $0x80, v3, vm0, $0xb8;
	[tilespmem:$0x1D000] =	vst v63  }
0xcd: {  	v3 =	vld [tilespmem:s26+$0x830];
	_ =	sdelay $0x7  }
0xce: {  	[spmem:s12] =	stream.indirect_vreg.scatter.add.f32 [tilespmem:s20], [sflag:$0x2], $0x80, v3, vm0, $0xb8;
	[tilespmem:$0x1D000] =	vst v63  }
0xcf: {  	v3 =	vld [tilespmem:s26+$0xC30];
	_ =	sdelay $0x7  }
0xd0: {  	[spmem:s12] =	stream.indirect_vreg.scatter.add.f32 [tilespmem:s21], [sflag:$0x2], $0x80, v3, vm0, $0xb8;
	[tilespmem:$0x1D000] =	vst v63  }
0xd1: {  	_ =	swait.ge [sflag:s22], $0x800  }
0xd2: {  	[sflag:s22] =	ssyncset.done $0x0  }
0xd3: {  	[sflag:s22] =	ssyncadd.s32 $0xFFFFF800  }
0xd4: {  	_ =	swait.ge [sflag:s22], $0x800  }
0xd5: {  	[sflag:s22] =	ssyncset.done $0x0  }
0xd6: {  	[sflag:s22] =	ssyncadd.s32 $0xFFFFF800  }
0xd7: {  	_ =	swait.ge [sflag:s22], $0x800  }
0xd8: {  	[sflag:s22] =	ssyncset.done $0x0  }
0xd9: {  	[sflag:s22] =	ssyncadd.s32 $0xFFFFF800  }
0xda: {  	_ =	swait.ge [sflag:s22], $0x800  }
0xdb: {  	[sflag:s22] =	ssyncset.done $0x0  }
0xdc: {  	[sflag:s22] =	ssyncadd.s32 $0xFFFFF800  }
0xdd: {  	_ =	swait.ge [sflag:s22], $0x800  }
0xde: {  	[sflag:s22] =	ssyncset.done $0x0  }
0xdf: {  	[sflag:s22] =	ssyncadd.s32 $0xFFFFF800  }
0xe0: {  	_ =	swait.ge [sflag:s22], $0x800  }
0xe1: {  	[sflag:s22] =	ssyncset.done $0x0  }
0xe2: {  	s25 =	sadd.s32 $0x1, s25;
	[sflag:s22] =	ssyncadd.s32 $0xFFFFF800  }
0xe3: {  	p0 =	sne.s32 s25, $0x8;
	_ =	swait.ge [sflag:s22], $0x800  }
.Ltmp2:
0xe4: {  	[sflag:s22] =	ssyncset.done $0x0;
	(pc) =	sbr.rel @p0 .LBB2_5-.Ltmp2, $4  }
0xe5: {  	[sflag:s22] =	ssyncadd.s32 $0xFFFFF800  }
0xe6: {  	_ =	swait.ge [sflag:s22], $0x800  }
0xe7: {  	[sflag:s22] =	ssyncset.done $0x0  }
0xe8: {  	[sflag:s22] =	ssyncadd.s32 $0xFFFFF800  }
0xe9: {  	s24 =	sadd.s32 $0x1, s24  }
0xea: {  	p0 =	sne.s32 s24, $0x28  }
.Ltmp3:
0xeb: {  	_ = 	snop;
	(pc) =	sbr.rel @p0 .LBB2_4-.Ltmp3, $1  }
0xec: {  	_ =	sdelay $0x3  }
0xed: {  	s2 =	stileid.u32;
	[bflag:$0x0] =	sbarrier.arrive $0xFFFF  }
0xee: {  	s2 =	sshll.u32 s2, $0x6;
	s25 =	rddreg [dreg:$0xf]  }
0xef: {  	s24 =	rddreg [dreg:$0x5];
	s2 =	sor.u32 $0x1C03, s2;
	s23 =	sshrl.u32 s25, $0x3  }
0xf0: {  	[hbm:s24], [sflag:s2] =	dma.local [spmem:s23], $0x400  }
0xf1: {  	_ =	swait.ge [sflag:s0], $0x400  }
0xf2: {  	[sflag:s0] =	ssyncset.done $0x0;
	s26 =	rddreg [dreg:$0x10]  }
0xf3: {  	s24 =	rddreg [dreg:$0x6];
	[sflag:s0] =	ssyncadd.s32 $0xFFFFFC00;
	s23 =	sshrl.u32 s26, $0x3  }
0xf4: {  	[hbm:s24], [sflag:s2] =	dma.local [spmem:s23], $0x400  }
0xf5: {  	_ =	swait.ge [sflag:s0], $0x400  }
0xf6: {  	[sflag:s0] =	ssyncset.done $0x0;
	s28 =	rddreg [dreg:$0x11]  }
0xf7: {  	s24 =	rddreg [dreg:$0x7];
	[sflag:s0] =	ssyncadd.s32 $0xFFFFFC00;
	s23 =	sshrl.u32 s28, $0x3  }
0xf8: {  	[hbm:s24], [sflag:s2] =	dma.local [spmem:s23], $0x400  }
0xf9: {  	_ =	swait.ge [sflag:s0], $0x400  }
0xfa: {  	[sflag:s0] =	ssyncset.done $0x0;
	s29 =	rddreg [dreg:$0x12]  }
0xfb: {  	s24 =	rddreg [dreg:$0x8];
	[sflag:s0] =	ssyncadd.s32 $0xFFFFFC00;
	s23 =	sshrl.u32 s29, $0x3  }
0xfc: {  	[hbm:s24], [sflag:s2] =	dma.local [spmem:s23], $0x400  }
0xfd: {  	_ =	swait.ge [sflag:s0], $0x400  }
0xfe: {  	[sflag:s0] =	ssyncset.done $0x0;
	s24 =	rddreg [dreg:$0x13]  }
0xff: {  	[sflag:s0] =	ssyncadd.s32 $0xFFFFFC00;
	s23 =	sshrl.u32 s24, $0x3;
	s24 =	rddreg [dreg:$0x9]  }
0x100: {  	[hbm:s24], [sflag:s2] =	dma.local [spmem:s23], $0x400  }
0x101: {  	_ =	swait.ge [sflag:s0], $0x400  }
0x102: {  	[sflag:s0] =	ssyncset.done $0x0;
	s24 =	rddreg [dreg:$0x14]  }
0x103: {  	[sflag:s0] =	ssyncadd.s32 $0xFFFFFC00;
	s23 =	sshrl.u32 s24, $0x3;
	s24 =	rddreg [dreg:$0xa]  }
0x104: {  	[hbm:s24], [sflag:s2] =	dma.local [spmem:s23], $0x400  }
0x105: {  	_ =	swait.ge [sflag:s0], $0x400  }
0x106: {  	[sflag:s0] =	ssyncset.done $0x0;
	s24 =	rddreg [dreg:$0x15]  }
0x107: {  	[sflag:s0] =	ssyncadd.s32 $0xFFFFFC00;
	s23 =	sshrl.u32 s24, $0x3;
	s24 =	rddreg [dreg:$0xb]  }
0x108: {  	[hbm:s24], [sflag:s2] =	dma.local [spmem:s23], $0x400  }
0x109: {  	_ =	swait.ge [sflag:s0], $0x400  }
0x10a: {  	[sflag:s0] =	ssyncset.done $0x0;
	s24 =	rddreg [dreg:$0x16]  }
0x10b: {  	[sflag:s0] =	ssyncadd.s32 $0xFFFFFC00;
	s23 =	sshrl.u32 s24, $0x3;
	s24 =	rddreg [dreg:$0xc]  }
0x10c: {  	[hbm:s24], [sflag:s2] =	dma.local [spmem:s23], $0x400  }
0x10d: {  	_ =	swait.ge [sflag:s0], $0x400  }
0x10e: {  	[sflag:s0] =	ssyncset.done $0x0;
	s24 =	rddreg [dreg:$0x17]  }
0x10f: {  	[sflag:s0] =	ssyncadd.s32 $0xFFFFFC00;
	s23 =	sshrl.u32 s24, $0x3;
	s24 =	rddreg [dreg:$0xd]  }
0x110: {  	[hbm:s24], [sflag:s2] =	dma.local [spmem:s23], $0x400  }
0x111: {  	_ =	swait.ge [sflag:s0], $0x400  }
0x112: {  	[sflag:s0] =	ssyncset.done $0x0;
	s24 =	rddreg [dreg:$0x18]  }
0x113: {  	[sflag:s0] =	ssyncadd.s32 $0xFFFFFC00;
	s23 =	sshrl.u32 s24, $0x3;
	s24 =	rddreg [dreg:$0xe]  }
0x114: {  	[hbm:s24], [sflag:s2] =	dma.local [spmem:s23], $0x400  }
0x115: {  	_ =	swait.ge [sflag:s0], $0x400  }
0x116: {  	s2 =	rddreg [dreg:$0x4]  }
0x117: {  	s24 =	rddreg [dreg:$0x19];
	s23 =	sadd.s32 $0x1, s2  }
0x118: {  	p0 =	sne.s32 s23, s24  }
.Ltmp4:
0x119: {  	_ = 	snop;
	(pc) =	sbr.rel @p0 .LBB2_1-.Ltmp4, $3  }
0x11a: {  	_ =	sdelay $0x1  }
0x11b: {  	[sflag:s0] =	ssyncset.done $0x0  }
0x11c: {  	[sflag:s0] =	ssyncadd.s32 $0xFFFFFC00  }
0x11d: {  	_ =	sfence.sel $0x180000  }
0x11e: {  	[bflag:$0x0] =	sbarrier.arrive $0xFFFF  }
0x11f: {  	_ =	strace $0x90000047  }
0x120: {  	s0 =	stileid.u32;
	[bflag:$0x2] =	sbarrier.arrive $0xFFFF  }
0x121: {  	p0 =	sne.s32 s0, $0x0;
	s0 =	rddreg [dreg:$0x3]  }
0x122: {  	s0 =	sadd.s32 @!p0 $0x100000, s0  }
0x123: {  	[sflag:s0] =	ssyncadd.tile.s32 @!p0 $0x1;
	_ =	shalt  }
.Lfunc_end2:
_tile_overlayer_lowered:
.L_overlay_start_2:
0x124: {  	(tag) =	ssettag $0x2  }
0x125: {  	s0 =	rddreg [dreg:$0x0];
	s2 =	stileid.u32  }
0x126: {  	s1 =	rddreg [dreg:$0x1];
	p0 =	sne.s32 s2, $0x0  }
0x127: {  	s3 =	rddreg [dreg:$0x2];
	[bflag:$0x3] =	sbarrier.arrive $0xFFFF;
	s2 =	simm.s32 @!p0 $0x1C03  }
0x128: {  	[timem:s3], [sflag:s2] =	dma.local @!p0 [hbm:s0], s1  }
0x129: {  	s0 =	simm.s32 @!p0 $0x3  }
0x12a: {  	_ =	swait.ge @!p0 [sflag:s0], s1  }
0x12b: {  	s1 =	ssub.s32 @!p0 $0x0, s1;
	[sflag:s0] =	ssyncset.done @!p0 $0x0  }
0x12c: {  	[sflag:s0] =	ssyncadd.s32 @!p0 s1  }
0x12d: {  	[bflag:$0x3] =	sbarrier.arrive $0xFFFF  }
0x12e: {  	_ =	shalt  }

// kernel: kernel.16.cloned.1.call-start
scs
__scs_entry_jumppad:
0x0: {  	(pc) =	sbr.rel $0x88, $3  }
0x1: {  	(tag) =	ssettag $0x0;
	lr =	simm.s32 $0x1  }
0x2: {  	[smem:$0x3F8E] =	sst lr;
	_ =	strace $0xD0000000  }
0x3: {  	_ = 	snop  }
0x4: {  	_ = 	snop  }
0x5: {  	_ = 	snop  }
0x6: {  	_ = 	snop  }
0x7: {  	_ = 	snop  }
__scs_overlays_trampoline_lowered:
0x8: {  	[smem:$0x3F9D] =	sst s0  }
0x9: {  	[smem:$0x3F9E] =	sst s1  }
0xa: {  	[smem:$0x3F9F] =	sst s2  }
0xb: {  	[smem:$0x3FA0] =	sst s3  }
0xc: {  	[smem:$0x3FA1] =	sst s4  }
0xd: {  	[smem:$0x3FA2] =	sst s5  }
0xe: {  	[smem:$0x3FA3] =	sst s6  }
0xf: {  	[smem:$0x3FA4] =	sst s7  }
0x10: {  	[smem:$0x3FA5] =	sst s8  }
0x11: {  	[smem:$0x3FA6] =	sst s9;
	s0 =	simm.s32 @!p0 $0x0  }
0x12: {  	s1 =	sld [smem:$0x3F8C];
	s0 =	simm.s32 @p0 $0x1  }
0x13: {  	[smem:$0x3FA7] =	sst s0;
	s0 =	simm.s32 @!p1 $0x0  }
0x14: {  	s2 =	sld [smem:$0x3F8B];
	s0 =	simm.s32 @p1 $0x1  }
0x15: {  	[smem:$0x3FA8] =	sst s0;
	s0 =	simm.s32 @!p2 $0x0  }
0x16: {  	s3 =	sld [smem:$0x3FDB];
	s0 =	simm.s32 @p2 $0x1  }
0x17: {  	s4 =	simm.s32 $0x1BF5;
	[smem:$0x3FAA] =	sst s0  }
0x18: {  	s0 =	sld [smem:$0x3F8D];
	_ =	swait.ge [sflag:s4], $0x0  }
0x19: {  	s7 =	sld [smem:$0x3F8E]  }
0x1a: {  	s8 =	sadd.s32 $0xFFFFE003, lr  }
0x1b: {  	s9 =	sadd.s32 $0xFFFFFEF7, lr;
	s5 =	simm.s32 $0xFFFFFFFF;
	p2 =	slt.u32 s8, $0xFFFFF086  }
0x1c: {  	p1 =	slt.u32 s9, $0xF7A;
	s5 =	simm.s32 @!p2 $0x0  }
0x1d: {  	s5 =	simm.s32 @p1 $0x1;
	p0 =	seq.s32 s7, s2  }
0x1e: {  	s7 =	smul.u32 @!p0 $0xF7A, s2;
	p2 =	seq.s32 @!p0 s5, $0x0  }
0x1f: {  	s9 =	smul.u32 $0xF7A, s1;
	s8 =	simm.s32 @!p0 $0x1BF5;
	p2 =	por !p2, p0  }
0x20: {  	[sflag:s8] =	ssyncset.s32 @!p0 $0xFFFFF086;
	s6 =	sadd.s32 @!p0 s3, s7;
	s7 =	simm.s32 @!p0 $0x108  }
0x21: {  	s3 =	sadd.s32 s3, s9;
	s6 =	sadd.s32 @!p0 $0x88, s6;
	s7 =	simm.s32 @p2 $0x1082  }
0x22: {  	[simem:s7], [sflag:s8] =	dma.local @!p0 [hbm:s6], $0xF7A  }
0x23: {  	s9 =	sor.u32 $0xD0000000, s2;
	s6 =	simm.s32 $0x108;
	_ =	swait.ge @!p0 [sflag:s8], $0x0  }
0x24: {  	s3 =	sadd.s32 $0x88, s3;
	s6 =	simm.s32 @!p1 $0x1082;
	[sflag:s4] =	ssyncset.s32 $0xFFFFF086  }
0x25: {  	[simem:s6], [sflag:s4] =	dma.local [hbm:s3], $0xF7A  }
0x26: {  	[smem:$0x3F8E] =	sst s1;
	(tag) =	ssettag s2;
	_ =	strace s9  }
0x27: {  	s1 =	sld [smem:$0x3F9E]  }
0x28: {  	s2 =	sld [smem:$0x3F9F]  }
0x29: {  	s4 =	sld [smem:$0x3FA1]  }
0x2a: {  	p0 =	seq.s32 s5, $0x0;
	s5 =	sld [smem:$0x3FA2]  }
0x2b: {  	s6 =	sld [smem:$0x3FA3]  }
0x2c: {  	s7 =	sld [smem:$0x3FA4]  }
0x2d: {  	s3 =	simm.s32 $0x108;
	s8 =	sld [smem:$0x3FA5]  }
0x2e: {  	s3 =	simm.s32 @!p0 $0x1082;
	s9 =	sld [smem:$0x3FA6]  }
0x2f: {  	lr =	sadd.s32 s0, s3;
	s0 =	sld [smem:$0x3F9D]  }
0x30: {  	s3 =	sld [smem:$0x3FA0]  }
0x31: {  	[smem:$0x3FA9] =	sst s10  }
0x32: {  	s10 =	sld [smem:$0x3FA7];
	_ =	sdelay $0x3  }
0x33: {  	p0 =	seq.s32 s10, $0x1;
	s10 =	sld [smem:$0x3FA9];
	_ =	sdelay $0x3  }
0x34: {  	[smem:$0x3FA9] =	sst s10  }
0x35: {  	s10 =	sld [smem:$0x3FA8];
	_ =	sdelay $0x3  }
0x36: {  	p1 =	seq.s32 s10, $0x1;
	s10 =	sld [smem:$0x3FA9];
	_ =	sdelay $0x3  }
0x37: {  	[smem:$0x3FA9] =	sst s10  }
0x38: {  	s10 =	sld [smem:$0x3FAA]  }
0x39: {  	_ = 	snop;
	(pc) =	sbr.ind lr, $3  }
0x3a: {  	_ = 	snop  }
0x3b: {  	_ = 	snop  }
0x3c: {  	p2 =	seq.s32 s10, $0x1;
	s10 =	sld [smem:$0x3FA9]  }
0x3d: {  	_ =	shalt  }
0x3e: {  	_ =	shalt  }
0x3f: {  	_ =	shalt  }
0x40: {  	_ =	shalt  }
0x41: {  	_ =	shalt  }
0x42: {  	_ =	shalt  }
0x43: {  	_ =	shalt  }
0x44: {  	_ =	shalt  }
0x45: {  	_ =	shalt  }
0x46: {  	_ =	shalt  }
0x47: {  	_ =	shalt  }
0x48: {  	_ =	shalt  }
0x49: {  	_ =	shalt  }
0x4a: {  	_ =	shalt  }
0x4b: {  	_ =	shalt  }
0x4c: {  	_ =	shalt  }
0x4d: {  	_ =	shalt  }
0x4e: {  	_ =	shalt  }
0x4f: {  	_ =	shalt  }
0x50: {  	_ =	shalt  }
0x51: {  	_ =	shalt  }
0x52: {  	_ =	shalt  }
0x53: {  	_ =	shalt  }
0x54: {  	_ =	shalt  }
0x55: {  	_ =	shalt  }
0x56: {  	_ =	shalt  }
0x57: {  	_ =	shalt  }
0x58: {  	_ =	shalt  }
0x59: {  	_ =	shalt  }
0x5a: {  	_ =	shalt  }
0x5b: {  	_ =	shalt  }
0x5c: {  	_ =	shalt  }
0x5d: {  	_ =	shalt  }
0x5e: {  	_ =	shalt  }
0x5f: {  	_ =	shalt  }
0x60: {  	_ =	shalt  }
0x61: {  	_ =	shalt  }
0x62: {  	_ =	shalt  }
0x63: {  	_ =	shalt  }
0x64: {  	_ =	shalt  }
0x65: {  	_ =	shalt  }
0x66: {  	_ =	shalt  }
0x67: {  	_ =	shalt  }
0x68: {  	_ =	shalt  }
0x69: {  	_ =	shalt  }
0x6a: {  	_ =	shalt  }
0x6b: {  	_ =	shalt  }
0x6c: {  	_ =	shalt  }
0x6d: {  	_ =	shalt  }
0x6e: {  	_ =	shalt  }
0x6f: {  	_ =	shalt  }
0x70: {  	_ =	shalt  }
0x71: {  	_ =	shalt  }
0x72: {  	_ =	shalt  }
0x73: {  	_ =	shalt  }
0x74: {  	_ =	shalt  }
0x75: {  	_ =	shalt  }
0x76: {  	_ =	shalt  }
0x77: {  	_ =	shalt  }
0x78: {  	_ =	shalt  }
0x79: {  	_ =	shalt  }
0x7a: {  	_ =	shalt  }
0x7b: {  	_ =	shalt  }
0x7c: {  	_ =	shalt  }
0x7d: {  	_ =	shalt  }
0x7e: {  	_ =	shalt  }
0x7f: {  	_ =	shalt  }
0x80: {  	_ =	shalt  }
0x81: {  	_ =	shalt  }
0x82: {  	_ =	shalt  }
0x83: {  	_ =	shalt  }
0x84: {  	_ =	shalt  }
0x85: {  	_ =	shalt  }
0x86: {  	_ =	shalt  }
0x87: {  	_ =	shalt  }
.Lfunc_end0:
.L_simem_size_0:
called_computation.2_lowered:
.L_overlay_start_0:
0x88: {  	s2 =	sld [smem:$0x3FD9]  }
0x89: {  	s3 =	sld [smem:$0x3FFE];
	_ =	sdelay $0x1  }
0x8a: {  	s1 =	srdreg.scid  }
0x8b: {  	s0 =	sand.u32 $0x1, s1  }
0x8c: {  	s17 =	sshll.u32 s0, $0xA;
	s2 =	sadd.s32 s3, s2  }
0x8d: {  	s2 =	sadd.s32 s2, s17  }
0x8e: {  	[smem:$0x3FB5] =	sst s2  }
0x8f: {  	_ = 	snop  }
0x90: {  	s2 =	sld [smem:$0x3FD0];
	(tm) =	ssettm $0x1  }
0x91: {  	s18 =	sld [smem:$0x3FFB];
	_ =	sdelay $0x3  }
0x92: {  	_ =	strace s18  }
0x93: {  	s3 =	sld [smem:$0x3FFC];
	_ =	sdelay $0x3  }
0x94: {  	_ =	strace s3  }
0x95: {  	s3 =	sld [smem:$0x3FFD];
	_ =	sdelay $0x3  }
0x96: {  	_ =	strace s3  }
0x97: {  	_ =	strace $0x8FFFFFFF  }
0x98: {  	s19 =	sld [smem:$0x3FDB];
	_ =	sdelay $0x1  }
0x99: {  	s4 =	simm.s32 $_scs_section_size  }
0x9a: {  	s5 =	simm.s32 $_size__tile_overlayer_lowered;
	s6 =	simm.s32 $_tile_overlayer_lowered  }
0x9b: {  	s22 =	simm.s32 $0x1BFF;
	s21 =	sshll.u32 s6, $0x1;
	s3 =	sadd.s32 s4, s19  }
0x9c: {  	s7 =	simm.s32 $0x0;
	s20 =	sshll.u32 s5, $0x1;
	s5 =	sadd.s32 s21, s3  }
0x9d: {  	[timem:s7], [sflag:s22] =	dma.local [hbm:s5], s20  }
0x9e: {  	_ =	swait.ge [sflag:s22], s20  }
0x9f: {  	s4 =	ssub.s32 $0x0, s20;
	[sflag:s22] =	ssyncset.done $0x0  }
0xa0: {  	[sflag:s22] =	ssyncadd.s32 s4;
	_ =	sdelay $0x1  }
0xa1: {  	s23 =	simm.s32 $0x1B8B  }
0xa2: {  	_ =	swait.ge [sflag:s23], $0x1  }
0xa3: {  	[sflag:s23] =	ssyncset.done $0x0  }
0xa4: {  	s25 =	simm.s32 $0x1B8E;
	s24 =	sld [smem:$0x3FFE];
	[sflag:s23] =	ssyncadd.s32 $0xFFFFFFFF  }
0xa5: {  	s26 =	simm.s32 $execute0_lowered;
	[smem:$0x3FD2] =	sst s25  }
0xa6: {  	s5 =	sshll.u32 s26, $0x1;
	_ =	strace $0x8000004C;
	[dreg:$0x1] =	wrdreg $0xFFFFFFFF  }
0xa7: {  	s28 =	simm.s32 $_size_execute0_lowered;
	s3 =	sadd.s32 s3, s5;
	[dreg:$0x0] =	wrdreg $0x0  }
0xa8: {  	s5 =	sshll.u32 s28, $0x1;
	[dreg:$0x2] =	wrdreg s3  }
0xa9: {  	[dreg:$0x3] =	wrdreg s5  }
0xaa: {  	[dreg:$0x4] =	wrdreg $0xC0  }
0xab: {  	_ =	task [dreg:s7], $0x5FFFF  }
0xac: {  	[dreg:$0x1] =	wrdreg $0xFFFFFFFF  }
0xad: {  	[dreg:$0x0] =	wrdreg $0x60  }
0xae: {  	[dreg:$0x2] =	wrdreg s24  }
0xaf: {  	[dreg:$0x3] =	wrdreg s2  }
0xb0: {  	[dreg:$0x4] =	wrdreg $0x90000  }
0xb1: {  	[dreg:$0x5] =	wrdreg $0x9  }
0xb2: {  	_ =	task.clear_ibuf [dreg:s7], $0x6FFFF;
	_ =	strace $0x9000004C  }
0xb3: {  	s29 =	simm.s32 $0x9;
	_ =	strace $0x8000004E  }
0xb4: {  	_ =	swait.ge [sflag:s29], $0x1  }
0xb5: {  	[sflag:s29] =	ssyncadd.s32 $0xFFFFFFFF  }
0xb6: {  	_ =	strace $0x9000004E  }
0xb7: {  	_ =	sfence  }
0xb8: {  	s30 =	sld [smem:$0x0];
	_ =	sdelay $0x2  }
0xb9: {  	s31 =	sshll.u32 s1, $0xD;
	s1 =	sshrl.u32 s1, $0x2  }
0xba: {  	s3 =	sand.u32 $0x4000, s31;
	s1 =	sadd.s32 s1, s30  }
0xbb: {  	s0 =	sor.u32 s3, s0;
	s1 =	sshll.u32 s1, $0x11  }
0xbc: {  	s0 =	sor.u32 s1, s0  }
0xbd: {  	s0 =	sadd.s32 $0x8F2B, s0  }
0xbe: {  	[sflag:s0] =	ssyncadd.remote.s32 $0x1  }
0xbf: {  	_ =	sfence.sel $0xFFFF  }
0xc0: {  	[dreg:$0x0] =	wrdreg $0xFFFFFFFF;
	(pc) =	sbr.abs _section_cstart, $3  }
0xc1: {  	[dreg:$0x1] =	wrdreg $0xFFFFFFFF  }
0xc2: {  	_ =	task.clear_ibuf [dreg:s7], $0x2FFFF;
	_ =	strace $0x9FFFFFFF  }
0xc3: {  	(tm) =	ssettm $0x7FFFFFFF  }
tec
execute0_lowered:
.L_overlay_start_1:
0x0: {  	(tag) =	ssettag $0x1  }
0x1: {  	s0 =	srdreg.scid;
	s3 =	rddreg [dreg:$0x0]  }
0x2: {  	s1 =	rddreg [dreg:$0x1];
	s2 =	stileid.u32;
	s23 =	simm.s32 $0x0  }
0x3: {  	s30 =	simm.s32 $0x6000;
	s0 =	sand.u32 $0x1, s0;
	s6 =	smul.u32 $0x14000, s2  }
0x4: {  	[smem:$0x7FF] =	sst s23;
	s7 =	sadd.s32 $0x108000, s3;
	s31 =	smul.u32 $0x28, s2  }
0x5: {  	s4 =	ssub.s32 $0x2, s0;
	s12 =	smul.u32 $0x140000, s0;
	s0 =	sshll.u32 s0, $0x6  }
0x6: {  	s5 =	sshrl.u32 s4, $0x1;
	s8 =	sadd.s32 $0x4000, s6;
	s9 =	sadd.s32 $0x6000, s6  }
0x7: {  	s10 =	sadd.s32 $0x8000, s6;
	s11 =	sadd.s32 $0xA000, s6;
	s13 =	sadd.s32 $0xC000, s6  }
0x8: {  	s14 =	sadd.s32 $0xE000, s6;
	s19 =	sadd.s32 $0x10000, s6;
	s20 =	sadd.s32 $0x12000, s6  }
0x9: {  	s4 =	ssub.s32 s4, s5;
	s5 =	sor.u32 $0x2000, s6;
	s6 =	sadd.s32 s6, s12  }
0xa: {  	s16 =	sadd.s32 s12, s8;
	s22 =	sadd.s32 s12, s9;
	s24 =	sadd.s32 s12, s10  }
0xb: {  	s25 =	sadd.s32 s12, s11;
	s15 =	sadd.s32 s12, s5;
	s6 =	sshrl.u32 s6, $0x3  }
0xc: {  	s17 =	sadd.s32 s12, s14;
	s15 =	sshrl.u32 s15, $0x3;
	s6 =	sadd.s32 s7, s6  }
0xd: {  	s21 =	sshrl.u32 s16, $0x3;
	[dreg:$0x5] =	wrdreg s6;
	s18 =	sadd.s32 s7, s15  }
0xe: {  	s16 =	sadd.s32 s12, s13;
	s6 =	sadd.s32 s7, s21;
	[dreg:$0x6] =	wrdreg s18  }
0xf: {  	s15 =	sshrl.u32 s24, $0x3;
	s24 =	sadd.s32 s12, s20;
	[dreg:$0x7] =	wrdreg s6  }
0x10: {  	s6 =	sshrl.u32 s22, $0x3;
	s26 =	sadd.s32 s7, s15;
	s15 =	sshrl.u32 s25, $0x3  }
0x11: {  	s18 =	sadd.s32 s12, s19;
	s12 =	rddreg [dreg:$0x2];
	s25 =	smul.u32 $0x50000, s2  }
0x12: {  	s6 =	sadd.s32 s7, s6;
	[dreg:$0x9] =	wrdreg s26;
	s22 =	sshrl.u32 s18, $0x3  }
0x13: {  	s26 =	sshrl.u32 s24, $0x3;
	s18 =	sadd.s32 $0x2C000, s3;
	s28 =	sadd.s32 s8, s12  }
0x14: {  	s29 =	sadd.s32 s9, s12;
	s10 =	sadd.s32 s10, s12;
	s11 =	sadd.s32 s11, s12  }
0x15: {  	s13 =	sadd.s32 s13, s12;
	s14 =	sadd.s32 s14, s12;
	s19 =	sadd.s32 s19, s12  }
0x16: {  	[dreg:$0x8] =	wrdreg s6;
	s6 =	sadd.s32 s7, s15;
	s15 =	sshrl.u32 s17, $0x3  }
0x17: {  	[dreg:$0xa] =	wrdreg s6;
	s6 =	sshrl.u32 s16, $0x3;
	s21 =	sadd.s32 s7, s15  }
0x18: {  	s20 =	sadd.s32 s20, s12;
	s6 =	sadd.s32 s7, s6;
	[dreg:$0xc] =	wrdreg s21  }
0x19: {  	s24 =	sor.u32 $0x1000, s0;
	[dreg:$0xb] =	wrdreg s6;
	s6 =	sadd.s32 s7, s22  }
0x1a: {  	s8 =	simm.s32 $0x3000;
	[dreg:$0xd] =	wrdreg s6;
	s6 =	sadd.s32 s7, s26  }
0x1b: {  	s9 =	simm.s32 $0x1;
	s17 =	sadd.s32 $0x18000, s3;
	[dreg:$0xe] =	wrdreg s6  }
0x1c: {  	s15 =	sadd.s32 $0x68000, s3;
	_ =	strace $0x8000004D;
	[dreg:$0x13] =	wrdreg s10  }
0x1d: {  	s16 =	sadd.s32 $0x4000, s3;
	s3 =	simm.s32 $0x400;
	[dreg:$0x14] =	wrdreg s11  }
0x1e: {  	s21 =	smax.u32 s4, $0x1;
	s4 =	simm.s32 $0x800;
	[dreg:$0x15] =	wrdreg s13  }
0x1f: {  	s22 =	sor.u32 $0x3000, s0;
	s0 =	simm.s32 $0x3;
	[dreg:$0x16] =	wrdreg s14  }
0x20: {  	s7 =	sshrl.u32 s25, $0x2;
	s26 =	sadd.s32 s5, s12;
	[dreg:$0x17] =	wrdreg s19  }
0x21: {  	s5 =	simm.s32 $0xC00;
	v1 =	vmov s22;
	s22 =	simm.s32 $0x2;
	[dreg:$0x18] =	wrdreg s20  }
0x22: {  	s25 =	sadd.s32 s7, s12;
	s6 =	simm.s32 $0x40;
	[dreg:$0x19] =	wrdreg s21  }
0x23: {  	s7 =	simm.s32 $0x1000;
	s11 =	simm.s32 $0x5000;
	[dreg:$0xf] =	wrdreg s25  }
0x24: {  	s10 =	simm.s32 $0x7000;
	s13 =	simm.s32 $0x5800;
	[dreg:$0x10] =	wrdreg s26  }
0x25: {  	s14 =	simm.s32 $0x7800;
	s19 =	simm.s32 $0x8000;
	[dreg:$0x11] =	wrdreg s28  }
0x26: {  	v2 =	vimm.f32 $0.0e+00;
	vm0 =	vmmov $0xffff;
	v0 =	vmov s24;
	s20 =	simm.s32 $0x6800;
	s21 =	simm.s32 $0x8800;
	[dreg:$0x12] =	wrdreg s29  }
.LBB2_1:
0x27: {  	[dreg:$0x4] =	wrdreg s23;
	s23 =	simm.s32 $0x0;
	s24 =	simm.s32 $0x200  }
.LBB2_2:
0x28: {  	p0 =	sne.s32 s24, $0x7E00;
	[tilespmem:s23+$0x7070] =	vst v2  }
0x29: {  	[tilespmem:s23+$0x5000] =	vst v2  }
0x2a: {  	[tilespmem:s23+$0x7000] =	vst v2  }
0x2b: {  	[tilespmem:s23+$0x5010] =	vst v2  }
0x2c: {  	[tilespmem:s23+$0x7010] =	vst v2  }
0x2d: {  	[tilespmem:s23+$0x5020] =	vst v2  }
0x2e: {  	[tilespmem:s23+$0x7020] =	vst v2  }
0x2f: {  	[tilespmem:s23+$0x5030] =	vst v2  }
0x30: {  	[tilespmem:s23+$0x7030] =	vst v2  }
0x31: {  	[tilespmem:s23+$0x5040] =	vst v2  }
0x32: {  	[tilespmem:s23+$0x7040] =	vst v2  }
.Ltmp0:
0x33: {  	[tilespmem:s23+$0x5050] =	vst v2;
	(pc) =	sbr.rel @p0 .LBB2_2-.Ltmp0, $4  }
0x34: {  	[tilespmem:s23+$0x7050] =	vst v2  }
0x35: {  	[tilespmem:s23+$0x5060] =	vst v2  }
0x36: {  	[tilespmem:s23+$0x7060] =	vst v2  }
0x37: {  	[tilespmem:s23+$0x5070] =	vst v2;
	s23 =	sshra.s32 s24, $0x2;
	s24 =	sadd.s32 $0x200, s24  }
0x38: {  	[tilespmem:s23+$0x7070] =	vst v2  }
0x39: {  	[tilespmem:s23+$0x5000] =	vst v2  }
0x3a: {  	[tilespmem:s23+$0x7000] =	vst v2  }
0x3b: {  	[tilespmem:s23+$0x5010] =	vst v2  }
0x3c: {  	[tilespmem:s23+$0x7010] =	vst v2  }
0x3d: {  	[tilespmem:s23+$0x5020] =	vst v2  }
0x3e: {  	[tilespmem:s23+$0x7020] =	vst v2  }
0x3f: {  	[tilespmem:s23+$0x5030] =	vst v2  }
0x40: {  	[tilespmem:s23+$0x7030] =	vst v2  }
0x41: {  	[tilespmem:s23+$0x5040] =	vst v2  }
0x42: {  	[tilespmem:s23+$0x7040] =	vst v2  }
0x43: {  	[tilespmem:s23+$0x5050] =	vst v2  }
0x44: {  	[tilespmem:s23+$0x7050] =	vst v2  }
0x45: {  	[tilespmem:s23+$0x5060] =	vst v2  }
0x46: {  	[tilespmem:s23+$0x7060] =	vst v2  }
0x47: {  	[tilespmem:s23+$0x5070] =	vst v2  }
0x48: {  	[spmem:s25] =	stream.linear.scatter [tilespmem:s11], [sflag:$0x3], $0x2000, $0x38;
	[tilespmem:$0x1D000] =	vst v63  }
0x49: {  	_ =	swait.ge [sflag:s0], $0x2000  }
0x4a: {  	[sflag:s0] =	ssyncset.done $0x0  }
0x4b: {  	[sflag:s0] =	ssyncadd.s32 $0xFFFFE000  }
0x4c: {  	[spmem:s26] =	stream.linear.scatter [tilespmem:s11], [sflag:$0x3], $0x2000, $0x38;
	[tilespmem:$0x1D000] =	vst v63  }
0x4d: {  	_ =	swait.ge [sflag:s0], $0x2000  }
0x4e: {  	[sflag:s0] =	ssyncset.done $0x0  }
0x4f: {  	[sflag:s0] =	ssyncadd.s32 $0xFFFFE000  }
0x50: {  	[spmem:s28] =	stream.linear.scatter [tilespmem:s11], [sflag:$0x3], $0x2000, $0x38;
	[tilespmem:$0x1D000] =	vst v63  }
0x51: {  	_ =	swait.ge [sflag:s0], $0x2000  }
0x52: {  	[sflag:s0] =	ssyncset.done $0x0  }
0x53: {  	[sflag:s0] =	ssyncadd.s32 $0xFFFFE000  }
0x54: {  	[spmem:s29] =	stream.linear.scatter [tilespmem:s11], [sflag:$0x3], $0x2000, $0x38;
	[tilespmem:$0x1D000] =	vst v63  }
0x55: {  	_ =	swait.ge [sflag:s0], $0x2000  }
0x56: {  	[sflag:s0] =	ssyncset.done $0x0  }
0x57: {  	s2 =	rddreg [dreg:$0x13];
	[sflag:s0] =	ssyncadd.s32 $0xFFFFE000  }
0x58: {  	[spmem:s2] =	stream.linear.scatter [tilespmem:s11], [sflag:$0x3], $0x2000, $0x38;
	[tilespmem:$0x1D000] =	vst v63  }
0x59: {  	_ =	swait.ge [sflag:s0], $0x2000  }
0x5a: {  	[sflag:s0] =	ssyncset.done $0x0  }
0x5b: {  	s24 =	rddreg [dreg:$0x14];
	[sflag:s0] =	ssyncadd.s32 $0xFFFFE000  }
0x5c: {  	[spmem:s24] =	stream.linear.scatter [tilespmem:s11], [sflag:$0x3], $0x2000, $0x38;
	[tilespmem:$0x1D000] =	vst v63  }
0x5d: {  	_ =	swait.ge [sflag:s0], $0x2000  }
0x5e: {  	[sflag:s0] =	ssyncset.done $0x0  }
0x5f: {  	s25 =	rddreg [dreg:$0x15];
	[sflag:s0] =	ssyncadd.s32 $0xFFFFE000  }
0x60: {  	[spmem:s25] =	stream.linear.scatter [tilespmem:s11], [sflag:$0x3], $0x2000, $0x38;
	[tilespmem:$0x1D000] =	vst v63  }
0x61: {  	_ =	swait.ge [sflag:s0], $0x2000  }
0x62: {  	[sflag:s0] =	ssyncset.done $0x0  }
0x63: {  	s26 =	rddreg [dreg:$0x16];
	[sflag:s0] =	ssyncadd.s32 $0xFFFFE000  }
0x64: {  	[spmem:s26] =	stream.linear.scatter [tilespmem:s11], [sflag:$0x3], $0x2000, $0x38;
	[tilespmem:$0x1D000] =	vst v63  }
0x65: {  	_ =	swait.ge [sflag:s0], $0x2000  }
0x66: {  	[sflag:s0] =	ssyncset.done $0x0  }
0x67: {  	s28 =	rddreg [dreg:$0x17];
	[sflag:s0] =	ssyncadd.s32 $0xFFFFE000  }
0x68: {  	[spmem:s28] =	stream.linear.scatter [tilespmem:s11], [sflag:$0x3], $0x2000, $0x38;
	[tilespmem:$0x1D000] =	vst v63  }
0x69: {  	_ =	swait.ge [sflag:s0], $0x2000  }
0x6a: {  	[sflag:s0] =	ssyncset.done $0x0  }
0x6b: {  	s29 =	rddreg [dreg:$0x18];
	[sflag:s0] =	ssyncadd.s32 $0xFFFFE000  }
0x6c: {  	[spmem:s29] =	stream.linear.scatter [tilespmem:s11], [sflag:$0x3], $0x2000, $0x38;
	[tilespmem:$0x1D000] =	vst v63  }
0x6d: {  	_ =	swait.ge [sflag:s0], $0x2000  }
0x6e: {  	[sflag:s0] =	ssyncset.done $0x0  }
0x6f: {  	[sflag:s0] =	ssyncadd.s32 $0xFFFFE000  }
0x70: {  	s23 =	simm.s32 $0x0;
	s24 =	simm.s32 $0x0;
	[bflag:$0x0] =	sbarrier.arrive $0xFFFF  }
.LBB2_4:
0x71: {  	s25 =	sadd.s32 s31, s24  }
0x72: {  	s25 =	sshll.u32 s25, $0x7  }
0x73: {  	s26 =	sadd.s32 s1, s25  }
0x74: {  	[tilespmem:s23], [sflag:$0x3] =	stream.linear.gather [hbm4b:s26+s23], $0x400, $0x38;
	[tilespmem:$0x1D000] =	vst v63  }
0x75: {  	_ =	swait.ge [sflag:s0], $0x400  }
0x76: {  	[sflag:s0] =	ssyncset.done $0x0  }
0x77: {  	s28 =	sadd.s32 s16, s25;
	[sflag:s0] =	ssyncadd.s32 $0xFFFFFC00  }
0x78: {  	[tilespmem:s3], [sflag:$0x3] =	stream.linear.gather [hbm4b:s28+s23], $0x400, $0x38;
	[tilespmem:$0x1D000] =	vst v63  }
0x79: {  	_ =	swait.ge [sflag:s0], $0x400  }
0x7a: {  	[sflag:s0] =	ssyncset.done $0x0  }
0x7b: {  	s29 =	sadd.s32 s17, s25;
	[sflag:s0] =	ssyncadd.s32 $0xFFFFFC00  }
0x7c: {  	[tilespmem:s4], [sflag:$0x3] =	stream.linear.gather [hbm4b:s29+s23], $0x400, $0x38;
	[tilespmem:$0x1D000] =	vst v63  }
0x7d: {  	_ =	swait.ge [sflag:s0], $0x400  }
0x7e: {  	[sflag:s0] =	ssyncset.done $0x0  }
0x7f: {  	s25 =	sadd.s32 s18, s25;
	[sflag:s0] =	ssyncadd.s32 $0xFFFFFC00  }
0x80: {  	[tilespmem:s5], [sflag:$0x3] =	stream.linear.gather [hbm4b:s25+s23], $0x400, $0x38;
	[tilespmem:$0x1D000] =	vst v63  }
0x81: {  	_ =	swait.ge [sflag:s0], $0x400  }
0x82: {  	[sflag:s0] =	ssyncset.done $0x0  }
0x83: {  	s25 =	simm.s32 $0x0;
	[sflag:s0] =	ssyncadd.s32 $0xFFFFFC00  }
.LBB2_5:
0x84: {  	s26 =	sshll.u32 s25, $0x7  }
0x85: {  	[tilespmem:s7], [sflag:$0x1] =	stream.indirect.gather [hbm4b:s15+s6], $0x80, s26, s6, $0xb8;
	[tilespmem:$0x1D000] =	vst v63  }
0x86: {  	s28 =	sadd.s32 $0x400, s26  }
0x87: {  	[tilespmem:s8], [sflag:$0x1] =	stream.indirect.gather [hbm4b:s15+s6], $0x80, s28, s6, $0xb8;
	[tilespmem:$0x1D000] =	vst v63  }
0x88: {  	_ =	swait.ge [sflag:s9], $0x2000  }
0x89: {  	[sflag:s9] =	ssyncset.done $0x0  }
0x8a: {  	[sflag:s9] =	ssyncadd.s32 $0xFFFFE000  }
0x8b: {  	_ =	swait.ge [sflag:s9], $0x2000  }
0x8c: {  	[sflag:s9] =	ssyncset.done $0x0  }
0x8d: {  	s28 =	simm.s32 $0x0;
	[sflag:s9] =	ssyncadd.s32 $0xFFFFE000  }
0x8e: {  	v3 =	vld.idx.msk [tilespmem:v0+s28+$0x0 ss:$0x1], $0xffff  }
0x8f: {  	v4 =	vld.idx.msk [tilespmem:v1+s28+$0x0 ss:$0x1], $0xffff;
	_ =	sdelay $0x4  }
0x90: {  	v3 =	vadd.f32 v4, v3;
	_ =	sdelay $0x1  }
0x91: {  	v3 =	vmax.f32 v3, $0.0e+00  }
0x92: {  	[tilespmem:s28+$0x5000] =	vst v3  }
0x93: {  	[tilespmem:s28+$0x7040] =	vst v3  }
0x94: {  	v3 =	vld.idx.msk [tilespmem:v0+s28+$0x10 ss:$0x1], $0xffff  }
0x95: {  	v4 =	vld.idx.msk [tilespmem:v1+s28+$0x10 ss:$0x1], $0xffff;
	_ =	sdelay $0x4  }
0x96: {  	v3 =	vadd.f32 v4, v3;
	_ =	sdelay $0x1  }
0x97: {  	v3 =	vmax.f32 v3, $0.0e+00  }
0x98: {  	[tilespmem:s28+$0x5010] =	vst v3  }
0x99: {  	[tilespmem:s28+$0x7050] =	vst v3  }
0x9a: {  	v3 =	vld.idx.msk [tilespmem:v0+s28+$0x20 ss:$0x1], $0xffff  }
0x9b: {  	v4 =	vld.idx.msk [tilespmem:v1+s28+$0x20 ss:$0x1], $0xffff;
	_ =	sdelay $0x4  }
0x9c: {  	v3 =	vadd.f32 v4, v3;
	_ =	sdelay $0x1  }
0x9d: {  	v3 =	vmax.f32 v3, $0.0e+00  }
0x9e: {  	[tilespmem:s28+$0x5020] =	vst v3  }
0x9f: {  	[tilespmem:s28+$0x7060] =	vst v3  }
0xa0: {  	v3 =	vld.idx.msk [tilespmem:v0+s28+$0x30 ss:$0x1], $0xffff  }
0xa1: {  	s29 =	simm.s32 $0x200;
	v4 =	vld.idx.msk [tilespmem:v1+s28+$0x30 ss:$0x1], $0xffff  }
.LBB2_6:
0xa2: {  	p0 =	sne.s32 s29, $0x7E00;
	s2 =	smov.u32 s29;
	s29 =	sadd.s32 $0x200, s29  }
0xa3: {  	_ =	sdelay $0x2  }
0xa4: {  	v3 =	vadd.f32 v4, v3;
	_ =	sdelay $0x1  }
0xa5: {  	v3 =	vmax.f32 v3, $0.0e+00  }
0xa6: {  	[tilespmem:s28+$0x5030] =	vst v3  }
0xa7: {  	[tilespmem:s28+$0x7070] =	vst v3;
	s28 =	sshra.s32 s2, $0x2  }
0xa8: {  	v3 =	vld.idx.msk [tilespmem:v0+s28+$0x0 ss:$0x1], $0xffff  }
0xa9: {  	v4 =	vld.idx.msk [tilespmem:v1+s28+$0x0 ss:$0x1], $0xffff;
	_ =	sdelay $0x5  }
0xaa: {  	v3 =	vadd.f32 v4, v3;
	_ =	sdelay $0x1  }
0xab: {  	v3 =	vmax.f32 v3, $0.0e+00  }
0xac: {  	[tilespmem:s28+$0x5000] =	vst v3  }
0xad: {  	[tilespmem:s28+$0x7040] =	vst v3  }
0xae: {  	v3 =	vld.idx.msk [tilespmem:v0+s28+$0x10 ss:$0x1], $0xffff  }
0xaf: {  	v4 =	vld.idx.msk [tilespmem:v1+s28+$0x10 ss:$0x1], $0xffff;
	_ =	sdelay $0x5  }
0xb0: {  	v3 =	vadd.f32 v4, v3;
	_ =	sdelay $0x1  }
0xb1: {  	v3 =	vmax.f32 v3, $0.0e+00  }
0xb2: {  	[tilespmem:s28+$0x5010] =	vst v3  }
0xb3: {  	[tilespmem:s28+$0x7050] =	vst v3  }
0xb4: {  	v3 =	vld.idx.msk [tilespmem:v0+s28+$0x20 ss:$0x1], $0xffff  }
0xb5: {  	v4 =	vld.idx.msk [tilespmem:v1+s28+$0x20 ss:$0x1], $0xffff;
	_ =	sdelay $0x5  }
0xb6: {  	v3 =	vadd.f32 v4, v3;
	_ =	sdelay $0x1  }
.Ltmp1:
0xb7: {  	v3 =	vmax.f32 v3, $0.0e+00;
	(pc) =	sbr.rel @p0 .LBB2_6-.Ltmp1, $4  }
0xb8: {  	[tilespmem:s28+$0x5020] =	vst v3  }
0xb9: {  	[tilespmem:s28+$0x7060] =	vst v3  }
0xba: {  	v3 =	vld.idx.msk [tilespmem:v0+s28+$0x30 ss:$0x1], $0xffff  }
0xbb: {  	v4 =	vld.idx.msk [tilespmem:v1+s28+$0x30 ss:$0x1], $0xffff  }
0xbc: {  	_ =	sdelay $0x3  }
0xbd: {  	v3 =	vadd.f32 v4, v3;
	_ =	sdelay $0x1  }
0xbe: {  	v3 =	vmax.f32 v3, $0.0e+00  }
0xbf: {  	[tilespmem:s28+$0x5030] =	vst v3  }
0xc0: {  	[tilespmem:s28+$0x7070] =	vst v3  }
0xc1: {  	v3 =	vld [tilespmem:s26+$0x800];
	_ =	sdelay $0x7  }
0xc2: {  	[spmem:s12] =	stream.indirect_vreg.scatter.add.f32 [tilespmem:s11], [sflag:$0x2], $0x80, v3, vm0, $0xb8;
	[tilespmem:$0x1D000] =	vst v63  }
0xc3: {  	v3 =	vld [tilespmem:s26+$0xC00];
	_ =	sdelay $0x7  }
0xc4: {  	[spmem:s12] =	stream.indirect_vreg.scatter.add.f32 [tilespmem:s10], [sflag:$0x2], $0x80, v3, vm0, $0xb8;
	[tilespmem:$0x1D000] =	vst v63  }
0xc5: {  	v3 =	vld [tilespmem:s26+$0x810];
	_ =	sdelay $0x7  }
0xc6: {  	[spmem:s12] =	stream.indirect_vreg.scatter.add.f32 [tilespmem:s13], [sflag:$0x2], $0x80, v3, vm0, $0xb8;
	[tilespmem:$0x1D000] =	vst v63  }
0xc7: {  	v3 =	vld [tilespmem:s26+$0xC10];
	_ =	sdelay $0x7  }
0xc8: {  	[spmem:s12] =	stream.indirect_vreg.scatter.add.f32 [tilespmem:s14], [sflag:$0x2], $0x80, v3, vm0, $0xb8;
	[tilespmem:$0x1D000] =	vst v63  }
0xc9: {  	v3 =	vld [tilespmem:s26+$0x820];
	_ =	sdelay $0x7  }
0xca: {  	[spmem:s12] =	stream.indirect_vreg.scatter.add.f32 [tilespmem:s30], [sflag:$0x2], $0x80, v3, vm0, $0xb8;
	[tilespmem:$0x1D000] =	vst v63  }
0xcb: {  	v3 =	vld [tilespmem:s26+$0xC20];
	_ =	sdelay $0x7  }
0xcc: {  	[spmem:s12] =	stream.indirect_vreg.scatter.add.f32 [tilespmem:s19], [sflag:$0x2], $0x80, v3, vm0, $0xb8;
	[tilespmem:$0x1D000] =	vst v63  }
0xcd: {  	v3 =	vld [tilespmem:s26+$0x830];
	_ =	sdelay $0x7  }
0xce: {  	[spmem:s12] =	stream.indirect_vreg.scatter.add.f32 [tilespmem:s20], [sflag:$0x2], $0x80, v3, vm0, $0xb8;
	[tilespmem:$0x1D000] =	vst v63  }
0xcf: {  	v3 =	vld [tilespmem:s26+$0xC30];
	_ =	sdelay $0x7  }
0xd0: {  	[spmem:s12] =	stream.indirect_vreg.scatter.add.f32 [tilespmem:s21], [sflag:$0x2], $0x80, v3, vm0, $0xb8;
	[tilespmem:$0x1D000] =	vst v63  }
0xd1: {  	_ =	swait.ge [sflag:s22], $0x800  }
0xd2: {  	[sflag:s22] =	ssyncset.done $0x0  }
0xd3: {  	[sflag:s22] =	ssyncadd.s32 $0xFFFFF800  }
0xd4: {  	_ =	swait.ge [sflag:s22], $0x800  }
0xd5: {  	[sflag:s22] =	ssyncset.done $0x0  }
0xd6: {  	[sflag:s22] =	ssyncadd.s32 $0xFFFFF800  }
0xd7: {  	_ =	swait.ge [sflag:s22], $0x800  }
0xd8: {  	[sflag:s22] =	ssyncset.done $0x0  }
0xd9: {  	[sflag:s22] =	ssyncadd.s32 $0xFFFFF800  }
0xda: {  	_ =	swait.ge [sflag:s22], $0x800  }
0xdb: {  	[sflag:s22] =	ssyncset.done $0x0  }
0xdc: {  	[sflag:s22] =	ssyncadd.s32 $0xFFFFF800  }
0xdd: {  	_ =	swait.ge [sflag:s22], $0x800  }
0xde: {  	[sflag:s22] =	ssyncset.done $0x0  }
0xdf: {  	[sflag:s22] =	ssyncadd.s32 $0xFFFFF800  }
0xe0: {  	_ =	swait.ge [sflag:s22], $0x800  }
0xe1: {  	[sflag:s22] =	ssyncset.done $0x0  }
0xe2: {  	s25 =	sadd.s32 $0x1, s25;
	[sflag:s22] =	ssyncadd.s32 $0xFFFFF800  }
0xe3: {  	p0 =	sne.s32 s25, $0x8;
	_ =	swait.ge [sflag:s22], $0x800  }
.Ltmp2:
0xe4: {  	[sflag:s22] =	ssyncset.done $0x0;
	(pc) =	sbr.rel @p0 .LBB2_5-.Ltmp2, $4  }
0xe5: {  	[sflag:s22] =	ssyncadd.s32 $0xFFFFF800  }
0xe6: {  	_ =	swait.ge [sflag:s22], $0x800  }
0xe7: {  	[sflag:s22] =	ssyncset.done $0x0  }
0xe8: {  	[sflag:s22] =	ssyncadd.s32 $0xFFFFF800  }
0xe9: {  	s24 =	sadd.s32 $0x1, s24  }
0xea: {  	p0 =	sne.s32 s24, $0x28  }
.Ltmp3:
0xeb: {  	_ = 	snop;
	(pc) =	sbr.rel @p0 .LBB2_4-.Ltmp3, $1  }
0xec: {  	_ =	sdelay $0x3  }
0xed: {  	s2 =	stileid.u32;
	[bflag:$0x0] =	sbarrier.arrive $0xFFFF  }
0xee: {  	s2 =	sshll.u32 s2, $0x6;
	s25 =	rddreg [dreg:$0xf]  }
0xef: {  	s24 =	rddreg [dreg:$0x5];
	s2 =	sor.u32 $0x1C03, s2;
	s23 =	sshrl.u32 s25, $0x3  }
0xf0: {  	[hbm:s24], [sflag:s2] =	dma.local [spmem:s23], $0x400  }
0xf1: {  	_ =	swait.ge [sflag:s0], $0x400  }
0xf2: {  	[sflag:s0] =	ssyncset.done $0x0;
	s26 =	rddreg [dreg:$0x10]  }
0xf3: {  	s24 =	rddreg [dreg:$0x6];
	[sflag:s0] =	ssyncadd.s32 $0xFFFFFC00;
	s23 =	sshrl.u32 s26, $0x3  }
0xf4: {  	[hbm:s24], [sflag:s2] =	dma.local [spmem:s23], $0x400  }
0xf5: {  	_ =	swait.ge [sflag:s0], $0x400  }
0xf6: {  	[sflag:s0] =	ssyncset.done $0x0;
	s28 =	rddreg [dreg:$0x11]  }
0xf7: {  	s24 =	rddreg [dreg:$0x7];
	[sflag:s0] =	ssyncadd.s32 $0xFFFFFC00;
	s23 =	sshrl.u32 s28, $0x3  }
0xf8: {  	[hbm:s24], [sflag:s2] =	dma.local [spmem:s23], $0x400  }
0xf9: {  	_ =	swait.ge [sflag:s0], $0x400  }
0xfa: {  	[sflag:s0] =	ssyncset.done $0x0;
	s29 =	rddreg [dreg:$0x12]  }
0xfb: {  	s24 =	rddreg [dreg:$0x8];
	[sflag:s0] =	ssyncadd.s32 $0xFFFFFC00;
	s23 =	sshrl.u32 s29, $0x3  }
0xfc: {  	[hbm:s24], [sflag:s2] =	dma.local [spmem:s23], $0x400  }
0xfd: {  	_ =	swait.ge [sflag:s0], $0x400  }
0xfe: {  	[sflag:s0] =	ssyncset.done $0x0;
	s24 =	rddreg [dreg:$0x13]  }
0xff: {  	[sflag:s0] =	ssyncadd.s32 $0xFFFFFC00;
	s23 =	sshrl.u32 s24, $0x3;
	s24 =	rddreg [dreg:$0x9]  }
0x100: {  	[hbm:s24], [sflag:s2] =	dma.local [spmem:s23], $0x400  }
0x101: {  	_ =	swait.ge [sflag:s0], $0x400  }
0x102: {  	[sflag:s0] =	ssyncset.done $0x0;
	s24 =	rddreg [dreg:$0x14]  }
0x103: {  	[sflag:s0] =	ssyncadd.s32 $0xFFFFFC00;
	s23 =	sshrl.u32 s24, $0x3;
	s24 =	rddreg [dreg:$0xa]  }
0x104: {  	[hbm:s24], [sflag:s2] =	dma.local [spmem:s23], $0x400  }
0x105: {  	_ =	swait.ge [sflag:s0], $0x400  }
0x106: {  	[sflag:s0] =	ssyncset.done $0x0;
	s24 =	rddreg [dreg:$0x15]  }
0x107: {  	[sflag:s0] =	ssyncadd.s32 $0xFFFFFC00;
	s23 =	sshrl.u32 s24, $0x3;
	s24 =	rddreg [dreg:$0xb]  }
0x108: {  	[hbm:s24], [sflag:s2] =	dma.local [spmem:s23], $0x400  }
0x109: {  	_ =	swait.ge [sflag:s0], $0x400  }
0x10a: {  	[sflag:s0] =	ssyncset.done $0x0;
	s24 =	rddreg [dreg:$0x16]  }
0x10b: {  	[sflag:s0] =	ssyncadd.s32 $0xFFFFFC00;
	s23 =	sshrl.u32 s24, $0x3;
	s24 =	rddreg [dreg:$0xc]  }
0x10c: {  	[hbm:s24], [sflag:s2] =	dma.local [spmem:s23], $0x400  }
0x10d: {  	_ =	swait.ge [sflag:s0], $0x400  }
0x10e: {  	[sflag:s0] =	ssyncset.done $0x0;
	s24 =	rddreg [dreg:$0x17]  }
0x10f: {  	[sflag:s0] =	ssyncadd.s32 $0xFFFFFC00;
	s23 =	sshrl.u32 s24, $0x3;
	s24 =	rddreg [dreg:$0xd]  }
0x110: {  	[hbm:s24], [sflag:s2] =	dma.local [spmem:s23], $0x400  }
0x111: {  	_ =	swait.ge [sflag:s0], $0x400  }
0x112: {  	[sflag:s0] =	ssyncset.done $0x0;
	s24 =	rddreg [dreg:$0x18]  }
0x113: {  	[sflag:s0] =	ssyncadd.s32 $0xFFFFFC00;
	s23 =	sshrl.u32 s24, $0x3;
	s24 =	rddreg [dreg:$0xe]  }
0x114: {  	[hbm:s24], [sflag:s2] =	dma.local [spmem:s23], $0x400  }
0x115: {  	_ =	swait.ge [sflag:s0], $0x400  }
0x116: {  	s2 =	rddreg [dreg:$0x4]  }
0x117: {  	s24 =	rddreg [dreg:$0x19];
	s23 =	sadd.s32 $0x1, s2  }
0x118: {  	p0 =	sne.s32 s23, s24  }
.Ltmp4:
0x119: {  	_ = 	snop;
	(pc) =	sbr.rel @p0 .LBB2_1-.Ltmp4, $3  }
0x11a: {  	_ =	sdelay $0x1  }
0x11b: {  	[sflag:s0] =	ssyncset.done $0x0  }
0x11c: {  	[sflag:s0] =	ssyncadd.s32 $0xFFFFFC00  }
0x11d: {  	_ =	sfence.sel $0x180000  }
0x11e: {  	[bflag:$0x0] =	sbarrier.arrive $0xFFFF  }
0x11f: {  	_ =	strace $0x9000004D  }
0x120: {  	s0 =	stileid.u32;
	[bflag:$0x2] =	sbarrier.arrive $0xFFFF  }
0x121: {  	p0 =	sne.s32 s0, $0x0;
	s0 =	rddreg [dreg:$0x3]  }
0x122: {  	s0 =	sadd.s32 @!p0 $0x100000, s0  }
0x123: {  	[sflag:s0] =	ssyncadd.tile.s32 @!p0 $0x1;
	_ =	shalt  }
.Lfunc_end2:
_tile_overlayer_lowered:
.L_overlay_start_2:
0x124: {  	(tag) =	ssettag $0x2  }
0x125: {  	s0 =	rddreg [dreg:$0x0];
	s2 =	stileid.u32  }
0x126: {  	s1 =	rddreg [dreg:$0x1];
	p0 =	sne.s32 s2, $0x0  }
0x127: {  	s3 =	rddreg [dreg:$0x2];
	[bflag:$0x3] =	sbarrier.arrive $0xFFFF;
	s2 =	simm.s32 @!p0 $0x1C03  }
0x128: {  	[timem:s3], [sflag:s2] =	dma.local @!p0 [hbm:s0], s1  }
0x129: {  	s0 =	simm.s32 @!p0 $0x3  }
0x12a: {  	_ =	swait.ge @!p0 [sflag:s0], s1  }
0x12b: {  	s1 =	ssub.s32 @!p0 $0x0, s1;
	[sflag:s0] =	ssyncset.done @!p0 $0x0  }
0x12c: {  	[sflag:s0] =	ssyncadd.s32 @!p0 s1  }
0x12d: {  	[bflag:$0x3] =	sbarrier.arrive $0xFFFF  }
0x12e: {  	_ =	shalt  }

// kernel: kernel.19.cloned.1.call-start
scs
__scs_entry_jumppad:
0x0: {  	(pc) =	sbr.rel $0x88, $3  }
0x1: {  	(tag) =	ssettag $0x0;
	lr =	simm.s32 $0x1  }
0x2: {  	[smem:$0x3F8E] =	sst lr;
	_ =	strace $0xD0000000  }
0x3: {  	_ = 	snop  }
0x4: {  	_ = 	snop  }
0x5: {  	_ = 	snop  }
0x6: {  	_ = 	snop  }
0x7: {  	_ = 	snop  }
__scs_overlays_trampoline_lowered:
0x8: {  	[smem:$0x3F9D] =	sst s0  }
0x9: {  	[smem:$0x3F9E] =	sst s1  }
0xa: {  	[smem:$0x3F9F] =	sst s2  }
0xb: {  	[smem:$0x3FA0] =	sst s3  }
0xc: {  	[smem:$0x3FA1] =	sst s4  }
0xd: {  	[smem:$0x3FA2] =	sst s5  }
0xe: {  	[smem:$0x3FA3] =	sst s6  }
0xf: {  	[smem:$0x3FA4] =	sst s7  }
0x10: {  	[smem:$0x3FA5] =	sst s8  }
0x11: {  	[smem:$0x3FA6] =	sst s9;
	s0 =	simm.s32 @!p0 $0x0  }
0x12: {  	s1 =	sld [smem:$0x3F8C];
	s0 =	simm.s32 @p0 $0x1  }
0x13: {  	[smem:$0x3FA7] =	sst s0;
	s0 =	simm.s32 @!p1 $0x0  }
0x14: {  	s2 =	sld [smem:$0x3F8B];
	s0 =	simm.s32 @p1 $0x1  }
0x15: {  	[smem:$0x3FA8] =	sst s0;
	s0 =	simm.s32 @!p2 $0x0  }
0x16: {  	s3 =	sld [smem:$0x3FDB];
	s0 =	simm.s32 @p2 $0x1  }
0x17: {  	s4 =	simm.s32 $0x1BF5;
	[smem:$0x3FAA] =	sst s0  }
0x18: {  	s0 =	sld [smem:$0x3F8D];
	_ =	swait.ge [sflag:s4], $0x0  }
0x19: {  	s7 =	sld [smem:$0x3F8E]  }
0x1a: {  	s8 =	sadd.s32 $0xFFFFE003, lr  }
0x1b: {  	s9 =	sadd.s32 $0xFFFFFEF7, lr;
	s5 =	simm.s32 $0xFFFFFFFF;
	p2 =	slt.u32 s8, $0xFFFFF086  }
0x1c: {  	p1 =	slt.u32 s9, $0xF7A;
	s5 =	simm.s32 @!p2 $0x0  }
0x1d: {  	s5 =	simm.s32 @p1 $0x1;
	p0 =	seq.s32 s7, s2  }
0x1e: {  	s7 =	smul.u32 @!p0 $0xF7A, s2;
	p2 =	seq.s32 @!p0 s5, $0x0  }
0x1f: {  	s9 =	smul.u32 $0xF7A, s1;
	s8 =	simm.s32 @!p0 $0x1BF5;
	p2 =	por !p2, p0  }
0x20: {  	[sflag:s8] =	ssyncset.s32 @!p0 $0xFFFFF086;
	s6 =	sadd.s32 @!p0 s3, s7;
	s7 =	simm.s32 @!p0 $0x108  }
0x21: {  	s3 =	sadd.s32 s3, s9;
	s6 =	sadd.s32 @!p0 $0x88, s6;
	s7 =	simm.s32 @p2 $0x1082  }
0x22: {  	[simem:s7], [sflag:s8] =	dma.local @!p0 [hbm:s6], $0xF7A  }
0x23: {  	s9 =	sor.u32 $0xD0000000, s2;
	s6 =	simm.s32 $0x108;
	_ =	swait.ge @!p0 [sflag:s8], $0x0  }
0x24: {  	s3 =	sadd.s32 $0x88, s3;
	s6 =	simm.s32 @!p1 $0x1082;
	[sflag:s4] =	ssyncset.s32 $0xFFFFF086  }
0x25: {  	[simem:s6], [sflag:s4] =	dma.local [hbm:s3], $0xF7A  }
0x26: {  	[smem:$0x3F8E] =	sst s1;
	(tag) =	ssettag s2;
	_ =	strace s9  }
0x27: {  	s1 =	sld [smem:$0x3F9E]  }
0x28: {  	s2 =	sld [smem:$0x3F9F]  }
0x29: {  	s4 =	sld [smem:$0x3FA1]  }
0x2a: {  	p0 =	seq.s32 s5, $0x0;
	s5 =	sld [smem:$0x3FA2]  }
0x2b: {  	s6 =	sld [smem:$0x3FA3]  }
0x2c: {  	s7 =	sld [smem:$0x3FA4]  }
0x2d: {  	s3 =	simm.s32 $0x108;
	s8 =	sld [smem:$0x3FA5]  }
0x2e: {  	s3 =	simm.s32 @!p0 $0x1082;
	s9 =	sld [smem:$0x3FA6]  }
0x2f: {  	lr =	sadd.s32 s0, s3;
	s0 =	sld [smem:$0x3F9D]  }
0x30: {  	s3 =	sld [smem:$0x3FA0]  }
0x31: {  	[smem:$0x3FA9] =	sst s10  }
0x32: {  	s10 =	sld [smem:$0x3FA7];
	_ =	sdelay $0x3  }
0x33: {  	p0 =	seq.s32 s10, $0x1;
	s10 =	sld [smem:$0x3FA9];
	_ =	sdelay $0x3  }
0x34: {  	[smem:$0x3FA9] =	sst s10  }
0x35: {  	s10 =	sld [smem:$0x3FA8];
	_ =	sdelay $0x3  }
0x36: {  	p1 =	seq.s32 s10, $0x1;
	s10 =	sld [smem:$0x3FA9];
	_ =	sdelay $0x3  }
0x37: {  	[smem:$0x3FA9] =	sst s10  }
0x38: {  	s10 =	sld [smem:$0x3FAA]  }
0x39: {  	_ = 	snop;
	(pc) =	sbr.ind lr, $3  }
0x3a: {  	_ = 	snop  }
0x3b: {  	_ = 	snop  }
0x3c: {  	p2 =	seq.s32 s10, $0x1;
	s10 =	sld [smem:$0x3FA9]  }
0x3d: {  	_ =	shalt  }
0x3e: {  	_ =	shalt  }
0x3f: {  	_ =	shalt  }
0x40: {  	_ =	shalt  }
0x41: {  	_ =	shalt  }
0x42: {  	_ =	shalt  }
0x43: {  	_ =	shalt  }
0x44: {  	_ =	shalt  }
0x45: {  	_ =	shalt  }
0x46: {  	_ =	shalt  }
0x47: {  	_ =	shalt  }
0x48: {  	_ =	shalt  }
0x49: {  	_ =	shalt  }
0x4a: {  	_ =	shalt  }
0x4b: {  	_ =	shalt  }
0x4c: {  	_ =	shalt  }
0x4d: {  	_ =	shalt  }
0x4e: {  	_ =	shalt  }
0x4f: {  	_ =	shalt  }
0x50: {  	_ =	shalt  }
0x51: {  	_ =	shalt  }
0x52: {  	_ =	shalt  }
0x53: {  	_ =	shalt  }
0x54: {  	_ =	shalt  }
0x55: {  	_ =	shalt  }
0x56: {  	_ =	shalt  }
0x57: {  	_ =	shalt  }
0x58: {  	_ =	shalt  }
0x59: {  	_ =	shalt  }
0x5a: {  	_ =	shalt  }
0x5b: {  	_ =	shalt  }
0x5c: {  	_ =	shalt  }
0x5d: {  	_ =	shalt  }
0x5e: {  	_ =	shalt  }
0x5f: {  	_ =	shalt  }
0x60: {  	_ =	shalt  }
0x61: {  	_ =	shalt  }
0x62: {  	_ =	shalt  }
0x63: {  	_ =	shalt  }
0x64: {  	_ =	shalt  }
0x65: {  	_ =	shalt  }
0x66: {  	_ =	shalt  }
0x67: {  	_ =	shalt  }
0x68: {  	_ =	shalt  }
0x69: {  	_ =	shalt  }
0x6a: {  	_ =	shalt  }
0x6b: {  	_ =	shalt  }
0x6c: {  	_ =	shalt  }
0x6d: {  	_ =	shalt  }
0x6e: {  	_ =	shalt  }
0x6f: {  	_ =	shalt  }
0x70: {  	_ =	shalt  }
0x71: {  	_ =	shalt  }
0x72: {  	_ =	shalt  }
0x73: {  	_ =	shalt  }
0x74: {  	_ =	shalt  }
0x75: {  	_ =	shalt  }
0x76: {  	_ =	shalt  }
0x77: {  	_ =	shalt  }
0x78: {  	_ =	shalt  }
0x79: {  	_ =	shalt  }
0x7a: {  	_ =	shalt  }
0x7b: {  	_ =	shalt  }
0x7c: {  	_ =	shalt  }
0x7d: {  	_ =	shalt  }
0x7e: {  	_ =	shalt  }
0x7f: {  	_ =	shalt  }
0x80: {  	_ =	shalt  }
0x81: {  	_ =	shalt  }
0x82: {  	_ =	shalt  }
0x83: {  	_ =	shalt  }
0x84: {  	_ =	shalt  }
0x85: {  	_ =	shalt  }
0x86: {  	_ =	shalt  }
0x87: {  	_ =	shalt  }
.Lfunc_end0:
.L_simem_size_0:
called_computation.3_lowered:
.L_overlay_start_0:
0x88: {  	s2 =	sld [smem:$0x3FD9]  }
0x89: {  	s3 =	sld [smem:$0x3FFE];
	_ =	sdelay $0x1  }
0x8a: {  	s1 =	srdreg.scid  }
0x8b: {  	s0 =	sand.u32 $0x1, s1  }
0x8c: {  	s17 =	sshll.u32 s0, $0xA;
	s2 =	sadd.s32 s3, s2  }
0x8d: {  	s2 =	sadd.s32 s2, s17  }
0x8e: {  	[smem:$0x3FB5] =	sst s2  }
0x8f: {  	_ = 	snop  }
0x90: {  	s2 =	sld [smem:$0x3FD0];
	(tm) =	ssettm $0x1  }
0x91: {  	s18 =	sld [smem:$0x3FFB];
	_ =	sdelay $0x3  }
0x92: {  	_ =	strace s18  }
0x93: {  	s3 =	sld [smem:$0x3FFC];
	_ =	sdelay $0x3  }
0x94: {  	_ =	strace s3  }
0x95: {  	s3 =	sld [smem:$0x3FFD];
	_ =	sdelay $0x3  }
0x96: {  	_ =	strace s3  }
0x97: {  	_ =	strace $0x8FFFFFFF  }
0x98: {  	s19 =	sld [smem:$0x3FDB];
	_ =	sdelay $0x1  }
0x99: {  	s4 =	simm.s32 $_scs_section_size  }
0x9a: {  	s5 =	simm.s32 $_size__tile_overlayer_lowered;
	s6 =	simm.s32 $_tile_overlayer_lowered  }
0x9b: {  	s22 =	simm.s32 $0x1BFF;
	s21 =	sshll.u32 s6, $0x1;
	s3 =	sadd.s32 s4, s19  }
0x9c: {  	s7 =	simm.s32 $0x0;
	s20 =	sshll.u32 s5, $0x1;
	s5 =	sadd.s32 s21, s3  }
0x9d: {  	[timem:s7], [sflag:s22] =	dma.local [hbm:s5], s20  }
0x9e: {  	_ =	swait.ge [sflag:s22], s20  }
0x9f: {  	s4 =	ssub.s32 $0x0, s20;
	[sflag:s22] =	ssyncset.done $0x0  }
0xa0: {  	[sflag:s22] =	ssyncadd.s32 s4;
	_ =	sdelay $0x1  }
0xa1: {  	s23 =	simm.s32 $0x1B8B  }
0xa2: {  	_ =	swait.ge [sflag:s23], $0x1  }
0xa3: {  	[sflag:s23] =	ssyncset.done $0x0  }
0xa4: {  	s25 =	simm.s32 $0x1B8E;
	s24 =	sld [smem:$0x3FFE];
	[sflag:s23] =	ssyncadd.s32 $0xFFFFFFFF  }
0xa5: {  	s26 =	simm.s32 $execute0_lowered;
	[smem:$0x3FD2] =	sst s25  }
0xa6: {  	s5 =	sshll.u32 s26, $0x1;
	_ =	strace $0x8000004F;
	[dreg:$0x1] =	wrdreg $0xFFFFFFFF  }
0xa7: {  	s28 =	simm.s32 $_size_execute0_lowered;
	s3 =	sadd.s32 s3, s5;
	[dreg:$0x0] =	wrdreg $0x0  }
0xa8: {  	s5 =	sshll.u32 s28, $0x1;
	[dreg:$0x2] =	wrdreg s3  }
0xa9: {  	[dreg:$0x3] =	wrdreg s5  }
0xaa: {  	[dreg:$0x4] =	wrdreg $0xC0  }
0xab: {  	_ =	task [dreg:s7], $0x5FFFF  }
0xac: {  	[dreg:$0x1] =	wrdreg $0xFFFFFFFF  }
0xad: {  	[dreg:$0x0] =	wrdreg $0x60  }
0xae: {  	[dreg:$0x2] =	wrdreg s24  }
0xaf: {  	[dreg:$0x3] =	wrdreg s2  }
0xb0: {  	[dreg:$0x4] =	wrdreg $0x90000  }
0xb1: {  	[dreg:$0x5] =	wrdreg $0x9  }
0xb2: {  	_ =	task.clear_ibuf [dreg:s7], $0x6FFFF;
	_ =	strace $0x9000004F  }
0xb3: {  	s29 =	simm.s32 $0x9;
	_ =	strace $0x80000051  }
0xb4: {  	_ =	swait.ge [sflag:s29], $0x1  }
0xb5: {  	[sflag:s29] =	ssyncadd.s32 $0xFFFFFFFF  }
0xb6: {  	_ =	strace $0x90000051  }
0xb7: {  	_ =	sfence  }
0xb8: {  	s30 =	sld [smem:$0x0];
	_ =	sdelay $0x2  }
0xb9: {  	s31 =	sshll.u32 s1, $0xD;
	s1 =	sshrl.u32 s1, $0x2  }
0xba: {  	s3 =	sand.u32 $0x4000, s31;
	s1 =	sadd.s32 s1, s30  }
0xbb: {  	s0 =	sor.u32 s3, s0;
	s1 =	sshll.u32 s1, $0x11  }
0xbc: {  	s0 =	sor.u32 s1, s0  }
0xbd: {  	s0 =	sadd.s32 $0x8F2B, s0  }
0xbe: {  	[sflag:s0] =	ssyncadd.remote.s32 $0x1  }
0xbf: {  	_ =	sfence.sel $0xFFFF  }
0xc0: {  	[dreg:$0x0] =	wrdreg $0xFFFFFFFF;
	(pc) =	sbr.abs _section_cstart, $3  }
0xc1: {  	[dreg:$0x1] =	wrdreg $0xFFFFFFFF  }
0xc2: {  	_ =	task.clear_ibuf [dreg:s7], $0x2FFFF;
	_ =	strace $0x9FFFFFFF  }
0xc3: {  	(tm) =	ssettm $0x7FFFFFFF  }
tec
execute0_lowered:
.L_overlay_start_1:
0x0: {  	(tag) =	ssettag $0x1  }
0x1: {  	s0 =	srdreg.scid;
	s3 =	rddreg [dreg:$0x0]  }
0x2: {  	s1 =	rddreg [dreg:$0x1];
	s2 =	stileid.u32;
	s23 =	simm.s32 $0x0  }
0x3: {  	s30 =	simm.s32 $0x6000;
	s0 =	sand.u32 $0x1, s0;
	s6 =	smul.u32 $0x14000, s2  }
0x4: {  	[smem:$0x7FF] =	sst s23;
	s7 =	sadd.s32 $0x108000, s3;
	s31 =	smul.u32 $0x28, s2  }
0x5: {  	s4 =	ssub.s32 $0x2, s0;
	s12 =	smul.u32 $0x140000, s0;
	s0 =	sshll.u32 s0, $0x6  }
0x6: {  	s5 =	sshrl.u32 s4, $0x1;
	s8 =	sadd.s32 $0x4000, s6;
	s9 =	sadd.s32 $0x6000, s6  }
0x7: {  	s10 =	sadd.s32 $0x8000, s6;
	s11 =	sadd.s32 $0xA000, s6;
	s13 =	sadd.s32 $0xC000, s6  }
0x8: {  	s14 =	sadd.s32 $0xE000, s6;
	s19 =	sadd.s32 $0x10000, s6;
	s20 =	sadd.s32 $0x12000, s6  }
0x9: {  	s4 =	ssub.s32 s4, s5;
	s5 =	sor.u32 $0x2000, s6;
	s6 =	sadd.s32 s6, s12  }
0xa: {  	s16 =	sadd.s32 s12, s8;
	s22 =	sadd.s32 s12, s9;
	s24 =	sadd.s32 s12, s10  }
0xb: {  	s25 =	sadd.s32 s12, s11;
	s15 =	sadd.s32 s12, s5;
	s6 =	sshrl.u32 s6, $0x3  }
0xc: {  	s17 =	sadd.s32 s12, s14;
	s15 =	sshrl.u32 s15, $0x3;
	s6 =	sadd.s32 s7, s6  }
0xd: {  	s21 =	sshrl.u32 s16, $0x3;
	[dreg:$0x5] =	wrdreg s6;
	s18 =	sadd.s32 s7, s15  }
0xe: {  	s16 =	sadd.s32 s12, s13;
	s6 =	sadd.s32 s7, s21;
	[dreg:$0x6] =	wrdreg s18  }
0xf: {  	s15 =	sshrl.u32 s24, $0x3;
	s24 =	sadd.s32 s12, s20;
	[dreg:$0x7] =	wrdreg s6  }
0x10: {  	s6 =	sshrl.u32 s22, $0x3;
	s26 =	sadd.s32 s7, s15;
	s15 =	sshrl.u32 s25, $0x3  }
0x11: {  	s18 =	sadd.s32 s12, s19;
	s12 =	rddreg [dreg:$0x2];
	s25 =	smul.u32 $0x50000, s2  }
0x12: {  	s6 =	sadd.s32 s7, s6;
	[dreg:$0x9] =	wrdreg s26;
	s22 =	sshrl.u32 s18, $0x3  }
0x13: {  	s26 =	sshrl.u32 s24, $0x3;
	s18 =	sadd.s32 $0x2C000, s3;
	s28 =	sadd.s32 s8, s12  }
0x14: {  	s29 =	sadd.s32 s9, s12;
	s10 =	sadd.s32 s10, s12;
	s11 =	sadd.s32 s11, s12  }
0x15: {  	s13 =	sadd.s32 s13, s12;
	s14 =	sadd.s32 s14, s12;
	s19 =	sadd.s32 s19, s12  }
0x16: {  	[dreg:$0x8] =	wrdreg s6;
	s6 =	sadd.s32 s7, s15;
	s15 =	sshrl.u32 s17, $0x3  }
0x17: {  	[dreg:$0xa] =	wrdreg s6;
	s6 =	sshrl.u32 s16, $0x3;
	s21 =	sadd.s32 s7, s15  }
0x18: {  	s20 =	sadd.s32 s20, s12;
	s6 =	sadd.s32 s7, s6;
	[dreg:$0xc] =	wrdreg s21  }
0x19: {  	s24 =	sor.u32 $0x1000, s0;
	[dreg:$0xb] =	wrdreg s6;
	s6 =	sadd.s32 s7, s22  }
0x1a: {  	s8 =	simm.s32 $0x3000;
	[dreg:$0xd] =	wrdreg s6;
	s6 =	sadd.s32 s7, s26  }
0x1b: {  	s9 =	simm.s32 $0x1;
	s17 =	sadd.s32 $0x18000, s3;
	[dreg:$0xe] =	wrdreg s6  }
0x1c: {  	s15 =	sadd.s32 $0x68000, s3;
	_ =	strace $0x80000050;
	[dreg:$0x13] =	wrdreg s10  }
0x1d: {  	s16 =	sadd.s32 $0x4000, s3;
	s3 =	simm.s32 $0x400;
	[dreg:$0x14] =	wrdreg s11  }
0x1e: {  	s21 =	smax.u32 s4, $0x1;
	s4 =	simm.s32 $0x800;
	[dreg:$0x15] =	wrdreg s13  }
0x1f: {  	s22 =	sor.u32 $0x3000, s0;
	s0 =	simm.s32 $0x3;
	[dreg:$0x16] =	wrdreg s14  }
0x20: {  	s7 =	sshrl.u32 s25, $0x2;
	s26 =	sadd.s32 s5, s12;
	[dreg:$0x17] =	wrdreg s19  }
0x21: {  	s5 =	simm.s32 $0xC00;
	v1 =	vmov s22;
	s22 =	simm.s32 $0x2;
	[dreg:$0x18] =	wrdreg s20  }
0x22: {  	s25 =	sadd.s32 s7, s12;
	s6 =	simm.s32 $0x40;
	[dreg:$0x19] =	wrdreg s21  }
0x23: {  	s7 =	simm.s32 $0x1000;
	s11 =	simm.s32 $0x5000;
	[dreg:$0xf] =	wrdreg s25  }
0x24: {  	s10 =	simm.s32 $0x7000;
	s13 =	simm.s32 $0x5800;
	[dreg:$0x10] =	wrdreg s26  }
0x25: {  	s14 =	simm.s32 $0x7800;
	s19 =	simm.s32 $0x8000;
	[dreg:$0x11] =	wrdreg s28  }
0x26: {  	v2 =	vimm.f32 $0.0e+00;
	vm0 =	vmmov $0xffff;
	v0 =	vmov s24;
	s20 =	simm.s32 $0x6800;
	s21 =	simm.s32 $0x8800;
	[dreg:$0x12] =	wrdreg s29  }
.LBB2_1:
0x27: {  	[dreg:$0x4] =	wrdreg s23;
	s23 =	simm.s32 $0x0;
	s24 =	simm.s32 $0x200  }
.LBB2_2:
0x28: {  	p0 =	sne.s32 s24, $0x7E00;
	[tilespmem:s23+$0x7070] =	vst v2  }
0x29: {  	[tilespmem:s23+$0x5000] =	vst v2  }
0x2a: {  	[tilespmem:s23+$0x7000] =	vst v2  }
0x2b: {  	[tilespmem:s23+$0x5010] =	vst v2  }
0x2c: {  	[tilespmem:s23+$0x7010] =	vst v2  }
0x2d: {  	[tilespmem:s23+$0x5020] =	vst v2  }
0x2e: {  	[tilespmem:s23+$0x7020] =	vst v2  }
0x2f: {  	[tilespmem:s23+$0x5030] =	vst v2  }
0x30: {  	[tilespmem:s23+$0x7030] =	vst v2  }
0x31: {  	[tilespmem:s23+$0x5040] =	vst v2  }
0x32: {  	[tilespmem:s23+$0x7040] =	vst v2  }
.Ltmp0:
0x33: {  	[tilespmem:s23+$0x5050] =	vst v2;
	(pc) =	sbr.rel @p0 .LBB2_2-.Ltmp0, $4  }
0x34: {  	[tilespmem:s23+$0x7050] =	vst v2  }
0x35: {  	[tilespmem:s23+$0x5060] =	vst v2  }
0x36: {  	[tilespmem:s23+$0x7060] =	vst v2  }
0x37: {  	[tilespmem:s23+$0x5070] =	vst v2;
	s23 =	sshra.s32 s24, $0x2;
	s24 =	sadd.s32 $0x200, s24  }
0x38: {  	[tilespmem:s23+$0x7070] =	vst v2  }
0x39: {  	[tilespmem:s23+$0x5000] =	vst v2  }
0x3a: {  	[tilespmem:s23+$0x7000] =	vst v2  }
0x3b: {  	[tilespmem:s23+$0x5010] =	vst v2  }
0x3c: {  	[tilespmem:s23+$0x7010] =	vst v2  }
0x3d: {  	[tilespmem:s23+$0x5020] =	vst v2  }
0x3e: {  	[tilespmem:s23+$0x7020] =	vst v2  }
0x3f: {  	[tilespmem:s23+$0x5030] =	vst v2  }
0x40: {  	[tilespmem:s23+$0x7030] =	vst v2  }
0x41: {  	[tilespmem:s23+$0x5040] =	vst v2  }
0x42: {  	[tilespmem:s23+$0x7040] =	vst v2  }
0x43: {  	[tilespmem:s23+$0x5050] =	vst v2  }
0x44: {  	[tilespmem:s23+$0x7050] =	vst v2  }
0x45: {  	[tilespmem:s23+$0x5060] =	vst v2  }
0x46: {  	[tilespmem:s23+$0x7060] =	vst v2  }
0x47: {  	[tilespmem:s23+$0x5070] =	vst v2  }
0x48: {  	[spmem:s25] =	stream.linear.scatter [tilespmem:s11], [sflag:$0x3], $0x2000, $0x38;
	[tilespmem:$0x1D000] =	vst v63  }
0x49: {  	_ =	swait.ge [sflag:s0], $0x2000  }
0x4a: {  	[sflag:s0] =	ssyncset.done $0x0  }
0x4b: {  	[sflag:s0] =	ssyncadd.s32 $0xFFFFE000  }
0x4c: {  	[spmem:s26] =	stream.linear.scatter [tilespmem:s11], [sflag:$0x3], $0x2000, $0x38;
	[tilespmem:$0x1D000] =	vst v63  }
0x4d: {  	_ =	swait.ge [sflag:s0], $0x2000  }
0x4e: {  	[sflag:s0] =	ssyncset.done $0x0  }
0x4f: {  	[sflag:s0] =	ssyncadd.s32 $0xFFFFE000  }
0x50: {  	[spmem:s28] =	stream.linear.scatter [tilespmem:s11], [sflag:$0x3], $0x2000, $0x38;
	[tilespmem:$0x1D000] =	vst v63  }
0x51: {  	_ =	swait.ge [sflag:s0], $0x2000  }
0x52: {  	[sflag:s0] =	ssyncset.done $0x0  }
0x53: {  	[sflag:s0] =	ssyncadd.s32 $0xFFFFE000  }
0x54: {  	[spmem:s29] =	stream.linear.scatter [tilespmem:s11], [sflag:$0x3], $0x2000, $0x38;
	[tilespmem:$0x1D000] =	vst v63  }
0x55: {  	_ =	swait.ge [sflag:s0], $0x2000  }
0x56: {  	[sflag:s0] =	ssyncset.done $0x0  }
0x57: {  	s2 =	rddreg [dreg:$0x13];
	[sflag:s0] =	ssyncadd.s32 $0xFFFFE000  }
0x58: {  	[spmem:s2] =	stream.linear.scatter [tilespmem:s11], [sflag:$0x3], $0x2000, $0x38;
	[tilespmem:$0x1D000] =	vst v63  }
0x59: {  	_ =	swait.ge [sflag:s0], $0x2000  }
0x5a: {  	[sflag:s0] =	ssyncset.done $0x0  }
0x5b: {  	s24 =	rddreg [dreg:$0x14];
	[sflag:s0] =	ssyncadd.s32 $0xFFFFE000  }
0x5c: {  	[spmem:s24] =	stream.linear.scatter [tilespmem:s11], [sflag:$0x3], $0x2000, $0x38;
	[tilespmem:$0x1D000] =	vst v63  }
0x5d: {  	_ =	swait.ge [sflag:s0], $0x2000  }
0x5e: {  	[sflag:s0] =	ssyncset.done $0x0  }
0x5f: {  	s25 =	rddreg [dreg:$0x15];
	[sflag:s0] =	ssyncadd.s32 $0xFFFFE000  }
0x60: {  	[spmem:s25] =	stream.linear.scatter [tilespmem:s11], [sflag:$0x3], $0x2000, $0x38;
	[tilespmem:$0x1D000] =	vst v63  }
0x61: {  	_ =	swait.ge [sflag:s0], $0x2000  }
0x62: {  	[sflag:s0] =	ssyncset.done $0x0  }
0x63: {  	s26 =	rddreg [dreg:$0x16];
	[sflag:s0] =	ssyncadd.s32 $0xFFFFE000  }
0x64: {  	[spmem:s26] =	stream.linear.scatter [tilespmem:s11], [sflag:$0x3], $0x2000, $0x38;
	[tilespmem:$0x1D000] =	vst v63  }
0x65: {  	_ =	swait.ge [sflag:s0], $0x2000  }
0x66: {  	[sflag:s0] =	ssyncset.done $0x0  }
0x67: {  	s28 =	rddreg [dreg:$0x17];
	[sflag:s0] =	ssyncadd.s32 $0xFFFFE000  }
0x68: {  	[spmem:s28] =	stream.linear.scatter [tilespmem:s11], [sflag:$0x3], $0x2000, $0x38;
	[tilespmem:$0x1D000] =	vst v63  }
0x69: {  	_ =	swait.ge [sflag:s0], $0x2000  }
0x6a: {  	[sflag:s0] =	ssyncset.done $0x0  }
0x6b: {  	s29 =	rddreg [dreg:$0x18];
	[sflag:s0] =	ssyncadd.s32 $0xFFFFE000  }
0x6c: {  	[spmem:s29] =	stream.linear.scatter [tilespmem:s11], [sflag:$0x3], $0x2000, $0x38;
	[tilespmem:$0x1D000] =	vst v63  }
0x6d: {  	_ =	swait.ge [sflag:s0], $0x2000  }
0x6e: {  	[sflag:s0] =	ssyncset.done $0x0  }
0x6f: {  	[sflag:s0] =	ssyncadd.s32 $0xFFFFE000  }
0x70: {  	s23 =	simm.s32 $0x0;
	s24 =	simm.s32 $0x0;
	[bflag:$0x0] =	sbarrier.arrive $0xFFFF  }
.LBB2_4:
0x71: {  	s25 =	sadd.s32 s31, s24  }
0x72: {  	s25 =	sshll.u32 s25, $0x7  }
0x73: {  	s26 =	sadd.s32 s1, s25  }
0x74: {  	[tilespmem:s23], [sflag:$0x3] =	stream.linear.gather [hbm4b:s26+s23], $0x400, $0x38;
	[tilespmem:$0x1D000] =	vst v63  }
0x75: {  	_ =	swait.ge [sflag:s0], $0x400  }
0x76: {  	[sflag:s0] =	ssyncset.done $0x0  }
0x77: {  	s28 =	sadd.s32 s16, s25;
	[sflag:s0] =	ssyncadd.s32 $0xFFFFFC00  }
0x78: {  	[tilespmem:s3], [sflag:$0x3] =	stream.linear.gather [hbm4b:s28+s23], $0x400, $0x38;
	[tilespmem:$0x1D000] =	vst v63  }
0x79: {  	_ =	swait.ge [sflag:s0], $0x400  }
0x7a: {  	[sflag:s0] =	ssyncset.done $0x0  }
0x7b: {  	s29 =	sadd.s32 s17, s25;
	[sflag:s0] =	ssyncadd.s32 $0xFFFFFC00  }
0x7c: {  	[tilespmem:s4], [sflag:$0x3] =	stream.linear.gather [hbm4b:s29+s23], $0x400, $0x38;
	[tilespmem:$0x1D000] =	vst v63  }
0x7d: {  	_ =	swait.ge [sflag:s0], $0x400  }
0x7e: {  	[sflag:s0] =	ssyncset.done $0x0  }
0x7f: {  	s25 =	sadd.s32 s18, s25;
	[sflag:s0] =	ssyncadd.s32 $0xFFFFFC00  }
0x80: {  	[tilespmem:s5], [sflag:$0x3] =	stream.linear.gather [hbm4b:s25+s23], $0x400, $0x38;
	[tilespmem:$0x1D000] =	vst v63  }
0x81: {  	_ =	swait.ge [sflag:s0], $0x400  }
0x82: {  	[sflag:s0] =	ssyncset.done $0x0  }
0x83: {  	s25 =	simm.s32 $0x0;
	[sflag:s0] =	ssyncadd.s32 $0xFFFFFC00  }
.LBB2_5:
0x84: {  	s26 =	sshll.u32 s25, $0x7  }
0x85: {  	[tilespmem:s7], [sflag:$0x1] =	stream.indirect.gather [hbm4b:s15+s6], $0x80, s26, s6, $0xb8;
	[tilespmem:$0x1D000] =	vst v63  }
0x86: {  	s28 =	sadd.s32 $0x400, s26  }
0x87: {  	[tilespmem:s8], [sflag:$0x1] =	stream.indirect.gather [hbm4b:s15+s6], $0x80, s28, s6, $0xb8;
	[tilespmem:$0x1D000] =	vst v63  }
0x88: {  	_ =	swait.ge [sflag:s9], $0x2000  }
0x89: {  	[sflag:s9] =	ssyncset.done $0x0  }
0x8a: {  	[sflag:s9] =	ssyncadd.s32 $0xFFFFE000  }
0x8b: {  	_ =	swait.ge [sflag:s9], $0x2000  }
0x8c: {  	[sflag:s9] =	ssyncset.done $0x0  }
0x8d: {  	s28 =	simm.s32 $0x0;
	[sflag:s9] =	ssyncadd.s32 $0xFFFFE000  }
0x8e: {  	v3 =	vld.idx.msk [tilespmem:v0+s28+$0x0 ss:$0x1], $0xffff  }
0x8f: {  	v4 =	vld.idx.msk [tilespmem:v1+s28+$0x0 ss:$0x1], $0xffff;
	_ =	sdelay $0x4  }
0x90: {  	v3 =	vadd.f32 v4, v3;
	_ =	sdelay $0x1  }
0x91: {  	v3 =	vmax.f32 v3, $0.0e+00  }
0x92: {  	[tilespmem:s28+$0x5000] =	vst v3  }
0x93: {  	[tilespmem:s28+$0x7040] =	vst v3  }
0x94: {  	v3 =	vld.idx.msk [tilespmem:v0+s28+$0x10 ss:$0x1], $0xffff  }
0x95: {  	v4 =	vld.idx.msk [tilespmem:v1+s28+$0x10 ss:$0x1], $0xffff;
	_ =	sdelay $0x4  }
0x96: {  	v3 =	vadd.f32 v4, v3;
	_ =	sdelay $0x1  }
0x97: {  	v3 =	vmax.f32 v3, $0.0e+00  }
0x98: {  	[tilespmem:s28+$0x5010] =	vst v3  }
0x99: {  	[tilespmem:s28+$0x7050] =	vst v3  }
0x9a: {  	v3 =	vld.idx.msk [tilespmem:v0+s28+$0x20 ss:$0x1], $0xffff  }
0x9b: {  	v4 =	vld.idx.msk [tilespmem:v1+s28+$0x20 ss:$0x1], $0xffff;
	_ =	sdelay $0x4  }
0x9c: {  	v3 =	vadd.f32 v4, v3;
	_ =	sdelay $0x1  }
0x9d: {  	v3 =	vmax.f32 v3, $0.0e+00  }
0x9e: {  	[tilespmem:s28+$0x5020] =	vst v3  }
0x9f: {  	[tilespmem:s28+$0x7060] =	vst v3  }
0xa0: {  	v3 =	vld.idx.msk [tilespmem:v0+s28+$0x30 ss:$0x1], $0xffff  }
0xa1: {  	s29 =	simm.s32 $0x200;
	v4 =	vld.idx.msk [tilespmem:v1+s28+$0x30 ss:$0x1], $0xffff  }
.LBB2_6:
0xa2: {  	p0 =	sne.s32 s29, $0x7E00;
	s2 =	smov.u32 s29;
	s29 =	sadd.s32 $0x200, s29  }
0xa3: {  	_ =	sdelay $0x2  }
0xa4: {  	v3 =	vadd.f32 v4, v3;
	_ =	sdelay $0x1  }
0xa5: {  	v3 =	vmax.f32 v3, $0.0e+00  }
0xa6: {  	[tilespmem:s28+$0x5030] =	vst v3  }
0xa7: {  	[tilespmem:s28+$0x7070] =	vst v3;
	s28 =	sshra.s32 s2, $0x2  }
0xa8: {  	v3 =	vld.idx.msk [tilespmem:v0+s28+$0x0 ss:$0x1], $0xffff  }
0xa9: {  	v4 =	vld.idx.msk [tilespmem:v1+s28+$0x0 ss:$0x1], $0xffff;
	_ =	sdelay $0x5  }
0xaa: {  	v3 =	vadd.f32 v4, v3;
	_ =	sdelay $0x1  }
0xab: {  	v3 =	vmax.f32 v3, $0.0e+00  }
0xac: {  	[tilespmem:s28+$0x5000] =	vst v3  }
0xad: {  	[tilespmem:s28+$0x7040] =	vst v3  }
0xae: {  	v3 =	vld.idx.msk [tilespmem:v0+s28+$0x10 ss:$0x1], $0xffff  }
0xaf: {  	v4 =	vld.idx.msk [tilespmem:v1+s28+$0x10 ss:$0x1], $0xffff;
	_ =	sdelay $0x5  }
0xb0: {  	v3 =	vadd.f32 v4, v3;
	_ =	sdelay $0x1  }
0xb1: {  	v3 =	vmax.f32 v3, $0.0e+00  }
0xb2: {  	[tilespmem:s28+$0x5010] =	vst v3  }
0xb3: {  	[tilespmem:s28+$0x7050] =	vst v3  }
0xb4: {  	v3 =	vld.idx.msk [tilespmem:v0+s28+$0x20 ss:$0x1], $0xffff  }
0xb5: {  	v4 =	vld.idx.msk [tilespmem:v1+s28+$0x20 ss:$0x1], $0xffff;
	_ =	sdelay $0x5  }
0xb6: {  	v3 =	vadd.f32 v4, v3;
	_ =	sdelay $0x1  }
.Ltmp1:
0xb7: {  	v3 =	vmax.f32 v3, $0.0e+00;
	(pc) =	sbr.rel @p0 .LBB2_6-.Ltmp1, $4  }
0xb8: {  	[tilespmem:s28+$0x5020] =	vst v3  }
0xb9: {  	[tilespmem:s28+$0x7060] =	vst v3  }
0xba: {  	v3 =	vld.idx.msk [tilespmem:v0+s28+$0x30 ss:$0x1], $0xffff  }
0xbb: {  	v4 =	vld.idx.msk [tilespmem:v1+s28+$0x30 ss:$0x1], $0xffff  }
0xbc: {  	_ =	sdelay $0x3  }
0xbd: {  	v3 =	vadd.f32 v4, v3;
	_ =	sdelay $0x1  }
0xbe: {  	v3 =	vmax.f32 v3, $0.0e+00  }
0xbf: {  	[tilespmem:s28+$0x5030] =	vst v3  }
0xc0: {  	[tilespmem:s28+$0x7070] =	vst v3  }
0xc1: {  	v3 =	vld [tilespmem:s26+$0x800];
	_ =	sdelay $0x7  }
0xc2: {  	[spmem:s12] =	stream.indirect_vreg.scatter.add.f32 [tilespmem:s11], [sflag:$0x2], $0x80, v3, vm0, $0xb8;
	[tilespmem:$0x1D000] =	vst v63  }
0xc3: {  	v3 =	vld [tilespmem:s26+$0xC00];
	_ =	sdelay $0x7  }
0xc4: {  	[spmem:s12] =	stream.indirect_vreg.scatter.add.f32 [tilespmem:s10], [sflag:$0x2], $0x80, v3, vm0, $0xb8;
	[tilespmem:$0x1D000] =	vst v63  }
0xc5: {  	v3 =	vld [tilespmem:s26+$0x810];
	_ =	sdelay $0x7  }
0xc6: {  	[spmem:s12] =	stream.indirect_vreg.scatter.add.f32 [tilespmem:s13], [sflag:$0x2], $0x80, v3, vm0, $0xb8;
	[tilespmem:$0x1D000] =	vst v63  }
0xc7: {  	v3 =	vld [tilespmem:s26+$0xC10];
	_ =	sdelay $0x7  }
0xc8: {  	[spmem:s12] =	stream.indirect_vreg.scatter.add.f32 [tilespmem:s14], [sflag:$0x2], $0x80, v3, vm0, $0xb8;
	[tilespmem:$0x1D000] =	vst v63  }
0xc9: {  	v3 =	vld [tilespmem:s26+$0x820];
	_ =	sdelay $0x7  }
0xca: {  	[spmem:s12] =	stream.indirect_vreg.scatter.add.f32 [tilespmem:s30], [sflag:$0x2], $0x80, v3, vm0, $0xb8;
	[tilespmem:$0x1D000] =	vst v63  }
0xcb: {  	v3 =	vld [tilespmem:s26+$0xC20];
	_ =	sdelay $0x7  }
0xcc: {  	[spmem:s12] =	stream.indirect_vreg.scatter.add.f32 [tilespmem:s19], [sflag:$0x2], $0x80, v3, vm0, $0xb8;
	[tilespmem:$0x1D000] =	vst v63  }
0xcd: {  	v3 =	vld [tilespmem:s26+$0x830];
	_ =	sdelay $0x7  }
0xce: {  	[spmem:s12] =	stream.indirect_vreg.scatter.add.f32 [tilespmem:s20], [sflag:$0x2], $0x80, v3, vm0, $0xb8;
	[tilespmem:$0x1D000] =	vst v63  }
0xcf: {  	v3 =	vld [tilespmem:s26+$0xC30];
	_ =	sdelay $0x7  }
0xd0: {  	[spmem:s12] =	stream.indirect_vreg.scatter.add.f32 [tilespmem:s21], [sflag:$0x2], $0x80, v3, vm0, $0xb8;
	[tilespmem:$0x1D000] =	vst v63  }
0xd1: {  	_ =	swait.ge [sflag:s22], $0x800  }
0xd2: {  	[sflag:s22] =	ssyncset.done $0x0  }
0xd3: {  	[sflag:s22] =	ssyncadd.s32 $0xFFFFF800  }
0xd4: {  	_ =	swait.ge [sflag:s22], $0x800  }
0xd5: {  	[sflag:s22] =	ssyncset.done $0x0  }
0xd6: {  	[sflag:s22] =	ssyncadd.s32 $0xFFFFF800  }
0xd7: {  	_ =	swait.ge [sflag:s22], $0x800  }
0xd8: {  	[sflag:s22] =	ssyncset.done $0x0  }
0xd9: {  	[sflag:s22] =	ssyncadd.s32 $0xFFFFF800  }
0xda: {  	_ =	swait.ge [sflag:s22], $0x800  }
0xdb: {  	[sflag:s22] =	ssyncset.done $0x0  }
0xdc: {  	[sflag:s22] =	ssyncadd.s32 $0xFFFFF800  }
0xdd: {  	_ =	swait.ge [sflag:s22], $0x800  }
0xde: {  	[sflag:s22] =	ssyncset.done $0x0  }
0xdf: {  	[sflag:s22] =	ssyncadd.s32 $0xFFFFF800  }
0xe0: {  	_ =	swait.ge [sflag:s22], $0x800  }
0xe1: {  	[sflag:s22] =	ssyncset.done $0x0  }
0xe2: {  	s25 =	sadd.s32 $0x1, s25;
	[sflag:s22] =	ssyncadd.s32 $0xFFFFF800  }
0xe3: {  	p0 =	sne.s32 s25, $0x8;
	_ =	swait.ge [sflag:s22], $0x800  }
.Ltmp2:
0xe4: {  	[sflag:s22] =	ssyncset.done $0x0;
	(pc) =	sbr.rel @p0 .LBB2_5-.Ltmp2, $4  }
0xe5: {  	[sflag:s22] =	ssyncadd.s32 $0xFFFFF800  }
0xe6: {  	_ =	swait.ge [sflag:s22], $0x800  }
0xe7: {  	[sflag:s22] =	ssyncset.done $0x0  }
0xe8: {  	[sflag:s22] =	ssyncadd.s32 $0xFFFFF800  }
0xe9: {  	s24 =	sadd.s32 $0x1, s24  }
0xea: {  	p0 =	sne.s32 s24, $0x28  }
.Ltmp3:
0xeb: {  	_ = 	snop;
	(pc) =	sbr.rel @p0 .LBB2_4-.Ltmp3, $1  }
0xec: {  	_ =	sdelay $0x3  }
0xed: {  	s2 =	stileid.u32;
	[bflag:$0x0] =	sbarrier.arrive $0xFFFF  }
0xee: {  	s2 =	sshll.u32 s2, $0x6;
	s25 =	rddreg [dreg:$0xf]  }
0xef: {  	s24 =	rddreg [dreg:$0x5];
	s2 =	sor.u32 $0x1C03, s2;
	s23 =	sshrl.u32 s25, $0x3  }
0xf0: {  	[hbm:s24], [sflag:s2] =	dma.local [spmem:s23], $0x400  }
0xf1: {  	_ =	swait.ge [sflag:s0], $0x400  }
0xf2: {  	[sflag:s0] =	ssyncset.done $0x0;
	s26 =	rddreg [dreg:$0x10]  }
0xf3: {  	s24 =	rddreg [dreg:$0x6];
	[sflag:s0] =	ssyncadd.s32 $0xFFFFFC00;
	s23 =	sshrl.u32 s26, $0x3  }
0xf4: {  	[hbm:s24], [sflag:s2] =	dma.local [spmem:s23], $0x400  }
0xf5: {  	_ =	swait.ge [sflag:s0], $0x400  }
0xf6: {  	[sflag:s0] =	ssyncset.done $0x0;
	s28 =	rddreg [dreg:$0x11]  }
0xf7: {  	s24 =	rddreg [dreg:$0x7];
	[sflag:s0] =	ssyncadd.s32 $0xFFFFFC00;
	s23 =	sshrl.u32 s28, $0x3  }
0xf8: {  	[hbm:s24], [sflag:s2] =	dma.local [spmem:s23], $0x400  }
0xf9: {  	_ =	swait.ge [sflag:s0], $0x400  }
0xfa: {  	[sflag:s0] =	ssyncset.done $0x0;
	s29 =	rddreg [dreg:$0x12]  }
0xfb: {  	s24 =	rddreg [dreg:$0x8];
	[sflag:s0] =	ssyncadd.s32 $0xFFFFFC00;
	s23 =	sshrl.u32 s29, $0x3  }
0xfc: {  	[hbm:s24], [sflag:s2] =	dma.local [spmem:s23], $0x400  }
0xfd: {  	_ =	swait.ge [sflag:s0], $0x400  }
0xfe: {  	[sflag:s0] =	ssyncset.done $0x0;
	s24 =	rddreg [dreg:$0x13]  }
0xff: {  	[sflag:s0] =	ssyncadd.s32 $0xFFFFFC00;
	s23 =	sshrl.u32 s24, $0x3;
	s24 =	rddreg [dreg:$0x9]  }
0x100: {  	[hbm:s24], [sflag:s2] =	dma.local [spmem:s23], $0x400  }
0x101: {  	_ =	swait.ge [sflag:s0], $0x400  }
0x102: {  	[sflag:s0] =	ssyncset.done $0x0;
	s24 =	rddreg [dreg:$0x14]  }
0x103: {  	[sflag:s0] =	ssyncadd.s32 $0xFFFFFC00;
	s23 =	sshrl.u32 s24, $0x3;
	s24 =	rddreg [dreg:$0xa]  }
0x104: {  	[hbm:s24], [sflag:s2] =	dma.local [spmem:s23], $0x400  }
0x105: {  	_ =	swait.ge [sflag:s0], $0x400  }
0x106: {  	[sflag:s0] =	ssyncset.done $0x0;
	s24 =	rddreg [dreg:$0x15]  }
0x107: {  	[sflag:s0] =	ssyncadd.s32 $0xFFFFFC00;
	s23 =	sshrl.u32 s24, $0x3;
	s24 =	rddreg [dreg:$0xb]  }
0x108: {  	[hbm:s24], [sflag:s2] =	dma.local [spmem:s23], $0x400  }
0x109: {  	_ =	swait.ge [sflag:s0], $0x400  }
0x10a: {  	[sflag:s0] =	ssyncset.done $0x0;
	s24 =	rddreg [dreg:$0x16]  }
0x10b: {  	[sflag:s0] =	ssyncadd.s32 $0xFFFFFC00;
	s23 =	sshrl.u32 s24, $0x3;
	s24 =	rddreg [dreg:$0xc]  }
0x10c: {  	[hbm:s24], [sflag:s2] =	dma.local [spmem:s23], $0x400  }
0x10d: {  	_ =	swait.ge [sflag:s0], $0x400  }
0x10e: {  	[sflag:s0] =	ssyncset.done $0x0;
	s24 =	rddreg [dreg:$0x17]  }
0x10f: {  	[sflag:s0] =	ssyncadd.s32 $0xFFFFFC00;
	s23 =	sshrl.u32 s24, $0x3;
	s24 =	rddreg [dreg:$0xd]  }
0x110: {  	[hbm:s24], [sflag:s2] =	dma.local [spmem:s23], $0x400  }
0x111: {  	_ =	swait.ge [sflag:s0], $0x400  }
0x112: {  	[sflag:s0] =	ssyncset.done $0x0;
	s24 =	rddreg [dreg:$0x18]  }
0x113: {  	[sflag:s0] =	ssyncadd.s32 $0xFFFFFC00;
	s23 =	sshrl.u32 s24, $0x3;
	s24 =	rddreg [dreg:$0xe]  }
0x114: {  	[hbm:s24], [sflag:s2] =	dma.local [spmem:s23], $0x400  }
0x115: {  	_ =	swait.ge [sflag:s0], $0x400  }
0x116: {  	s2 =	rddreg [dreg:$0x4]  }
0x117: {  	s24 =	rddreg [dreg:$0x19];
	s23 =	sadd.s32 $0x1, s2  }
0x118: {  	p0 =	sne.s32 s23, s24  }
.Ltmp4:
0x119: {  	_ = 	snop;
	(pc) =	sbr.rel @p0 .LBB2_1-.Ltmp4, $3  }
0x11a: {  	_ =	sdelay $0x1  }
0x11b: {  	[sflag:s0] =	ssyncset.done $0x0  }
0x11c: {  	[sflag:s0] =	ssyncadd.s32 $0xFFFFFC00  }
0x11d: {  	_ =	sfence.sel $0x180000  }
0x11e: {  	[bflag:$0x0] =	sbarrier.arrive $0xFFFF  }
0x11f: {  	_ =	strace $0x90000050  }
0x120: {  	s0 =	stileid.u32;
	[bflag:$0x2] =	sbarrier.arrive $0xFFFF  }
0x121: {  	p0 =	sne.s32 s0, $0x0;
	s0 =	rddreg [dreg:$0x3]  }
0x122: {  	s0 =	sadd.s32 @!p0 $0x100000, s0  }
0x123: {  	[sflag:s0] =	ssyncadd.tile.s32 @!p0 $0x1;
	_ =	shalt  }
.Lfunc_end2:
_tile_overlayer_lowered:
.L_overlay_start_2:
0x124: {  	(tag) =	ssettag $0x2  }
0x125: {  	s0 =	rddreg [dreg:$0x0];
	s2 =	stileid.u32  }
0x126: {  	s1 =	rddreg [dreg:$0x1];
	p0 =	sne.s32 s2, $0x0  }
0x127: {  	s3 =	rddreg [dreg:$0x2];
	[bflag:$0x3] =	sbarrier.arrive $0xFFFF;
	s2 =	simm.s32 @!p0 $0x1C03  }
0x128: {  	[timem:s3], [sflag:s2] =	dma.local @!p0 [hbm:s0], s1  }
0x129: {  	s0 =	simm.s32 @!p0 $0x3  }
0x12a: {  	_ =	swait.ge @!p0 [sflag:s0], s1  }
0x12b: {  	s1 =	ssub.s32 @!p0 $0x0, s1;
	[sflag:s0] =	ssyncset.done @!p0 $0x0  }
0x12c: {  	[sflag:s0] =	ssyncadd.s32 @!p0 s1  }
0x12d: {  	[bflag:$0x3] =	sbarrier.arrive $0xFFFF  }
0x12e: {  	_ =	shalt  }

</sc_bundles>
